<compile_context>
chip_gen: v7x
topology: tpu7x:2x2x1
jax: 0.10.2.dev20260603
libtpu: 0.0.44.dev20260713+nightly
codegen_flags: <defaults>
</compile_context>

<pallas_src>
import dataclasses
import functools

import jax
import jax.numpy as jnp
from jax import lax
from jax.experimental import pallas as pl
from jax.experimental.pallas import tpu as pltpu
from jax.experimental.pallas import tpu_sc as plsc

HIDDEN = 128
LANES = 16
SCALE = float(HIDDEN) ** 0.5
IROW = 128
KG = 2
W = KG * IROW
NC = 2
NS = 16
NWORK = NC * NS


def _emb_kernel(n_idx, table, idx3d):
    nwin = n_idx // (W * NWORK)
    mesh = plsc.VectorSubcoreMesh(core_axis_name="core", subcore_axis_name="subcore")

    cp = pltpu.CompilerParams()
    if "needs_layout_passes" in pltpu.CompilerParams.__dataclass_fields__:
        cp = dataclasses.replace(cp, needs_layout_passes=False)

    @functools.partial(
        pl.kernel,
        out_type=jax.ShapeDtypeStruct((n_idx, HIDDEN), jnp.float32),
        mesh=mesh,
        compiler_params=cp,
        scratch_types=[
            pltpu.VMEM((nwin * KG, IROW), jnp.int32),
            pltpu.VMEM((W, HIDDEN), jnp.float32),
            pltpu.VMEM((W, HIDDEN), jnp.float32),
            pltpu.VMEM((W, HIDDEN), jnp.float32),
            pltpu.SemaphoreType.DMA,
            pltpu.SemaphoreType.DMA,
            pltpu.SemaphoreType.DMA,
            pltpu.SemaphoreType.DMA,
            pltpu.SemaphoreType.DMA,
            pltpu.SemaphoreType.DMA,
        ],
    )
    def run(table_hbm, idx_hbm, out_hbm, idx_v,
            buf0, buf1, buf2, gs0, gs1, gs2, os0, os1, os2):
        wid = lax.axis_index("subcore") * NC + lax.axis_index("core")
        row_base = wid * nwin * W
        bufs = (buf0, buf1, buf2)
        gsems = (gs0, gs1, gs2)
        osems = (os0, os1, os2)

        pltpu.sync_copy(idx_hbm.at[wid], idx_v)

        def fire_gather(c, b):
            for k in range(KG):
                pltpu.make_async_copy(
                    table_hbm.at[idx_v.at[c * KG + k]],
                    bufs[b].at[pl.ds(k * IROW, IROW)],
                    gsems[b],
                ).start()

        def wait_gather(b):
            for k in range(KG):
                pltpu.make_async_copy(
                    table_hbm.at[idx_v.at[0]],
                    bufs[b].at[pl.ds(k * IROW, IROW)],
                    gsems[b],
                ).wait()

        def fire_out(c, b):
            pltpu.make_async_copy(
                bufs[b], out_hbm.at[pl.ds(row_base + c * W, W)], osems[b]
            ).start()

        def wait_out(b):
            pltpu.make_async_copy(
                bufs[b], out_hbm.at[pl.ds(row_base, W)], osems[b]
            ).wait()

        def multiply(c, b):
            acc = idx_v[c * KG, pl.ds(0, LANES)]
            for g in range(1, (W // LANES)):
                k, col = divmod(g * LANES, IROW)
                acc = jnp.minimum(acc, idx_v[c * KG + k, pl.ds(col, LANES)])
            has_pad = jnp.min(acc) == 0

            @plsc.parallel_loop(0, W, unroll=4)
            def _(r):
                for j in range(HIDDEN // LANES):
                    ref = bufs[b].at[r, pl.ds(j * LANES, LANES)]
                    ref[...] = ref[...] * SCALE

            @pl.when(has_pad)
            def _():
                @pl.loop(0, W)
                def _(r):
                    lane_c = jnp.full((LANES,), c * KG + r // IROW, jnp.int32)
                    lane_r = jnp.full((LANES,), r % IROW, jnp.int32)
                    iv = plsc.load_gather(idx_v, [lane_c, lane_r])
                    sv = jnp.where(iv != 0, 1.0, 0.0).astype(jnp.float32)
                    for j in range(HIDDEN // LANES):
                        ref = bufs[b].at[r, pl.ds(j * LANES, LANES)]
                        ref[...] = ref[...] * sv

        NBUF = 3
        PRIME = NBUF - 1

        def body(c, b, fire_next, first=False):
            wait_gather(b)
            if fire_next:
                fb = (b + PRIME) % NBUF
                if not first:
                    wait_out(fb)
                fire_gather(c + PRIME, fb)
            multiply(c, b)
            fire_out(c, b)

        for p in range(PRIME):
            fire_gather(p, p)
        body(0, 0, fire_next=True, first=True)

        n_mid = nwin - 1 - PRIME
        n_trips = n_mid // NBUF

        @pl.loop(1, 1 + NBUF * n_trips, step=NBUF)
        def _(c):
            for s in range(NBUF):
                body(c + s, (1 + s) % NBUF, fire_next=True)

        for c in range(1 + NBUF * n_trips, nwin - PRIME):
            body(c, c % NBUF, fire_next=True)

        for c in range(nwin - PRIME, nwin):
            body(c, c % NBUF, fire_next=False)

        for b in range(NBUF):
            wait_out(b)

    return run(table, idx3d)


def kernel(x, shared_weights):
    batch, seq = x.shape
    n_idx = batch * seq
    idx3d = x.reshape(NWORK, n_idx // (IROW * NWORK), IROW)
    out = _emb_kernel(n_idx, shared_weights, idx3d)
    return out.reshape(batch, seq, HIDDEN)

# --- scband reference (transcript-rebuilt; emitter-appended) ---
"""Pipeline reference for scband-embedding-shared-weights-84542136254995 (READ-ONLY COPY).

The authoritative reference and input builder live on the scoring server;
editing this copy changes nothing except your own understanding.
"""

import jax, jax.numpy as jnp
import numpy as np

VOCAB_SIZE = 1000000
HIDDEN_SIZE = 128

def setup_inputs(seed: int = 0) -> dict:
    key = jax.random.key(seed)
    k1, k2 = jax.random.split(key)
    x = jax.random.randint(k1, (1024, 200), 0, VOCAB_SIZE, dtype=jnp.int64 if jax.config.jax_enable_x64 else jnp.int32).astype(jnp.int32)
    shared_weights = jax.random.normal(k2, (VOCAB_SIZE, HIDDEN_SIZE), dtype=jnp.float32)
    return {"x": x, "shared_weights": shared_weights}

def reference(x, shared_weights):
    # mask: 1.0 where token != 0 (padding), shape [B, L, 1]
    mask = jnp.where(x != 0, 1.0, 0.0)[..., None].astype(jnp.float32)
    batch_size, seq_length = x.shape
    # gather rows from the shared embedding table (index_select on flattened indices)
    embeddings = jnp.take(shared_weights, x.reshape(-1), axis=0).reshape(batch_size, seq_length, HIDDEN_SIZE)
    embeddings = embeddings * mask
    embeddings = embeddings * (HIDDEN_SIZE ** 0.5)
    return embeddings

if __name__ == "__main__":
    import jax
    _d = setup_inputs()
    print(jax.jit(kernel)(*tuple(_d.values())))

</pallas_src>

<mosaic_0001>
#map = affine_map<(d0, d1) -> (0, 0)>
#map1 = affine_map<(d0, d1) -> (0, 0, 0)>
module attributes {stable_mosaic.version = 14 : i64} {
  func.func @run(%arg0: i32, %arg1: i32, %arg2: memref<1000000x128xf32, #tpu.memory_space<hbm>>, %arg3: memref<32x50x128xi32, #tpu.memory_space<hbm>>, %arg4: memref<204800x128xf32, #tpu.memory_space<hbm>>, %arg5: memref<50x128xi32, #tpu.memory_space<vmem>>, %arg6: memref<256x128xf32, #tpu.memory_space<vmem>>, %arg7: memref<256x128xf32, #tpu.memory_space<vmem>>, %arg8: memref<256x128xf32, #tpu.memory_space<vmem>>, %arg9: memref<!tpu.dma_semaphore, #tpu.memory_space<semaphore_mem>>, %arg10: memref<!tpu.dma_semaphore, #tpu.memory_space<semaphore_mem>>, %arg11: memref<!tpu.dma_semaphore, #tpu.memory_space<semaphore_mem>>, %arg12: memref<!tpu.dma_semaphore, #tpu.memory_space<semaphore_mem>>, %arg13: memref<!tpu.dma_semaphore, #tpu.memory_space<semaphore_mem>>, %arg14: memref<!tpu.dma_semaphore, #tpu.memory_space<semaphore_mem>>) attributes {dimension_semantics = [#tpu.dimension_semantics<core_parallel>, #tpu.dimension_semantics<subcore_parallel>], iteration_bounds = array<i64: 2, 16>, scalar_prefetch = 0 : i64, scratch_operands = 10 : i64, tpu.core_type = #tpu.core_type<sc_vector_subcore>, window_params = [{transform_indices = #map}, {transform_indices = #map1}, {transform_indices = #map}]} {
    %mul3A = arith.constant 2 : i32
    %mul3A_0 = arith.muli %arg1, %mul3A : i32
    %add3A = arith.addi %mul3A_0, %arg0 : i32
    %mul3A_1 = arith.constant 25 : i32
    %mul3A_2 = arith.muli %add3A, %mul3A_1 : i32
    %mul3A_3 = arith.constant 256 : i32
    %mul3A_4 = arith.muli %mul3A_2, %mul3A_3 : i32
    "tpu.region"() ({
      %run_scoped3A = tpu.sem_alloc : memref<!tpu.dma_semaphore, #tpu.memory_space<semaphore_mem>>
      %dma_start3A_580 = arith.constant 0 : i32
      %dma_start3A_581 = arith.constant 0 : i32
      %dma_start3A_582 = tpu.memref_slice %arg3[%add3A, %dma_start3A_580, %dma_start3A_581] : memref<32x50x128xi32, #tpu.memory_space<hbm>> -> memref<1x50x128xi32, #tpu.memory_space<hbm>>
      %dma_start3A_583 = tpu.memref_squeeze %dma_start3A_582 : memref<1x50x128xi32, #tpu.memory_space<hbm>> -> memref<50x128xi32, #tpu.memory_space<hbm>>
      %dma_start3A_584 = arith.constant 0 : i32
      %dma_start3A_585 = arith.constant 0 : i32
      %dma_start3A_586 = tpu.memref_slice %arg3[%add3A, %dma_start3A_584, %dma_start3A_585] : memref<32x50x128xi32, #tpu.memory_space<hbm>> -> memref<1x50x128xi32, #tpu.memory_space<hbm>>
      %dma_start3A_587 = tpu.memref_squeeze %dma_start3A_586 : memref<1x50x128xi32, #tpu.memory_space<hbm>> -> memref<50x128xi32, #tpu.memory_space<hbm>>
      tpu.enqueue_dma source(%dma_start3A_587 : memref<50x128xi32, #tpu.memory_space<hbm>>) target(%arg5 : memref<50x128xi32, #tpu.memory_space<vmem>>) target_semaphore(%run_scoped3A : memref<!tpu.dma_semaphore, #tpu.memory_space<semaphore_mem>>)
      %dma_wait3A_588 = arith.constant 0 : i32
      %dma_wait3A_589 = arith.constant 0 : i32
      %dma_wait3A_590 = tpu.memref_slice %arg3[%add3A, %dma_wait3A_588, %dma_wait3A_589] : memref<32x50x128xi32, #tpu.memory_space<hbm>> -> memref<1x50x128xi32, #tpu.memory_space<hbm>>
      %dma_wait3A_591 = tpu.memref_squeeze %dma_wait3A_590 : memref<1x50x128xi32, #tpu.memory_space<hbm>> -> memref<50x128xi32, #tpu.memory_space<hbm>>
      %dma_wait3A_592 = arith.constant 0 : i32
      %dma_wait3A_593 = arith.constant 0 : i32
      %dma_wait3A_594 = tpu.memref_slice %arg3[%add3A, %dma_wait3A_592, %dma_wait3A_593] : memref<32x50x128xi32, #tpu.memory_space<hbm>> -> memref<1x50x128xi32, #tpu.memory_space<hbm>>
      %dma_wait3A_595 = tpu.memref_squeeze %dma_wait3A_594 : memref<1x50x128xi32, #tpu.memory_space<hbm>> -> memref<50x128xi32, #tpu.memory_space<hbm>>
      tpu.wait_dma2 semaphore(%run_scoped3A : memref<!tpu.dma_semaphore, #tpu.memory_space<semaphore_mem>>) src(%dma_wait3A_595 : memref<50x128xi32, #tpu.memory_space<hbm>>) dst(%arg5 : memref<50x128xi32, #tpu.memory_space<vmem>>)
      tpu.yield
    }) : () -> ()
    %dma_start3A = arith.constant 0 : i32
    %dma_start3A_5 = arith.constant 0 : i32
    %dma_start3A_6 = arith.constant 0 : i32
    %dma_start3A_7 = tpu.memref_slice %arg6[%dma_start3A_5, %dma_start3A_6] : memref<256x128xf32, #tpu.memory_space<vmem>> -> memref<128x128xf32, #tpu.memory_space<vmem>>
    %dma_start3A_8 = arith.constant 0 : i32
    %dma_start3A_9 = tpu.memref_slice %arg5[%dma_start3A, %dma_start3A_8] : memref<50x128xi32, #tpu.memory_space<vmem>> -> memref<1x128xi32, #tpu.memory_space<vmem>>
    %dma_start3A_10 = tpu.memref_squeeze %dma_start3A_9 : memref<1x128xi32, #tpu.memory_space<vmem>> -> memref<128xi32, #tpu.memory_space<vmem>>
    %dma_start3A_11 = arith.constant 0 : i32
    %dma_start3A_12 = arith.constant 0 : i32
    %dma_start3A_13 = tpu.memref_slice %arg2[%dma_start3A_11, %dma_start3A_12] : memref<1000000x128xf32, #tpu.memory_space<hbm>> -> memref<1000000x128xf32, #tpu.memory_space<hbm>>
    tpu.enqueue_indirect_dma source(%dma_start3A_13 : memref<1000000x128xf32, #tpu.memory_space<hbm>>) target(%dma_start3A_7 : memref<128x128xf32, #tpu.memory_space<vmem>>) offsets(%dma_start3A_10 : memref<128xi32, #tpu.memory_space<vmem>>) semaphore(%arg9 : memref<!tpu.dma_semaphore, #tpu.memory_space<semaphore_mem>>)
    %dma_start3A_14 = arith.constant 1 : i32
    %dma_start3A_15 = arith.constant 128 : i32
    %dma_start3A_16 = arith.constant 0 : i32
    %dma_start3A_17 = tpu.memref_slice %arg6[%dma_start3A_15, %dma_start3A_16] : memref<256x128xf32, #tpu.memory_space<vmem>> -> memref<128x128xf32, #tpu.memory_space<vmem>>
    %dma_start3A_18 = arith.constant 0 : i32
    %dma_start3A_19 = tpu.memref_slice %arg5[%dma_start3A_14, %dma_start3A_18] : memref<50x128xi32, #tpu.memory_space<vmem>> -> memref<1x128xi32, #tpu.memory_space<vmem>>
    %dma_start3A_20 = tpu.memref_squeeze %dma_start3A_19 : memref<1x128xi32, #tpu.memory_space<vmem>> -> memref<128xi32, #tpu.memory_space<vmem>>
    %dma_start3A_21 = arith.constant 0 : i32
    %dma_start3A_22 = arith.constant 0 : i32
    %dma_start3A_23 = tpu.memref_slice %arg2[%dma_start3A_21, %dma_start3A_22] : memref<1000000x128xf32, #tpu.memory_space<hbm>> -> memref<1000000x128xf32, #tpu.memory_space<hbm>>
    tpu.enqueue_indirect_dma source(%dma_start3A_23 : memref<1000000x128xf32, #tpu.memory_space<hbm>>) target(%dma_start3A_17 : memref<128x128xf32, #tpu.memory_space<vmem>>) offsets(%dma_start3A_20 : memref<128xi32, #tpu.memory_space<vmem>>) semaphore(%arg9 : memref<!tpu.dma_semaphore, #tpu.memory_space<semaphore_mem>>)
    %dma_start3A_24 = arith.constant 2 : i32
    %dma_start3A_25 = arith.constant 0 : i32
    %dma_start3A_26 = arith.constant 0 : i32
    %dma_start3A_27 = tpu.memref_slice %arg7[%dma_start3A_25, %dma_start3A_26] : memref<256x128xf32, #tpu.memory_space<vmem>> -> memref<128x128xf32, #tpu.memory_space<vmem>>
    %dma_start3A_28 = arith.constant 0 : i32
    %dma_start3A_29 = tpu.memref_slice %arg5[%dma_start3A_24, %dma_start3A_28] : memref<50x128xi32, #tpu.memory_space<vmem>> -> memref<1x128xi32, #tpu.memory_space<vmem>>
    %dma_start3A_30 = tpu.memref_squeeze %dma_start3A_29 : memref<1x128xi32, #tpu.memory_space<vmem>> -> memref<128xi32, #tpu.memory_space<vmem>>
    %dma_start3A_31 = arith.constant 0 : i32
    %dma_start3A_32 = arith.constant 0 : i32
    %dma_start3A_33 = tpu.memref_slice %arg2[%dma_start3A_31, %dma_start3A_32] : memref<1000000x128xf32, #tpu.memory_space<hbm>> -> memref<1000000x128xf32, #tpu.memory_space<hbm>>
    tpu.enqueue_indirect_dma source(%dma_start3A_33 : memref<1000000x128xf32, #tpu.memory_space<hbm>>) target(%dma_start3A_27 : memref<128x128xf32, #tpu.memory_space<vmem>>) offsets(%dma_start3A_30 : memref<128xi32, #tpu.memory_space<vmem>>) semaphore(%arg10 : memref<!tpu.dma_semaphore, #tpu.memory_space<semaphore_mem>>)
    %dma_start3A_34 = arith.constant 3 : i32
    %dma_start3A_35 = arith.constant 128 : i32
    %dma_start3A_36 = arith.constant 0 : i32
    %dma_start3A_37 = tpu.memref_slice %arg7[%dma_start3A_35, %dma_start3A_36] : memref<256x128xf32, #tpu.memory_space<vmem>> -> memref<128x128xf32, #tpu.memory_space<vmem>>
    %dma_start3A_38 = arith.constant 0 : i32
    %dma_start3A_39 = tpu.memref_slice %arg5[%dma_start3A_34, %dma_start3A_38] : memref<50x128xi32, #tpu.memory_space<vmem>> -> memref<1x128xi32, #tpu.memory_space<vmem>>
    %dma_start3A_40 = tpu.memref_squeeze %dma_start3A_39 : memref<1x128xi32, #tpu.memory_space<vmem>> -> memref<128xi32, #tpu.memory_space<vmem>>
    %dma_start3A_41 = arith.constant 0 : i32
    %dma_start3A_42 = arith.constant 0 : i32
    %dma_start3A_43 = tpu.memref_slice %arg2[%dma_start3A_41, %dma_start3A_42] : memref<1000000x128xf32, #tpu.memory_space<hbm>> -> memref<1000000x128xf32, #tpu.memory_space<hbm>>
    tpu.enqueue_indirect_dma source(%dma_start3A_43 : memref<1000000x128xf32, #tpu.memory_space<hbm>>) target(%dma_start3A_37 : memref<128x128xf32, #tpu.memory_space<vmem>>) offsets(%dma_start3A_40 : memref<128xi32, #tpu.memory_space<vmem>>) semaphore(%arg10 : memref<!tpu.dma_semaphore, #tpu.memory_space<semaphore_mem>>)
    %dma_wait3A = arith.constant 0 : i32
    %dma_wait3A_44 = arith.constant 0 : i32
    %dma_wait3A_45 = arith.constant 0 : i32
    %dma_wait3A_46 = tpu.memref_slice %arg6[%dma_wait3A_44, %dma_wait3A_45] : memref<256x128xf32, #tpu.memory_space<vmem>> -> memref<128x128xf32, #tpu.memory_space<vmem>>
    %dma_wait3A_47 = arith.constant 0 : i32
    %dma_wait3A_48 = tpu.memref_slice %arg5[%dma_wait3A, %dma_wait3A_47] : memref<50x128xi32, #tpu.memory_space<vmem>> -> memref<1x128xi32, #tpu.memory_space<vmem>>
    %dma_wait3A_49 = tpu.memref_squeeze %dma_wait3A_48 : memref<1x128xi32, #tpu.memory_space<vmem>> -> memref<128xi32, #tpu.memory_space<vmem>>
    %dma_wait3A_50 = arith.constant 0 : i32
    %dma_wait3A_51 = arith.constant 0 : i32
    %dma_wait3A_52 = tpu.memref_slice %arg2[%dma_wait3A_50, %dma_wait3A_51] : memref<1000000x128xf32, #tpu.memory_space<hbm>> -> memref<1000000x128xf32, #tpu.memory_space<hbm>>
    tpu.wait_indirect_dma semaphore(%arg9 : memref<!tpu.dma_semaphore, #tpu.memory_space<semaphore_mem>>) src(%dma_wait3A_52 : memref<1000000x128xf32, #tpu.memory_space<hbm>>) dst(%dma_wait3A_46 : memref<128x128xf32, #tpu.memory_space<vmem>>)
    %dma_wait3A_53 = arith.constant 0 : i32
    %dma_wait3A_54 = arith.constant 128 : i32
    %dma_wait3A_55 = arith.constant 0 : i32
    %dma_wait3A_56 = tpu.memref_slice %arg6[%dma_wait3A_54, %dma_wait3A_55] : memref<256x128xf32, #tpu.memory_space<vmem>> -> memref<128x128xf32, #tpu.memory_space<vmem>>
    %dma_wait3A_57 = arith.constant 0 : i32
    %dma_wait3A_58 = tpu.memref_slice %arg5[%dma_wait3A_53, %dma_wait3A_57] : memref<50x128xi32, #tpu.memory_space<vmem>> -> memref<1x128xi32, #tpu.memory_space<vmem>>
    %dma_wait3A_59 = tpu.memref_squeeze %dma_wait3A_58 : memref<1x128xi32, #tpu.memory_space<vmem>> -> memref<128xi32, #tpu.memory_space<vmem>>
    %dma_wait3A_60 = arith.constant 0 : i32
    %dma_wait3A_61 = arith.constant 0 : i32
    %dma_wait3A_62 = tpu.memref_slice %arg2[%dma_wait3A_60, %dma_wait3A_61] : memref<1000000x128xf32, #tpu.memory_space<hbm>> -> memref<1000000x128xf32, #tpu.memory_space<hbm>>
    tpu.wait_indirect_dma semaphore(%arg9 : memref<!tpu.dma_semaphore, #tpu.memory_space<semaphore_mem>>) src(%dma_wait3A_62 : memref<1000000x128xf32, #tpu.memory_space<hbm>>) dst(%dma_wait3A_56 : memref<128x128xf32, #tpu.memory_space<vmem>>)
    %dma_start3A_63 = arith.constant 4 : i32
    %dma_start3A_64 = arith.constant 0 : i32
    %dma_start3A_65 = arith.constant 0 : i32
    %dma_start3A_66 = tpu.memref_slice %arg8[%dma_start3A_64, %dma_start3A_65] : memref<256x128xf32, #tpu.memory_space<vmem>> -> memref<128x128xf32, #tpu.memory_space<vmem>>
    %dma_start3A_67 = arith.constant 0 : i32
    %dma_start3A_68 = tpu.memref_slice %arg5[%dma_start3A_63, %dma_start3A_67] : memref<50x128xi32, #tpu.memory_space<vmem>> -> memref<1x128xi32, #tpu.memory_space<vmem>>
    %dma_start3A_69 = tpu.memref_squeeze %dma_start3A_68 : memref<1x128xi32, #tpu.memory_space<vmem>> -> memref<128xi32, #tpu.memory_space<vmem>>
    %dma_start3A_70 = arith.constant 0 : i32
    %dma_start3A_71 = arith.constant 0 : i32
    %dma_start3A_72 = tpu.memref_slice %arg2[%dma_start3A_70, %dma_start3A_71] : memref<1000000x128xf32, #tpu.memory_space<hbm>> -> memref<1000000x128xf32, #tpu.memory_space<hbm>>
    tpu.enqueue_indirect_dma source(%dma_start3A_72 : memref<1000000x128xf32, #tpu.memory_space<hbm>>) target(%dma_start3A_66 : memref<128x128xf32, #tpu.memory_space<vmem>>) offsets(%dma_start3A_69 : memref<128xi32, #tpu.memory_space<vmem>>) semaphore(%arg11 : memref<!tpu.dma_semaphore, #tpu.memory_space<semaphore_mem>>)
    %dma_start3A_73 = arith.constant 5 : i32
    %dma_start3A_74 = arith.constant 128 : i32
    %dma_start3A_75 = arith.constant 0 : i32
    %dma_start3A_76 = tpu.memref_slice %arg8[%dma_start3A_74, %dma_start3A_75] : memref<256x128xf32, #tpu.memory_space<vmem>> -> memref<128x128xf32, #tpu.memory_space<vmem>>
    %dma_start3A_77 = arith.constant 0 : i32
    %dma_start3A_78 = tpu.memref_slice %arg5[%dma_start3A_73, %dma_start3A_77] : memref<50x128xi32, #tpu.memory_space<vmem>> -> memref<1x128xi32, #tpu.memory_space<vmem>>
    %dma_start3A_79 = tpu.memref_squeeze %dma_start3A_78 : memref<1x128xi32, #tpu.memory_space<vmem>> -> memref<128xi32, #tpu.memory_space<vmem>>
    %dma_start3A_80 = arith.constant 0 : i32
    %dma_start3A_81 = arith.constant 0 : i32
    %dma_start3A_82 = tpu.memref_slice %arg2[%dma_start3A_80, %dma_start3A_81] : memref<1000000x128xf32, #tpu.memory_space<hbm>> -> memref<1000000x128xf32, #tpu.memory_space<hbm>>
    tpu.enqueue_indirect_dma source(%dma_start3A_82 : memref<1000000x128xf32, #tpu.memory_space<hbm>>) target(%dma_start3A_76 : memref<128x128xf32, #tpu.memory_space<vmem>>) offsets(%dma_start3A_79 : memref<128xi32, #tpu.memory_space<vmem>>) semaphore(%arg11 : memref<!tpu.dma_semaphore, #tpu.memory_space<semaphore_mem>>)
    %get3A = arith.constant 0 : i32
    %get3A_83 = arith.index_cast %get3A : i32 to index
    %get3A_84 = arith.constant 0 : index
    %get3A_85 = tpu.vector_load %arg5[%get3A_83, %get3A_84] {strides = array<i32>} : memref<50x128xi32, #tpu.memory_space<vmem>>, vector<16xi32>,
    %get3A_86 = arith.constant 0 : i32
    %get3A_87 = arith.index_cast %get3A_86 : i32 to index
    %get3A_88 = arith.constant 16 : index
    %get3A_89 = tpu.vector_load %arg5[%get3A_87, %get3A_88] {strides = array<i32>} : memref<50x128xi32, #tpu.memory_space<vmem>>, vector<16xi32>,
    %min3A = arith.minsi %get3A_85, %get3A_89 : vector<16xi32>
    %get3A_90 = arith.constant 0 : i32
    %get3A_91 = arith.index_cast %get3A_90 : i32 to index
    %get3A_92 = arith.constant 32 : index
    %get3A_93 = tpu.vector_load %arg5[%get3A_91, %get3A_92] {strides = array<i32>} : memref<50x128xi32, #tpu.memory_space<vmem>>, vector<16xi32>,
    %min3A_94 = arith.minsi %min3A, %get3A_93 : vector<16xi32>
    %get3A_95 = arith.constant 0 : i32
    %get3A_96 = arith.index_cast %get3A_95 : i32 to index
    %get3A_97 = arith.constant 48 : index
    %get3A_98 = tpu.vector_load %arg5[%get3A_96, %get3A_97] {strides = array<i32>} : memref<50x128xi32, #tpu.memory_space<vmem>>, vector<16xi32>,
    %min3A_99 = arith.minsi %min3A_94, %get3A_98 : vector<16xi32>
    %get3A_100 = arith.constant 0 : i32
    %get3A_101 = arith.index_cast %get3A_100 : i32 to index
    %get3A_102 = arith.constant 64 : index
    %get3A_103 = tpu.vector_load %arg5[%get3A_101, %get3A_102] {strides = array<i32>} : memref<50x128xi32, #tpu.memory_space<vmem>>, vector<16xi32>,
    %min3A_104 = arith.minsi %min3A_99, %get3A_103 : vector<16xi32>
    %get3A_105 = arith.constant 0 : i32
    %get3A_106 = arith.index_cast %get3A_105 : i32 to index
    %get3A_107 = arith.constant 80 : index
    %get3A_108 = tpu.vector_load %arg5[%get3A_106, %get3A_107] {strides = array<i32>} : memref<50x128xi32, #tpu.memory_space<vmem>>, vector<16xi32>,
    %min3A_109 = arith.minsi %min3A_104, %get3A_108 : vector<16xi32>
    %get3A_110 = arith.constant 0 : i32
    %get3A_111 = arith.index_cast %get3A_110 : i32 to index
    %get3A_112 = arith.constant 96 : index
    %get3A_113 = tpu.vector_load %arg5[%get3A_111, %get3A_112] {strides = array<i32>} : memref<50x128xi32, #tpu.memory_space<vmem>>, vector<16xi32>,
    %min3A_114 = arith.minsi %min3A_109, %get3A_113 : vector<16xi32>
    %get3A_115 = arith.constant 0 : i32
    %get3A_116 = arith.index_cast %get3A_115 : i32 to index
    %get3A_117 = arith.constant 112 : index
    %get3A_118 = tpu.vector_load %arg5[%get3A_116, %get3A_117] {strides = array<i32>} : memref<50x128xi32, #tpu.memory_space<vmem>>, vector<16xi32>,
    %min3A_119 = arith.minsi %min3A_114, %get3A_118 : vector<16xi32>
    %get3A_120 = arith.constant 1 : i32
    %get3A_121 = arith.index_cast %get3A_120 : i32 to index
    %get3A_122 = arith.constant 0 : index
    %get3A_123 = tpu.vector_load %arg5[%get3A_121, %get3A_122] {strides = array<i32>} : memref<50x128xi32, #tpu.memory_space<vmem>>, vector<16xi32>,
    %min3A_124 = arith.minsi %min3A_119, %get3A_123 : vector<16xi32>
    %get3A_125 = arith.constant 1 : i32
    %get3A_126 = arith.index_cast %get3A_125 : i32 to index
    %get3A_127 = arith.constant 16 : index
    %get3A_128 = tpu.vector_load %arg5[%get3A_126, %get3A_127] {strides = array<i32>} : memref<50x128xi32, #tpu.memory_space<vmem>>, vector<16xi32>,
    %min3A_129 = arith.minsi %min3A_124, %get3A_128 : vector<16xi32>
    %get3A_130 = arith.constant 1 : i32
    %get3A_131 = arith.index_cast %get3A_130 : i32 to index
    %get3A_132 = arith.constant 32 : index
    %get3A_133 = tpu.vector_load %arg5[%get3A_131, %get3A_132] {strides = array<i32>} : memref<50x128xi32, #tpu.memory_space<vmem>>, vector<16xi32>,
    %min3A_134 = arith.minsi %min3A_129, %get3A_133 : vector<16xi32>
    %get3A_135 = arith.constant 1 : i32
    %get3A_136 = arith.index_cast %get3A_135 : i32 to index
    %get3A_137 = arith.constant 48 : index
    %get3A_138 = tpu.vector_load %arg5[%get3A_136, %get3A_137] {strides = array<i32>} : memref<50x128xi32, #tpu.memory_space<vmem>>, vector<16xi32>,
    %min3A_139 = arith.minsi %min3A_134, %get3A_138 : vector<16xi32>
    %get3A_140 = arith.constant 1 : i32
    %get3A_141 = arith.index_cast %get3A_140 : i32 to index
    %get3A_142 = arith.constant 64 : index
    %get3A_143 = tpu.vector_load %arg5[%get3A_141, %get3A_142] {strides = array<i32>} : memref<50x128xi32, #tpu.memory_space<vmem>>, vector<16xi32>,
    %min3A_144 = arith.minsi %min3A_139, %get3A_143 : vector<16xi32>
    %get3A_145 = arith.constant 1 : i32
    %get3A_146 = arith.index_cast %get3A_145 : i32 to index
    %get3A_147 = arith.constant 80 : index
    %get3A_148 = tpu.vector_load %arg5[%get3A_146, %get3A_147] {strides = array<i32>} : memref<50x128xi32, #tpu.memory_space<vmem>>, vector<16xi32>,
    %min3A_149 = arith.minsi %min3A_144, %get3A_148 : vector<16xi32>
    %get3A_150 = arith.constant 1 : i32
    %get3A_151 = arith.index_cast %get3A_150 : i32 to index
    %get3A_152 = arith.constant 96 : index
    %get3A_153 = tpu.vector_load %arg5[%get3A_151, %get3A_152] {strides = array<i32>} : memref<50x128xi32, #tpu.memory_space<vmem>>, vector<16xi32>,
    %min3A_154 = arith.minsi %min3A_149, %get3A_153 : vector<16xi32>
    %get3A_155 = arith.constant 1 : i32
    %get3A_156 = arith.index_cast %get3A_155 : i32 to index
    %get3A_157 = arith.constant 112 : index
    %get3A_158 = tpu.vector_load %arg5[%get3A_156, %get3A_157] {strides = array<i32>} : memref<50x128xi32, #tpu.memory_space<vmem>>, vector<16xi32>,
    %min3A_159 = arith.minsi %min3A_154, %get3A_158 : vector<16xi32>
    %reduce_min3A = arith.constant true
    %reduce_min3A_160 = vector.broadcast %reduce_min3A : i1 to vector<16xi1>
    %reduce_min3A_161 = arith.constant -2147483648 : i32
    %reduce_min3A_162 = vector.broadcast %reduce_min3A_161 : i32 to vector<16xi32>
    %reduce_min3A_163 = arith.xori %min3A_159, %reduce_min3A_162 : vector<16xi32>
    %reduce_min3A_164 = tpu.scan <min>, %reduce_min3A_163 masked %reduce_min3A_160 : vector<16xi32>, vector<16xi1> -> vector<16xi32>
    %reduce_min3A_165 = arith.xori %reduce_min3A_164, %reduce_min3A_162 : vector<16xi32>
    %reduce_min3A_166 = vector.extract %reduce_min3A_165[15] : i32 from vector<16xi32>
    %eq3A = arith.constant 0 : i32
    %eq3A_167 = arith.cmpi eq, %reduce_min3A_166, %eq3A : i32
    %parallel_loop3A = arith.constant 0 : i32
    %parallel_loop3A_168 = arith.constant 256 : i32
    %parallel_loop3A_169 = arith.constant 1 : i32
    scf.for %parallel_loop3A_580 = %parallel_loop3A to %parallel_loop3A_168 step %parallel_loop3A_169  : i32 {
      %parallel_loop3A_581 = arith.index_cast %parallel_loop3A_580 : i32 to index
      %parallel_loop3A_582 = arith.constant 0 : index
      %parallel_loop3A_583 = tpu.vector_load %arg6[%parallel_loop3A_581, %parallel_loop3A_582] {strides = array<i32>} : memref<256x128xf32, #tpu.memory_space<vmem>>, vector<16xf32>,
      %parallel_loop3A_584 = arith.constant 11.3137083 : f32
      %parallel_loop3A_585 = vector.broadcast %parallel_loop3A_584 : f32 to vector<16xf32>
      %parallel_loop3A_586 = arith.mulf %parallel_loop3A_583, %parallel_loop3A_585 : vector<16xf32>
      %parallel_loop3A_587 = arith.index_cast %parallel_loop3A_580 : i32 to index
      %parallel_loop3A_588 = arith.constant 0 : index
      %parallel_loop3A_589 = tpu.vector_load %arg6[%parallel_loop3A_587, %parallel_loop3A_588] {strides = array<i32>} : memref<256x128xf32, #tpu.memory_space<vmem>>, vector<16xf32>,
      tpu.vector_store %arg6[%parallel_loop3A_587, %parallel_loop3A_588], %parallel_loop3A_586 {strides = array<i32>} : memref<256x128xf32, #tpu.memory_space<vmem>>, vector<16xf32>,
      %parallel_loop3A_590 = arith.index_cast %parallel_loop3A_580 : i32 to index
      %parallel_loop3A_591 = arith.constant 16 : index
      %parallel_loop3A_592 = tpu.vector_load %arg6[%parallel_loop3A_590, %parallel_loop3A_591] {strides = array<i32>} : memref<256x128xf32, #tpu.memory_space<vmem>>, vector<16xf32>,
      %parallel_loop3A_593 = arith.constant 11.3137083 : f32
      %parallel_loop3A_594 = vector.broadcast %parallel_loop3A_593 : f32 to vector<16xf32>
      %parallel_loop3A_595 = arith.mulf %parallel_loop3A_592, %parallel_loop3A_594 : vector<16xf32>
      %parallel_loop3A_596 = arith.index_cast %parallel_loop3A_580 : i32 to index
      %parallel_loop3A_597 = arith.constant 16 : index
      %parallel_loop3A_598 = tpu.vector_load %arg6[%parallel_loop3A_596, %parallel_loop3A_597] {strides = array<i32>} : memref<256x128xf32, #tpu.memory_space<vmem>>, vector<16xf32>,
      tpu.vector_store %arg6[%parallel_loop3A_596, %parallel_loop3A_597], %parallel_loop3A_595 {strides = array<i32>} : memref<256x128xf32, #tpu.memory_space<vmem>>, vector<16xf32>,
      %parallel_loop3A_599 = arith.index_cast %parallel_loop3A_580 : i32 to index
      %parallel_loop3A_600 = arith.constant 32 : index
      %parallel_loop3A_601 = tpu.vector_load %arg6[%parallel_loop3A_599, %parallel_loop3A_600] {strides = array<i32>} : memref<256x128xf32, #tpu.memory_space<vmem>>, vector<16xf32>,
      %parallel_loop3A_602 = arith.constant 11.3137083 : f32
      %parallel_loop3A_603 = vector.broadcast %parallel_loop3A_602 : f32 to vector<16xf32>
      %parallel_loop3A_604 = arith.mulf %parallel_loop3A_601, %parallel_loop3A_603 : vector<16xf32>
      %parallel_loop3A_605 = arith.index_cast %parallel_loop3A_580 : i32 to index
      %parallel_loop3A_606 = arith.constant 32 : index
      %parallel_loop3A_607 = tpu.vector_load %arg6[%parallel_loop3A_605, %parallel_loop3A_606] {strides = array<i32>} : memref<256x128xf32, #tpu.memory_space<vmem>>, vector<16xf32>,
      tpu.vector_store %arg6[%parallel_loop3A_605, %parallel_loop3A_606], %parallel_loop3A_604 {strides = array<i32>} : memref<256x128xf32, #tpu.memory_space<vmem>>, vector<16xf32>,
      %parallel_loop3A_608 = arith.index_cast %parallel_loop3A_580 : i32 to index
      %parallel_loop3A_609 = arith.constant 48 : index
      %parallel_loop3A_610 = tpu.vector_load %arg6[%parallel_loop3A_608, %parallel_loop3A_609] {strides = array<i32>} : memref<256x128xf32, #tpu.memory_space<vmem>>, vector<16xf32>,
      %parallel_loop3A_611 = arith.constant 11.3137083 : f32
      %parallel_loop3A_612 = vector.broadcast %parallel_loop3A_611 : f32 to vector<16xf32>
      %parallel_loop3A_613 = arith.mulf %parallel_loop3A_610, %parallel_loop3A_612 : vector<16xf32>
      %parallel_loop3A_614 = arith.index_cast %parallel_loop3A_580 : i32 to index
      %parallel_loop3A_615 = arith.constant 48 : index
      %parallel_loop3A_616 = tpu.vector_load %arg6[%parallel_loop3A_614, %parallel_loop3A_615] {strides = array<i32>} : memref<256x128xf32, #tpu.memory_space<vmem>>, vector<16xf32>,
      tpu.vector_store %arg6[%parallel_loop3A_614, %parallel_loop3A_615], %parallel_loop3A_613 {strides = array<i32>} : memref<256x128xf32, #tpu.memory_space<vmem>>, vector<16xf32>,
      %parallel_loop3A_617 = arith.index_cast %parallel_loop3A_580 : i32 to index
      %parallel_loop3A_618 = arith.constant 64 : index
      %parallel_loop3A_619 = tpu.vector_load %arg6[%parallel_loop3A_617, %parallel_loop3A_618] {strides = array<i32>} : memref<256x128xf32, #tpu.memory_space<vmem>>, vector<16xf32>,
      %parallel_loop3A_620 = arith.constant 11.3137083 : f32
      %parallel_loop3A_621 = vector.broadcast %parallel_loop3A_620 : f32 to vector<16xf32>
      %parallel_loop3A_622 = arith.mulf %parallel_loop3A_619, %parallel_loop3A_621 : vector<16xf32>
      %parallel_loop3A_623 = arith.index_cast %parallel_loop3A_580 : i32 to index
      %parallel_loop3A_624 = arith.constant 64 : index
      %parallel_loop3A_625 = tpu.vector_load %arg6[%parallel_loop3A_623, %parallel_loop3A_624] {strides = array<i32>} : memref<256x128xf32, #tpu.memory_space<vmem>>, vector<16xf32>,
      tpu.vector_store %arg6[%parallel_loop3A_623, %parallel_loop3A_624], %parallel_loop3A_622 {strides = array<i32>} : memref<256x128xf32, #tpu.memory_space<vmem>>, vector<16xf32>,
      %parallel_loop3A_626 = arith.index_cast %parallel_loop3A_580 : i32 to index
      %parallel_loop3A_627 = arith.constant 80 : index
      %parallel_loop3A_628 = tpu.vector_load %arg6[%parallel_loop3A_626, %parallel_loop3A_627] {strides = array<i32>} : memref<256x128xf32, #tpu.memory_space<vmem>>, vector<16xf32>,
      %parallel_loop3A_629 = arith.constant 11.3137083 : f32
      %parallel_loop3A_630 = vector.broadcast %parallel_loop3A_629 : f32 to vector<16xf32>
      %parallel_loop3A_631 = arith.mulf %parallel_loop3A_628, %parallel_loop3A_630 : vector<16xf32>
      %parallel_loop3A_632 = arith.index_cast %parallel_loop3A_580 : i32 to index
      %parallel_loop3A_633 = arith.constant 80 : index
      %parallel_loop3A_634 = tpu.vector_load %arg6[%parallel_loop3A_632, %parallel_loop3A_633] {strides = array<i32>} : memref<256x128xf32, #tpu.memory_space<vmem>>, vector<16xf32>,
      tpu.vector_store %arg6[%parallel_loop3A_632, %parallel_loop3A_633], %parallel_loop3A_631 {strides = array<i32>} : memref<256x128xf32, #tpu.memory_space<vmem>>, vector<16xf32>,
      %parallel_loop3A_635 = arith.index_cast %parallel_loop3A_580 : i32 to index
      %parallel_loop3A_636 = arith.constant 96 : index
      %parallel_loop3A_637 = tpu.vector_load %arg6[%parallel_loop3A_635, %parallel_loop3A_636] {strides = array<i32>} : memref<256x128xf32, #tpu.memory_space<vmem>>, vector<16xf32>,
      %parallel_loop3A_638 = arith.constant 11.3137083 : f32
      %parallel_loop3A_639 = vector.broadcast %parallel_loop3A_638 : f32 to vector<16xf32>
      %parallel_loop3A_640 = arith.mulf %parallel_loop3A_637, %parallel_loop3A_639 : vector<16xf32>
      %parallel_loop3A_641 = arith.index_cast %parallel_loop3A_580 : i32 to index
      %parallel_loop3A_642 = arith.constant 96 : index
      %parallel_loop3A_643 = tpu.vector_load %arg6[%parallel_loop3A_641, %parallel_loop3A_642] {strides = array<i32>} : memref<256x128xf32, #tpu.memory_space<vmem>>, vector<16xf32>,
      tpu.vector_store %arg6[%parallel_loop3A_641, %parallel_loop3A_642], %parallel_loop3A_640 {strides = array<i32>} : memref<256x128xf32, #tpu.memory_space<vmem>>, vector<16xf32>,
      %parallel_loop3A_644 = arith.index_cast %parallel_loop3A_580 : i32 to index
      %parallel_loop3A_645 = arith.constant 112 : index
      %parallel_loop3A_646 = tpu.vector_load %arg6[%parallel_loop3A_644, %parallel_loop3A_645] {strides = array<i32>} : memref<256x128xf32, #tpu.memory_space<vmem>>, vector<16xf32>,
      %parallel_loop3A_647 = arith.constant 11.3137083 : f32
      %parallel_loop3A_648 = vector.broadcast %parallel_loop3A_647 : f32 to vector<16xf32>
      %parallel_loop3A_649 = arith.mulf %parallel_loop3A_646, %parallel_loop3A_648 : vector<16xf32>
      %parallel_loop3A_650 = arith.index_cast %parallel_loop3A_580 : i32 to index
      %parallel_loop3A_651 = arith.constant 112 : index
      %parallel_loop3A_652 = tpu.vector_load %arg6[%parallel_loop3A_650, %parallel_loop3A_651] {strides = array<i32>} : memref<256x128xf32, #tpu.memory_space<vmem>>, vector<16xf32>,
      tpu.vector_store %arg6[%parallel_loop3A_650, %parallel_loop3A_651], %parallel_loop3A_649 {strides = array<i32>} : memref<256x128xf32, #tpu.memory_space<vmem>>, vector<16xf32>,
    } {sc.loop_unroll_factor = 4 : i64, sc.parallel_access}
    %convert_element_type3A = arith.extui %eq3A_167 : i1 to i32
    %cond3A = arith.constant 0 : i32
    %cond3A_170 = arith.cmpi ne, %convert_element_type3A, %cond3A : i32
    scf.if %cond3A_170 {
      %scan3A_580 = arith.constant 0 : i32
      %scan3A_581 = arith.constant 256 : i32
      %scan3A_582 = arith.addi %scan3A_580, %scan3A_581 : i32
      %scan3A_583 = arith.constant 1 : i32
      scf.for %scan3A_585 = %scan3A_580 to %scan3A_582 step %scan3A_583  : i32 {
        %mul3A_586 = arith.constant 1 : i32
        %mul3A_587 = arith.muli %scan3A_585, %mul3A_586 : i32
        %add3A_588 = arith.constant 0 : i32
        %add3A_589 = arith.addi %add3A_588, %mul3A_587 : i32
        %jit3A = arith.constant 128 : i32
        %div3A = arith.divsi %add3A_589, %jit3A : i32
        %sign3A = arith.constant 0 : i32
        %sign3A_590 = arith.cmpi sgt, %add3A_589, %sign3A : i32
        %sign3A_591 = arith.extui %sign3A_590 : i1 to i32
        %sign3A_592 = arith.constant 0 : i32
        %sign3A_593 = arith.cmpi slt, %add3A_589, %sign3A_592 : i32
        %sign3A_594 = arith.extui %sign3A_593 : i1 to i32
        %sign3A_595 = arith.subi %sign3A_591, %sign3A_594 : i32
        %sign3A_596 = arith.constant 0 : i32
        %sign3A_597 = arith.cmpi sgt, %jit3A, %sign3A_596 : i32
        %sign3A_598 = arith.extui %sign3A_597 : i1 to i32
        %sign3A_599 = arith.constant 0 : i32
        %sign3A_600 = arith.cmpi slt, %jit3A, %sign3A_599 : i32
        %sign3A_601 = arith.extui %sign3A_600 : i1 to i32
        %sign3A_602 = arith.subi %sign3A_598, %sign3A_601 : i32
        %ne3A = arith.cmpi ne, %sign3A_595, %sign3A_602 : i32
        %rem3A = arith.remsi %add3A_589, %jit3A : i32
        %ne3A_603 = arith.constant 0 : i32
        %ne3A_604 = arith.cmpi ne, %rem3A, %ne3A_603 : i32
        %and3A = arith.andi %ne3A, %ne3A_604 : i1
        %sub3A = arith.constant 1 : i32
        %sub3A_605 = arith.subi %div3A, %sub3A : i32
        %select_n3A = arith.select %and3A, %sub3A_605, %div3A : i32
        %add3A_606 = arith.constant 0 : i32
        %add3A_607 = arith.addi %add3A_606, %select_n3A : i32
        %broadcast_in_dim3A = vector.broadcast %add3A_607 : i32 to vector<16xi32>
        %jit3A_608 = arith.constant 128 : i32
        %eq3A_609 = arith.constant 0 : i32
        %eq3A_610 = arith.cmpi eq, %jit3A_608, %eq3A_609 : i32
        %jit3A_611 = arith.constant 1 : i32
        %select_n3A_612 = arith.select %eq3A_610, %jit3A_611, %jit3A_608 : i32
        %rem3A_613 = arith.remsi %add3A_589, %select_n3A_612 : i32
        %ne3A_614 = arith.constant 0 : i32
        %ne3A_615 = arith.cmpi ne, %rem3A_613, %ne3A_614 : i32
        %lt3A = arith.constant 0 : i32
        %lt3A_616 = arith.cmpi slt, %rem3A_613, %lt3A : i32
        %lt3A_617 = arith.constant 0 : i32
        %lt3A_618 = arith.cmpi slt, %select_n3A_612, %lt3A_617 : i32
        %ne3A_619 = arith.xori %lt3A_616, %lt3A_618 : i1
        %and3A_620 = arith.andi %ne3A_619, %ne3A_615 : i1
        %add3A_621 = arith.addi %rem3A_613, %select_n3A_612 : i32
        %select_n3A_622 = arith.select %and3A_620, %add3A_621, %rem3A_613 : i32
        %broadcast_in_dim3A_623 = vector.broadcast %select_n3A_622 : i32 to vector<16xi32>
        %gather3A = tpu.vector_load_idx %arg5[%broadcast_in_dim3A, %broadcast_in_dim3A_623] : memref<50x128xi32, #tpu.memory_space<vmem>>[vector<16xi32>, vector<16xi32>], vector<16xi32>,
        %ne3A_624 = arith.constant 0 : i32
        %ne3A_625 = vector.broadcast %ne3A_624 : i32 to vector<16xi32>
        %ne3A_626 = arith.cmpi ne, %gather3A, %ne3A_625 : vector<16xi32>
        %jit3A_627 = arith.constant 1.000000e+00 : f32
        %jit3A_628 = arith.constant 0.000000e+00 : f32
        %broadcast_in_dim3A_629 = vector.broadcast %jit3A_627 : f32 to vector<16xf32>
        %broadcast_in_dim3A_630 = vector.broadcast %jit3A_628 : f32 to vector<16xf32>
        %select_n3A_631 = arith.select %ne3A_626, %broadcast_in_dim3A_629, %broadcast_in_dim3A_630 : vector<16xi1>, vector<16xf32>
        %get3A_632 = arith.index_cast %add3A_589 : i32 to index
        %get3A_633 = arith.constant 0 : index
        %get3A_634 = tpu.vector_load %arg6[%get3A_632, %get3A_633] {strides = array<i32>} : memref<256x128xf32, #tpu.memory_space<vmem>>, vector<16xf32>,
        %mul3A_635 = arith.mulf %get3A_634, %select_n3A_631 : vector<16xf32>
        %swap3A = arith.index_cast %add3A_589 : i32 to index
        %swap3A_636 = arith.constant 0 : index
        %swap3A_637 = tpu.vector_load %arg6[%swap3A, %swap3A_636] {strides = array<i32>} : memref<256x128xf32, #tpu.memory_space<vmem>>, vector<16xf32>,
        tpu.vector_store %arg6[%swap3A, %swap3A_636], %mul3A_635 {strides = array<i32>} : memref<256x128xf32, #tpu.memory_space<vmem>>, vector<16xf32>,
        %get3A_638 = arith.index_cast %add3A_589 : i32 to index
        %get3A_639 = arith.constant 16 : index
        %get3A_640 = tpu.vector_load %arg6[%get3A_638, %get3A_639] {strides = array<i32>} : memref<256x128xf32, #tpu.memory_space<vmem>>, vector<16xf32>,
        %mul3A_641 = arith.mulf %get3A_640, %select_n3A_631 : vector<16xf32>
        %swap3A_642 = arith.index_cast %add3A_589 : i32 to index
        %swap3A_643 = arith.constant 16 : index
        %swap3A_644 = tpu.vector_load %arg6[%swap3A_642, %swap3A_643] {strides = array<i32>} : memref<256x128xf32, #tpu.memory_space<vmem>>, vector<16xf32>,
        tpu.vector_store %arg6[%swap3A_642, %swap3A_643], %mul3A_641 {strides = array<i32>} : memref<256x128xf32, #tpu.memory_space<vmem>>, vector<16xf32>,
        %get3A_645 = arith.index_cast %add3A_589 : i32 to index
        %get3A_646 = arith.constant 32 : index
        %get3A_647 = tpu.vector_load %arg6[%get3A_645, %get3A_646] {strides = array<i32>} : memref<256x128xf32, #tpu.memory_space<vmem>>, vector<16xf32>,
        %mul3A_648 = arith.mulf %get3A_647, %select_n3A_631 : vector<16xf32>
        %swap3A_649 = arith.index_cast %add3A_589 : i32 to index
        %swap3A_650 = arith.constant 32 : index
        %swap3A_651 = tpu.vector_load %arg6[%swap3A_649, %swap3A_650] {strides = array<i32>} : memref<256x128xf32, #tpu.memory_space<vmem>>, vector<16xf32>,
        tpu.vector_store %arg6[%swap3A_649, %swap3A_650], %mul3A_648 {strides = array<i32>} : memref<256x128xf32, #tpu.memory_space<vmem>>, vector<16xf32>,
        %get3A_652 = arith.index_cast %add3A_589 : i32 to index
        %get3A_653 = arith.constant 48 : index
        %get3A_654 = tpu.vector_load %arg6[%get3A_652, %get3A_653] {strides = array<i32>} : memref<256x128xf32, #tpu.memory_space<vmem>>, vector<16xf32>,
        %mul3A_655 = arith.mulf %get3A_654, %select_n3A_631 : vector<16xf32>
        %swap3A_656 = arith.index_cast %add3A_589 : i32 to index
        %swap3A_657 = arith.constant 48 : index
        %swap3A_658 = tpu.vector_load %arg6[%swap3A_656, %swap3A_657] {strides = array<i32>} : memref<256x128xf32, #tpu.memory_space<vmem>>, vector<16xf32>,
        tpu.vector_store %arg6[%swap3A_656, %swap3A_657], %mul3A_655 {strides = array<i32>} : memref<256x128xf32, #tpu.memory_space<vmem>>, vector<16xf32>,
        %get3A_659 = arith.index_cast %add3A_589 : i32 to index
        %get3A_660 = arith.constant 64 : index
        %get3A_661 = tpu.vector_load %arg6[%get3A_659, %get3A_660] {strides = array<i32>} : memref<256x128xf32, #tpu.memory_space<vmem>>, vector<16xf32>,
        %mul3A_662 = arith.mulf %get3A_661, %select_n3A_631 : vector<16xf32>
        %swap3A_663 = arith.index_cast %add3A_589 : i32 to index
        %swap3A_664 = arith.constant 64 : index
        %swap3A_665 = tpu.vector_load %arg6[%swap3A_663, %swap3A_664] {strides = array<i32>} : memref<256x128xf32, #tpu.memory_space<vmem>>, vector<16xf32>,
        tpu.vector_store %arg6[%swap3A_663, %swap3A_664], %mul3A_662 {strides = array<i32>} : memref<256x128xf32, #tpu.memory_space<vmem>>, vector<16xf32>,
        %get3A_666 = arith.index_cast %add3A_589 : i32 to index
        %get3A_667 = arith.constant 80 : index
        %get3A_668 = tpu.vector_load %arg6[%get3A_666, %get3A_667] {strides = array<i32>} : memref<256x128xf32, #tpu.memory_space<vmem>>, vector<16xf32>,
        %mul3A_669 = arith.mulf %get3A_668, %select_n3A_631 : vector<16xf32>
        %swap3A_670 = arith.index_cast %add3A_589 : i32 to index
        %swap3A_671 = arith.constant 80 : index
        %swap3A_672 = tpu.vector_load %arg6[%swap3A_670, %swap3A_671] {strides = array<i32>} : memref<256x128xf32, #tpu.memory_space<vmem>>, vector<16xf32>,
        tpu.vector_store %arg6[%swap3A_670, %swap3A_671], %mul3A_669 {strides = array<i32>} : memref<256x128xf32, #tpu.memory_space<vmem>>, vector<16xf32>,
        %get3A_673 = arith.index_cast %add3A_589 : i32 to index
        %get3A_674 = arith.constant 96 : index
        %get3A_675 = tpu.vector_load %arg6[%get3A_673, %get3A_674] {strides = array<i32>} : memref<256x128xf32, #tpu.memory_space<vmem>>, vector<16xf32>,
        %mul3A_676 = arith.mulf %get3A_675, %select_n3A_631 : vector<16xf32>
        %swap3A_677 = arith.index_cast %add3A_589 : i32 to index
        %swap3A_678 = arith.constant 96 : index
        %swap3A_679 = tpu.vector_load %arg6[%swap3A_677, %swap3A_678] {strides = array<i32>} : memref<256x128xf32, #tpu.memory_space<vmem>>, vector<16xf32>,
        tpu.vector_store %arg6[%swap3A_677, %swap3A_678], %mul3A_676 {strides = array<i32>} : memref<256x128xf32, #tpu.memory_space<vmem>>, vector<16xf32>,
        %get3A_680 = arith.index_cast %add3A_589 : i32 to index
        %get3A_681 = arith.constant 112 : index
        %get3A_682 = tpu.vector_load %arg6[%get3A_680, %get3A_681] {strides = array<i32>} : memref<256x128xf32, #tpu.memory_space<vmem>>, vector<16xf32>,
        %mul3A_683 = arith.mulf %get3A_682, %select_n3A_631 : vector<16xf32>
        %swap3A_684 = arith.index_cast %add3A_589 : i32 to index
        %swap3A_685 = arith.constant 112 : index
        %swap3A_686 = tpu.vector_load %arg6[%swap3A_684, %swap3A_685] {strides = array<i32>} : memref<256x128xf32, #tpu.memory_space<vmem>>, vector<16xf32>,
        tpu.vector_store %arg6[%swap3A_684, %swap3A_685], %mul3A_683 {strides = array<i32>} : memref<256x128xf32, #tpu.memory_space<vmem>>, vector<16xf32>,
      }
      %scan3A_584 = arith.constant 256 : i32
    } else {
    }
    %add3A_171 = arith.constant 0 : i32
    %add3A_172 = arith.addi %mul3A_4, %add3A_171 : i32
    %dma_start3A_173 = arith.constant 0 : i32
    %dma_start3A_174 = tpu.memref_slice %arg4[%add3A_172, %dma_start3A_173] : memref<204800x128xf32, #tpu.memory_space<hbm>> -> memref<256x128xf32, #tpu.memory_space<hbm>>
    %dma_start3A_175 = arith.constant 0 : i32
    %dma_start3A_176 = tpu.memref_slice %arg4[%add3A_172, %dma_start3A_175] : memref<204800x128xf32, #tpu.memory_space<hbm>> -> memref<256x128xf32, #tpu.memory_space<hbm>>
    tpu.enqueue_dma source(%arg6 : memref<256x128xf32, #tpu.memory_space<vmem>>) target(%dma_start3A_176 : memref<256x128xf32, #tpu.memory_space<hbm>>) target_semaphore(%arg12 : memref<!tpu.dma_semaphore, #tpu.memory_space<semaphore_mem>>)
    %scan3A = arith.constant 0 : i32
    %scan3A_177 = arith.constant 7 : i32
    %scan3A_178 = arith.addi %scan3A, %scan3A_177 : i32
    %scan3A_179 = arith.constant 1 : i32
    scf.for %scan3A_580 = %scan3A to %scan3A_178 step %scan3A_179  : i32 {
      %mul3A_581 = arith.constant 3 : i32
      %mul3A_582 = arith.muli %scan3A_580, %mul3A_581 : i32
      %add3A_583 = arith.constant 1 : i32
      %add3A_584 = arith.addi %add3A_583, %mul3A_582 : i32
      %add3A_585 = arith.constant 0 : i32
      %add3A_586 = arith.addi %add3A_584, %add3A_585 : i32
      %dma_wait3A_587 = arith.constant 0 : i32
      %dma_wait3A_588 = arith.constant 0 : i32
      %dma_wait3A_589 = arith.constant 0 : i32
      %dma_wait3A_590 = tpu.memref_slice %arg7[%dma_wait3A_588, %dma_wait3A_589] : memref<256x128xf32, #tpu.memory_space<vmem>> -> memref<128x128xf32, #tpu.memory_space<vmem>>
      %dma_wait3A_591 = arith.constant 0 : i32
      %dma_wait3A_592 = tpu.memref_slice %arg5[%dma_wait3A_587, %dma_wait3A_591] : memref<50x128xi32, #tpu.memory_space<vmem>> -> memref<1x128xi32, #tpu.memory_space<vmem>>
      %dma_wait3A_593 = tpu.memref_squeeze %dma_wait3A_592 : memref<1x128xi32, #tpu.memory_space<vmem>> -> memref<128xi32, #tpu.memory_space<vmem>>
      %dma_wait3A_594 = arith.constant 0 : i32
      %dma_wait3A_595 = arith.constant 0 : i32
      %dma_wait3A_596 = tpu.memref_slice %arg2[%dma_wait3A_594, %dma_wait3A_595] : memref<1000000x128xf32, #tpu.memory_space<hbm>> -> memref<1000000x128xf32, #tpu.memory_space<hbm>>
      tpu.wait_indirect_dma semaphore(%arg10 : memref<!tpu.dma_semaphore, #tpu.memory_space<semaphore_mem>>) src(%dma_wait3A_596 : memref<1000000x128xf32, #tpu.memory_space<hbm>>) dst(%dma_wait3A_590 : memref<128x128xf32, #tpu.memory_space<vmem>>)
      %dma_wait3A_597 = arith.constant 0 : i32
      %dma_wait3A_598 = arith.constant 128 : i32
      %dma_wait3A_599 = arith.constant 0 : i32
      %dma_wait3A_600 = tpu.memref_slice %arg7[%dma_wait3A_598, %dma_wait3A_599] : memref<256x128xf32, #tpu.memory_space<vmem>> -> memref<128x128xf32, #tpu.memory_space<vmem>>
      %dma_wait3A_601 = arith.constant 0 : i32
      %dma_wait3A_602 = tpu.memref_slice %arg5[%dma_wait3A_597, %dma_wait3A_601] : memref<50x128xi32, #tpu.memory_space<vmem>> -> memref<1x128xi32, #tpu.memory_space<vmem>>
      %dma_wait3A_603 = tpu.memref_squeeze %dma_wait3A_602 : memref<1x128xi32, #tpu.memory_space<vmem>> -> memref<128xi32, #tpu.memory_space<vmem>>
      %dma_wait3A_604 = arith.constant 0 : i32
      %dma_wait3A_605 = arith.constant 0 : i32
      %dma_wait3A_606 = tpu.memref_slice %arg2[%dma_wait3A_604, %dma_wait3A_605] : memref<1000000x128xf32, #tpu.memory_space<hbm>> -> memref<1000000x128xf32, #tpu.memory_space<hbm>>
      tpu.wait_indirect_dma semaphore(%arg10 : memref<!tpu.dma_semaphore, #tpu.memory_space<semaphore_mem>>) src(%dma_wait3A_606 : memref<1000000x128xf32, #tpu.memory_space<hbm>>) dst(%dma_wait3A_600 : memref<128x128xf32, #tpu.memory_space<vmem>>)
      %dma_wait3A_607 = arith.constant 0 : i32
      %dma_wait3A_608 = tpu.memref_slice %arg4[%mul3A_4, %dma_wait3A_607] : memref<204800x128xf32, #tpu.memory_space<hbm>> -> memref<256x128xf32, #tpu.memory_space<hbm>>
      %dma_wait3A_609 = arith.constant 0 : i32
      %dma_wait3A_610 = tpu.memref_slice %arg4[%mul3A_4, %dma_wait3A_609] : memref<204800x128xf32, #tpu.memory_space<hbm>> -> memref<256x128xf32, #tpu.memory_space<hbm>>
      tpu.wait_dma2 semaphore(%arg12 : memref<!tpu.dma_semaphore, #tpu.memory_space<semaphore_mem>>) src(%arg6 : memref<256x128xf32, #tpu.memory_space<vmem>>) dst(%dma_wait3A_610 : memref<256x128xf32, #tpu.memory_space<hbm>>)
      %add3A_611 = arith.constant 2 : i32
      %add3A_612 = arith.addi %add3A_586, %add3A_611 : i32
      %mul3A_613 = arith.constant 2 : i32
      %mul3A_614 = arith.muli %add3A_612, %mul3A_613 : i32
      %add3A_615 = arith.constant 0 : i32
      %add3A_616 = arith.addi %mul3A_614, %add3A_615 : i32
      %dma_start3A_617 = arith.constant 0 : i32
      %dma_start3A_618 = arith.constant 0 : i32
      %dma_start3A_619 = tpu.memref_slice %arg6[%dma_start3A_617, %dma_start3A_618] : memref<256x128xf32, #tpu.memory_space<vmem>> -> memref<128x128xf32, #tpu.memory_space<vmem>>
      %dma_start3A_620 = arith.constant 0 : i32
      %dma_start3A_621 = tpu.memref_slice %arg5[%add3A_616, %dma_start3A_620] : memref<50x128xi32, #tpu.memory_space<vmem>> -> memref<1x128xi32, #tpu.memory_space<vmem>>
      %dma_start3A_622 = tpu.memref_squeeze %dma_start3A_621 : memref<1x128xi32, #tpu.memory_space<vmem>> -> memref<128xi32, #tpu.memory_space<vmem>>
      %dma_start3A_623 = arith.constant 0 : i32
      %dma_start3A_624 = arith.constant 0 : i32
      %dma_start3A_625 = tpu.memref_slice %arg2[%dma_start3A_623, %dma_start3A_624] : memref<1000000x128xf32, #tpu.memory_space<hbm>> -> memref<1000000x128xf32, #tpu.memory_space<hbm>>
      tpu.enqueue_indirect_dma source(%dma_start3A_625 : memref<1000000x128xf32, #tpu.memory_space<hbm>>) target(%dma_start3A_619 : memref<128x128xf32, #tpu.memory_space<vmem>>) offsets(%dma_start3A_622 : memref<128xi32, #tpu.memory_space<vmem>>) semaphore(%arg9 : memref<!tpu.dma_semaphore, #tpu.memory_space<semaphore_mem>>)
      %mul3A_626 = arith.constant 2 : i32
      %mul3A_627 = arith.muli %add3A_612, %mul3A_626 : i32
      %add3A_628 = arith.constant 1 : i32
      %add3A_629 = arith.addi %mul3A_627, %add3A_628 : i32
      %dma_start3A_630 = arith.constant 128 : i32
      %dma_start3A_631 = arith.constant 0 : i32
      %dma_start3A_632 = tpu.memref_slice %arg6[%dma_start3A_630, %dma_start3A_631] : memref<256x128xf32, #tpu.memory_space<vmem>> -> memref<128x128xf32, #tpu.memory_space<vmem>>
      %dma_start3A_633 = arith.constant 0 : i32
      %dma_start3A_634 = tpu.memref_slice %arg5[%add3A_629, %dma_start3A_633] : memref<50x128xi32, #tpu.memory_space<vmem>> -> memref<1x128xi32, #tpu.memory_space<vmem>>
      %dma_start3A_635 = tpu.memref_squeeze %dma_start3A_634 : memref<1x128xi32, #tpu.memory_space<vmem>> -> memref<128xi32, #tpu.memory_space<vmem>>
      %dma_start3A_636 = arith.constant 0 : i32
      %dma_start3A_637 = arith.constant 0 : i32
      %dma_start3A_638 = tpu.memref_slice %arg2[%dma_start3A_636, %dma_start3A_637] : memref<1000000x128xf32, #tpu.memory_space<hbm>> -> memref<1000000x128xf32, #tpu.memory_space<hbm>>
      tpu.enqueue_indirect_dma source(%dma_start3A_638 : memref<1000000x128xf32, #tpu.memory_space<hbm>>) target(%dma_start3A_632 : memref<128x128xf32, #tpu.memory_space<vmem>>) offsets(%dma_start3A_635 : memref<128xi32, #tpu.memory_space<vmem>>) semaphore(%arg9 : memref<!tpu.dma_semaphore, #tpu.memory_space<semaphore_mem>>)
      %mul3A_639 = arith.constant 2 : i32
      %mul3A_640 = arith.muli %add3A_586, %mul3A_639 : i32
      %get3A_641 = arith.index_cast %mul3A_640 : i32 to index
      %get3A_642 = arith.constant 0 : index
      %get3A_643 = tpu.vector_load %arg5[%get3A_641, %get3A_642] {strides = array<i32>} : memref<50x128xi32, #tpu.memory_space<vmem>>, vector<16xi32>,
      %mul3A_644 = arith.constant 2 : i32
      %mul3A_645 = arith.muli %add3A_586, %mul3A_644 : i32
      %add3A_646 = arith.constant 0 : i32
      %add3A_647 = arith.addi %mul3A_645, %add3A_646 : i32
      %get3A_648 = arith.index_cast %add3A_647 : i32 to index
      %get3A_649 = arith.constant 16 : index
      %get3A_650 = tpu.vector_load %arg5[%get3A_648, %get3A_649] {strides = array<i32>} : memref<50x128xi32, #tpu.memory_space<vmem>>, vector<16xi32>,
      %min3A_651 = arith.minsi %get3A_643, %get3A_650 : vector<16xi32>
      %mul3A_652 = arith.constant 2 : i32
      %mul3A_653 = arith.muli %add3A_586, %mul3A_652 : i32
      %add3A_654 = arith.constant 0 : i32
      %add3A_655 = arith.addi %mul3A_653, %add3A_654 : i32
      %get3A_656 = arith.index_cast %add3A_655 : i32 to index
      %get3A_657 = arith.constant 32 : index
      %get3A_658 = tpu.vector_load %arg5[%get3A_656, %get3A_657] {strides = array<i32>} : memref<50x128xi32, #tpu.memory_space<vmem>>, vector<16xi32>,
      %min3A_659 = arith.minsi %min3A_651, %get3A_658 : vector<16xi32>
      %mul3A_660 = arith.constant 2 : i32
      %mul3A_661 = arith.muli %add3A_586, %mul3A_660 : i32
      %add3A_662 = arith.constant 0 : i32
      %add3A_663 = arith.addi %mul3A_661, %add3A_662 : i32
      %get3A_664 = arith.index_cast %add3A_663 : i32 to index
      %get3A_665 = arith.constant 48 : index
      %get3A_666 = tpu.vector_load %arg5[%get3A_664, %get3A_665] {strides = array<i32>} : memref<50x128xi32, #tpu.memory_space<vmem>>, vector<16xi32>,
      %min3A_667 = arith.minsi %min3A_659, %get3A_666 : vector<16xi32>
      %mul3A_668 = arith.constant 2 : i32
      %mul3A_669 = arith.muli %add3A_586, %mul3A_668 : i32
      %add3A_670 = arith.constant 0 : i32
      %add3A_671 = arith.addi %mul3A_669, %add3A_670 : i32
      %get3A_672 = arith.index_cast %add3A_671 : i32 to index
      %get3A_673 = arith.constant 64 : index
      %get3A_674 = tpu.vector_load %arg5[%get3A_672, %get3A_673] {strides = array<i32>} : memref<50x128xi32, #tpu.memory_space<vmem>>, vector<16xi32>,
      %min3A_675 = arith.minsi %min3A_667, %get3A_674 : vector<16xi32>
      %mul3A_676 = arith.constant 2 : i32
      %mul3A_677 = arith.muli %add3A_586, %mul3A_676 : i32
      %add3A_678 = arith.constant 0 : i32
      %add3A_679 = arith.addi %mul3A_677, %add3A_678 : i32
      %get3A_680 = arith.index_cast %add3A_679 : i32 to index
      %get3A_681 = arith.constant 80 : index
      %get3A_682 = tpu.vector_load %arg5[%get3A_680, %get3A_681] {strides = array<i32>} : memref<50x128xi32, #tpu.memory_space<vmem>>, vector<16xi32>,
      %min3A_683 = arith.minsi %min3A_675, %get3A_682 : vector<16xi32>
      %mul3A_684 = arith.constant 2 : i32
      %mul3A_685 = arith.muli %add3A_586, %mul3A_684 : i32
      %add3A_686 = arith.constant 0 : i32
      %add3A_687 = arith.addi %mul3A_685, %add3A_686 : i32
      %get3A_688 = arith.index_cast %add3A_687 : i32 to index
      %get3A_689 = arith.constant 96 : index
      %get3A_690 = tpu.vector_load %arg5[%get3A_688, %get3A_689] {strides = array<i32>} : memref<50x128xi32, #tpu.memory_space<vmem>>, vector<16xi32>,
      %min3A_691 = arith.minsi %min3A_683, %get3A_690 : vector<16xi32>
      %mul3A_692 = arith.constant 2 : i32
      %mul3A_693 = arith.muli %add3A_586, %mul3A_692 : i32
      %add3A_694 = arith.constant 0 : i32
      %add3A_695 = arith.addi %mul3A_693, %add3A_694 : i32
      %get3A_696 = arith.index_cast %add3A_695 : i32 to index
      %get3A_697 = arith.constant 112 : index
      %get3A_698 = tpu.vector_load %arg5[%get3A_696, %get3A_697] {strides = array<i32>} : memref<50x128xi32, #tpu.memory_space<vmem>>, vector<16xi32>,
      %min3A_699 = arith.minsi %min3A_691, %get3A_698 : vector<16xi32>
      %mul3A_700 = arith.constant 2 : i32
      %mul3A_701 = arith.muli %add3A_586, %mul3A_700 : i32
      %add3A_702 = arith.constant 1 : i32
      %add3A_703 = arith.addi %mul3A_701, %add3A_702 : i32
      %get3A_704 = arith.index_cast %add3A_703 : i32 to index
      %get3A_705 = arith.constant 0 : index
      %get3A_706 = tpu.vector_load %arg5[%get3A_704, %get3A_705] {strides = array<i32>} : memref<50x128xi32, #tpu.memory_space<vmem>>, vector<16xi32>,
      %min3A_707 = arith.minsi %min3A_699, %get3A_706 : vector<16xi32>
      %mul3A_708 = arith.constant 2 : i32
      %mul3A_709 = arith.muli %add3A_586, %mul3A_708 : i32
      %add3A_710 = arith.constant 1 : i32
      %add3A_711 = arith.addi %mul3A_709, %add3A_710 : i32
      %get3A_712 = arith.index_cast %add3A_711 : i32 to index
      %get3A_713 = arith.constant 16 : index
      %get3A_714 = tpu.vector_load %arg5[%get3A_712, %get3A_713] {strides = array<i32>} : memref<50x128xi32, #tpu.memory_space<vmem>>, vector<16xi32>,
      %min3A_715 = arith.minsi %min3A_707, %get3A_714 : vector<16xi32>
      %mul3A_716 = arith.constant 2 : i32
      %mul3A_717 = arith.muli %add3A_586, %mul3A_716 : i32
      %add3A_718 = arith.constant 1 : i32
      %add3A_719 = arith.addi %mul3A_717, %add3A_718 : i32
      %get3A_720 = arith.index_cast %add3A_719 : i32 to index
      %get3A_721 = arith.constant 32 : index
      %get3A_722 = tpu.vector_load %arg5[%get3A_720, %get3A_721] {strides = array<i32>} : memref<50x128xi32, #tpu.memory_space<vmem>>, vector<16xi32>,
      %min3A_723 = arith.minsi %min3A_715, %get3A_722 : vector<16xi32>
      %mul3A_724 = arith.constant 2 : i32
      %mul3A_725 = arith.muli %add3A_586, %mul3A_724 : i32
      %add3A_726 = arith.constant 1 : i32
      %add3A_727 = arith.addi %mul3A_725, %add3A_726 : i32
      %get3A_728 = arith.index_cast %add3A_727 : i32 to index
      %get3A_729 = arith.constant 48 : index
      %get3A_730 = tpu.vector_load %arg5[%get3A_728, %get3A_729] {strides = array<i32>} : memref<50x128xi32, #tpu.memory_space<vmem>>, vector<16xi32>,
      %min3A_731 = arith.minsi %min3A_723, %get3A_730 : vector<16xi32>
      %mul3A_732 = arith.constant 2 : i32
      %mul3A_733 = arith.muli %add3A_586, %mul3A_732 : i32
      %add3A_734 = arith.constant 1 : i32
      %add3A_735 = arith.addi %mul3A_733, %add3A_734 : i32
      %get3A_736 = arith.index_cast %add3A_735 : i32 to index
      %get3A_737 = arith.constant 64 : index
      %get3A_738 = tpu.vector_load %arg5[%get3A_736, %get3A_737] {strides = array<i32>} : memref<50x128xi32, #tpu.memory_space<vmem>>, vector<16xi32>,
      %min3A_739 = arith.minsi %min3A_731, %get3A_738 : vector<16xi32>
      %mul3A_740 = arith.constant 2 : i32
      %mul3A_741 = arith.muli %add3A_586, %mul3A_740 : i32
      %add3A_742 = arith.constant 1 : i32
      %add3A_743 = arith.addi %mul3A_741, %add3A_742 : i32
      %get3A_744 = arith.index_cast %add3A_743 : i32 to index
      %get3A_745 = arith.constant 80 : index
      %get3A_746 = tpu.vector_load %arg5[%get3A_744, %get3A_745] {strides = array<i32>} : memref<50x128xi32, #tpu.memory_space<vmem>>, vector<16xi32>,
      %min3A_747 = arith.minsi %min3A_739, %get3A_746 : vector<16xi32>
      %mul3A_748 = arith.constant 2 : i32
      %mul3A_749 = arith.muli %add3A_586, %mul3A_748 : i32
      %add3A_750 = arith.constant 1 : i32
      %add3A_751 = arith.addi %mul3A_749, %add3A_750 : i32
      %get3A_752 = arith.index_cast %add3A_751 : i32 to index
      %get3A_753 = arith.constant 96 : index
      %get3A_754 = tpu.vector_load %arg5[%get3A_752, %get3A_753] {strides = array<i32>} : memref<50x128xi32, #tpu.memory_space<vmem>>, vector<16xi32>,
      %min3A_755 = arith.minsi %min3A_747, %get3A_754 : vector<16xi32>
      %mul3A_756 = arith.constant 2 : i32
      %mul3A_757 = arith.muli %add3A_586, %mul3A_756 : i32
      %add3A_758 = arith.constant 1 : i32
      %add3A_759 = arith.addi %mul3A_757, %add3A_758 : i32
      %get3A_760 = arith.index_cast %add3A_759 : i32 to index
      %get3A_761 = arith.constant 112 : index
      %get3A_762 = tpu.vector_load %arg5[%get3A_760, %get3A_761] {strides = array<i32>} : memref<50x128xi32, #tpu.memory_space<vmem>>, vector<16xi32>,
      %min3A_763 = arith.minsi %min3A_755, %get3A_762 : vector<16xi32>
      %reduce_min3A_764 = arith.constant true
      %reduce_min3A_765 = vector.broadcast %reduce_min3A_764 : i1 to vector<16xi1>
      %reduce_min3A_766 = arith.constant -2147483648 : i32
      %reduce_min3A_767 = vector.broadcast %reduce_min3A_766 : i32 to vector<16xi32>
      %reduce_min3A_768 = arith.xori %min3A_763, %reduce_min3A_767 : vector<16xi32>
      %reduce_min3A_769 = tpu.scan <min>, %reduce_min3A_768 masked %reduce_min3A_765 : vector<16xi32>, vector<16xi1> -> vector<16xi32>
      %reduce_min3A_770 = arith.xori %reduce_min3A_769, %reduce_min3A_767 : vector<16xi32>
      %reduce_min3A_771 = vector.extract %reduce_min3A_770[15] : i32 from vector<16xi32>
      %eq3A_772 = arith.constant 0 : i32
      %eq3A_773 = arith.cmpi eq, %reduce_min3A_771, %eq3A_772 : i32
      %parallel_loop3A_774 = arith.constant 0 : i32
      %parallel_loop3A_775 = arith.constant 256 : i32
      %parallel_loop3A_776 = arith.constant 1 : i32
      scf.for %parallel_loop3A_1191 = %parallel_loop3A_774 to %parallel_loop3A_775 step %parallel_loop3A_776  : i32 {
        %parallel_loop3A_1192 = arith.index_cast %parallel_loop3A_1191 : i32 to index
        %parallel_loop3A_1193 = arith.constant 0 : index
        %parallel_loop3A_1194 = tpu.vector_load %arg7[%parallel_loop3A_1192, %parallel_loop3A_1193] {strides = array<i32>} : memref<256x128xf32, #tpu.memory_space<vmem>>, vector<16xf32>,
        %parallel_loop3A_1195 = arith.constant 11.3137083 : f32
        %parallel_loop3A_1196 = vector.broadcast %parallel_loop3A_1195 : f32 to vector<16xf32>
        %parallel_loop3A_1197 = arith.mulf %parallel_loop3A_1194, %parallel_loop3A_1196 : vector<16xf32>
        %parallel_loop3A_1198 = arith.index_cast %parallel_loop3A_1191 : i32 to index
        %parallel_loop3A_1199 = arith.constant 0 : index
        %parallel_loop3A_1200 = tpu.vector_load %arg7[%parallel_loop3A_1198, %parallel_loop3A_1199] {strides = array<i32>} : memref<256x128xf32, #tpu.memory_space<vmem>>, vector<16xf32>,
        tpu.vector_store %arg7[%parallel_loop3A_1198, %parallel_loop3A_1199], %parallel_loop3A_1197 {strides = array<i32>} : memref<256x128xf32, #tpu.memory_space<vmem>>, vector<16xf32>,
        %parallel_loop3A_1201 = arith.index_cast %parallel_loop3A_1191 : i32 to index
        %parallel_loop3A_1202 = arith.constant 16 : index
        %parallel_loop3A_1203 = tpu.vector_load %arg7[%parallel_loop3A_1201, %parallel_loop3A_1202] {strides = array<i32>} : memref<256x128xf32, #tpu.memory_space<vmem>>, vector<16xf32>,
        %parallel_loop3A_1204 = arith.constant 11.3137083 : f32
        %parallel_loop3A_1205 = vector.broadcast %parallel_loop3A_1204 : f32 to vector<16xf32>
        %parallel_loop3A_1206 = arith.mulf %parallel_loop3A_1203, %parallel_loop3A_1205 : vector<16xf32>
        %parallel_loop3A_1207 = arith.index_cast %parallel_loop3A_1191 : i32 to index
        %parallel_loop3A_1208 = arith.constant 16 : index
        %parallel_loop3A_1209 = tpu.vector_load %arg7[%parallel_loop3A_1207, %parallel_loop3A_1208] {strides = array<i32>} : memref<256x128xf32, #tpu.memory_space<vmem>>, vector<16xf32>,
        tpu.vector_store %arg7[%parallel_loop3A_1207, %parallel_loop3A_1208], %parallel_loop3A_1206 {strides = array<i32>} : memref<256x128xf32, #tpu.memory_space<vmem>>, vector<16xf32>,
        %parallel_loop3A_1210 = arith.index_cast %parallel_loop3A_1191 : i32 to index
        %parallel_loop3A_1211 = arith.constant 32 : index
        %parallel_loop3A_1212 = tpu.vector_load %arg7[%parallel_loop3A_1210, %parallel_loop3A_1211] {strides = array<i32>} : memref<256x128xf32, #tpu.memory_space<vmem>>, vector<16xf32>,
        %parallel_loop3A_1213 = arith.constant 11.3137083 : f32
        %parallel_loop3A_1214 = vector.broadcast %parallel_loop3A_1213 : f32 to vector<16xf32>
        %parallel_loop3A_1215 = arith.mulf %parallel_loop3A_1212, %parallel_loop3A_1214 : vector<16xf32>
        %parallel_loop3A_1216 = arith.index_cast %parallel_loop3A_1191 : i32 to index
        %parallel_loop3A_1217 = arith.constant 32 : index
        %parallel_loop3A_1218 = tpu.vector_load %arg7[%parallel_loop3A_1216, %parallel_loop3A_1217] {strides = array<i32>} : memref<256x128xf32, #tpu.memory_space<vmem>>, vector<16xf32>,
        tpu.vector_store %arg7[%parallel_loop3A_1216, %parallel_loop3A_1217], %parallel_loop3A_1215 {strides = array<i32>} : memref<256x128xf32, #tpu.memory_space<vmem>>, vector<16xf32>,
        %parallel_loop3A_1219 = arith.index_cast %parallel_loop3A_1191 : i32 to index
        %parallel_loop3A_1220 = arith.constant 48 : index
        %parallel_loop3A_1221 = tpu.vector_load %arg7[%parallel_loop3A_1219, %parallel_loop3A_1220] {strides = array<i32>} : memref<256x128xf32, #tpu.memory_space<vmem>>, vector<16xf32>,
        %parallel_loop3A_1222 = arith.constant 11.3137083 : f32
        %parallel_loop3A_1223 = vector.broadcast %parallel_loop3A_1222 : f32 to vector<16xf32>
        %parallel_loop3A_1224 = arith.mulf %parallel_loop3A_1221, %parallel_loop3A_1223 : vector<16xf32>
        %parallel_loop3A_1225 = arith.index_cast %parallel_loop3A_1191 : i32 to index
        %parallel_loop3A_1226 = arith.constant 48 : index
        %parallel_loop3A_1227 = tpu.vector_load %arg7[%parallel_loop3A_1225, %parallel_loop3A_1226] {strides = array<i32>} : memref<256x128xf32, #tpu.memory_space<vmem>>, vector<16xf32>,
        tpu.vector_store %arg7[%parallel_loop3A_1225, %parallel_loop3A_1226], %parallel_loop3A_1224 {strides = array<i32>} : memref<256x128xf32, #tpu.memory_space<vmem>>, vector<16xf32>,
        %parallel_loop3A_1228 = arith.index_cast %parallel_loop3A_1191 : i32 to index
        %parallel_loop3A_1229 = arith.constant 64 : index
        %parallel_loop3A_1230 = tpu.vector_load %arg7[%parallel_loop3A_1228, %parallel_loop3A_1229] {strides = array<i32>} : memref<256x128xf32, #tpu.memory_space<vmem>>, vector<16xf32>,
        %parallel_loop3A_1231 = arith.constant 11.3137083 : f32
        %parallel_loop3A_1232 = vector.broadcast %parallel_loop3A_1231 : f32 to vector<16xf32>
        %parallel_loop3A_1233 = arith.mulf %parallel_loop3A_1230, %parallel_loop3A_1232 : vector<16xf32>
        %parallel_loop3A_1234 = arith.index_cast %parallel_loop3A_1191 : i32 to index
        %parallel_loop3A_1235 = arith.constant 64 : index
        %parallel_loop3A_1236 = tpu.vector_load %arg7[%parallel_loop3A_1234, %parallel_loop3A_1235] {strides = array<i32>} : memref<256x128xf32, #tpu.memory_space<vmem>>, vector<16xf32>,
        tpu.vector_store %arg7[%parallel_loop3A_1234, %parallel_loop3A_1235], %parallel_loop3A_1233 {strides = array<i32>} : memref<256x128xf32, #tpu.memory_space<vmem>>, vector<16xf32>,
        %parallel_loop3A_1237 = arith.index_cast %parallel_loop3A_1191 : i32 to index
        %parallel_loop3A_1238 = arith.constant 80 : index
        %parallel_loop3A_1239 = tpu.vector_load %arg7[%parallel_loop3A_1237, %parallel_loop3A_1238] {strides = array<i32>} : memref<256x128xf32, #tpu.memory_space<vmem>>, vector<16xf32>,
        %parallel_loop3A_1240 = arith.constant 11.3137083 : f32
        %parallel_loop3A_1241 = vector.broadcast %parallel_loop3A_1240 : f32 to vector<16xf32>
        %parallel_loop3A_1242 = arith.mulf %parallel_loop3A_1239, %parallel_loop3A_1241 : vector<16xf32>
        %parallel_loop3A_1243 = arith.index_cast %parallel_loop3A_1191 : i32 to index
        %parallel_loop3A_1244 = arith.constant 80 : index
        %parallel_loop3A_1245 = tpu.vector_load %arg7[%parallel_loop3A_1243, %parallel_loop3A_1244] {strides = array<i32>} : memref<256x128xf32, #tpu.memory_space<vmem>>, vector<16xf32>,
        tpu.vector_store %arg7[%parallel_loop3A_1243, %parallel_loop3A_1244], %parallel_loop3A_1242 {strides = array<i32>} : memref<256x128xf32, #tpu.memory_space<vmem>>, vector<16xf32>,
        %parallel_loop3A_1246 = arith.index_cast %parallel_loop3A_1191 : i32 to index
        %parallel_loop3A_1247 = arith.constant 96 : index
        %parallel_loop3A_1248 = tpu.vector_load %arg7[%parallel_loop3A_1246, %parallel_loop3A_1247] {strides = array<i32>} : memref<256x128xf32, #tpu.memory_space<vmem>>, vector<16xf32>,
        %parallel_loop3A_1249 = arith.constant 11.3137083 : f32
        %parallel_loop3A_1250 = vector.broadcast %parallel_loop3A_1249 : f32 to vector<16xf32>
        %parallel_loop3A_1251 = arith.mulf %parallel_loop3A_1248, %parallel_loop3A_1250 : vector<16xf32>
        %parallel_loop3A_1252 = arith.index_cast %parallel_loop3A_1191 : i32 to index
        %parallel_loop3A_1253 = arith.constant 96 : index
        %parallel_loop3A_1254 = tpu.vector_load %arg7[%parallel_loop3A_1252, %parallel_loop3A_1253] {strides = array<i32>} : memref<256x128xf32, #tpu.memory_space<vmem>>, vector<16xf32>,
        tpu.vector_store %arg7[%parallel_loop3A_1252, %parallel_loop3A_1253], %parallel_loop3A_1251 {strides = array<i32>} : memref<256x128xf32, #tpu.memory_space<vmem>>, vector<16xf32>,
        %parallel_loop3A_1255 = arith.index_cast %parallel_loop3A_1191 : i32 to index
        %parallel_loop3A_1256 = arith.constant 112 : index
        %parallel_loop3A_1257 = tpu.vector_load %arg7[%parallel_loop3A_1255, %parallel_loop3A_1256] {strides = array<i32>} : memref<256x128xf32, #tpu.memory_space<vmem>>, vector<16xf32>,
        %parallel_loop3A_1258 = arith.constant 11.3137083 : f32
        %parallel_loop3A_1259 = vector.broadcast %parallel_loop3A_1258 : f32 to vector<16xf32>
        %parallel_loop3A_1260 = arith.mulf %parallel_loop3A_1257, %parallel_loop3A_1259 : vector<16xf32>
        %parallel_loop3A_1261 = arith.index_cast %parallel_loop3A_1191 : i32 to index
        %parallel_loop3A_1262 = arith.constant 112 : index
        %parallel_loop3A_1263 = tpu.vector_load %arg7[%parallel_loop3A_1261, %parallel_loop3A_1262] {strides = array<i32>} : memref<256x128xf32, #tpu.memory_space<vmem>>, vector<16xf32>,
        tpu.vector_store %arg7[%parallel_loop3A_1261, %parallel_loop3A_1262], %parallel_loop3A_1260 {strides = array<i32>} : memref<256x128xf32, #tpu.memory_space<vmem>>, vector<16xf32>,
      } {sc.loop_unroll_factor = 4 : i64, sc.parallel_access}
      %convert_element_type3A_777 = arith.extui %eq3A_773 : i1 to i32
      %cond3A_778 = arith.constant 0 : i32
      %cond3A_779 = arith.cmpi ne, %convert_element_type3A_777, %cond3A_778 : i32
      scf.if %cond3A_779 {
        %scan3A_1191 = arith.constant 0 : i32
        %scan3A_1192 = arith.constant 256 : i32
        %scan3A_1193 = arith.addi %scan3A_1191, %scan3A_1192 : i32
        %scan3A_1194 = arith.constant 1 : i32
        scf.for %scan3A_1196 = %scan3A_1191 to %scan3A_1193 step %scan3A_1194  : i32 {
          %mul3A_1197 = arith.constant 1 : i32
          %mul3A_1198 = arith.muli %scan3A_1196, %mul3A_1197 : i32
          %add3A_1199 = arith.constant 0 : i32
          %add3A_1200 = arith.addi %add3A_1199, %mul3A_1198 : i32
          %mul3A_1201 = arith.constant 2 : i32
          %mul3A_1202 = arith.muli %add3A_586, %mul3A_1201 : i32
          %jit3A = arith.constant 128 : i32
          %div3A = arith.divsi %add3A_1200, %jit3A : i32
          %sign3A = arith.constant 0 : i32
          %sign3A_1203 = arith.cmpi sgt, %add3A_1200, %sign3A : i32
          %sign3A_1204 = arith.extui %sign3A_1203 : i1 to i32
          %sign3A_1205 = arith.constant 0 : i32
          %sign3A_1206 = arith.cmpi slt, %add3A_1200, %sign3A_1205 : i32
          %sign3A_1207 = arith.extui %sign3A_1206 : i1 to i32
          %sign3A_1208 = arith.subi %sign3A_1204, %sign3A_1207 : i32
          %sign3A_1209 = arith.constant 0 : i32
          %sign3A_1210 = arith.cmpi sgt, %jit3A, %sign3A_1209 : i32
          %sign3A_1211 = arith.extui %sign3A_1210 : i1 to i32
          %sign3A_1212 = arith.constant 0 : i32
          %sign3A_1213 = arith.cmpi slt, %jit3A, %sign3A_1212 : i32
          %sign3A_1214 = arith.extui %sign3A_1213 : i1 to i32
          %sign3A_1215 = arith.subi %sign3A_1211, %sign3A_1214 : i32
          %ne3A = arith.cmpi ne, %sign3A_1208, %sign3A_1215 : i32
          %rem3A = arith.remsi %add3A_1200, %jit3A : i32
          %ne3A_1216 = arith.constant 0 : i32
          %ne3A_1217 = arith.cmpi ne, %rem3A, %ne3A_1216 : i32
          %and3A = arith.andi %ne3A, %ne3A_1217 : i1
          %sub3A = arith.constant 1 : i32
          %sub3A_1218 = arith.subi %div3A, %sub3A : i32
          %select_n3A = arith.select %and3A, %sub3A_1218, %div3A : i32
          %add3A_1219 = arith.addi %mul3A_1202, %select_n3A : i32
          %broadcast_in_dim3A = vector.broadcast %add3A_1219 : i32 to vector<16xi32>
          %jit3A_1220 = arith.constant 128 : i32
          %eq3A_1221 = arith.constant 0 : i32
          %eq3A_1222 = arith.cmpi eq, %jit3A_1220, %eq3A_1221 : i32
          %jit3A_1223 = arith.constant 1 : i32
          %select_n3A_1224 = arith.select %eq3A_1222, %jit3A_1223, %jit3A_1220 : i32
          %rem3A_1225 = arith.remsi %add3A_1200, %select_n3A_1224 : i32
          %ne3A_1226 = arith.constant 0 : i32
          %ne3A_1227 = arith.cmpi ne, %rem3A_1225, %ne3A_1226 : i32
          %lt3A = arith.constant 0 : i32
          %lt3A_1228 = arith.cmpi slt, %rem3A_1225, %lt3A : i32
          %lt3A_1229 = arith.constant 0 : i32
          %lt3A_1230 = arith.cmpi slt, %select_n3A_1224, %lt3A_1229 : i32
          %ne3A_1231 = arith.xori %lt3A_1228, %lt3A_1230 : i1
          %and3A_1232 = arith.andi %ne3A_1231, %ne3A_1227 : i1
          %add3A_1233 = arith.addi %rem3A_1225, %select_n3A_1224 : i32
          %select_n3A_1234 = arith.select %and3A_1232, %add3A_1233, %rem3A_1225 : i32
          %broadcast_in_dim3A_1235 = vector.broadcast %select_n3A_1234 : i32 to vector<16xi32>
          %gather3A = tpu.vector_load_idx %arg5[%broadcast_in_dim3A, %broadcast_in_dim3A_1235] : memref<50x128xi32, #tpu.memory_space<vmem>>[vector<16xi32>, vector<16xi32>], vector<16xi32>,
          %ne3A_1236 = arith.constant 0 : i32
          %ne3A_1237 = vector.broadcast %ne3A_1236 : i32 to vector<16xi32>
          %ne3A_1238 = arith.cmpi ne, %gather3A, %ne3A_1237 : vector<16xi32>
          %jit3A_1239 = arith.constant 1.000000e+00 : f32
          %jit3A_1240 = arith.constant 0.000000e+00 : f32
          %broadcast_in_dim3A_1241 = vector.broadcast %jit3A_1239 : f32 to vector<16xf32>
          %broadcast_in_dim3A_1242 = vector.broadcast %jit3A_1240 : f32 to vector<16xf32>
          %select_n3A_1243 = arith.select %ne3A_1238, %broadcast_in_dim3A_1241, %broadcast_in_dim3A_1242 : vector<16xi1>, vector<16xf32>
          %get3A_1244 = arith.index_cast %add3A_1200 : i32 to index
          %get3A_1245 = arith.constant 0 : index
          %get3A_1246 = tpu.vector_load %arg7[%get3A_1244, %get3A_1245] {strides = array<i32>} : memref<256x128xf32, #tpu.memory_space<vmem>>, vector<16xf32>,
          %mul3A_1247 = arith.mulf %get3A_1246, %select_n3A_1243 : vector<16xf32>
          %swap3A = arith.index_cast %add3A_1200 : i32 to index
          %swap3A_1248 = arith.constant 0 : index
          %swap3A_1249 = tpu.vector_load %arg7[%swap3A, %swap3A_1248] {strides = array<i32>} : memref<256x128xf32, #tpu.memory_space<vmem>>, vector<16xf32>,
          tpu.vector_store %arg7[%swap3A, %swap3A_1248], %mul3A_1247 {strides = array<i32>} : memref<256x128xf32, #tpu.memory_space<vmem>>, vector<16xf32>,
          %get3A_1250 = arith.index_cast %add3A_1200 : i32 to index
          %get3A_1251 = arith.constant 16 : index
          %get3A_1252 = tpu.vector_load %arg7[%get3A_1250, %get3A_1251] {strides = array<i32>} : memref<256x128xf32, #tpu.memory_space<vmem>>, vector<16xf32>,
          %mul3A_1253 = arith.mulf %get3A_1252, %select_n3A_1243 : vector<16xf32>
          %swap3A_1254 = arith.index_cast %add3A_1200 : i32 to index
          %swap3A_1255 = arith.constant 16 : index
          %swap3A_1256 = tpu.vector_load %arg7[%swap3A_1254, %swap3A_1255] {strides = array<i32>} : memref<256x128xf32, #tpu.memory_space<vmem>>, vector<16xf32>,
          tpu.vector_store %arg7[%swap3A_1254, %swap3A_1255], %mul3A_1253 {strides = array<i32>} : memref<256x128xf32, #tpu.memory_space<vmem>>, vector<16xf32>,
          %get3A_1257 = arith.index_cast %add3A_1200 : i32 to index
          %get3A_1258 = arith.constant 32 : index
          %get3A_1259 = tpu.vector_load %arg7[%get3A_1257, %get3A_1258] {strides = array<i32>} : memref<256x128xf32, #tpu.memory_space<vmem>>, vector<16xf32>,
          %mul3A_1260 = arith.mulf %get3A_1259, %select_n3A_1243 : vector<16xf32>
          %swap3A_1261 = arith.index_cast %add3A_1200 : i32 to index
          %swap3A_1262 = arith.constant 32 : index
          %swap3A_1263 = tpu.vector_load %arg7[%swap3A_1261, %swap3A_1262] {strides = array<i32>} : memref<256x128xf32, #tpu.memory_space<vmem>>, vector<16xf32>,
          tpu.vector_store %arg7[%swap3A_1261, %swap3A_1262], %mul3A_1260 {strides = array<i32>} : memref<256x128xf32, #tpu.memory_space<vmem>>, vector<16xf32>,
          %get3A_1264 = arith.index_cast %add3A_1200 : i32 to index
          %get3A_1265 = arith.constant 48 : index
          %get3A_1266 = tpu.vector_load %arg7[%get3A_1264, %get3A_1265] {strides = array<i32>} : memref<256x128xf32, #tpu.memory_space<vmem>>, vector<16xf32>,
          %mul3A_1267 = arith.mulf %get3A_1266, %select_n3A_1243 : vector<16xf32>
          %swap3A_1268 = arith.index_cast %add3A_1200 : i32 to index
          %swap3A_1269 = arith.constant 48 : index
          %swap3A_1270 = tpu.vector_load %arg7[%swap3A_1268, %swap3A_1269] {strides = array<i32>} : memref<256x128xf32, #tpu.memory_space<vmem>>, vector<16xf32>,
          tpu.vector_store %arg7[%swap3A_1268, %swap3A_1269], %mul3A_1267 {strides = array<i32>} : memref<256x128xf32, #tpu.memory_space<vmem>>, vector<16xf32>,
          %get3A_1271 = arith.index_cast %add3A_1200 : i32 to index
          %get3A_1272 = arith.constant 64 : index
          %get3A_1273 = tpu.vector_load %arg7[%get3A_1271, %get3A_1272] {strides = array<i32>} : memref<256x128xf32, #tpu.memory_space<vmem>>, vector<16xf32>,
          %mul3A_1274 = arith.mulf %get3A_1273, %select_n3A_1243 : vector<16xf32>
          %swap3A_1275 = arith.index_cast %add3A_1200 : i32 to index
          %swap3A_1276 = arith.constant 64 : index
          %swap3A_1277 = tpu.vector_load %arg7[%swap3A_1275, %swap3A_1276] {strides = array<i32>} : memref<256x128xf32, #tpu.memory_space<vmem>>, vector<16xf32>,
          tpu.vector_store %arg7[%swap3A_1275, %swap3A_1276], %mul3A_1274 {strides = array<i32>} : memref<256x128xf32, #tpu.memory_space<vmem>>, vector<16xf32>,
          %get3A_1278 = arith.index_cast %add3A_1200 : i32 to index
          %get3A_1279 = arith.constant 80 : index
          %get3A_1280 = tpu.vector_load %arg7[%get3A_1278, %get3A_1279] {strides = array<i32>} : memref<256x128xf32, #tpu.memory_space<vmem>>, vector<16xf32>,
          %mul3A_1281 = arith.mulf %get3A_1280, %select_n3A_1243 : vector<16xf32>
          %swap3A_1282 = arith.index_cast %add3A_1200 : i32 to index
          %swap3A_1283 = arith.constant 80 : index
          %swap3A_1284 = tpu.vector_load %arg7[%swap3A_1282, %swap3A_1283] {strides = array<i32>} : memref<256x128xf32, #tpu.memory_space<vmem>>, vector<16xf32>,
          tpu.vector_store %arg7[%swap3A_1282, %swap3A_1283], %mul3A_1281 {strides = array<i32>} : memref<256x128xf32, #tpu.memory_space<vmem>>, vector<16xf32>,
          %get3A_1285 = arith.index_cast %add3A_1200 : i32 to index
          %get3A_1286 = arith.constant 96 : index
          %get3A_1287 = tpu.vector_load %arg7[%get3A_1285, %get3A_1286] {strides = array<i32>} : memref<256x128xf32, #tpu.memory_space<vmem>>, vector<16xf32>,
          %mul3A_1288 = arith.mulf %get3A_1287, %select_n3A_1243 : vector<16xf32>
          %swap3A_1289 = arith.index_cast %add3A_1200 : i32 to index
          %swap3A_1290 = arith.constant 96 : index
          %swap3A_1291 = tpu.vector_load %arg7[%swap3A_1289, %swap3A_1290] {strides = array<i32>} : memref<256x128xf32, #tpu.memory_space<vmem>>, vector<16xf32>,
          tpu.vector_store %arg7[%swap3A_1289, %swap3A_1290], %mul3A_1288 {strides = array<i32>} : memref<256x128xf32, #tpu.memory_space<vmem>>, vector<16xf32>,
          %get3A_1292 = arith.index_cast %add3A_1200 : i32 to index
          %get3A_1293 = arith.constant 112 : index
          %get3A_1294 = tpu.vector_load %arg7[%get3A_1292, %get3A_1293] {strides = array<i32>} : memref<256x128xf32, #tpu.memory_space<vmem>>, vector<16xf32>,
          %mul3A_1295 = arith.mulf %get3A_1294, %select_n3A_1243 : vector<16xf32>
          %swap3A_1296 = arith.index_cast %add3A_1200 : i32 to index
          %swap3A_1297 = arith.constant 112 : index
          %swap3A_1298 = tpu.vector_load %arg7[%swap3A_1296, %swap3A_1297] {strides = array<i32>} : memref<256x128xf32, #tpu.memory_space<vmem>>, vector<16xf32>,
          tpu.vector_store %arg7[%swap3A_1296, %swap3A_1297], %mul3A_1295 {strides = array<i32>} : memref<256x128xf32, #tpu.memory_space<vmem>>, vector<16xf32>,
        }
        %scan3A_1195 = arith.constant 256 : i32
      } else {
      }
      %mul3A_780 = arith.constant 256 : i32
      %mul3A_781 = arith.muli %add3A_586, %mul3A_780 : i32
      %add3A_782 = arith.addi %mul3A_4, %mul3A_781 : i32
      %dma_start3A_783 = arith.constant 0 : i32
      %dma_start3A_784 = tpu.memref_slice %arg4[%add3A_782, %dma_start3A_783] : memref<204800x128xf32, #tpu.memory_space<hbm>> -> memref<256x128xf32, #tpu.memory_space<hbm>>
      %dma_start3A_785 = arith.constant 0 : i32
      %dma_start3A_786 = tpu.memref_slice %arg4[%add3A_782, %dma_start3A_785] : memref<204800x128xf32, #tpu.memory_space<hbm>> -> memref<256x128xf32, #tpu.memory_space<hbm>>
      tpu.enqueue_dma source(%arg7 : memref<256x128xf32, #tpu.memory_space<vmem>>) target(%dma_start3A_786 : memref<256x128xf32, #tpu.memory_space<hbm>>) target_semaphore(%arg13 : memref<!tpu.dma_semaphore, #tpu.memory_space<semaphore_mem>>)
      %add3A_787 = arith.constant 1 : i32
      %add3A_788 = arith.addi %add3A_584, %add3A_787 : i32
      %dma_wait3A_789 = arith.constant 0 : i32
      %dma_wait3A_790 = arith.constant 0 : i32
      %dma_wait3A_791 = arith.constant 0 : i32
      %dma_wait3A_792 = tpu.memref_slice %arg8[%dma_wait3A_790, %dma_wait3A_791] : memref<256x128xf32, #tpu.memory_space<vmem>> -> memref<128x128xf32, #tpu.memory_space<vmem>>
      %dma_wait3A_793 = arith.constant 0 : i32
      %dma_wait3A_794 = tpu.memref_slice %arg5[%dma_wait3A_789, %dma_wait3A_793] : memref<50x128xi32, #tpu.memory_space<vmem>> -> memref<1x128xi32, #tpu.memory_space<vmem>>
      %dma_wait3A_795 = tpu.memref_squeeze %dma_wait3A_794 : memref<1x128xi32, #tpu.memory_space<vmem>> -> memref<128xi32, #tpu.memory_space<vmem>>
      %dma_wait3A_796 = arith.constant 0 : i32
      %dma_wait3A_797 = arith.constant 0 : i32
      %dma_wait3A_798 = tpu.memref_slice %arg2[%dma_wait3A_796, %dma_wait3A_797] : memref<1000000x128xf32, #tpu.memory_space<hbm>> -> memref<1000000x128xf32, #tpu.memory_space<hbm>>
      tpu.wait_indirect_dma semaphore(%arg11 : memref<!tpu.dma_semaphore, #tpu.memory_space<semaphore_mem>>) src(%dma_wait3A_798 : memref<1000000x128xf32, #tpu.memory_space<hbm>>) dst(%dma_wait3A_792 : memref<128x128xf32, #tpu.memory_space<vmem>>)
      %dma_wait3A_799 = arith.constant 0 : i32
      %dma_wait3A_800 = arith.constant 128 : i32
      %dma_wait3A_801 = arith.constant 0 : i32
      %dma_wait3A_802 = tpu.memref_slice %arg8[%dma_wait3A_800, %dma_wait3A_801] : memref<256x128xf32, #tpu.memory_space<vmem>> -> memref<128x128xf32, #tpu.memory_space<vmem>>
      %dma_wait3A_803 = arith.constant 0 : i32
      %dma_wait3A_804 = tpu.memref_slice %arg5[%dma_wait3A_799, %dma_wait3A_803] : memref<50x128xi32, #tpu.memory_space<vmem>> -> memref<1x128xi32, #tpu.memory_space<vmem>>
      %dma_wait3A_805 = tpu.memref_squeeze %dma_wait3A_804 : memref<1x128xi32, #tpu.memory_space<vmem>> -> memref<128xi32, #tpu.memory_space<vmem>>
      %dma_wait3A_806 = arith.constant 0 : i32
      %dma_wait3A_807 = arith.constant 0 : i32
      %dma_wait3A_808 = tpu.memref_slice %arg2[%dma_wait3A_806, %dma_wait3A_807] : memref<1000000x128xf32, #tpu.memory_space<hbm>> -> memref<1000000x128xf32, #tpu.memory_space<hbm>>
      tpu.wait_indirect_dma semaphore(%arg11 : memref<!tpu.dma_semaphore, #tpu.memory_space<semaphore_mem>>) src(%dma_wait3A_808 : memref<1000000x128xf32, #tpu.memory_space<hbm>>) dst(%dma_wait3A_802 : memref<128x128xf32, #tpu.memory_space<vmem>>)
      %dma_wait3A_809 = arith.constant 0 : i32
      %dma_wait3A_810 = tpu.memref_slice %arg4[%mul3A_4, %dma_wait3A_809] : memref<204800x128xf32, #tpu.memory_space<hbm>> -> memref<256x128xf32, #tpu.memory_space<hbm>>
      %dma_wait3A_811 = arith.constant 0 : i32
      %dma_wait3A_812 = tpu.memref_slice %arg4[%mul3A_4, %dma_wait3A_811] : memref<204800x128xf32, #tpu.memory_space<hbm>> -> memref<256x128xf32, #tpu.memory_space<hbm>>
      tpu.wait_dma2 semaphore(%arg13 : memref<!tpu.dma_semaphore, #tpu.memory_space<semaphore_mem>>) src(%arg7 : memref<256x128xf32, #tpu.memory_space<vmem>>) dst(%dma_wait3A_812 : memref<256x128xf32, #tpu.memory_space<hbm>>)
      %add3A_813 = arith.constant 2 : i32
      %add3A_814 = arith.addi %add3A_788, %add3A_813 : i32
      %mul3A_815 = arith.constant 2 : i32
      %mul3A_816 = arith.muli %add3A_814, %mul3A_815 : i32
      %add3A_817 = arith.constant 0 : i32
      %add3A_818 = arith.addi %mul3A_816, %add3A_817 : i32
      %dma_start3A_819 = arith.constant 0 : i32
      %dma_start3A_820 = arith.constant 0 : i32
      %dma_start3A_821 = tpu.memref_slice %arg7[%dma_start3A_819, %dma_start3A_820] : memref<256x128xf32, #tpu.memory_space<vmem>> -> memref<128x128xf32, #tpu.memory_space<vmem>>
      %dma_start3A_822 = arith.constant 0 : i32
      %dma_start3A_823 = tpu.memref_slice %arg5[%add3A_818, %dma_start3A_822] : memref<50x128xi32, #tpu.memory_space<vmem>> -> memref<1x128xi32, #tpu.memory_space<vmem>>
      %dma_start3A_824 = tpu.memref_squeeze %dma_start3A_823 : memref<1x128xi32, #tpu.memory_space<vmem>> -> memref<128xi32, #tpu.memory_space<vmem>>
      %dma_start3A_825 = arith.constant 0 : i32
      %dma_start3A_826 = arith.constant 0 : i32
      %dma_start3A_827 = tpu.memref_slice %arg2[%dma_start3A_825, %dma_start3A_826] : memref<1000000x128xf32, #tpu.memory_space<hbm>> -> memref<1000000x128xf32, #tpu.memory_space<hbm>>
      tpu.enqueue_indirect_dma source(%dma_start3A_827 : memref<1000000x128xf32, #tpu.memory_space<hbm>>) target(%dma_start3A_821 : memref<128x128xf32, #tpu.memory_space<vmem>>) offsets(%dma_start3A_824 : memref<128xi32, #tpu.memory_space<vmem>>) semaphore(%arg10 : memref<!tpu.dma_semaphore, #tpu.memory_space<semaphore_mem>>)
      %mul3A_828 = arith.constant 2 : i32
      %mul3A_829 = arith.muli %add3A_814, %mul3A_828 : i32
      %add3A_830 = arith.constant 1 : i32
      %add3A_831 = arith.addi %mul3A_829, %add3A_830 : i32
      %dma_start3A_832 = arith.constant 128 : i32
      %dma_start3A_833 = arith.constant 0 : i32
      %dma_start3A_834 = tpu.memref_slice %arg7[%dma_start3A_832, %dma_start3A_833] : memref<256x128xf32, #tpu.memory_space<vmem>> -> memref<128x128xf32, #tpu.memory_space<vmem>>
      %dma_start3A_835 = arith.constant 0 : i32
      %dma_start3A_836 = tpu.memref_slice %arg5[%add3A_831, %dma_start3A_835] : memref<50x128xi32, #tpu.memory_space<vmem>> -> memref<1x128xi32, #tpu.memory_space<vmem>>
      %dma_start3A_837 = tpu.memref_squeeze %dma_start3A_836 : memref<1x128xi32, #tpu.memory_space<vmem>> -> memref<128xi32, #tpu.memory_space<vmem>>
      %dma_start3A_838 = arith.constant 0 : i32
      %dma_start3A_839 = arith.constant 0 : i32
      %dma_start3A_840 = tpu.memref_slice %arg2[%dma_start3A_838, %dma_start3A_839] : memref<1000000x128xf32, #tpu.memory_space<hbm>> -> memref<1000000x128xf32, #tpu.memory_space<hbm>>
      tpu.enqueue_indirect_dma source(%dma_start3A_840 : memref<1000000x128xf32, #tpu.memory_space<hbm>>) target(%dma_start3A_834 : memref<128x128xf32, #tpu.memory_space<vmem>>) offsets(%dma_start3A_837 : memref<128xi32, #tpu.memory_space<vmem>>) semaphore(%arg10 : memref<!tpu.dma_semaphore, #tpu.memory_space<semaphore_mem>>)
      %mul3A_841 = arith.constant 2 : i32
      %mul3A_842 = arith.muli %add3A_788, %mul3A_841 : i32
      %get3A_843 = arith.index_cast %mul3A_842 : i32 to index
      %get3A_844 = arith.constant 0 : index
      %get3A_845 = tpu.vector_load %arg5[%get3A_843, %get3A_844] {strides = array<i32>} : memref<50x128xi32, #tpu.memory_space<vmem>>, vector<16xi32>,
      %mul3A_846 = arith.constant 2 : i32
      %mul3A_847 = arith.muli %add3A_788, %mul3A_846 : i32
      %add3A_848 = arith.constant 0 : i32
      %add3A_849 = arith.addi %mul3A_847, %add3A_848 : i32
      %get3A_850 = arith.index_cast %add3A_849 : i32 to index
      %get3A_851 = arith.constant 16 : index
      %get3A_852 = tpu.vector_load %arg5[%get3A_850, %get3A_851] {strides = array<i32>} : memref<50x128xi32, #tpu.memory_space<vmem>>, vector<16xi32>,
      %min3A_853 = arith.minsi %get3A_845, %get3A_852 : vector<16xi32>
      %mul3A_854 = arith.constant 2 : i32
      %mul3A_855 = arith.muli %add3A_788, %mul3A_854 : i32
      %add3A_856 = arith.constant 0 : i32
      %add3A_857 = arith.addi %mul3A_855, %add3A_856 : i32
      %get3A_858 = arith.index_cast %add3A_857 : i32 to index
      %get3A_859 = arith.constant 32 : index
      %get3A_860 = tpu.vector_load %arg5[%get3A_858, %get3A_859] {strides = array<i32>} : memref<50x128xi32, #tpu.memory_space<vmem>>, vector<16xi32>,
      %min3A_861 = arith.minsi %min3A_853, %get3A_860 : vector<16xi32>
      %mul3A_862 = arith.constant 2 : i32
      %mul3A_863 = arith.muli %add3A_788, %mul3A_862 : i32
      %add3A_864 = arith.constant 0 : i32
      %add3A_865 = arith.addi %mul3A_863, %add3A_864 : i32
      %get3A_866 = arith.index_cast %add3A_865 : i32 to index
      %get3A_867 = arith.constant 48 : index
      %get3A_868 = tpu.vector_load %arg5[%get3A_866, %get3A_867] {strides = array<i32>} : memref<50x128xi32, #tpu.memory_space<vmem>>, vector<16xi32>,
      %min3A_869 = arith.minsi %min3A_861, %get3A_868 : vector<16xi32>
      %mul3A_870 = arith.constant 2 : i32
      %mul3A_871 = arith.muli %add3A_788, %mul3A_870 : i32
      %add3A_872 = arith.constant 0 : i32
      %add3A_873 = arith.addi %mul3A_871, %add3A_872 : i32
      %get3A_874 = arith.index_cast %add3A_873 : i32 to index
      %get3A_875 = arith.constant 64 : index
      %get3A_876 = tpu.vector_load %arg5[%get3A_874, %get3A_875] {strides = array<i32>} : memref<50x128xi32, #tpu.memory_space<vmem>>, vector<16xi32>,
      %min3A_877 = arith.minsi %min3A_869, %get3A_876 : vector<16xi32>
      %mul3A_878 = arith.constant 2 : i32
      %mul3A_879 = arith.muli %add3A_788, %mul3A_878 : i32
      %add3A_880 = arith.constant 0 : i32
      %add3A_881 = arith.addi %mul3A_879, %add3A_880 : i32
      %get3A_882 = arith.index_cast %add3A_881 : i32 to index
      %get3A_883 = arith.constant 80 : index
      %get3A_884 = tpu.vector_load %arg5[%get3A_882, %get3A_883] {strides = array<i32>} : memref<50x128xi32, #tpu.memory_space<vmem>>, vector<16xi32>,
      %min3A_885 = arith.minsi %min3A_877, %get3A_884 : vector<16xi32>
      %mul3A_886 = arith.constant 2 : i32
      %mul3A_887 = arith.muli %add3A_788, %mul3A_886 : i32
      %add3A_888 = arith.constant 0 : i32
      %add3A_889 = arith.addi %mul3A_887, %add3A_888 : i32
      %get3A_890 = arith.index_cast %add3A_889 : i32 to index
      %get3A_891 = arith.constant 96 : index
      %get3A_892 = tpu.vector_load %arg5[%get3A_890, %get3A_891] {strides = array<i32>} : memref<50x128xi32, #tpu.memory_space<vmem>>, vector<16xi32>,
      %min3A_893 = arith.minsi %min3A_885, %get3A_892 : vector<16xi32>
      %mul3A_894 = arith.constant 2 : i32
      %mul3A_895 = arith.muli %add3A_788, %mul3A_894 : i32
      %add3A_896 = arith.constant 0 : i32
      %add3A_897 = arith.addi %mul3A_895, %add3A_896 : i32
      %get3A_898 = arith.index_cast %add3A_897 : i32 to index
      %get3A_899 = arith.constant 112 : index
      %get3A_900 = tpu.vector_load %arg5[%get3A_898, %get3A_899] {strides = array<i32>} : memref<50x128xi32, #tpu.memory_space<vmem>>, vector<16xi32>,
      %min3A_901 = arith.minsi %min3A_893, %get3A_900 : vector<16xi32>
      %mul3A_902 = arith.constant 2 : i32
      %mul3A_903 = arith.muli %add3A_788, %mul3A_902 : i32
      %add3A_904 = arith.constant 1 : i32
      %add3A_905 = arith.addi %mul3A_903, %add3A_904 : i32
      %get3A_906 = arith.index_cast %add3A_905 : i32 to index
      %get3A_907 = arith.constant 0 : index
      %get3A_908 = tpu.vector_load %arg5[%get3A_906, %get3A_907] {strides = array<i32>} : memref<50x128xi32, #tpu.memory_space<vmem>>, vector<16xi32>,
      %min3A_909 = arith.minsi %min3A_901, %get3A_908 : vector<16xi32>
      %mul3A_910 = arith.constant 2 : i32
      %mul3A_911 = arith.muli %add3A_788, %mul3A_910 : i32
      %add3A_912 = arith.constant 1 : i32
      %add3A_913 = arith.addi %mul3A_911, %add3A_912 : i32
      %get3A_914 = arith.index_cast %add3A_913 : i32 to index
      %get3A_915 = arith.constant 16 : index
      %get3A_916 = tpu.vector_load %arg5[%get3A_914, %get3A_915] {strides = array<i32>} : memref<50x128xi32, #tpu.memory_space<vmem>>, vector<16xi32>,
      %min3A_917 = arith.minsi %min3A_909, %get3A_916 : vector<16xi32>
      %mul3A_918 = arith.constant 2 : i32
      %mul3A_919 = arith.muli %add3A_788, %mul3A_918 : i32
      %add3A_920 = arith.constant 1 : i32
      %add3A_921 = arith.addi %mul3A_919, %add3A_920 : i32
      %get3A_922 = arith.index_cast %add3A_921 : i32 to index
      %get3A_923 = arith.constant 32 : index
      %get3A_924 = tpu.vector_load %arg5[%get3A_922, %get3A_923] {strides = array<i32>} : memref<50x128xi32, #tpu.memory_space<vmem>>, vector<16xi32>,
      %min3A_925 = arith.minsi %min3A_917, %get3A_924 : vector<16xi32>
      %mul3A_926 = arith.constant 2 : i32
      %mul3A_927 = arith.muli %add3A_788, %mul3A_926 : i32
      %add3A_928 = arith.constant 1 : i32
      %add3A_929 = arith.addi %mul3A_927, %add3A_928 : i32
      %get3A_930 = arith.index_cast %add3A_929 : i32 to index
      %get3A_931 = arith.constant 48 : index
      %get3A_932 = tpu.vector_load %arg5[%get3A_930, %get3A_931] {strides = array<i32>} : memref<50x128xi32, #tpu.memory_space<vmem>>, vector<16xi32>,
      %min3A_933 = arith.minsi %min3A_925, %get3A_932 : vector<16xi32>
      %mul3A_934 = arith.constant 2 : i32
      %mul3A_935 = arith.muli %add3A_788, %mul3A_934 : i32
      %add3A_936 = arith.constant 1 : i32
      %add3A_937 = arith.addi %mul3A_935, %add3A_936 : i32
      %get3A_938 = arith.index_cast %add3A_937 : i32 to index
      %get3A_939 = arith.constant 64 : index
      %get3A_940 = tpu.vector_load %arg5[%get3A_938, %get3A_939] {strides = array<i32>} : memref<50x128xi32, #tpu.memory_space<vmem>>, vector<16xi32>,
      %min3A_941 = arith.minsi %min3A_933, %get3A_940 : vector<16xi32>
      %mul3A_942 = arith.constant 2 : i32
      %mul3A_943 = arith.muli %add3A_788, %mul3A_942 : i32
      %add3A_944 = arith.constant 1 : i32
      %add3A_945 = arith.addi %mul3A_943, %add3A_944 : i32
      %get3A_946 = arith.index_cast %add3A_945 : i32 to index
      %get3A_947 = arith.constant 80 : index
      %get3A_948 = tpu.vector_load %arg5[%get3A_946, %get3A_947] {strides = array<i32>} : memref<50x128xi32, #tpu.memory_space<vmem>>, vector<16xi32>,
      %min3A_949 = arith.minsi %min3A_941, %get3A_948 : vector<16xi32>
      %mul3A_950 = arith.constant 2 : i32
      %mul3A_951 = arith.muli %add3A_788, %mul3A_950 : i32
      %add3A_952 = arith.constant 1 : i32
      %add3A_953 = arith.addi %mul3A_951, %add3A_952 : i32
      %get3A_954 = arith.index_cast %add3A_953 : i32 to index
      %get3A_955 = arith.constant 96 : index
      %get3A_956 = tpu.vector_load %arg5[%get3A_954, %get3A_955] {strides = array<i32>} : memref<50x128xi32, #tpu.memory_space<vmem>>, vector<16xi32>,
      %min3A_957 = arith.minsi %min3A_949, %get3A_956 : vector<16xi32>
      %mul3A_958 = arith.constant 2 : i32
      %mul3A_959 = arith.muli %add3A_788, %mul3A_958 : i32
      %add3A_960 = arith.constant 1 : i32
      %add3A_961 = arith.addi %mul3A_959, %add3A_960 : i32
      %get3A_962 = arith.index_cast %add3A_961 : i32 to index
      %get3A_963 = arith.constant 112 : index
      %get3A_964 = tpu.vector_load %arg5[%get3A_962, %get3A_963] {strides = array<i32>} : memref<50x128xi32, #tpu.memory_space<vmem>>, vector<16xi32>,
      %min3A_965 = arith.minsi %min3A_957, %get3A_964 : vector<16xi32>
      %reduce_min3A_966 = arith.constant true
      %reduce_min3A_967 = vector.broadcast %reduce_min3A_966 : i1 to vector<16xi1>
      %reduce_min3A_968 = arith.constant -2147483648 : i32
      %reduce_min3A_969 = vector.broadcast %reduce_min3A_968 : i32 to vector<16xi32>
      %reduce_min3A_970 = arith.xori %min3A_965, %reduce_min3A_969 : vector<16xi32>
      %reduce_min3A_971 = tpu.scan <min>, %reduce_min3A_970 masked %reduce_min3A_967 : vector<16xi32>, vector<16xi1> -> vector<16xi32>
      %reduce_min3A_972 = arith.xori %reduce_min3A_971, %reduce_min3A_969 : vector<16xi32>
      %reduce_min3A_973 = vector.extract %reduce_min3A_972[15] : i32 from vector<16xi32>
      %eq3A_974 = arith.constant 0 : i32
      %eq3A_975 = arith.cmpi eq, %reduce_min3A_973, %eq3A_974 : i32
      %parallel_loop3A_976 = arith.constant 0 : i32
      %parallel_loop3A_977 = arith.constant 256 : i32
      %parallel_loop3A_978 = arith.constant 1 : i32
      scf.for %parallel_loop3A_1191 = %parallel_loop3A_976 to %parallel_loop3A_977 step %parallel_loop3A_978  : i32 {
        %parallel_loop3A_1192 = arith.index_cast %parallel_loop3A_1191 : i32 to index
        %parallel_loop3A_1193 = arith.constant 0 : index
        %parallel_loop3A_1194 = tpu.vector_load %arg8[%parallel_loop3A_1192, %parallel_loop3A_1193] {strides = array<i32>} : memref<256x128xf32, #tpu.memory_space<vmem>>, vector<16xf32>,
        %parallel_loop3A_1195 = arith.constant 11.3137083 : f32
        %parallel_loop3A_1196 = vector.broadcast %parallel_loop3A_1195 : f32 to vector<16xf32>
        %parallel_loop3A_1197 = arith.mulf %parallel_loop3A_1194, %parallel_loop3A_1196 : vector<16xf32>
        %parallel_loop3A_1198 = arith.index_cast %parallel_loop3A_1191 : i32 to index
        %parallel_loop3A_1199 = arith.constant 0 : index
        %parallel_loop3A_1200 = tpu.vector_load %arg8[%parallel_loop3A_1198, %parallel_loop3A_1199] {strides = array<i32>} : memref<256x128xf32, #tpu.memory_space<vmem>>, vector<16xf32>,
        tpu.vector_store %arg8[%parallel_loop3A_1198, %parallel_loop3A_1199], %parallel_loop3A_1197 {strides = array<i32>} : memref<256x128xf32, #tpu.memory_space<vmem>>, vector<16xf32>,
        %parallel_loop3A_1201 = arith.index_cast %parallel_loop3A_1191 : i32 to index
        %parallel_loop3A_1202 = arith.constant 16 : index
        %parallel_loop3A_1203 = tpu.vector_load %arg8[%parallel_loop3A_1201, %parallel_loop3A_1202] {strides = array<i32>} : memref<256x128xf32, #tpu.memory_space<vmem>>, vector<16xf32>,
        %parallel_loop3A_1204 = arith.constant 11.3137083 : f32
        %parallel_loop3A_1205 = vector.broadcast %parallel_loop3A_1204 : f32 to vector<16xf32>
        %parallel_loop3A_1206 = arith.mulf %parallel_loop3A_1203, %parallel_loop3A_1205 : vector<16xf32>
        %parallel_loop3A_1207 = arith.index_cast %parallel_loop3A_1191 : i32 to index
        %parallel_loop3A_1208 = arith.constant 16 : index
        %parallel_loop3A_1209 = tpu.vector_load %arg8[%parallel_loop3A_1207, %parallel_loop3A_1208] {strides = array<i32>} : memref<256x128xf32, #tpu.memory_space<vmem>>, vector<16xf32>,
        tpu.vector_store %arg8[%parallel_loop3A_1207, %parallel_loop3A_1208], %parallel_loop3A_1206 {strides = array<i32>} : memref<256x128xf32, #tpu.memory_space<vmem>>, vector<16xf32>,
        %parallel_loop3A_1210 = arith.index_cast %parallel_loop3A_1191 : i32 to index
        %parallel_loop3A_1211 = arith.constant 32 : index
        %parallel_loop3A_1212 = tpu.vector_load %arg8[%parallel_loop3A_1210, %parallel_loop3A_1211] {strides = array<i32>} : memref<256x128xf32, #tpu.memory_space<vmem>>, vector<16xf32>,
        %parallel_loop3A_1213 = arith.constant 11.3137083 : f32
        %parallel_loop3A_1214 = vector.broadcast %parallel_loop3A_1213 : f32 to vector<16xf32>
        %parallel_loop3A_1215 = arith.mulf %parallel_loop3A_1212, %parallel_loop3A_1214 : vector<16xf32>
        %parallel_loop3A_1216 = arith.index_cast %parallel_loop3A_1191 : i32 to index
        %parallel_loop3A_1217 = arith.constant 32 : index
        %parallel_loop3A_1218 = tpu.vector_load %arg8[%parallel_loop3A_1216, %parallel_loop3A_1217] {strides = array<i32>} : memref<256x128xf32, #tpu.memory_space<vmem>>, vector<16xf32>,
        tpu.vector_store %arg8[%parallel_loop3A_1216, %parallel_loop3A_1217], %parallel_loop3A_1215 {strides = array<i32>} : memref<256x128xf32, #tpu.memory_space<vmem>>, vector<16xf32>,
        %parallel_loop3A_1219 = arith.index_cast %parallel_loop3A_1191 : i32 to index
        %parallel_loop3A_1220 = arith.constant 48 : index
        %parallel_loop3A_1221 = tpu.vector_load %arg8[%parallel_loop3A_1219, %parallel_loop3A_1220] {strides = array<i32>} : memref<256x128xf32, #tpu.memory_space<vmem>>, vector<16xf32>,
        %parallel_loop3A_1222 = arith.constant 11.3137083 : f32
        %parallel_loop3A_1223 = vector.broadcast %parallel_loop3A_1222 : f32 to vector<16xf32>
        %parallel_loop3A_1224 = arith.mulf %parallel_loop3A_1221, %parallel_loop3A_1223 : vector<16xf32>
        %parallel_loop3A_1225 = arith.index_cast %parallel_loop3A_1191 : i32 to index
        %parallel_loop3A_1226 = arith.constant 48 : index
        %parallel_loop3A_1227 = tpu.vector_load %arg8[%parallel_loop3A_1225, %parallel_loop3A_1226] {strides = array<i32>} : memref<256x128xf32, #tpu.memory_space<vmem>>, vector<16xf32>,
        tpu.vector_store %arg8[%parallel_loop3A_1225, %parallel_loop3A_1226], %parallel_loop3A_1224 {strides = array<i32>} : memref<256x128xf32, #tpu.memory_space<vmem>>, vector<16xf32>,
        %parallel_loop3A_1228 = arith.index_cast %parallel_loop3A_1191 : i32 to index
        %parallel_loop3A_1229 = arith.constant 64 : index
        %parallel_loop3A_1230 = tpu.vector_load %arg8[%parallel_loop3A_1228, %parallel_loop3A_1229] {strides = array<i32>} : memref<256x128xf32, #tpu.memory_space<vmem>>, vector<16xf32>,
        %parallel_loop3A_1231 = arith.constant 11.3137083 : f32
        %parallel_loop3A_1232 = vector.broadcast %parallel_loop3A_1231 : f32 to vector<16xf32>
        %parallel_loop3A_1233 = arith.mulf %parallel_loop3A_1230, %parallel_loop3A_1232 : vector<16xf32>
        %parallel_loop3A_1234 = arith.index_cast %parallel_loop3A_1191 : i32 to index
        %parallel_loop3A_1235 = arith.constant 64 : index
        %parallel_loop3A_1236 = tpu.vector_load %arg8[%parallel_loop3A_1234, %parallel_loop3A_1235] {strides = array<i32>} : memref<256x128xf32, #tpu.memory_space<vmem>>, vector<16xf32>,
        tpu.vector_store %arg8[%parallel_loop3A_1234, %parallel_loop3A_1235], %parallel_loop3A_1233 {strides = array<i32>} : memref<256x128xf32, #tpu.memory_space<vmem>>, vector<16xf32>,
        %parallel_loop3A_1237 = arith.index_cast %parallel_loop3A_1191 : i32 to index
        %parallel_loop3A_1238 = arith.constant 80 : index
        %parallel_loop3A_1239 = tpu.vector_load %arg8[%parallel_loop3A_1237, %parallel_loop3A_1238] {strides = array<i32>} : memref<256x128xf32, #tpu.memory_space<vmem>>, vector<16xf32>,
        %parallel_loop3A_1240 = arith.constant 11.3137083 : f32
        %parallel_loop3A_1241 = vector.broadcast %parallel_loop3A_1240 : f32 to vector<16xf32>
        %parallel_loop3A_1242 = arith.mulf %parallel_loop3A_1239, %parallel_loop3A_1241 : vector<16xf32>
        %parallel_loop3A_1243 = arith.index_cast %parallel_loop3A_1191 : i32 to index
        %parallel_loop3A_1244 = arith.constant 80 : index
        %parallel_loop3A_1245 = tpu.vector_load %arg8[%parallel_loop3A_1243, %parallel_loop3A_1244] {strides = array<i32>} : memref<256x128xf32, #tpu.memory_space<vmem>>, vector<16xf32>,
        tpu.vector_store %arg8[%parallel_loop3A_1243, %parallel_loop3A_1244], %parallel_loop3A_1242 {strides = array<i32>} : memref<256x128xf32, #tpu.memory_space<vmem>>, vector<16xf32>,
        %parallel_loop3A_1246 = arith.index_cast %parallel_loop3A_1191 : i32 to index
        %parallel_loop3A_1247 = arith.constant 96 : index
        %parallel_loop3A_1248 = tpu.vector_load %arg8[%parallel_loop3A_1246, %parallel_loop3A_1247] {strides = array<i32>} : memref<256x128xf32, #tpu.memory_space<vmem>>, vector<16xf32>,
        %parallel_loop3A_1249 = arith.constant 11.3137083 : f32
        %parallel_loop3A_1250 = vector.broadcast %parallel_loop3A_1249 : f32 to vector<16xf32>
        %parallel_loop3A_1251 = arith.mulf %parallel_loop3A_1248, %parallel_loop3A_1250 : vector<16xf32>
        %parallel_loop3A_1252 = arith.index_cast %parallel_loop3A_1191 : i32 to index
        %parallel_loop3A_1253 = arith.constant 96 : index
        %parallel_loop3A_1254 = tpu.vector_load %arg8[%parallel_loop3A_1252, %parallel_loop3A_1253] {strides = array<i32>} : memref<256x128xf32, #tpu.memory_space<vmem>>, vector<16xf32>,
        tpu.vector_store %arg8[%parallel_loop3A_1252, %parallel_loop3A_1253], %parallel_loop3A_1251 {strides = array<i32>} : memref<256x128xf32, #tpu.memory_space<vmem>>, vector<16xf32>,
        %parallel_loop3A_1255 = arith.index_cast %parallel_loop3A_1191 : i32 to index
        %parallel_loop3A_1256 = arith.constant 112 : index
        %parallel_loop3A_1257 = tpu.vector_load %arg8[%parallel_loop3A_1255, %parallel_loop3A_1256] {strides = array<i32>} : memref<256x128xf32, #tpu.memory_space<vmem>>, vector<16xf32>,
        %parallel_loop3A_1258 = arith.constant 11.3137083 : f32
        %parallel_loop3A_1259 = vector.broadcast %parallel_loop3A_1258 : f32 to vector<16xf32>
        %parallel_loop3A_1260 = arith.mulf %parallel_loop3A_1257, %parallel_loop3A_1259 : vector<16xf32>
        %parallel_loop3A_1261 = arith.index_cast %parallel_loop3A_1191 : i32 to index
        %parallel_loop3A_1262 = arith.constant 112 : index
        %parallel_loop3A_1263 = tpu.vector_load %arg8[%parallel_loop3A_1261, %parallel_loop3A_1262] {strides = array<i32>} : memref<256x128xf32, #tpu.memory_space<vmem>>, vector<16xf32>,
        tpu.vector_store %arg8[%parallel_loop3A_1261, %parallel_loop3A_1262], %parallel_loop3A_1260 {strides = array<i32>} : memref<256x128xf32, #tpu.memory_space<vmem>>, vector<16xf32>,
      } {sc.loop_unroll_factor = 4 : i64, sc.parallel_access}
      %convert_element_type3A_979 = arith.extui %eq3A_975 : i1 to i32
      %cond3A_980 = arith.constant 0 : i32
      %cond3A_981 = arith.cmpi ne, %convert_element_type3A_979, %cond3A_980 : i32
      scf.if %cond3A_981 {
        %scan3A_1191 = arith.constant 0 : i32
        %scan3A_1192 = arith.constant 256 : i32
        %scan3A_1193 = arith.addi %scan3A_1191, %scan3A_1192 : i32
        %scan3A_1194 = arith.constant 1 : i32
        scf.for %scan3A_1196 = %scan3A_1191 to %scan3A_1193 step %scan3A_1194  : i32 {
          %mul3A_1197 = arith.constant 1 : i32
          %mul3A_1198 = arith.muli %scan3A_1196, %mul3A_1197 : i32
          %add3A_1199 = arith.constant 0 : i32
          %add3A_1200 = arith.addi %add3A_1199, %mul3A_1198 : i32
          %mul3A_1201 = arith.constant 2 : i32
          %mul3A_1202 = arith.muli %add3A_788, %mul3A_1201 : i32
          %jit3A = arith.constant 128 : i32
          %div3A = arith.divsi %add3A_1200, %jit3A : i32
          %sign3A = arith.constant 0 : i32
          %sign3A_1203 = arith.cmpi sgt, %add3A_1200, %sign3A : i32
          %sign3A_1204 = arith.extui %sign3A_1203 : i1 to i32
          %sign3A_1205 = arith.constant 0 : i32
          %sign3A_1206 = arith.cmpi slt, %add3A_1200, %sign3A_1205 : i32
          %sign3A_1207 = arith.extui %sign3A_1206 : i1 to i32
          %sign3A_1208 = arith.subi %sign3A_1204, %sign3A_1207 : i32
          %sign3A_1209 = arith.constant 0 : i32
          %sign3A_1210 = arith.cmpi sgt, %jit3A, %sign3A_1209 : i32
          %sign3A_1211 = arith.extui %sign3A_1210 : i1 to i32
          %sign3A_1212 = arith.constant 0 : i32
          %sign3A_1213 = arith.cmpi slt, %jit3A, %sign3A_1212 : i32
          %sign3A_1214 = arith.extui %sign3A_1213 : i1 to i32
          %sign3A_1215 = arith.subi %sign3A_1211, %sign3A_1214 : i32
          %ne3A = arith.cmpi ne, %sign3A_1208, %sign3A_1215 : i32
          %rem3A = arith.remsi %add3A_1200, %jit3A : i32
          %ne3A_1216 = arith.constant 0 : i32
          %ne3A_1217 = arith.cmpi ne, %rem3A, %ne3A_1216 : i32
          %and3A = arith.andi %ne3A, %ne3A_1217 : i1
          %sub3A = arith.constant 1 : i32
          %sub3A_1218 = arith.subi %div3A, %sub3A : i32
          %select_n3A = arith.select %and3A, %sub3A_1218, %div3A : i32
          %add3A_1219 = arith.addi %mul3A_1202, %select_n3A : i32
          %broadcast_in_dim3A = vector.broadcast %add3A_1219 : i32 to vector<16xi32>
          %jit3A_1220 = arith.constant 128 : i32
          %eq3A_1221 = arith.constant 0 : i32
          %eq3A_1222 = arith.cmpi eq, %jit3A_1220, %eq3A_1221 : i32
          %jit3A_1223 = arith.constant 1 : i32
          %select_n3A_1224 = arith.select %eq3A_1222, %jit3A_1223, %jit3A_1220 : i32
          %rem3A_1225 = arith.remsi %add3A_1200, %select_n3A_1224 : i32
          %ne3A_1226 = arith.constant 0 : i32
          %ne3A_1227 = arith.cmpi ne, %rem3A_1225, %ne3A_1226 : i32
          %lt3A = arith.constant 0 : i32
          %lt3A_1228 = arith.cmpi slt, %rem3A_1225, %lt3A : i32
          %lt3A_1229 = arith.constant 0 : i32
          %lt3A_1230 = arith.cmpi slt, %select_n3A_1224, %lt3A_1229 : i32
          %ne3A_1231 = arith.xori %lt3A_1228, %lt3A_1230 : i1
          %and3A_1232 = arith.andi %ne3A_1231, %ne3A_1227 : i1
          %add3A_1233 = arith.addi %rem3A_1225, %select_n3A_1224 : i32
          %select_n3A_1234 = arith.select %and3A_1232, %add3A_1233, %rem3A_1225 : i32
          %broadcast_in_dim3A_1235 = vector.broadcast %select_n3A_1234 : i32 to vector<16xi32>
          %gather3A = tpu.vector_load_idx %arg5[%broadcast_in_dim3A, %broadcast_in_dim3A_1235] : memref<50x128xi32, #tpu.memory_space<vmem>>[vector<16xi32>, vector<16xi32>], vector<16xi32>,
          %ne3A_1236 = arith.constant 0 : i32
          %ne3A_1237 = vector.broadcast %ne3A_1236 : i32 to vector<16xi32>
          %ne3A_1238 = arith.cmpi ne, %gather3A, %ne3A_1237 : vector<16xi32>
          %jit3A_1239 = arith.constant 1.000000e+00 : f32
          %jit3A_1240 = arith.constant 0.000000e+00 : f32
          %broadcast_in_dim3A_1241 = vector.broadcast %jit3A_1239 : f32 to vector<16xf32>
          %broadcast_in_dim3A_1242 = vector.broadcast %jit3A_1240 : f32 to vector<16xf32>
          %select_n3A_1243 = arith.select %ne3A_1238, %broadcast_in_dim3A_1241, %broadcast_in_dim3A_1242 : vector<16xi1>, vector<16xf32>
          %get3A_1244 = arith.index_cast %add3A_1200 : i32 to index
          %get3A_1245 = arith.constant 0 : index
          %get3A_1246 = tpu.vector_load %arg8[%get3A_1244, %get3A_1245] {strides = array<i32>} : memref<256x128xf32, #tpu.memory_space<vmem>>, vector<16xf32>,
          %mul3A_1247 = arith.mulf %get3A_1246, %select_n3A_1243 : vector<16xf32>
          %swap3A = arith.index_cast %add3A_1200 : i32 to index
          %swap3A_1248 = arith.constant 0 : index
          %swap3A_1249 = tpu.vector_load %arg8[%swap3A, %swap3A_1248] {strides = array<i32>} : memref<256x128xf32, #tpu.memory_space<vmem>>, vector<16xf32>,
          tpu.vector_store %arg8[%swap3A, %swap3A_1248], %mul3A_1247 {strides = array<i32>} : memref<256x128xf32, #tpu.memory_space<vmem>>, vector<16xf32>,
          %get3A_1250 = arith.index_cast %add3A_1200 : i32 to index
          %get3A_1251 = arith.constant 16 : index
          %get3A_1252 = tpu.vector_load %arg8[%get3A_1250, %get3A_1251] {strides = array<i32>} : memref<256x128xf32, #tpu.memory_space<vmem>>, vector<16xf32>,
          %mul3A_1253 = arith.mulf %get3A_1252, %select_n3A_1243 : vector<16xf32>
          %swap3A_1254 = arith.index_cast %add3A_1200 : i32 to index
          %swap3A_1255 = arith.constant 16 : index
          %swap3A_1256 = tpu.vector_load %arg8[%swap3A_1254, %swap3A_1255] {strides = array<i32>} : memref<256x128xf32, #tpu.memory_space<vmem>>, vector<16xf32>,
          tpu.vector_store %arg8[%swap3A_1254, %swap3A_1255], %mul3A_1253 {strides = array<i32>} : memref<256x128xf32, #tpu.memory_space<vmem>>, vector<16xf32>,
          %get3A_1257 = arith.index_cast %add3A_1200 : i32 to index
          %get3A_1258 = arith.constant 32 : index
          %get3A_1259 = tpu.vector_load %arg8[%get3A_1257, %get3A_1258] {strides = array<i32>} : memref<256x128xf32, #tpu.memory_space<vmem>>, vector<16xf32>,
          %mul3A_1260 = arith.mulf %get3A_1259, %select_n3A_1243 : vector<16xf32>
          %swap3A_1261 = arith.index_cast %add3A_1200 : i32 to index
          %swap3A_1262 = arith.constant 32 : index
          %swap3A_1263 = tpu.vector_load %arg8[%swap3A_1261, %swap3A_1262] {strides = array<i32>} : memref<256x128xf32, #tpu.memory_space<vmem>>, vector<16xf32>,
          tpu.vector_store %arg8[%swap3A_1261, %swap3A_1262], %mul3A_1260 {strides = array<i32>} : memref<256x128xf32, #tpu.memory_space<vmem>>, vector<16xf32>,
          %get3A_1264 = arith.index_cast %add3A_1200 : i32 to index
          %get3A_1265 = arith.constant 48 : index
          %get3A_1266 = tpu.vector_load %arg8[%get3A_1264, %get3A_1265] {strides = array<i32>} : memref<256x128xf32, #tpu.memory_space<vmem>>, vector<16xf32>,
          %mul3A_1267 = arith.mulf %get3A_1266, %select_n3A_1243 : vector<16xf32>
          %swap3A_1268 = arith.index_cast %add3A_1200 : i32 to index
          %swap3A_1269 = arith.constant 48 : index
          %swap3A_1270 = tpu.vector_load %arg8[%swap3A_1268, %swap3A_1269] {strides = array<i32>} : memref<256x128xf32, #tpu.memory_space<vmem>>, vector<16xf32>,
          tpu.vector_store %arg8[%swap3A_1268, %swap3A_1269], %mul3A_1267 {strides = array<i32>} : memref<256x128xf32, #tpu.memory_space<vmem>>, vector<16xf32>,
          %get3A_1271 = arith.index_cast %add3A_1200 : i32 to index
          %get3A_1272 = arith.constant 64 : index
          %get3A_1273 = tpu.vector_load %arg8[%get3A_1271, %get3A_1272] {strides = array<i32>} : memref<256x128xf32, #tpu.memory_space<vmem>>, vector<16xf32>,
          %mul3A_1274 = arith.mulf %get3A_1273, %select_n3A_1243 : vector<16xf32>
          %swap3A_1275 = arith.index_cast %add3A_1200 : i32 to index
          %swap3A_1276 = arith.constant 64 : index
          %swap3A_1277 = tpu.vector_load %arg8[%swap3A_1275, %swap3A_1276] {strides = array<i32>} : memref<256x128xf32, #tpu.memory_space<vmem>>, vector<16xf32>,
          tpu.vector_store %arg8[%swap3A_1275, %swap3A_1276], %mul3A_1274 {strides = array<i32>} : memref<256x128xf32, #tpu.memory_space<vmem>>, vector<16xf32>,
          %get3A_1278 = arith.index_cast %add3A_1200 : i32 to index
          %get3A_1279 = arith.constant 80 : index
          %get3A_1280 = tpu.vector_load %arg8[%get3A_1278, %get3A_1279] {strides = array<i32>} : memref<256x128xf32, #tpu.memory_space<vmem>>, vector<16xf32>,
          %mul3A_1281 = arith.mulf %get3A_1280, %select_n3A_1243 : vector<16xf32>
          %swap3A_1282 = arith.index_cast %add3A_1200 : i32 to index
          %swap3A_1283 = arith.constant 80 : index
          %swap3A_1284 = tpu.vector_load %arg8[%swap3A_1282, %swap3A_1283] {strides = array<i32>} : memref<256x128xf32, #tpu.memory_space<vmem>>, vector<16xf32>,
          tpu.vector_store %arg8[%swap3A_1282, %swap3A_1283], %mul3A_1281 {strides = array<i32>} : memref<256x128xf32, #tpu.memory_space<vmem>>, vector<16xf32>,
          %get3A_1285 = arith.index_cast %add3A_1200 : i32 to index
          %get3A_1286 = arith.constant 96 : index
          %get3A_1287 = tpu.vector_load %arg8[%get3A_1285, %get3A_1286] {strides = array<i32>} : memref<256x128xf32, #tpu.memory_space<vmem>>, vector<16xf32>,
          %mul3A_1288 = arith.mulf %get3A_1287, %select_n3A_1243 : vector<16xf32>
          %swap3A_1289 = arith.index_cast %add3A_1200 : i32 to index
          %swap3A_1290 = arith.constant 96 : index
          %swap3A_1291 = tpu.vector_load %arg8[%swap3A_1289, %swap3A_1290] {strides = array<i32>} : memref<256x128xf32, #tpu.memory_space<vmem>>, vector<16xf32>,
          tpu.vector_store %arg8[%swap3A_1289, %swap3A_1290], %mul3A_1288 {strides = array<i32>} : memref<256x128xf32, #tpu.memory_space<vmem>>, vector<16xf32>,
          %get3A_1292 = arith.index_cast %add3A_1200 : i32 to index
          %get3A_1293 = arith.constant 112 : index
          %get3A_1294 = tpu.vector_load %arg8[%get3A_1292, %get3A_1293] {strides = array<i32>} : memref<256x128xf32, #tpu.memory_space<vmem>>, vector<16xf32>,
          %mul3A_1295 = arith.mulf %get3A_1294, %select_n3A_1243 : vector<16xf32>
          %swap3A_1296 = arith.index_cast %add3A_1200 : i32 to index
          %swap3A_1297 = arith.constant 112 : index
          %swap3A_1298 = tpu.vector_load %arg8[%swap3A_1296, %swap3A_1297] {strides = array<i32>} : memref<256x128xf32, #tpu.memory_space<vmem>>, vector<16xf32>,
          tpu.vector_store %arg8[%swap3A_1296, %swap3A_1297], %mul3A_1295 {strides = array<i32>} : memref<256x128xf32, #tpu.memory_space<vmem>>, vector<16xf32>,
        }
        %scan3A_1195 = arith.constant 256 : i32
      } else {
      }
      %mul3A_982 = arith.constant 256 : i32
      %mul3A_983 = arith.muli %add3A_788, %mul3A_982 : i32
      %add3A_984 = arith.addi %mul3A_4, %mul3A_983 : i32
      %dma_start3A_985 = arith.constant 0 : i32
      %dma_start3A_986 = tpu.memref_slice %arg4[%add3A_984, %dma_start3A_985] : memref<204800x128xf32, #tpu.memory_space<hbm>> -> memref<256x128xf32, #tpu.memory_space<hbm>>
      %dma_start3A_987 = arith.constant 0 : i32
      %dma_start3A_988 = tpu.memref_slice %arg4[%add3A_984, %dma_start3A_987] : memref<204800x128xf32, #tpu.memory_space<hbm>> -> memref<256x128xf32, #tpu.memory_space<hbm>>
      tpu.enqueue_dma source(%arg8 : memref<256x128xf32, #tpu.memory_space<vmem>>) target(%dma_start3A_988 : memref<256x128xf32, #tpu.memory_space<hbm>>) target_semaphore(%arg14 : memref<!tpu.dma_semaphore, #tpu.memory_space<semaphore_mem>>)
      %add3A_989 = arith.constant 2 : i32
      %add3A_990 = arith.addi %add3A_584, %add3A_989 : i32
      %dma_wait3A_991 = arith.constant 0 : i32
      %dma_wait3A_992 = arith.constant 0 : i32
      %dma_wait3A_993 = arith.constant 0 : i32
      %dma_wait3A_994 = tpu.memref_slice %arg6[%dma_wait3A_992, %dma_wait3A_993] : memref<256x128xf32, #tpu.memory_space<vmem>> -> memref<128x128xf32, #tpu.memory_space<vmem>>
      %dma_wait3A_995 = arith.constant 0 : i32
      %dma_wait3A_996 = tpu.memref_slice %arg5[%dma_wait3A_991, %dma_wait3A_995] : memref<50x128xi32, #tpu.memory_space<vmem>> -> memref<1x128xi32, #tpu.memory_space<vmem>>
      %dma_wait3A_997 = tpu.memref_squeeze %dma_wait3A_996 : memref<1x128xi32, #tpu.memory_space<vmem>> -> memref<128xi32, #tpu.memory_space<vmem>>
      %dma_wait3A_998 = arith.constant 0 : i32
      %dma_wait3A_999 = arith.constant 0 : i32
      %dma_wait3A_1000 = tpu.memref_slice %arg2[%dma_wait3A_998, %dma_wait3A_999] : memref<1000000x128xf32, #tpu.memory_space<hbm>> -> memref<1000000x128xf32, #tpu.memory_space<hbm>>
      tpu.wait_indirect_dma semaphore(%arg9 : memref<!tpu.dma_semaphore, #tpu.memory_space<semaphore_mem>>) src(%dma_wait3A_1000 : memref<1000000x128xf32, #tpu.memory_space<hbm>>) dst(%dma_wait3A_994 : memref<128x128xf32, #tpu.memory_space<vmem>>)
      %dma_wait3A_1001 = arith.constant 0 : i32
      %dma_wait3A_1002 = arith.constant 128 : i32
      %dma_wait3A_1003 = arith.constant 0 : i32
      %dma_wait3A_1004 = tpu.memref_slice %arg6[%dma_wait3A_1002, %dma_wait3A_1003] : memref<256x128xf32, #tpu.memory_space<vmem>> -> memref<128x128xf32, #tpu.memory_space<vmem>>
      %dma_wait3A_1005 = arith.constant 0 : i32
      %dma_wait3A_1006 = tpu.memref_slice %arg5[%dma_wait3A_1001, %dma_wait3A_1005] : memref<50x128xi32, #tpu.memory_space<vmem>> -> memref<1x128xi32, #tpu.memory_space<vmem>>
      %dma_wait3A_1007 = tpu.memref_squeeze %dma_wait3A_1006 : memref<1x128xi32, #tpu.memory_space<vmem>> -> memref<128xi32, #tpu.memory_space<vmem>>
      %dma_wait3A_1008 = arith.constant 0 : i32
      %dma_wait3A_1009 = arith.constant 0 : i32
      %dma_wait3A_1010 = tpu.memref_slice %arg2[%dma_wait3A_1008, %dma_wait3A_1009] : memref<1000000x128xf32, #tpu.memory_space<hbm>> -> memref<1000000x128xf32, #tpu.memory_space<hbm>>
      tpu.wait_indirect_dma semaphore(%arg9 : memref<!tpu.dma_semaphore, #tpu.memory_space<semaphore_mem>>) src(%dma_wait3A_1010 : memref<1000000x128xf32, #tpu.memory_space<hbm>>) dst(%dma_wait3A_1004 : memref<128x128xf32, #tpu.memory_space<vmem>>)
      %dma_wait3A_1011 = arith.constant 0 : i32
      %dma_wait3A_1012 = tpu.memref_slice %arg4[%mul3A_4, %dma_wait3A_1011] : memref<204800x128xf32, #tpu.memory_space<hbm>> -> memref<256x128xf32, #tpu.memory_space<hbm>>
      %dma_wait3A_1013 = arith.constant 0 : i32
      %dma_wait3A_1014 = tpu.memref_slice %arg4[%mul3A_4, %dma_wait3A_1013] : memref<204800x128xf32, #tpu.memory_space<hbm>> -> memref<256x128xf32, #tpu.memory_space<hbm>>
      tpu.wait_dma2 semaphore(%arg14 : memref<!tpu.dma_semaphore, #tpu.memory_space<semaphore_mem>>) src(%arg8 : memref<256x128xf32, #tpu.memory_space<vmem>>) dst(%dma_wait3A_1014 : memref<256x128xf32, #tpu.memory_space<hbm>>)
      %add3A_1015 = arith.constant 2 : i32
      %add3A_1016 = arith.addi %add3A_990, %add3A_1015 : i32
      %mul3A_1017 = arith.constant 2 : i32
      %mul3A_1018 = arith.muli %add3A_1016, %mul3A_1017 : i32
      %add3A_1019 = arith.constant 0 : i32
      %add3A_1020 = arith.addi %mul3A_1018, %add3A_1019 : i32
      %dma_start3A_1021 = arith.constant 0 : i32
      %dma_start3A_1022 = arith.constant 0 : i32
      %dma_start3A_1023 = tpu.memref_slice %arg8[%dma_start3A_1021, %dma_start3A_1022] : memref<256x128xf32, #tpu.memory_space<vmem>> -> memref<128x128xf32, #tpu.memory_space<vmem>>
      %dma_start3A_1024 = arith.constant 0 : i32
      %dma_start3A_1025 = tpu.memref_slice %arg5[%add3A_1020, %dma_start3A_1024] : memref<50x128xi32, #tpu.memory_space<vmem>> -> memref<1x128xi32, #tpu.memory_space<vmem>>
      %dma_start3A_1026 = tpu.memref_squeeze %dma_start3A_1025 : memref<1x128xi32, #tpu.memory_space<vmem>> -> memref<128xi32, #tpu.memory_space<vmem>>
      %dma_start3A_1027 = arith.constant 0 : i32
      %dma_start3A_1028 = arith.constant 0 : i32
      %dma_start3A_1029 = tpu.memref_slice %arg2[%dma_start3A_1027, %dma_start3A_1028] : memref<1000000x128xf32, #tpu.memory_space<hbm>> -> memref<1000000x128xf32, #tpu.memory_space<hbm>>
      tpu.enqueue_indirect_dma source(%dma_start3A_1029 : memref<1000000x128xf32, #tpu.memory_space<hbm>>) target(%dma_start3A_1023 : memref<128x128xf32, #tpu.memory_space<vmem>>) offsets(%dma_start3A_1026 : memref<128xi32, #tpu.memory_space<vmem>>) semaphore(%arg11 : memref<!tpu.dma_semaphore, #tpu.memory_space<semaphore_mem>>)
      %mul3A_1030 = arith.constant 2 : i32
      %mul3A_1031 = arith.muli %add3A_1016, %mul3A_1030 : i32
      %add3A_1032 = arith.constant 1 : i32
      %add3A_1033 = arith.addi %mul3A_1031, %add3A_1032 : i32
      %dma_start3A_1034 = arith.constant 128 : i32
      %dma_start3A_1035 = arith.constant 0 : i32
      %dma_start3A_1036 = tpu.memref_slice %arg8[%dma_start3A_1034, %dma_start3A_1035] : memref<256x128xf32, #tpu.memory_space<vmem>> -> memref<128x128xf32, #tpu.memory_space<vmem>>
      %dma_start3A_1037 = arith.constant 0 : i32
      %dma_start3A_1038 = tpu.memref_slice %arg5[%add3A_1033, %dma_start3A_1037] : memref<50x128xi32, #tpu.memory_space<vmem>> -> memref<1x128xi32, #tpu.memory_space<vmem>>
      %dma_start3A_1039 = tpu.memref_squeeze %dma_start3A_1038 : memref<1x128xi32, #tpu.memory_space<vmem>> -> memref<128xi32, #tpu.memory_space<vmem>>
      %dma_start3A_1040 = arith.constant 0 : i32
      %dma_start3A_1041 = arith.constant 0 : i32
      %dma_start3A_1042 = tpu.memref_slice %arg2[%dma_start3A_1040, %dma_start3A_1041] : memref<1000000x128xf32, #tpu.memory_space<hbm>> -> memref<1000000x128xf32, #tpu.memory_space<hbm>>
      tpu.enqueue_indirect_dma source(%dma_start3A_1042 : memref<1000000x128xf32, #tpu.memory_space<hbm>>) target(%dma_start3A_1036 : memref<128x128xf32, #tpu.memory_space<vmem>>) offsets(%dma_start3A_1039 : memref<128xi32, #tpu.memory_space<vmem>>) semaphore(%arg11 : memref<!tpu.dma_semaphore, #tpu.memory_space<semaphore_mem>>)
      %mul3A_1043 = arith.constant 2 : i32
      %mul3A_1044 = arith.muli %add3A_990, %mul3A_1043 : i32
      %get3A_1045 = arith.index_cast %mul3A_1044 : i32 to index
      %get3A_1046 = arith.constant 0 : index
      %get3A_1047 = tpu.vector_load %arg5[%get3A_1045, %get3A_1046] {strides = array<i32>} : memref<50x128xi32, #tpu.memory_space<vmem>>, vector<16xi32>,
      %mul3A_1048 = arith.constant 2 : i32
      %mul3A_1049 = arith.muli %add3A_990, %mul3A_1048 : i32
      %add3A_1050 = arith.constant 0 : i32
      %add3A_1051 = arith.addi %mul3A_1049, %add3A_1050 : i32
      %get3A_1052 = arith.index_cast %add3A_1051 : i32 to index
      %get3A_1053 = arith.constant 16 : index
      %get3A_1054 = tpu.vector_load %arg5[%get3A_1052, %get3A_1053] {strides = array<i32>} : memref<50x128xi32, #tpu.memory_space<vmem>>, vector<16xi32>,
      %min3A_1055 = arith.minsi %get3A_1047, %get3A_1054 : vector<16xi32>
      %mul3A_1056 = arith.constant 2 : i32
      %mul3A_1057 = arith.muli %add3A_990, %mul3A_1056 : i32
      %add3A_1058 = arith.constant 0 : i32
      %add3A_1059 = arith.addi %mul3A_1057, %add3A_1058 : i32
      %get3A_1060 = arith.index_cast %add3A_1059 : i32 to index
      %get3A_1061 = arith.constant 32 : index
      %get3A_1062 = tpu.vector_load %arg5[%get3A_1060, %get3A_1061] {strides = array<i32>} : memref<50x128xi32, #tpu.memory_space<vmem>>, vector<16xi32>,
      %min3A_1063 = arith.minsi %min3A_1055, %get3A_1062 : vector<16xi32>
      %mul3A_1064 = arith.constant 2 : i32
      %mul3A_1065 = arith.muli %add3A_990, %mul3A_1064 : i32
      %add3A_1066 = arith.constant 0 : i32
      %add3A_1067 = arith.addi %mul3A_1065, %add3A_1066 : i32
      %get3A_1068 = arith.index_cast %add3A_1067 : i32 to index
      %get3A_1069 = arith.constant 48 : index
      %get3A_1070 = tpu.vector_load %arg5[%get3A_1068, %get3A_1069] {strides = array<i32>} : memref<50x128xi32, #tpu.memory_space<vmem>>, vector<16xi32>,
      %min3A_1071 = arith.minsi %min3A_1063, %get3A_1070 : vector<16xi32>
      %mul3A_1072 = arith.constant 2 : i32
      %mul3A_1073 = arith.muli %add3A_990, %mul3A_1072 : i32
      %add3A_1074 = arith.constant 0 : i32
      %add3A_1075 = arith.addi %mul3A_1073, %add3A_1074 : i32
      %get3A_1076 = arith.index_cast %add3A_1075 : i32 to index
      %get3A_1077 = arith.constant 64 : index
      %get3A_1078 = tpu.vector_load %arg5[%get3A_1076, %get3A_1077] {strides = array<i32>} : memref<50x128xi32, #tpu.memory_space<vmem>>, vector<16xi32>,
      %min3A_1079 = arith.minsi %min3A_1071, %get3A_1078 : vector<16xi32>
      %mul3A_1080 = arith.constant 2 : i32
      %mul3A_1081 = arith.muli %add3A_990, %mul3A_1080 : i32
      %add3A_1082 = arith.constant 0 : i32
      %add3A_1083 = arith.addi %mul3A_1081, %add3A_1082 : i32
      %get3A_1084 = arith.index_cast %add3A_1083 : i32 to index
      %get3A_1085 = arith.constant 80 : index
      %get3A_1086 = tpu.vector_load %arg5[%get3A_1084, %get3A_1085] {strides = array<i32>} : memref<50x128xi32, #tpu.memory_space<vmem>>, vector<16xi32>,
      %min3A_1087 = arith.minsi %min3A_1079, %get3A_1086 : vector<16xi32>
      %mul3A_1088 = arith.constant 2 : i32
      %mul3A_1089 = arith.muli %add3A_990, %mul3A_1088 : i32
      %add3A_1090 = arith.constant 0 : i32
      %add3A_1091 = arith.addi %mul3A_1089, %add3A_1090 : i32
      %get3A_1092 = arith.index_cast %add3A_1091 : i32 to index
      %get3A_1093 = arith.constant 96 : index
      %get3A_1094 = tpu.vector_load %arg5[%get3A_1092, %get3A_1093] {strides = array<i32>} : memref<50x128xi32, #tpu.memory_space<vmem>>, vector<16xi32>,
      %min3A_1095 = arith.minsi %min3A_1087, %get3A_1094 : vector<16xi32>
      %mul3A_1096 = arith.constant 2 : i32
      %mul3A_1097 = arith.muli %add3A_990, %mul3A_1096 : i32
      %add3A_1098 = arith.constant 0 : i32
      %add3A_1099 = arith.addi %mul3A_1097, %add3A_1098 : i32
      %get3A_1100 = arith.index_cast %add3A_1099 : i32 to index
      %get3A_1101 = arith.constant 112 : index
      %get3A_1102 = tpu.vector_load %arg5[%get3A_1100, %get3A_1101] {strides = array<i32>} : memref<50x128xi32, #tpu.memory_space<vmem>>, vector<16xi32>,
      %min3A_1103 = arith.minsi %min3A_1095, %get3A_1102 : vector<16xi32>
      %mul3A_1104 = arith.constant 2 : i32
      %mul3A_1105 = arith.muli %add3A_990, %mul3A_1104 : i32
      %add3A_1106 = arith.constant 1 : i32
      %add3A_1107 = arith.addi %mul3A_1105, %add3A_1106 : i32
      %get3A_1108 = arith.index_cast %add3A_1107 : i32 to index
      %get3A_1109 = arith.constant 0 : index
      %get3A_1110 = tpu.vector_load %arg5[%get3A_1108, %get3A_1109] {strides = array<i32>} : memref<50x128xi32, #tpu.memory_space<vmem>>, vector<16xi32>,
      %min3A_1111 = arith.minsi %min3A_1103, %get3A_1110 : vector<16xi32>
      %mul3A_1112 = arith.constant 2 : i32
      %mul3A_1113 = arith.muli %add3A_990, %mul3A_1112 : i32
      %add3A_1114 = arith.constant 1 : i32
      %add3A_1115 = arith.addi %mul3A_1113, %add3A_1114 : i32
      %get3A_1116 = arith.index_cast %add3A_1115 : i32 to index
      %get3A_1117 = arith.constant 16 : index
      %get3A_1118 = tpu.vector_load %arg5[%get3A_1116, %get3A_1117] {strides = array<i32>} : memref<50x128xi32, #tpu.memory_space<vmem>>, vector<16xi32>,
      %min3A_1119 = arith.minsi %min3A_1111, %get3A_1118 : vector<16xi32>
      %mul3A_1120 = arith.constant 2 : i32
      %mul3A_1121 = arith.muli %add3A_990, %mul3A_1120 : i32
      %add3A_1122 = arith.constant 1 : i32
      %add3A_1123 = arith.addi %mul3A_1121, %add3A_1122 : i32
      %get3A_1124 = arith.index_cast %add3A_1123 : i32 to index
      %get3A_1125 = arith.constant 32 : index
      %get3A_1126 = tpu.vector_load %arg5[%get3A_1124, %get3A_1125] {strides = array<i32>} : memref<50x128xi32, #tpu.memory_space<vmem>>, vector<16xi32>,
      %min3A_1127 = arith.minsi %min3A_1119, %get3A_1126 : vector<16xi32>
      %mul3A_1128 = arith.constant 2 : i32
      %mul3A_1129 = arith.muli %add3A_990, %mul3A_1128 : i32
      %add3A_1130 = arith.constant 1 : i32
      %add3A_1131 = arith.addi %mul3A_1129, %add3A_1130 : i32
      %get3A_1132 = arith.index_cast %add3A_1131 : i32 to index
      %get3A_1133 = arith.constant 48 : index
      %get3A_1134 = tpu.vector_load %arg5[%get3A_1132, %get3A_1133] {strides = array<i32>} : memref<50x128xi32, #tpu.memory_space<vmem>>, vector<16xi32>,
      %min3A_1135 = arith.minsi %min3A_1127, %get3A_1134 : vector<16xi32>
      %mul3A_1136 = arith.constant 2 : i32
      %mul3A_1137 = arith.muli %add3A_990, %mul3A_1136 : i32
      %add3A_1138 = arith.constant 1 : i32
      %add3A_1139 = arith.addi %mul3A_1137, %add3A_1138 : i32
      %get3A_1140 = arith.index_cast %add3A_1139 : i32 to index
      %get3A_1141 = arith.constant 64 : index
      %get3A_1142 = tpu.vector_load %arg5[%get3A_1140, %get3A_1141] {strides = array<i32>} : memref<50x128xi32, #tpu.memory_space<vmem>>, vector<16xi32>,
      %min3A_1143 = arith.minsi %min3A_1135, %get3A_1142 : vector<16xi32>
      %mul3A_1144 = arith.constant 2 : i32
      %mul3A_1145 = arith.muli %add3A_990, %mul3A_1144 : i32
      %add3A_1146 = arith.constant 1 : i32
      %add3A_1147 = arith.addi %mul3A_1145, %add3A_1146 : i32
      %get3A_1148 = arith.index_cast %add3A_1147 : i32 to index
      %get3A_1149 = arith.constant 80 : index
      %get3A_1150 = tpu.vector_load %arg5[%get3A_1148, %get3A_1149] {strides = array<i32>} : memref<50x128xi32, #tpu.memory_space<vmem>>, vector<16xi32>,
      %min3A_1151 = arith.minsi %min3A_1143, %get3A_1150 : vector<16xi32>
      %mul3A_1152 = arith.constant 2 : i32
      %mul3A_1153 = arith.muli %add3A_990, %mul3A_1152 : i32
      %add3A_1154 = arith.constant 1 : i32
      %add3A_1155 = arith.addi %mul3A_1153, %add3A_1154 : i32
      %get3A_1156 = arith.index_cast %add3A_1155 : i32 to index
      %get3A_1157 = arith.constant 96 : index
      %get3A_1158 = tpu.vector_load %arg5[%get3A_1156, %get3A_1157] {strides = array<i32>} : memref<50x128xi32, #tpu.memory_space<vmem>>, vector<16xi32>,
      %min3A_1159 = arith.minsi %min3A_1151, %get3A_1158 : vector<16xi32>
      %mul3A_1160 = arith.constant 2 : i32
      %mul3A_1161 = arith.muli %add3A_990, %mul3A_1160 : i32
      %add3A_1162 = arith.constant 1 : i32
      %add3A_1163 = arith.addi %mul3A_1161, %add3A_1162 : i32
      %get3A_1164 = arith.index_cast %add3A_1163 : i32 to index
      %get3A_1165 = arith.constant 112 : index
      %get3A_1166 = tpu.vector_load %arg5[%get3A_1164, %get3A_1165] {strides = array<i32>} : memref<50x128xi32, #tpu.memory_space<vmem>>, vector<16xi32>,
      %min3A_1167 = arith.minsi %min3A_1159, %get3A_1166 : vector<16xi32>
      %reduce_min3A_1168 = arith.constant true
      %reduce_min3A_1169 = vector.broadcast %reduce_min3A_1168 : i1 to vector<16xi1>
      %reduce_min3A_1170 = arith.constant -2147483648 : i32
      %reduce_min3A_1171 = vector.broadcast %reduce_min3A_1170 : i32 to vector<16xi32>
      %reduce_min3A_1172 = arith.xori %min3A_1167, %reduce_min3A_1171 : vector<16xi32>
      %reduce_min3A_1173 = tpu.scan <min>, %reduce_min3A_1172 masked %reduce_min3A_1169 : vector<16xi32>, vector<16xi1> -> vector<16xi32>
      %reduce_min3A_1174 = arith.xori %reduce_min3A_1173, %reduce_min3A_1171 : vector<16xi32>
      %reduce_min3A_1175 = vector.extract %reduce_min3A_1174[15] : i32 from vector<16xi32>
      %eq3A_1176 = arith.constant 0 : i32
      %eq3A_1177 = arith.cmpi eq, %reduce_min3A_1175, %eq3A_1176 : i32
      %parallel_loop3A_1178 = arith.constant 0 : i32
      %parallel_loop3A_1179 = arith.constant 256 : i32
      %parallel_loop3A_1180 = arith.constant 1 : i32
      scf.for %parallel_loop3A_1191 = %parallel_loop3A_1178 to %parallel_loop3A_1179 step %parallel_loop3A_1180  : i32 {
        %parallel_loop3A_1192 = arith.index_cast %parallel_loop3A_1191 : i32 to index
        %parallel_loop3A_1193 = arith.constant 0 : index
        %parallel_loop3A_1194 = tpu.vector_load %arg6[%parallel_loop3A_1192, %parallel_loop3A_1193] {strides = array<i32>} : memref<256x128xf32, #tpu.memory_space<vmem>>, vector<16xf32>,
        %parallel_loop3A_1195 = arith.constant 11.3137083 : f32
        %parallel_loop3A_1196 = vector.broadcast %parallel_loop3A_1195 : f32 to vector<16xf32>
        %parallel_loop3A_1197 = arith.mulf %parallel_loop3A_1194, %parallel_loop3A_1196 : vector<16xf32>
        %parallel_loop3A_1198 = arith.index_cast %parallel_loop3A_1191 : i32 to index
        %parallel_loop3A_1199 = arith.constant 0 : index
        %parallel_loop3A_1200 = tpu.vector_load %arg6[%parallel_loop3A_1198, %parallel_loop3A_1199] {strides = array<i32>} : memref<256x128xf32, #tpu.memory_space<vmem>>, vector<16xf32>,
        tpu.vector_store %arg6[%parallel_loop3A_1198, %parallel_loop3A_1199], %parallel_loop3A_1197 {strides = array<i32>} : memref<256x128xf32, #tpu.memory_space<vmem>>, vector<16xf32>,
        %parallel_loop3A_1201 = arith.index_cast %parallel_loop3A_1191 : i32 to index
        %parallel_loop3A_1202 = arith.constant 16 : index
        %parallel_loop3A_1203 = tpu.vector_load %arg6[%parallel_loop3A_1201, %parallel_loop3A_1202] {strides = array<i32>} : memref<256x128xf32, #tpu.memory_space<vmem>>, vector<16xf32>,
        %parallel_loop3A_1204 = arith.constant 11.3137083 : f32
        %parallel_loop3A_1205 = vector.broadcast %parallel_loop3A_1204 : f32 to vector<16xf32>
        %parallel_loop3A_1206 = arith.mulf %parallel_loop3A_1203, %parallel_loop3A_1205 : vector<16xf32>
        %parallel_loop3A_1207 = arith.index_cast %parallel_loop3A_1191 : i32 to index
        %parallel_loop3A_1208 = arith.constant 16 : index
        %parallel_loop3A_1209 = tpu.vector_load %arg6[%parallel_loop3A_1207, %parallel_loop3A_1208] {strides = array<i32>} : memref<256x128xf32, #tpu.memory_space<vmem>>, vector<16xf32>,
        tpu.vector_store %arg6[%parallel_loop3A_1207, %parallel_loop3A_1208], %parallel_loop3A_1206 {strides = array<i32>} : memref<256x128xf32, #tpu.memory_space<vmem>>, vector<16xf32>,
        %parallel_loop3A_1210 = arith.index_cast %parallel_loop3A_1191 : i32 to index
        %parallel_loop3A_1211 = arith.constant 32 : index
        %parallel_loop3A_1212 = tpu.vector_load %arg6[%parallel_loop3A_1210, %parallel_loop3A_1211] {strides = array<i32>} : memref<256x128xf32, #tpu.memory_space<vmem>>, vector<16xf32>,
        %parallel_loop3A_1213 = arith.constant 11.3137083 : f32
        %parallel_loop3A_1214 = vector.broadcast %parallel_loop3A_1213 : f32 to vector<16xf32>
        %parallel_loop3A_1215 = arith.mulf %parallel_loop3A_1212, %parallel_loop3A_1214 : vector<16xf32>
        %parallel_loop3A_1216 = arith.index_cast %parallel_loop3A_1191 : i32 to index
        %parallel_loop3A_1217 = arith.constant 32 : index
        %parallel_loop3A_1218 = tpu.vector_load %arg6[%parallel_loop3A_1216, %parallel_loop3A_1217] {strides = array<i32>} : memref<256x128xf32, #tpu.memory_space<vmem>>, vector<16xf32>,
        tpu.vector_store %arg6[%parallel_loop3A_1216, %parallel_loop3A_1217], %parallel_loop3A_1215 {strides = array<i32>} : memref<256x128xf32, #tpu.memory_space<vmem>>, vector<16xf32>,
        %parallel_loop3A_1219 = arith.index_cast %parallel_loop3A_1191 : i32 to index
        %parallel_loop3A_1220 = arith.constant 48 : index
        %parallel_loop3A_1221 = tpu.vector_load %arg6[%parallel_loop3A_1219, %parallel_loop3A_1220] {strides = array<i32>} : memref<256x128xf32, #tpu.memory_space<vmem>>, vector<16xf32>,
        %parallel_loop3A_1222 = arith.constant 11.3137083 : f32
        %parallel_loop3A_1223 = vector.broadcast %parallel_loop3A_1222 : f32 to vector<16xf32>
        %parallel_loop3A_1224 = arith.mulf %parallel_loop3A_1221, %parallel_loop3A_1223 : vector<16xf32>
        %parallel_loop3A_1225 = arith.index_cast %parallel_loop3A_1191 : i32 to index
        %parallel_loop3A_1226 = arith.constant 48 : index
        %parallel_loop3A_1227 = tpu.vector_load %arg6[%parallel_loop3A_1225, %parallel_loop3A_1226] {strides = array<i32>} : memref<256x128xf32, #tpu.memory_space<vmem>>, vector<16xf32>,
        tpu.vector_store %arg6[%parallel_loop3A_1225, %parallel_loop3A_1226], %parallel_loop3A_1224 {strides = array<i32>} : memref<256x128xf32, #tpu.memory_space<vmem>>, vector<16xf32>,
        %parallel_loop3A_1228 = arith.index_cast %parallel_loop3A_1191 : i32 to index
        %parallel_loop3A_1229 = arith.constant 64 : index
        %parallel_loop3A_1230 = tpu.vector_load %arg6[%parallel_loop3A_1228, %parallel_loop3A_1229] {strides = array<i32>} : memref<256x128xf32, #tpu.memory_space<vmem>>, vector<16xf32>,
        %parallel_loop3A_1231 = arith.constant 11.3137083 : f32
        %parallel_loop3A_1232 = vector.broadcast %parallel_loop3A_1231 : f32 to vector<16xf32>
        %parallel_loop3A_1233 = arith.mulf %parallel_loop3A_1230, %parallel_loop3A_1232 : vector<16xf32>
        %parallel_loop3A_1234 = arith.index_cast %parallel_loop3A_1191 : i32 to index
        %parallel_loop3A_1235 = arith.constant 64 : index
        %parallel_loop3A_1236 = tpu.vector_load %arg6[%parallel_loop3A_1234, %parallel_loop3A_1235] {strides = array<i32>} : memref<256x128xf32, #tpu.memory_space<vmem>>, vector<16xf32>,
        tpu.vector_store %arg6[%parallel_loop3A_1234, %parallel_loop3A_1235], %parallel_loop3A_1233 {strides = array<i32>} : memref<256x128xf32, #tpu.memory_space<vmem>>, vector<16xf32>,
        %parallel_loop3A_1237 = arith.index_cast %parallel_loop3A_1191 : i32 to index
        %parallel_loop3A_1238 = arith.constant 80 : index
        %parallel_loop3A_1239 = tpu.vector_load %arg6[%parallel_loop3A_1237, %parallel_loop3A_1238] {strides = array<i32>} : memref<256x128xf32, #tpu.memory_space<vmem>>, vector<16xf32>,
        %parallel_loop3A_1240 = arith.constant 11.3137083 : f32
        %parallel_loop3A_1241 = vector.broadcast %parallel_loop3A_1240 : f32 to vector<16xf32>
        %parallel_loop3A_1242 = arith.mulf %parallel_loop3A_1239, %parallel_loop3A_1241 : vector<16xf32>
        %parallel_loop3A_1243 = arith.index_cast %parallel_loop3A_1191 : i32 to index
        %parallel_loop3A_1244 = arith.constant 80 : index
        %parallel_loop3A_1245 = tpu.vector_load %arg6[%parallel_loop3A_1243, %parallel_loop3A_1244] {strides = array<i32>} : memref<256x128xf32, #tpu.memory_space<vmem>>, vector<16xf32>,
        tpu.vector_store %arg6[%parallel_loop3A_1243, %parallel_loop3A_1244], %parallel_loop3A_1242 {strides = array<i32>} : memref<256x128xf32, #tpu.memory_space<vmem>>, vector<16xf32>,
        %parallel_loop3A_1246 = arith.index_cast %parallel_loop3A_1191 : i32 to index
        %parallel_loop3A_1247 = arith.constant 96 : index
        %parallel_loop3A_1248 = tpu.vector_load %arg6[%parallel_loop3A_1246, %parallel_loop3A_1247] {strides = array<i32>} : memref<256x128xf32, #tpu.memory_space<vmem>>, vector<16xf32>,
        %parallel_loop3A_1249 = arith.constant 11.3137083 : f32
        %parallel_loop3A_1250 = vector.broadcast %parallel_loop3A_1249 : f32 to vector<16xf32>
        %parallel_loop3A_1251 = arith.mulf %parallel_loop3A_1248, %parallel_loop3A_1250 : vector<16xf32>
        %parallel_loop3A_1252 = arith.index_cast %parallel_loop3A_1191 : i32 to index
        %parallel_loop3A_1253 = arith.constant 96 : index
        %parallel_loop3A_1254 = tpu.vector_load %arg6[%parallel_loop3A_1252, %parallel_loop3A_1253] {strides = array<i32>} : memref<256x128xf32, #tpu.memory_space<vmem>>, vector<16xf32>,
        tpu.vector_store %arg6[%parallel_loop3A_1252, %parallel_loop3A_1253], %parallel_loop3A_1251 {strides = array<i32>} : memref<256x128xf32, #tpu.memory_space<vmem>>, vector<16xf32>,
        %parallel_loop3A_1255 = arith.index_cast %parallel_loop3A_1191 : i32 to index
        %parallel_loop3A_1256 = arith.constant 112 : index
        %parallel_loop3A_1257 = tpu.vector_load %arg6[%parallel_loop3A_1255, %parallel_loop3A_1256] {strides = array<i32>} : memref<256x128xf32, #tpu.memory_space<vmem>>, vector<16xf32>,
        %parallel_loop3A_1258 = arith.constant 11.3137083 : f32
        %parallel_loop3A_1259 = vector.broadcast %parallel_loop3A_1258 : f32 to vector<16xf32>
        %parallel_loop3A_1260 = arith.mulf %parallel_loop3A_1257, %parallel_loop3A_1259 : vector<16xf32>
        %parallel_loop3A_1261 = arith.index_cast %parallel_loop3A_1191 : i32 to index
        %parallel_loop3A_1262 = arith.constant 112 : index
        %parallel_loop3A_1263 = tpu.vector_load %arg6[%parallel_loop3A_1261, %parallel_loop3A_1262] {strides = array<i32>} : memref<256x128xf32, #tpu.memory_space<vmem>>, vector<16xf32>,
        tpu.vector_store %arg6[%parallel_loop3A_1261, %parallel_loop3A_1262], %parallel_loop3A_1260 {strides = array<i32>} : memref<256x128xf32, #tpu.memory_space<vmem>>, vector<16xf32>,
      } {sc.loop_unroll_factor = 4 : i64, sc.parallel_access}
      %convert_element_type3A_1181 = arith.extui %eq3A_1177 : i1 to i32
      %cond3A_1182 = arith.constant 0 : i32
      %cond3A_1183 = arith.cmpi ne, %convert_element_type3A_1181, %cond3A_1182 : i32
      scf.if %cond3A_1183 {
        %scan3A_1191 = arith.constant 0 : i32
        %scan3A_1192 = arith.constant 256 : i32
        %scan3A_1193 = arith.addi %scan3A_1191, %scan3A_1192 : i32
        %scan3A_1194 = arith.constant 1 : i32
        scf.for %scan3A_1196 = %scan3A_1191 to %scan3A_1193 step %scan3A_1194  : i32 {
          %mul3A_1197 = arith.constant 1 : i32
          %mul3A_1198 = arith.muli %scan3A_1196, %mul3A_1197 : i32
          %add3A_1199 = arith.constant 0 : i32
          %add3A_1200 = arith.addi %add3A_1199, %mul3A_1198 : i32
          %mul3A_1201 = arith.constant 2 : i32
          %mul3A_1202 = arith.muli %add3A_990, %mul3A_1201 : i32
          %jit3A = arith.constant 128 : i32
          %div3A = arith.divsi %add3A_1200, %jit3A : i32
          %sign3A = arith.constant 0 : i32
          %sign3A_1203 = arith.cmpi sgt, %add3A_1200, %sign3A : i32
          %sign3A_1204 = arith.extui %sign3A_1203 : i1 to i32
          %sign3A_1205 = arith.constant 0 : i32
          %sign3A_1206 = arith.cmpi slt, %add3A_1200, %sign3A_1205 : i32
          %sign3A_1207 = arith.extui %sign3A_1206 : i1 to i32
          %sign3A_1208 = arith.subi %sign3A_1204, %sign3A_1207 : i32
          %sign3A_1209 = arith.constant 0 : i32
          %sign3A_1210 = arith.cmpi sgt, %jit3A, %sign3A_1209 : i32
          %sign3A_1211 = arith.extui %sign3A_1210 : i1 to i32
          %sign3A_1212 = arith.constant 0 : i32
          %sign3A_1213 = arith.cmpi slt, %jit3A, %sign3A_1212 : i32
          %sign3A_1214 = arith.extui %sign3A_1213 : i1 to i32
          %sign3A_1215 = arith.subi %sign3A_1211, %sign3A_1214 : i32
          %ne3A = arith.cmpi ne, %sign3A_1208, %sign3A_1215 : i32
          %rem3A = arith.remsi %add3A_1200, %jit3A : i32
          %ne3A_1216 = arith.constant 0 : i32
          %ne3A_1217 = arith.cmpi ne, %rem3A, %ne3A_1216 : i32
          %and3A = arith.andi %ne3A, %ne3A_1217 : i1
          %sub3A = arith.constant 1 : i32
          %sub3A_1218 = arith.subi %div3A, %sub3A : i32
          %select_n3A = arith.select %and3A, %sub3A_1218, %div3A : i32
          %add3A_1219 = arith.addi %mul3A_1202, %select_n3A : i32
          %broadcast_in_dim3A = vector.broadcast %add3A_1219 : i32 to vector<16xi32>
          %jit3A_1220 = arith.constant 128 : i32
          %eq3A_1221 = arith.constant 0 : i32
          %eq3A_1222 = arith.cmpi eq, %jit3A_1220, %eq3A_1221 : i32
          %jit3A_1223 = arith.constant 1 : i32
          %select_n3A_1224 = arith.select %eq3A_1222, %jit3A_1223, %jit3A_1220 : i32
          %rem3A_1225 = arith.remsi %add3A_1200, %select_n3A_1224 : i32
          %ne3A_1226 = arith.constant 0 : i32
          %ne3A_1227 = arith.cmpi ne, %rem3A_1225, %ne3A_1226 : i32
          %lt3A = arith.constant 0 : i32
          %lt3A_1228 = arith.cmpi slt, %rem3A_1225, %lt3A : i32
          %lt3A_1229 = arith.constant 0 : i32
          %lt3A_1230 = arith.cmpi slt, %select_n3A_1224, %lt3A_1229 : i32
          %ne3A_1231 = arith.xori %lt3A_1228, %lt3A_1230 : i1
          %and3A_1232 = arith.andi %ne3A_1231, %ne3A_1227 : i1
          %add3A_1233 = arith.addi %rem3A_1225, %select_n3A_1224 : i32
          %select_n3A_1234 = arith.select %and3A_1232, %add3A_1233, %rem3A_1225 : i32
          %broadcast_in_dim3A_1235 = vector.broadcast %select_n3A_1234 : i32 to vector<16xi32>
          %gather3A = tpu.vector_load_idx %arg5[%broadcast_in_dim3A, %broadcast_in_dim3A_1235] : memref<50x128xi32, #tpu.memory_space<vmem>>[vector<16xi32>, vector<16xi32>], vector<16xi32>,
          %ne3A_1236 = arith.constant 0 : i32
          %ne3A_1237 = vector.broadcast %ne3A_1236 : i32 to vector<16xi32>
          %ne3A_1238 = arith.cmpi ne, %gather3A, %ne3A_1237 : vector<16xi32>
          %jit3A_1239 = arith.constant 1.000000e+00 : f32
          %jit3A_1240 = arith.constant 0.000000e+00 : f32
          %broadcast_in_dim3A_1241 = vector.broadcast %jit3A_1239 : f32 to vector<16xf32>
          %broadcast_in_dim3A_1242 = vector.broadcast %jit3A_1240 : f32 to vector<16xf32>
          %select_n3A_1243 = arith.select %ne3A_1238, %broadcast_in_dim3A_1241, %broadcast_in_dim3A_1242 : vector<16xi1>, vector<16xf32>
          %get3A_1244 = arith.index_cast %add3A_1200 : i32 to index
          %get3A_1245 = arith.constant 0 : index
          %get3A_1246 = tpu.vector_load %arg6[%get3A_1244, %get3A_1245] {strides = array<i32>} : memref<256x128xf32, #tpu.memory_space<vmem>>, vector<16xf32>,
          %mul3A_1247 = arith.mulf %get3A_1246, %select_n3A_1243 : vector<16xf32>
          %swap3A = arith.index_cast %add3A_1200 : i32 to index
          %swap3A_1248 = arith.constant 0 : index
          %swap3A_1249 = tpu.vector_load %arg6[%swap3A, %swap3A_1248] {strides = array<i32>} : memref<256x128xf32, #tpu.memory_space<vmem>>, vector<16xf32>,
          tpu.vector_store %arg6[%swap3A, %swap3A_1248], %mul3A_1247 {strides = array<i32>} : memref<256x128xf32, #tpu.memory_space<vmem>>, vector<16xf32>,
          %get3A_1250 = arith.index_cast %add3A_1200 : i32 to index
          %get3A_1251 = arith.constant 16 : index
          %get3A_1252 = tpu.vector_load %arg6[%get3A_1250, %get3A_1251] {strides = array<i32>} : memref<256x128xf32, #tpu.memory_space<vmem>>, vector<16xf32>,
          %mul3A_1253 = arith.mulf %get3A_1252, %select_n3A_1243 : vector<16xf32>
          %swap3A_1254 = arith.index_cast %add3A_1200 : i32 to index
          %swap3A_1255 = arith.constant 16 : index
          %swap3A_1256 = tpu.vector_load %arg6[%swap3A_1254, %swap3A_1255] {strides = array<i32>} : memref<256x128xf32, #tpu.memory_space<vmem>>, vector<16xf32>,
          tpu.vector_store %arg6[%swap3A_1254, %swap3A_1255], %mul3A_1253 {strides = array<i32>} : memref<256x128xf32, #tpu.memory_space<vmem>>, vector<16xf32>,
          %get3A_1257 = arith.index_cast %add3A_1200 : i32 to index
          %get3A_1258 = arith.constant 32 : index
          %get3A_1259 = tpu.vector_load %arg6[%get3A_1257, %get3A_1258] {strides = array<i32>} : memref<256x128xf32, #tpu.memory_space<vmem>>, vector<16xf32>,
          %mul3A_1260 = arith.mulf %get3A_1259, %select_n3A_1243 : vector<16xf32>
          %swap3A_1261 = arith.index_cast %add3A_1200 : i32 to index
          %swap3A_1262 = arith.constant 32 : index
          %swap3A_1263 = tpu.vector_load %arg6[%swap3A_1261, %swap3A_1262] {strides = array<i32>} : memref<256x128xf32, #tpu.memory_space<vmem>>, vector<16xf32>,
          tpu.vector_store %arg6[%swap3A_1261, %swap3A_1262], %mul3A_1260 {strides = array<i32>} : memref<256x128xf32, #tpu.memory_space<vmem>>, vector<16xf32>,
          %get3A_1264 = arith.index_cast %add3A_1200 : i32 to index
          %get3A_1265 = arith.constant 48 : index
          %get3A_1266 = tpu.vector_load %arg6[%get3A_1264, %get3A_1265] {strides = array<i32>} : memref<256x128xf32, #tpu.memory_space<vmem>>, vector<16xf32>,
          %mul3A_1267 = arith.mulf %get3A_1266, %select_n3A_1243 : vector<16xf32>
          %swap3A_1268 = arith.index_cast %add3A_1200 : i32 to index
          %swap3A_1269 = arith.constant 48 : index
          %swap3A_1270 = tpu.vector_load %arg6[%swap3A_1268, %swap3A_1269] {strides = array<i32>} : memref<256x128xf32, #tpu.memory_space<vmem>>, vector<16xf32>,
          tpu.vector_store %arg6[%swap3A_1268, %swap3A_1269], %mul3A_1267 {strides = array<i32>} : memref<256x128xf32, #tpu.memory_space<vmem>>, vector<16xf32>,
          %get3A_1271 = arith.index_cast %add3A_1200 : i32 to index
          %get3A_1272 = arith.constant 64 : index
          %get3A_1273 = tpu.vector_load %arg6[%get3A_1271, %get3A_1272] {strides = array<i32>} : memref<256x128xf32, #tpu.memory_space<vmem>>, vector<16xf32>,
          %mul3A_1274 = arith.mulf %get3A_1273, %select_n3A_1243 : vector<16xf32>
          %swap3A_1275 = arith.index_cast %add3A_1200 : i32 to index
          %swap3A_1276 = arith.constant 64 : index
          %swap3A_1277 = tpu.vector_load %arg6[%swap3A_1275, %swap3A_1276] {strides = array<i32>} : memref<256x128xf32, #tpu.memory_space<vmem>>, vector<16xf32>,
          tpu.vector_store %arg6[%swap3A_1275, %swap3A_1276], %mul3A_1274 {strides = array<i32>} : memref<256x128xf32, #tpu.memory_space<vmem>>, vector<16xf32>,
          %get3A_1278 = arith.index_cast %add3A_1200 : i32 to index
          %get3A_1279 = arith.constant 80 : index
          %get3A_1280 = tpu.vector_load %arg6[%get3A_1278, %get3A_1279] {strides = array<i32>} : memref<256x128xf32, #tpu.memory_space<vmem>>, vector<16xf32>,
          %mul3A_1281 = arith.mulf %get3A_1280, %select_n3A_1243 : vector<16xf32>
          %swap3A_1282 = arith.index_cast %add3A_1200 : i32 to index
          %swap3A_1283 = arith.constant 80 : index
          %swap3A_1284 = tpu.vector_load %arg6[%swap3A_1282, %swap3A_1283] {strides = array<i32>} : memref<256x128xf32, #tpu.memory_space<vmem>>, vector<16xf32>,
          tpu.vector_store %arg6[%swap3A_1282, %swap3A_1283], %mul3A_1281 {strides = array<i32>} : memref<256x128xf32, #tpu.memory_space<vmem>>, vector<16xf32>,
          %get3A_1285 = arith.index_cast %add3A_1200 : i32 to index
          %get3A_1286 = arith.constant 96 : index
          %get3A_1287 = tpu.vector_load %arg6[%get3A_1285, %get3A_1286] {strides = array<i32>} : memref<256x128xf32, #tpu.memory_space<vmem>>, vector<16xf32>,
          %mul3A_1288 = arith.mulf %get3A_1287, %select_n3A_1243 : vector<16xf32>
          %swap3A_1289 = arith.index_cast %add3A_1200 : i32 to index
          %swap3A_1290 = arith.constant 96 : index
          %swap3A_1291 = tpu.vector_load %arg6[%swap3A_1289, %swap3A_1290] {strides = array<i32>} : memref<256x128xf32, #tpu.memory_space<vmem>>, vector<16xf32>,
          tpu.vector_store %arg6[%swap3A_1289, %swap3A_1290], %mul3A_1288 {strides = array<i32>} : memref<256x128xf32, #tpu.memory_space<vmem>>, vector<16xf32>,
          %get3A_1292 = arith.index_cast %add3A_1200 : i32 to index
          %get3A_1293 = arith.constant 112 : index
          %get3A_1294 = tpu.vector_load %arg6[%get3A_1292, %get3A_1293] {strides = array<i32>} : memref<256x128xf32, #tpu.memory_space<vmem>>, vector<16xf32>,
          %mul3A_1295 = arith.mulf %get3A_1294, %select_n3A_1243 : vector<16xf32>
          %swap3A_1296 = arith.index_cast %add3A_1200 : i32 to index
          %swap3A_1297 = arith.constant 112 : index
          %swap3A_1298 = tpu.vector_load %arg6[%swap3A_1296, %swap3A_1297] {strides = array<i32>} : memref<256x128xf32, #tpu.memory_space<vmem>>, vector<16xf32>,
          tpu.vector_store %arg6[%swap3A_1296, %swap3A_1297], %mul3A_1295 {strides = array<i32>} : memref<256x128xf32, #tpu.memory_space<vmem>>, vector<16xf32>,
        }
        %scan3A_1195 = arith.constant 256 : i32
      } else {
      }
      %mul3A_1184 = arith.constant 256 : i32
      %mul3A_1185 = arith.muli %add3A_990, %mul3A_1184 : i32
      %add3A_1186 = arith.addi %mul3A_4, %mul3A_1185 : i32
      %dma_start3A_1187 = arith.constant 0 : i32
      %dma_start3A_1188 = tpu.memref_slice %arg4[%add3A_1186, %dma_start3A_1187] : memref<204800x128xf32, #tpu.memory_space<hbm>> -> memref<256x128xf32, #tpu.memory_space<hbm>>
      %dma_start3A_1189 = arith.constant 0 : i32
      %dma_start3A_1190 = tpu.memref_slice %arg4[%add3A_1186, %dma_start3A_1189] : memref<204800x128xf32, #tpu.memory_space<hbm>> -> memref<256x128xf32, #tpu.memory_space<hbm>>
      tpu.enqueue_dma source(%arg6 : memref<256x128xf32, #tpu.memory_space<vmem>>) target(%dma_start3A_1190 : memref<256x128xf32, #tpu.memory_space<hbm>>) target_semaphore(%arg12 : memref<!tpu.dma_semaphore, #tpu.memory_space<semaphore_mem>>)
    }
    %scan3A_180 = arith.constant 7 : i32
    %dma_wait3A_181 = arith.constant 0 : i32
    %dma_wait3A_182 = arith.constant 0 : i32
    %dma_wait3A_183 = arith.constant 0 : i32
    %dma_wait3A_184 = tpu.memref_slice %arg7[%dma_wait3A_182, %dma_wait3A_183] : memref<256x128xf32, #tpu.memory_space<vmem>> -> memref<128x128xf32, #tpu.memory_space<vmem>>
    %dma_wait3A_185 = arith.constant 0 : i32
    %dma_wait3A_186 = tpu.memref_slice %arg5[%dma_wait3A_181, %dma_wait3A_185] : memref<50x128xi32, #tpu.memory_space<vmem>> -> memref<1x128xi32, #tpu.memory_space<vmem>>
    %dma_wait3A_187 = tpu.memref_squeeze %dma_wait3A_186 : memref<1x128xi32, #tpu.memory_space<vmem>> -> memref<128xi32, #tpu.memory_space<vmem>>
    %dma_wait3A_188 = arith.constant 0 : i32
    %dma_wait3A_189 = arith.constant 0 : i32
    %dma_wait3A_190 = tpu.memref_slice %arg2[%dma_wait3A_188, %dma_wait3A_189] : memref<1000000x128xf32, #tpu.memory_space<hbm>> -> memref<1000000x128xf32, #tpu.memory_space<hbm>>
    tpu.wait_indirect_dma semaphore(%arg10 : memref<!tpu.dma_semaphore, #tpu.memory_space<semaphore_mem>>) src(%dma_wait3A_190 : memref<1000000x128xf32, #tpu.memory_space<hbm>>) dst(%dma_wait3A_184 : memref<128x128xf32, #tpu.memory_space<vmem>>)
    %dma_wait3A_191 = arith.constant 0 : i32
    %dma_wait3A_192 = arith.constant 128 : i32
    %dma_wait3A_193 = arith.constant 0 : i32
    %dma_wait3A_194 = tpu.memref_slice %arg7[%dma_wait3A_192, %dma_wait3A_193] : memref<256x128xf32, #tpu.memory_space<vmem>> -> memref<128x128xf32, #tpu.memory_space<vmem>>
    %dma_wait3A_195 = arith.constant 0 : i32
    %dma_wait3A_196 = tpu.memref_slice %arg5[%dma_wait3A_191, %dma_wait3A_195] : memref<50x128xi32, #tpu.memory_space<vmem>> -> memref<1x128xi32, #tpu.memory_space<vmem>>
    %dma_wait3A_197 = tpu.memref_squeeze %dma_wait3A_196 : memref<1x128xi32, #tpu.memory_space<vmem>> -> memref<128xi32, #tpu.memory_space<vmem>>
    %dma_wait3A_198 = arith.constant 0 : i32
    %dma_wait3A_199 = arith.constant 0 : i32
    %dma_wait3A_200 = tpu.memref_slice %arg2[%dma_wait3A_198, %dma_wait3A_199] : memref<1000000x128xf32, #tpu.memory_space<hbm>> -> memref<1000000x128xf32, #tpu.memory_space<hbm>>
    tpu.wait_indirect_dma semaphore(%arg10 : memref<!tpu.dma_semaphore, #tpu.memory_space<semaphore_mem>>) src(%dma_wait3A_200 : memref<1000000x128xf32, #tpu.memory_space<hbm>>) dst(%dma_wait3A_194 : memref<128x128xf32, #tpu.memory_space<vmem>>)
    %dma_wait3A_201 = arith.constant 0 : i32
    %dma_wait3A_202 = tpu.memref_slice %arg4[%mul3A_4, %dma_wait3A_201] : memref<204800x128xf32, #tpu.memory_space<hbm>> -> memref<256x128xf32, #tpu.memory_space<hbm>>
    %dma_wait3A_203 = arith.constant 0 : i32
    %dma_wait3A_204 = tpu.memref_slice %arg4[%mul3A_4, %dma_wait3A_203] : memref<204800x128xf32, #tpu.memory_space<hbm>> -> memref<256x128xf32, #tpu.memory_space<hbm>>
    tpu.wait_dma2 semaphore(%arg12 : memref<!tpu.dma_semaphore, #tpu.memory_space<semaphore_mem>>) src(%arg6 : memref<256x128xf32, #tpu.memory_space<vmem>>) dst(%dma_wait3A_204 : memref<256x128xf32, #tpu.memory_space<hbm>>)
    %dma_start3A_205 = arith.constant 48 : i32
    %dma_start3A_206 = arith.constant 0 : i32
    %dma_start3A_207 = arith.constant 0 : i32
    %dma_start3A_208 = tpu.memref_slice %arg6[%dma_start3A_206, %dma_start3A_207] : memref<256x128xf32, #tpu.memory_space<vmem>> -> memref<128x128xf32, #tpu.memory_space<vmem>>
    %dma_start3A_209 = arith.constant 0 : i32
    %dma_start3A_210 = tpu.memref_slice %arg5[%dma_start3A_205, %dma_start3A_209] : memref<50x128xi32, #tpu.memory_space<vmem>> -> memref<1x128xi32, #tpu.memory_space<vmem>>
    %dma_start3A_211 = tpu.memref_squeeze %dma_start3A_210 : memref<1x128xi32, #tpu.memory_space<vmem>> -> memref<128xi32, #tpu.memory_space<vmem>>
    %dma_start3A_212 = arith.constant 0 : i32
    %dma_start3A_213 = arith.constant 0 : i32
    %dma_start3A_214 = tpu.memref_slice %arg2[%dma_start3A_212, %dma_start3A_213] : memref<1000000x128xf32, #tpu.memory_space<hbm>> -> memref<1000000x128xf32, #tpu.memory_space<hbm>>
    tpu.enqueue_indirect_dma source(%dma_start3A_214 : memref<1000000x128xf32, #tpu.memory_space<hbm>>) target(%dma_start3A_208 : memref<128x128xf32, #tpu.memory_space<vmem>>) offsets(%dma_start3A_211 : memref<128xi32, #tpu.memory_space<vmem>>) semaphore(%arg9 : memref<!tpu.dma_semaphore, #tpu.memory_space<semaphore_mem>>)
    %dma_start3A_215 = arith.constant 49 : i32
    %dma_start3A_216 = arith.constant 128 : i32
    %dma_start3A_217 = arith.constant 0 : i32
    %dma_start3A_218 = tpu.memref_slice %arg6[%dma_start3A_216, %dma_start3A_217] : memref<256x128xf32, #tpu.memory_space<vmem>> -> memref<128x128xf32, #tpu.memory_space<vmem>>
    %dma_start3A_219 = arith.constant 0 : i32
    %dma_start3A_220 = tpu.memref_slice %arg5[%dma_start3A_215, %dma_start3A_219] : memref<50x128xi32, #tpu.memory_space<vmem>> -> memref<1x128xi32, #tpu.memory_space<vmem>>
    %dma_start3A_221 = tpu.memref_squeeze %dma_start3A_220 : memref<1x128xi32, #tpu.memory_space<vmem>> -> memref<128xi32, #tpu.memory_space<vmem>>
    %dma_start3A_222 = arith.constant 0 : i32
    %dma_start3A_223 = arith.constant 0 : i32
    %dma_start3A_224 = tpu.memref_slice %arg2[%dma_start3A_222, %dma_start3A_223] : memref<1000000x128xf32, #tpu.memory_space<hbm>> -> memref<1000000x128xf32, #tpu.memory_space<hbm>>
    tpu.enqueue_indirect_dma source(%dma_start3A_224 : memref<1000000x128xf32, #tpu.memory_space<hbm>>) target(%dma_start3A_218 : memref<128x128xf32, #tpu.memory_space<vmem>>) offsets(%dma_start3A_221 : memref<128xi32, #tpu.memory_space<vmem>>) semaphore(%arg9 : memref<!tpu.dma_semaphore, #tpu.memory_space<semaphore_mem>>)
    %get3A_225 = arith.constant 44 : i32
    %get3A_226 = arith.index_cast %get3A_225 : i32 to index
    %get3A_227 = arith.constant 0 : index
    %get3A_228 = tpu.vector_load %arg5[%get3A_226, %get3A_227] {strides = array<i32>} : memref<50x128xi32, #tpu.memory_space<vmem>>, vector<16xi32>,
    %get3A_229 = arith.constant 44 : i32
    %get3A_230 = arith.index_cast %get3A_229 : i32 to index
    %get3A_231 = arith.constant 16 : index
    %get3A_232 = tpu.vector_load %arg5[%get3A_230, %get3A_231] {strides = array<i32>} : memref<50x128xi32, #tpu.memory_space<vmem>>, vector<16xi32>,
    %min3A_233 = arith.minsi %get3A_228, %get3A_232 : vector<16xi32>
    %get3A_234 = arith.constant 44 : i32
    %get3A_235 = arith.index_cast %get3A_234 : i32 to index
    %get3A_236 = arith.constant 32 : index
    %get3A_237 = tpu.vector_load %arg5[%get3A_235, %get3A_236] {strides = array<i32>} : memref<50x128xi32, #tpu.memory_space<vmem>>, vector<16xi32>,
    %min3A_238 = arith.minsi %min3A_233, %get3A_237 : vector<16xi32>
    %get3A_239 = arith.constant 44 : i32
    %get3A_240 = arith.index_cast %get3A_239 : i32 to index
    %get3A_241 = arith.constant 48 : index
    %get3A_242 = tpu.vector_load %arg5[%get3A_240, %get3A_241] {strides = array<i32>} : memref<50x128xi32, #tpu.memory_space<vmem>>, vector<16xi32>,
    %min3A_243 = arith.minsi %min3A_238, %get3A_242 : vector<16xi32>
    %get3A_244 = arith.constant 44 : i32
    %get3A_245 = arith.index_cast %get3A_244 : i32 to index
    %get3A_246 = arith.constant 64 : index
    %get3A_247 = tpu.vector_load %arg5[%get3A_245, %get3A_246] {strides = array<i32>} : memref<50x128xi32, #tpu.memory_space<vmem>>, vector<16xi32>,
    %min3A_248 = arith.minsi %min3A_243, %get3A_247 : vector<16xi32>
    %get3A_249 = arith.constant 44 : i32
    %get3A_250 = arith.index_cast %get3A_249 : i32 to index
    %get3A_251 = arith.constant 80 : index
    %get3A_252 = tpu.vector_load %arg5[%get3A_250, %get3A_251] {strides = array<i32>} : memref<50x128xi32, #tpu.memory_space<vmem>>, vector<16xi32>,
    %min3A_253 = arith.minsi %min3A_248, %get3A_252 : vector<16xi32>
    %get3A_254 = arith.constant 44 : i32
    %get3A_255 = arith.index_cast %get3A_254 : i32 to index
    %get3A_256 = arith.constant 96 : index
    %get3A_257 = tpu.vector_load %arg5[%get3A_255, %get3A_256] {strides = array<i32>} : memref<50x128xi32, #tpu.memory_space<vmem>>, vector<16xi32>,
    %min3A_258 = arith.minsi %min3A_253, %get3A_257 : vector<16xi32>
    %get3A_259 = arith.constant 44 : i32
    %get3A_260 = arith.index_cast %get3A_259 : i32 to index
    %get3A_261 = arith.constant 112 : index
    %get3A_262 = tpu.vector_load %arg5[%get3A_260, %get3A_261] {strides = array<i32>} : memref<50x128xi32, #tpu.memory_space<vmem>>, vector<16xi32>,
    %min3A_263 = arith.minsi %min3A_258, %get3A_262 : vector<16xi32>
    %get3A_264 = arith.constant 45 : i32
    %get3A_265 = arith.index_cast %get3A_264 : i32 to index
    %get3A_266 = arith.constant 0 : index
    %get3A_267 = tpu.vector_load %arg5[%get3A_265, %get3A_266] {strides = array<i32>} : memref<50x128xi32, #tpu.memory_space<vmem>>, vector<16xi32>,
    %min3A_268 = arith.minsi %min3A_263, %get3A_267 : vector<16xi32>
    %get3A_269 = arith.constant 45 : i32
    %get3A_270 = arith.index_cast %get3A_269 : i32 to index
    %get3A_271 = arith.constant 16 : index
    %get3A_272 = tpu.vector_load %arg5[%get3A_270, %get3A_271] {strides = array<i32>} : memref<50x128xi32, #tpu.memory_space<vmem>>, vector<16xi32>,
    %min3A_273 = arith.minsi %min3A_268, %get3A_272 : vector<16xi32>
    %get3A_274 = arith.constant 45 : i32
    %get3A_275 = arith.index_cast %get3A_274 : i32 to index
    %get3A_276 = arith.constant 32 : index
    %get3A_277 = tpu.vector_load %arg5[%get3A_275, %get3A_276] {strides = array<i32>} : memref<50x128xi32, #tpu.memory_space<vmem>>, vector<16xi32>,
    %min3A_278 = arith.minsi %min3A_273, %get3A_277 : vector<16xi32>
    %get3A_279 = arith.constant 45 : i32
    %get3A_280 = arith.index_cast %get3A_279 : i32 to index
    %get3A_281 = arith.constant 48 : index
    %get3A_282 = tpu.vector_load %arg5[%get3A_280, %get3A_281] {strides = array<i32>} : memref<50x128xi32, #tpu.memory_space<vmem>>, vector<16xi32>,
    %min3A_283 = arith.minsi %min3A_278, %get3A_282 : vector<16xi32>
    %get3A_284 = arith.constant 45 : i32
    %get3A_285 = arith.index_cast %get3A_284 : i32 to index
    %get3A_286 = arith.constant 64 : index
    %get3A_287 = tpu.vector_load %arg5[%get3A_285, %get3A_286] {strides = array<i32>} : memref<50x128xi32, #tpu.memory_space<vmem>>, vector<16xi32>,
    %min3A_288 = arith.minsi %min3A_283, %get3A_287 : vector<16xi32>
    %get3A_289 = arith.constant 45 : i32
    %get3A_290 = arith.index_cast %get3A_289 : i32 to index
    %get3A_291 = arith.constant 80 : index
    %get3A_292 = tpu.vector_load %arg5[%get3A_290, %get3A_291] {strides = array<i32>} : memref<50x128xi32, #tpu.memory_space<vmem>>, vector<16xi32>,
    %min3A_293 = arith.minsi %min3A_288, %get3A_292 : vector<16xi32>
    %get3A_294 = arith.constant 45 : i32
    %get3A_295 = arith.index_cast %get3A_294 : i32 to index
    %get3A_296 = arith.constant 96 : index
    %get3A_297 = tpu.vector_load %arg5[%get3A_295, %get3A_296] {strides = array<i32>} : memref<50x128xi32, #tpu.memory_space<vmem>>, vector<16xi32>,
    %min3A_298 = arith.minsi %min3A_293, %get3A_297 : vector<16xi32>
    %get3A_299 = arith.constant 45 : i32
    %get3A_300 = arith.index_cast %get3A_299 : i32 to index
    %get3A_301 = arith.constant 112 : index
    %get3A_302 = tpu.vector_load %arg5[%get3A_300, %get3A_301] {strides = array<i32>} : memref<50x128xi32, #tpu.memory_space<vmem>>, vector<16xi32>,
    %min3A_303 = arith.minsi %min3A_298, %get3A_302 : vector<16xi32>
    %reduce_min3A_304 = arith.constant true
    %reduce_min3A_305 = vector.broadcast %reduce_min3A_304 : i1 to vector<16xi1>
    %reduce_min3A_306 = arith.constant -2147483648 : i32
    %reduce_min3A_307 = vector.broadcast %reduce_min3A_306 : i32 to vector<16xi32>
    %reduce_min3A_308 = arith.xori %min3A_303, %reduce_min3A_307 : vector<16xi32>
    %reduce_min3A_309 = tpu.scan <min>, %reduce_min3A_308 masked %reduce_min3A_305 : vector<16xi32>, vector<16xi1> -> vector<16xi32>
    %reduce_min3A_310 = arith.xori %reduce_min3A_309, %reduce_min3A_307 : vector<16xi32>
    %reduce_min3A_311 = vector.extract %reduce_min3A_310[15] : i32 from vector<16xi32>
    %eq3A_312 = arith.constant 0 : i32
    %eq3A_313 = arith.cmpi eq, %reduce_min3A_311, %eq3A_312 : i32
    %parallel_loop3A_314 = arith.constant 0 : i32
    %parallel_loop3A_315 = arith.constant 256 : i32
    %parallel_loop3A_316 = arith.constant 1 : i32
    scf.for %parallel_loop3A_580 = %parallel_loop3A_314 to %parallel_loop3A_315 step %parallel_loop3A_316  : i32 {
      %parallel_loop3A_581 = arith.index_cast %parallel_loop3A_580 : i32 to index
      %parallel_loop3A_582 = arith.constant 0 : index
      %parallel_loop3A_583 = tpu.vector_load %arg7[%parallel_loop3A_581, %parallel_loop3A_582] {strides = array<i32>} : memref<256x128xf32, #tpu.memory_space<vmem>>, vector<16xf32>,
      %parallel_loop3A_584 = arith.constant 11.3137083 : f32
      %parallel_loop3A_585 = vector.broadcast %parallel_loop3A_584 : f32 to vector<16xf32>
      %parallel_loop3A_586 = arith.mulf %parallel_loop3A_583, %parallel_loop3A_585 : vector<16xf32>
      %parallel_loop3A_587 = arith.index_cast %parallel_loop3A_580 : i32 to index
      %parallel_loop3A_588 = arith.constant 0 : index
      %parallel_loop3A_589 = tpu.vector_load %arg7[%parallel_loop3A_587, %parallel_loop3A_588] {strides = array<i32>} : memref<256x128xf32, #tpu.memory_space<vmem>>, vector<16xf32>,
      tpu.vector_store %arg7[%parallel_loop3A_587, %parallel_loop3A_588], %parallel_loop3A_586 {strides = array<i32>} : memref<256x128xf32, #tpu.memory_space<vmem>>, vector<16xf32>,
      %parallel_loop3A_590 = arith.index_cast %parallel_loop3A_580 : i32 to index
      %parallel_loop3A_591 = arith.constant 16 : index
      %parallel_loop3A_592 = tpu.vector_load %arg7[%parallel_loop3A_590, %parallel_loop3A_591] {strides = array<i32>} : memref<256x128xf32, #tpu.memory_space<vmem>>, vector<16xf32>,
      %parallel_loop3A_593 = arith.constant 11.3137083 : f32
      %parallel_loop3A_594 = vector.broadcast %parallel_loop3A_593 : f32 to vector<16xf32>
      %parallel_loop3A_595 = arith.mulf %parallel_loop3A_592, %parallel_loop3A_594 : vector<16xf32>
      %parallel_loop3A_596 = arith.index_cast %parallel_loop3A_580 : i32 to index
      %parallel_loop3A_597 = arith.constant 16 : index
      %parallel_loop3A_598 = tpu.vector_load %arg7[%parallel_loop3A_596, %parallel_loop3A_597] {strides = array<i32>} : memref<256x128xf32, #tpu.memory_space<vmem>>, vector<16xf32>,
      tpu.vector_store %arg7[%parallel_loop3A_596, %parallel_loop3A_597], %parallel_loop3A_595 {strides = array<i32>} : memref<256x128xf32, #tpu.memory_space<vmem>>, vector<16xf32>,
      %parallel_loop3A_599 = arith.index_cast %parallel_loop3A_580 : i32 to index
      %parallel_loop3A_600 = arith.constant 32 : index
      %parallel_loop3A_601 = tpu.vector_load %arg7[%parallel_loop3A_599, %parallel_loop3A_600] {strides = array<i32>} : memref<256x128xf32, #tpu.memory_space<vmem>>, vector<16xf32>,
      %parallel_loop3A_602 = arith.constant 11.3137083 : f32
      %parallel_loop3A_603 = vector.broadcast %parallel_loop3A_602 : f32 to vector<16xf32>
      %parallel_loop3A_604 = arith.mulf %parallel_loop3A_601, %parallel_loop3A_603 : vector<16xf32>
      %parallel_loop3A_605 = arith.index_cast %parallel_loop3A_580 : i32 to index
      %parallel_loop3A_606 = arith.constant 32 : index
      %parallel_loop3A_607 = tpu.vector_load %arg7[%parallel_loop3A_605, %parallel_loop3A_606] {strides = array<i32>} : memref<256x128xf32, #tpu.memory_space<vmem>>, vector<16xf32>,
      tpu.vector_store %arg7[%parallel_loop3A_605, %parallel_loop3A_606], %parallel_loop3A_604 {strides = array<i32>} : memref<256x128xf32, #tpu.memory_space<vmem>>, vector<16xf32>,
      %parallel_loop3A_608 = arith.index_cast %parallel_loop3A_580 : i32 to index
      %parallel_loop3A_609 = arith.constant 48 : index
      %parallel_loop3A_610 = tpu.vector_load %arg7[%parallel_loop3A_608, %parallel_loop3A_609] {strides = array<i32>} : memref<256x128xf32, #tpu.memory_space<vmem>>, vector<16xf32>,
      %parallel_loop3A_611 = arith.constant 11.3137083 : f32
      %parallel_loop3A_612 = vector.broadcast %parallel_loop3A_611 : f32 to vector<16xf32>
      %parallel_loop3A_613 = arith.mulf %parallel_loop3A_610, %parallel_loop3A_612 : vector<16xf32>
      %parallel_loop3A_614 = arith.index_cast %parallel_loop3A_580 : i32 to index
      %parallel_loop3A_615 = arith.constant 48 : index
      %parallel_loop3A_616 = tpu.vector_load %arg7[%parallel_loop3A_614, %parallel_loop3A_615] {strides = array<i32>} : memref<256x128xf32, #tpu.memory_space<vmem>>, vector<16xf32>,
      tpu.vector_store %arg7[%parallel_loop3A_614, %parallel_loop3A_615], %parallel_loop3A_613 {strides = array<i32>} : memref<256x128xf32, #tpu.memory_space<vmem>>, vector<16xf32>,
      %parallel_loop3A_617 = arith.index_cast %parallel_loop3A_580 : i32 to index
      %parallel_loop3A_618 = arith.constant 64 : index
      %parallel_loop3A_619 = tpu.vector_load %arg7[%parallel_loop3A_617, %parallel_loop3A_618] {strides = array<i32>} : memref<256x128xf32, #tpu.memory_space<vmem>>, vector<16xf32>,
      %parallel_loop3A_620 = arith.constant 11.3137083 : f32
      %parallel_loop3A_621 = vector.broadcast %parallel_loop3A_620 : f32 to vector<16xf32>
      %parallel_loop3A_622 = arith.mulf %parallel_loop3A_619, %parallel_loop3A_621 : vector<16xf32>
      %parallel_loop3A_623 = arith.index_cast %parallel_loop3A_580 : i32 to index
      %parallel_loop3A_624 = arith.constant 64 : index
      %parallel_loop3A_625 = tpu.vector_load %arg7[%parallel_loop3A_623, %parallel_loop3A_624] {strides = array<i32>} : memref<256x128xf32, #tpu.memory_space<vmem>>, vector<16xf32>,
      tpu.vector_store %arg7[%parallel_loop3A_623, %parallel_loop3A_624], %parallel_loop3A_622 {strides = array<i32>} : memref<256x128xf32, #tpu.memory_space<vmem>>, vector<16xf32>,
      %parallel_loop3A_626 = arith.index_cast %parallel_loop3A_580 : i32 to index
      %parallel_loop3A_627 = arith.constant 80 : index
      %parallel_loop3A_628 = tpu.vector_load %arg7[%parallel_loop3A_626, %parallel_loop3A_627] {strides = array<i32>} : memref<256x128xf32, #tpu.memory_space<vmem>>, vector<16xf32>,
      %parallel_loop3A_629 = arith.constant 11.3137083 : f32
      %parallel_loop3A_630 = vector.broadcast %parallel_loop3A_629 : f32 to vector<16xf32>
      %parallel_loop3A_631 = arith.mulf %parallel_loop3A_628, %parallel_loop3A_630 : vector<16xf32>
      %parallel_loop3A_632 = arith.index_cast %parallel_loop3A_580 : i32 to index
      %parallel_loop3A_633 = arith.constant 80 : index
      %parallel_loop3A_634 = tpu.vector_load %arg7[%parallel_loop3A_632, %parallel_loop3A_633] {strides = array<i32>} : memref<256x128xf32, #tpu.memory_space<vmem>>, vector<16xf32>,
      tpu.vector_store %arg7[%parallel_loop3A_632, %parallel_loop3A_633], %parallel_loop3A_631 {strides = array<i32>} : memref<256x128xf32, #tpu.memory_space<vmem>>, vector<16xf32>,
      %parallel_loop3A_635 = arith.index_cast %parallel_loop3A_580 : i32 to index
      %parallel_loop3A_636 = arith.constant 96 : index
      %parallel_loop3A_637 = tpu.vector_load %arg7[%parallel_loop3A_635, %parallel_loop3A_636] {strides = array<i32>} : memref<256x128xf32, #tpu.memory_space<vmem>>, vector<16xf32>,
      %parallel_loop3A_638 = arith.constant 11.3137083 : f32
      %parallel_loop3A_639 = vector.broadcast %parallel_loop3A_638 : f32 to vector<16xf32>
      %parallel_loop3A_640 = arith.mulf %parallel_loop3A_637, %parallel_loop3A_639 : vector<16xf32>
      %parallel_loop3A_641 = arith.index_cast %parallel_loop3A_580 : i32 to index
      %parallel_loop3A_642 = arith.constant 96 : index
      %parallel_loop3A_643 = tpu.vector_load %arg7[%parallel_loop3A_641, %parallel_loop3A_642] {strides = array<i32>} : memref<256x128xf32, #tpu.memory_space<vmem>>, vector<16xf32>,
      tpu.vector_store %arg7[%parallel_loop3A_641, %parallel_loop3A_642], %parallel_loop3A_640 {strides = array<i32>} : memref<256x128xf32, #tpu.memory_space<vmem>>, vector<16xf32>,
      %parallel_loop3A_644 = arith.index_cast %parallel_loop3A_580 : i32 to index
      %parallel_loop3A_645 = arith.constant 112 : index
      %parallel_loop3A_646 = tpu.vector_load %arg7[%parallel_loop3A_644, %parallel_loop3A_645] {strides = array<i32>} : memref<256x128xf32, #tpu.memory_space<vmem>>, vector<16xf32>,
      %parallel_loop3A_647 = arith.constant 11.3137083 : f32
      %parallel_loop3A_648 = vector.broadcast %parallel_loop3A_647 : f32 to vector<16xf32>
      %parallel_loop3A_649 = arith.mulf %parallel_loop3A_646, %parallel_loop3A_648 : vector<16xf32>
      %parallel_loop3A_650 = arith.index_cast %parallel_loop3A_580 : i32 to index
      %parallel_loop3A_651 = arith.constant 112 : index
      %parallel_loop3A_652 = tpu.vector_load %arg7[%parallel_loop3A_650, %parallel_loop3A_651] {strides = array<i32>} : memref<256x128xf32, #tpu.memory_space<vmem>>, vector<16xf32>,
      tpu.vector_store %arg7[%parallel_loop3A_650, %parallel_loop3A_651], %parallel_loop3A_649 {strides = array<i32>} : memref<256x128xf32, #tpu.memory_space<vmem>>, vector<16xf32>,
    } {sc.loop_unroll_factor = 4 : i64, sc.parallel_access}
    %convert_element_type3A_317 = arith.extui %eq3A_313 : i1 to i32
    %cond3A_318 = arith.constant 0 : i32
    %cond3A_319 = arith.cmpi ne, %convert_element_type3A_317, %cond3A_318 : i32
    scf.if %cond3A_319 {
      %scan3A_580 = arith.constant 0 : i32
      %scan3A_581 = arith.constant 256 : i32
      %scan3A_582 = arith.addi %scan3A_580, %scan3A_581 : i32
      %scan3A_583 = arith.constant 1 : i32
      scf.for %scan3A_585 = %scan3A_580 to %scan3A_582 step %scan3A_583  : i32 {
        %mul3A_586 = arith.constant 1 : i32
        %mul3A_587 = arith.muli %scan3A_585, %mul3A_586 : i32
        %add3A_588 = arith.constant 0 : i32
        %add3A_589 = arith.addi %add3A_588, %mul3A_587 : i32
        %jit3A = arith.constant 128 : i32
        %div3A = arith.divsi %add3A_589, %jit3A : i32
        %sign3A = arith.constant 0 : i32
        %sign3A_590 = arith.cmpi sgt, %add3A_589, %sign3A : i32
        %sign3A_591 = arith.extui %sign3A_590 : i1 to i32
        %sign3A_592 = arith.constant 0 : i32
        %sign3A_593 = arith.cmpi slt, %add3A_589, %sign3A_592 : i32
        %sign3A_594 = arith.extui %sign3A_593 : i1 to i32
        %sign3A_595 = arith.subi %sign3A_591, %sign3A_594 : i32
        %sign3A_596 = arith.constant 0 : i32
        %sign3A_597 = arith.cmpi sgt, %jit3A, %sign3A_596 : i32
        %sign3A_598 = arith.extui %sign3A_597 : i1 to i32
        %sign3A_599 = arith.constant 0 : i32
        %sign3A_600 = arith.cmpi slt, %jit3A, %sign3A_599 : i32
        %sign3A_601 = arith.extui %sign3A_600 : i1 to i32
        %sign3A_602 = arith.subi %sign3A_598, %sign3A_601 : i32
        %ne3A = arith.cmpi ne, %sign3A_595, %sign3A_602 : i32
        %rem3A = arith.remsi %add3A_589, %jit3A : i32
        %ne3A_603 = arith.constant 0 : i32
        %ne3A_604 = arith.cmpi ne, %rem3A, %ne3A_603 : i32
        %and3A = arith.andi %ne3A, %ne3A_604 : i1
        %sub3A = arith.constant 1 : i32
        %sub3A_605 = arith.subi %div3A, %sub3A : i32
        %select_n3A = arith.select %and3A, %sub3A_605, %div3A : i32
        %add3A_606 = arith.constant 44 : i32
        %add3A_607 = arith.addi %add3A_606, %select_n3A : i32
        %broadcast_in_dim3A = vector.broadcast %add3A_607 : i32 to vector<16xi32>
        %jit3A_608 = arith.constant 128 : i32
        %eq3A_609 = arith.constant 0 : i32
        %eq3A_610 = arith.cmpi eq, %jit3A_608, %eq3A_609 : i32
        %jit3A_611 = arith.constant 1 : i32
        %select_n3A_612 = arith.select %eq3A_610, %jit3A_611, %jit3A_608 : i32
        %rem3A_613 = arith.remsi %add3A_589, %select_n3A_612 : i32
        %ne3A_614 = arith.constant 0 : i32
        %ne3A_615 = arith.cmpi ne, %rem3A_613, %ne3A_614 : i32
        %lt3A = arith.constant 0 : i32
        %lt3A_616 = arith.cmpi slt, %rem3A_613, %lt3A : i32
        %lt3A_617 = arith.constant 0 : i32
        %lt3A_618 = arith.cmpi slt, %select_n3A_612, %lt3A_617 : i32
        %ne3A_619 = arith.xori %lt3A_616, %lt3A_618 : i1
        %and3A_620 = arith.andi %ne3A_619, %ne3A_615 : i1
        %add3A_621 = arith.addi %rem3A_613, %select_n3A_612 : i32
        %select_n3A_622 = arith.select %and3A_620, %add3A_621, %rem3A_613 : i32
        %broadcast_in_dim3A_623 = vector.broadcast %select_n3A_622 : i32 to vector<16xi32>
        %gather3A = tpu.vector_load_idx %arg5[%broadcast_in_dim3A, %broadcast_in_dim3A_623] : memref<50x128xi32, #tpu.memory_space<vmem>>[vector<16xi32>, vector<16xi32>], vector<16xi32>,
        %ne3A_624 = arith.constant 0 : i32
        %ne3A_625 = vector.broadcast %ne3A_624 : i32 to vector<16xi32>
        %ne3A_626 = arith.cmpi ne, %gather3A, %ne3A_625 : vector<16xi32>
        %jit3A_627 = arith.constant 1.000000e+00 : f32
        %jit3A_628 = arith.constant 0.000000e+00 : f32
        %broadcast_in_dim3A_629 = vector.broadcast %jit3A_627 : f32 to vector<16xf32>
        %broadcast_in_dim3A_630 = vector.broadcast %jit3A_628 : f32 to vector<16xf32>
        %select_n3A_631 = arith.select %ne3A_626, %broadcast_in_dim3A_629, %broadcast_in_dim3A_630 : vector<16xi1>, vector<16xf32>
        %get3A_632 = arith.index_cast %add3A_589 : i32 to index
        %get3A_633 = arith.constant 0 : index
        %get3A_634 = tpu.vector_load %arg7[%get3A_632, %get3A_633] {strides = array<i32>} : memref<256x128xf32, #tpu.memory_space<vmem>>, vector<16xf32>,
        %mul3A_635 = arith.mulf %get3A_634, %select_n3A_631 : vector<16xf32>
        %swap3A = arith.index_cast %add3A_589 : i32 to index
        %swap3A_636 = arith.constant 0 : index
        %swap3A_637 = tpu.vector_load %arg7[%swap3A, %swap3A_636] {strides = array<i32>} : memref<256x128xf32, #tpu.memory_space<vmem>>, vector<16xf32>,
        tpu.vector_store %arg7[%swap3A, %swap3A_636], %mul3A_635 {strides = array<i32>} : memref<256x128xf32, #tpu.memory_space<vmem>>, vector<16xf32>,
        %get3A_638 = arith.index_cast %add3A_589 : i32 to index
        %get3A_639 = arith.constant 16 : index
        %get3A_640 = tpu.vector_load %arg7[%get3A_638, %get3A_639] {strides = array<i32>} : memref<256x128xf32, #tpu.memory_space<vmem>>, vector<16xf32>,
        %mul3A_641 = arith.mulf %get3A_640, %select_n3A_631 : vector<16xf32>
        %swap3A_642 = arith.index_cast %add3A_589 : i32 to index
        %swap3A_643 = arith.constant 16 : index
        %swap3A_644 = tpu.vector_load %arg7[%swap3A_642, %swap3A_643] {strides = array<i32>} : memref<256x128xf32, #tpu.memory_space<vmem>>, vector<16xf32>,
        tpu.vector_store %arg7[%swap3A_642, %swap3A_643], %mul3A_641 {strides = array<i32>} : memref<256x128xf32, #tpu.memory_space<vmem>>, vector<16xf32>,
        %get3A_645 = arith.index_cast %add3A_589 : i32 to index
        %get3A_646 = arith.constant 32 : index
        %get3A_647 = tpu.vector_load %arg7[%get3A_645, %get3A_646] {strides = array<i32>} : memref<256x128xf32, #tpu.memory_space<vmem>>, vector<16xf32>,
        %mul3A_648 = arith.mulf %get3A_647, %select_n3A_631 : vector<16xf32>
        %swap3A_649 = arith.index_cast %add3A_589 : i32 to index
        %swap3A_650 = arith.constant 32 : index
        %swap3A_651 = tpu.vector_load %arg7[%swap3A_649, %swap3A_650] {strides = array<i32>} : memref<256x128xf32, #tpu.memory_space<vmem>>, vector<16xf32>,
        tpu.vector_store %arg7[%swap3A_649, %swap3A_650], %mul3A_648 {strides = array<i32>} : memref<256x128xf32, #tpu.memory_space<vmem>>, vector<16xf32>,
        %get3A_652 = arith.index_cast %add3A_589 : i32 to index
        %get3A_653 = arith.constant 48 : index
        %get3A_654 = tpu.vector_load %arg7[%get3A_652, %get3A_653] {strides = array<i32>} : memref<256x128xf32, #tpu.memory_space<vmem>>, vector<16xf32>,
        %mul3A_655 = arith.mulf %get3A_654, %select_n3A_631 : vector<16xf32>
        %swap3A_656 = arith.index_cast %add3A_589 : i32 to index
        %swap3A_657 = arith.constant 48 : index
        %swap3A_658 = tpu.vector_load %arg7[%swap3A_656, %swap3A_657] {strides = array<i32>} : memref<256x128xf32, #tpu.memory_space<vmem>>, vector<16xf32>,
        tpu.vector_store %arg7[%swap3A_656, %swap3A_657], %mul3A_655 {strides = array<i32>} : memref<256x128xf32, #tpu.memory_space<vmem>>, vector<16xf32>,
        %get3A_659 = arith.index_cast %add3A_589 : i32 to index
        %get3A_660 = arith.constant 64 : index
        %get3A_661 = tpu.vector_load %arg7[%get3A_659, %get3A_660] {strides = array<i32>} : memref<256x128xf32, #tpu.memory_space<vmem>>, vector<16xf32>,
        %mul3A_662 = arith.mulf %get3A_661, %select_n3A_631 : vector<16xf32>
        %swap3A_663 = arith.index_cast %add3A_589 : i32 to index
        %swap3A_664 = arith.constant 64 : index
        %swap3A_665 = tpu.vector_load %arg7[%swap3A_663, %swap3A_664] {strides = array<i32>} : memref<256x128xf32, #tpu.memory_space<vmem>>, vector<16xf32>,
        tpu.vector_store %arg7[%swap3A_663, %swap3A_664], %mul3A_662 {strides = array<i32>} : memref<256x128xf32, #tpu.memory_space<vmem>>, vector<16xf32>,
        %get3A_666 = arith.index_cast %add3A_589 : i32 to index
        %get3A_667 = arith.constant 80 : index
        %get3A_668 = tpu.vector_load %arg7[%get3A_666, %get3A_667] {strides = array<i32>} : memref<256x128xf32, #tpu.memory_space<vmem>>, vector<16xf32>,
        %mul3A_669 = arith.mulf %get3A_668, %select_n3A_631 : vector<16xf32>
        %swap3A_670 = arith.index_cast %add3A_589 : i32 to index
        %swap3A_671 = arith.constant 80 : index
        %swap3A_672 = tpu.vector_load %arg7[%swap3A_670, %swap3A_671] {strides = array<i32>} : memref<256x128xf32, #tpu.memory_space<vmem>>, vector<16xf32>,
        tpu.vector_store %arg7[%swap3A_670, %swap3A_671], %mul3A_669 {strides = array<i32>} : memref<256x128xf32, #tpu.memory_space<vmem>>, vector<16xf32>,
        %get3A_673 = arith.index_cast %add3A_589 : i32 to index
        %get3A_674 = arith.constant 96 : index
        %get3A_675 = tpu.vector_load %arg7[%get3A_673, %get3A_674] {strides = array<i32>} : memref<256x128xf32, #tpu.memory_space<vmem>>, vector<16xf32>,
        %mul3A_676 = arith.mulf %get3A_675, %select_n3A_631 : vector<16xf32>
        %swap3A_677 = arith.index_cast %add3A_589 : i32 to index
        %swap3A_678 = arith.constant 96 : index
        %swap3A_679 = tpu.vector_load %arg7[%swap3A_677, %swap3A_678] {strides = array<i32>} : memref<256x128xf32, #tpu.memory_space<vmem>>, vector<16xf32>,
        tpu.vector_store %arg7[%swap3A_677, %swap3A_678], %mul3A_676 {strides = array<i32>} : memref<256x128xf32, #tpu.memory_space<vmem>>, vector<16xf32>,
        %get3A_680 = arith.index_cast %add3A_589 : i32 to index
        %get3A_681 = arith.constant 112 : index
        %get3A_682 = tpu.vector_load %arg7[%get3A_680, %get3A_681] {strides = array<i32>} : memref<256x128xf32, #tpu.memory_space<vmem>>, vector<16xf32>,
        %mul3A_683 = arith.mulf %get3A_682, %select_n3A_631 : vector<16xf32>
        %swap3A_684 = arith.index_cast %add3A_589 : i32 to index
        %swap3A_685 = arith.constant 112 : index
        %swap3A_686 = tpu.vector_load %arg7[%swap3A_684, %swap3A_685] {strides = array<i32>} : memref<256x128xf32, #tpu.memory_space<vmem>>, vector<16xf32>,
        tpu.vector_store %arg7[%swap3A_684, %swap3A_685], %mul3A_683 {strides = array<i32>} : memref<256x128xf32, #tpu.memory_space<vmem>>, vector<16xf32>,
      }
      %scan3A_584 = arith.constant 256 : i32
    } else {
    }
    %add3A_320 = arith.constant 5632 : i32
    %add3A_321 = arith.addi %mul3A_4, %add3A_320 : i32
    %dma_start3A_322 = arith.constant 0 : i32
    %dma_start3A_323 = tpu.memref_slice %arg4[%add3A_321, %dma_start3A_322] : memref<204800x128xf32, #tpu.memory_space<hbm>> -> memref<256x128xf32, #tpu.memory_space<hbm>>
    %dma_start3A_324 = arith.constant 0 : i32
    %dma_start3A_325 = tpu.memref_slice %arg4[%add3A_321, %dma_start3A_324] : memref<204800x128xf32, #tpu.memory_space<hbm>> -> memref<256x128xf32, #tpu.memory_space<hbm>>
    tpu.enqueue_dma source(%arg7 : memref<256x128xf32, #tpu.memory_space<vmem>>) target(%dma_start3A_325 : memref<256x128xf32, #tpu.memory_space<hbm>>) target_semaphore(%arg13 : memref<!tpu.dma_semaphore, #tpu.memory_space<semaphore_mem>>)
    %dma_wait3A_326 = arith.constant 0 : i32
    %dma_wait3A_327 = arith.constant 0 : i32
    %dma_wait3A_328 = arith.constant 0 : i32
    %dma_wait3A_329 = tpu.memref_slice %arg8[%dma_wait3A_327, %dma_wait3A_328] : memref<256x128xf32, #tpu.memory_space<vmem>> -> memref<128x128xf32, #tpu.memory_space<vmem>>
    %dma_wait3A_330 = arith.constant 0 : i32
    %dma_wait3A_331 = tpu.memref_slice %arg5[%dma_wait3A_326, %dma_wait3A_330] : memref<50x128xi32, #tpu.memory_space<vmem>> -> memref<1x128xi32, #tpu.memory_space<vmem>>
    %dma_wait3A_332 = tpu.memref_squeeze %dma_wait3A_331 : memref<1x128xi32, #tpu.memory_space<vmem>> -> memref<128xi32, #tpu.memory_space<vmem>>
    %dma_wait3A_333 = arith.constant 0 : i32
    %dma_wait3A_334 = arith.constant 0 : i32
    %dma_wait3A_335 = tpu.memref_slice %arg2[%dma_wait3A_333, %dma_wait3A_334] : memref<1000000x128xf32, #tpu.memory_space<hbm>> -> memref<1000000x128xf32, #tpu.memory_space<hbm>>
    tpu.wait_indirect_dma semaphore(%arg11 : memref<!tpu.dma_semaphore, #tpu.memory_space<semaphore_mem>>) src(%dma_wait3A_335 : memref<1000000x128xf32, #tpu.memory_space<hbm>>) dst(%dma_wait3A_329 : memref<128x128xf32, #tpu.memory_space<vmem>>)
    %dma_wait3A_336 = arith.constant 0 : i32
    %dma_wait3A_337 = arith.constant 128 : i32
    %dma_wait3A_338 = arith.constant 0 : i32
    %dma_wait3A_339 = tpu.memref_slice %arg8[%dma_wait3A_337, %dma_wait3A_338] : memref<256x128xf32, #tpu.memory_space<vmem>> -> memref<128x128xf32, #tpu.memory_space<vmem>>
    %dma_wait3A_340 = arith.constant 0 : i32
    %dma_wait3A_341 = tpu.memref_slice %arg5[%dma_wait3A_336, %dma_wait3A_340] : memref<50x128xi32, #tpu.memory_space<vmem>> -> memref<1x128xi32, #tpu.memory_space<vmem>>
    %dma_wait3A_342 = tpu.memref_squeeze %dma_wait3A_341 : memref<1x128xi32, #tpu.memory_space<vmem>> -> memref<128xi32, #tpu.memory_space<vmem>>
    %dma_wait3A_343 = arith.constant 0 : i32
    %dma_wait3A_344 = arith.constant 0 : i32
    %dma_wait3A_345 = tpu.memref_slice %arg2[%dma_wait3A_343, %dma_wait3A_344] : memref<1000000x128xf32, #tpu.memory_space<hbm>> -> memref<1000000x128xf32, #tpu.memory_space<hbm>>
    tpu.wait_indirect_dma semaphore(%arg11 : memref<!tpu.dma_semaphore, #tpu.memory_space<semaphore_mem>>) src(%dma_wait3A_345 : memref<1000000x128xf32, #tpu.memory_space<hbm>>) dst(%dma_wait3A_339 : memref<128x128xf32, #tpu.memory_space<vmem>>)
    %get3A_346 = arith.constant 46 : i32
    %get3A_347 = arith.index_cast %get3A_346 : i32 to index
    %get3A_348 = arith.constant 0 : index
    %get3A_349 = tpu.vector_load %arg5[%get3A_347, %get3A_348] {strides = array<i32>} : memref<50x128xi32, #tpu.memory_space<vmem>>, vector<16xi32>,
    %get3A_350 = arith.constant 46 : i32
    %get3A_351 = arith.index_cast %get3A_350 : i32 to index
    %get3A_352 = arith.constant 16 : index
    %get3A_353 = tpu.vector_load %arg5[%get3A_351, %get3A_352] {strides = array<i32>} : memref<50x128xi32, #tpu.memory_space<vmem>>, vector<16xi32>,
    %min3A_354 = arith.minsi %get3A_349, %get3A_353 : vector<16xi32>
    %get3A_355 = arith.constant 46 : i32
    %get3A_356 = arith.index_cast %get3A_355 : i32 to index
    %get3A_357 = arith.constant 32 : index
    %get3A_358 = tpu.vector_load %arg5[%get3A_356, %get3A_357] {strides = array<i32>} : memref<50x128xi32, #tpu.memory_space<vmem>>, vector<16xi32>,
    %min3A_359 = arith.minsi %min3A_354, %get3A_358 : vector<16xi32>
    %get3A_360 = arith.constant 46 : i32
    %get3A_361 = arith.index_cast %get3A_360 : i32 to index
    %get3A_362 = arith.constant 48 : index
    %get3A_363 = tpu.vector_load %arg5[%get3A_361, %get3A_362] {strides = array<i32>} : memref<50x128xi32, #tpu.memory_space<vmem>>, vector<16xi32>,
    %min3A_364 = arith.minsi %min3A_359, %get3A_363 : vector<16xi32>
    %get3A_365 = arith.constant 46 : i32
    %get3A_366 = arith.index_cast %get3A_365 : i32 to index
    %get3A_367 = arith.constant 64 : index
    %get3A_368 = tpu.vector_load %arg5[%get3A_366, %get3A_367] {strides = array<i32>} : memref<50x128xi32, #tpu.memory_space<vmem>>, vector<16xi32>,
    %min3A_369 = arith.minsi %min3A_364, %get3A_368 : vector<16xi32>
    %get3A_370 = arith.constant 46 : i32
    %get3A_371 = arith.index_cast %get3A_370 : i32 to index
    %get3A_372 = arith.constant 80 : index
    %get3A_373 = tpu.vector_load %arg5[%get3A_371, %get3A_372] {strides = array<i32>} : memref<50x128xi32, #tpu.memory_space<vmem>>, vector<16xi32>,
    %min3A_374 = arith.minsi %min3A_369, %get3A_373 : vector<16xi32>
    %get3A_375 = arith.constant 46 : i32
    %get3A_376 = arith.index_cast %get3A_375 : i32 to index
    %get3A_377 = arith.constant 96 : index
    %get3A_378 = tpu.vector_load %arg5[%get3A_376, %get3A_377] {strides = array<i32>} : memref<50x128xi32, #tpu.memory_space<vmem>>, vector<16xi32>,
    %min3A_379 = arith.minsi %min3A_374, %get3A_378 : vector<16xi32>
    %get3A_380 = arith.constant 46 : i32
    %get3A_381 = arith.index_cast %get3A_380 : i32 to index
    %get3A_382 = arith.constant 112 : index
    %get3A_383 = tpu.vector_load %arg5[%get3A_381, %get3A_382] {strides = array<i32>} : memref<50x128xi32, #tpu.memory_space<vmem>>, vector<16xi32>,
    %min3A_384 = arith.minsi %min3A_379, %get3A_383 : vector<16xi32>
    %get3A_385 = arith.constant 47 : i32
    %get3A_386 = arith.index_cast %get3A_385 : i32 to index
    %get3A_387 = arith.constant 0 : index
    %get3A_388 = tpu.vector_load %arg5[%get3A_386, %get3A_387] {strides = array<i32>} : memref<50x128xi32, #tpu.memory_space<vmem>>, vector<16xi32>,
    %min3A_389 = arith.minsi %min3A_384, %get3A_388 : vector<16xi32>
    %get3A_390 = arith.constant 47 : i32
    %get3A_391 = arith.index_cast %get3A_390 : i32 to index
    %get3A_392 = arith.constant 16 : index
    %get3A_393 = tpu.vector_load %arg5[%get3A_391, %get3A_392] {strides = array<i32>} : memref<50x128xi32, #tpu.memory_space<vmem>>, vector<16xi32>,
    %min3A_394 = arith.minsi %min3A_389, %get3A_393 : vector<16xi32>
    %get3A_395 = arith.constant 47 : i32
    %get3A_396 = arith.index_cast %get3A_395 : i32 to index
    %get3A_397 = arith.constant 32 : index
    %get3A_398 = tpu.vector_load %arg5[%get3A_396, %get3A_397] {strides = array<i32>} : memref<50x128xi32, #tpu.memory_space<vmem>>, vector<16xi32>,
    %min3A_399 = arith.minsi %min3A_394, %get3A_398 : vector<16xi32>
    %get3A_400 = arith.constant 47 : i32
    %get3A_401 = arith.index_cast %get3A_400 : i32 to index
    %get3A_402 = arith.constant 48 : index
    %get3A_403 = tpu.vector_load %arg5[%get3A_401, %get3A_402] {strides = array<i32>} : memref<50x128xi32, #tpu.memory_space<vmem>>, vector<16xi32>,
    %min3A_404 = arith.minsi %min3A_399, %get3A_403 : vector<16xi32>
    %get3A_405 = arith.constant 47 : i32
    %get3A_406 = arith.index_cast %get3A_405 : i32 to index
    %get3A_407 = arith.constant 64 : index
    %get3A_408 = tpu.vector_load %arg5[%get3A_406, %get3A_407] {strides = array<i32>} : memref<50x128xi32, #tpu.memory_space<vmem>>, vector<16xi32>,
    %min3A_409 = arith.minsi %min3A_404, %get3A_408 : vector<16xi32>
    %get3A_410 = arith.constant 47 : i32
    %get3A_411 = arith.index_cast %get3A_410 : i32 to index
    %get3A_412 = arith.constant 80 : index
    %get3A_413 = tpu.vector_load %arg5[%get3A_411, %get3A_412] {strides = array<i32>} : memref<50x128xi32, #tpu.memory_space<vmem>>, vector<16xi32>,
    %min3A_414 = arith.minsi %min3A_409, %get3A_413 : vector<16xi32>
    %get3A_415 = arith.constant 47 : i32
    %get3A_416 = arith.index_cast %get3A_415 : i32 to index
    %get3A_417 = arith.constant 96 : index
    %get3A_418 = tpu.vector_load %arg5[%get3A_416, %get3A_417] {strides = array<i32>} : memref<50x128xi32, #tpu.memory_space<vmem>>, vector<16xi32>,
    %min3A_419 = arith.minsi %min3A_414, %get3A_418 : vector<16xi32>
    %get3A_420 = arith.constant 47 : i32
    %get3A_421 = arith.index_cast %get3A_420 : i32 to index
    %get3A_422 = arith.constant 112 : index
    %get3A_423 = tpu.vector_load %arg5[%get3A_421, %get3A_422] {strides = array<i32>} : memref<50x128xi32, #tpu.memory_space<vmem>>, vector<16xi32>,
    %min3A_424 = arith.minsi %min3A_419, %get3A_423 : vector<16xi32>
    %reduce_min3A_425 = arith.constant true
    %reduce_min3A_426 = vector.broadcast %reduce_min3A_425 : i1 to vector<16xi1>
    %reduce_min3A_427 = arith.constant -2147483648 : i32
    %reduce_min3A_428 = vector.broadcast %reduce_min3A_427 : i32 to vector<16xi32>
    %reduce_min3A_429 = arith.xori %min3A_424, %reduce_min3A_428 : vector<16xi32>
    %reduce_min3A_430 = tpu.scan <min>, %reduce_min3A_429 masked %reduce_min3A_426 : vector<16xi32>, vector<16xi1> -> vector<16xi32>
    %reduce_min3A_431 = arith.xori %reduce_min3A_430, %reduce_min3A_428 : vector<16xi32>
    %reduce_min3A_432 = vector.extract %reduce_min3A_431[15] : i32 from vector<16xi32>
    %eq3A_433 = arith.constant 0 : i32
    %eq3A_434 = arith.cmpi eq, %reduce_min3A_432, %eq3A_433 : i32
    %parallel_loop3A_435 = arith.constant 0 : i32
    %parallel_loop3A_436 = arith.constant 256 : i32
    %parallel_loop3A_437 = arith.constant 1 : i32
    scf.for %parallel_loop3A_580 = %parallel_loop3A_435 to %parallel_loop3A_436 step %parallel_loop3A_437  : i32 {
      %parallel_loop3A_581 = arith.index_cast %parallel_loop3A_580 : i32 to index
      %parallel_loop3A_582 = arith.constant 0 : index
      %parallel_loop3A_583 = tpu.vector_load %arg8[%parallel_loop3A_581, %parallel_loop3A_582] {strides = array<i32>} : memref<256x128xf32, #tpu.memory_space<vmem>>, vector<16xf32>,
      %parallel_loop3A_584 = arith.constant 11.3137083 : f32
      %parallel_loop3A_585 = vector.broadcast %parallel_loop3A_584 : f32 to vector<16xf32>
      %parallel_loop3A_586 = arith.mulf %parallel_loop3A_583, %parallel_loop3A_585 : vector<16xf32>
      %parallel_loop3A_587 = arith.index_cast %parallel_loop3A_580 : i32 to index
      %parallel_loop3A_588 = arith.constant 0 : index
      %parallel_loop3A_589 = tpu.vector_load %arg8[%parallel_loop3A_587, %parallel_loop3A_588] {strides = array<i32>} : memref<256x128xf32, #tpu.memory_space<vmem>>, vector<16xf32>,
      tpu.vector_store %arg8[%parallel_loop3A_587, %parallel_loop3A_588], %parallel_loop3A_586 {strides = array<i32>} : memref<256x128xf32, #tpu.memory_space<vmem>>, vector<16xf32>,
      %parallel_loop3A_590 = arith.index_cast %parallel_loop3A_580 : i32 to index
      %parallel_loop3A_591 = arith.constant 16 : index
      %parallel_loop3A_592 = tpu.vector_load %arg8[%parallel_loop3A_590, %parallel_loop3A_591] {strides = array<i32>} : memref<256x128xf32, #tpu.memory_space<vmem>>, vector<16xf32>,
      %parallel_loop3A_593 = arith.constant 11.3137083 : f32
      %parallel_loop3A_594 = vector.broadcast %parallel_loop3A_593 : f32 to vector<16xf32>
      %parallel_loop3A_595 = arith.mulf %parallel_loop3A_592, %parallel_loop3A_594 : vector<16xf32>
      %parallel_loop3A_596 = arith.index_cast %parallel_loop3A_580 : i32 to index
      %parallel_loop3A_597 = arith.constant 16 : index
      %parallel_loop3A_598 = tpu.vector_load %arg8[%parallel_loop3A_596, %parallel_loop3A_597] {strides = array<i32>} : memref<256x128xf32, #tpu.memory_space<vmem>>, vector<16xf32>,
      tpu.vector_store %arg8[%parallel_loop3A_596, %parallel_loop3A_597], %parallel_loop3A_595 {strides = array<i32>} : memref<256x128xf32, #tpu.memory_space<vmem>>, vector<16xf32>,
      %parallel_loop3A_599 = arith.index_cast %parallel_loop3A_580 : i32 to index
      %parallel_loop3A_600 = arith.constant 32 : index
      %parallel_loop3A_601 = tpu.vector_load %arg8[%parallel_loop3A_599, %parallel_loop3A_600] {strides = array<i32>} : memref<256x128xf32, #tpu.memory_space<vmem>>, vector<16xf32>,
      %parallel_loop3A_602 = arith.constant 11.3137083 : f32
      %parallel_loop3A_603 = vector.broadcast %parallel_loop3A_602 : f32 to vector<16xf32>
      %parallel_loop3A_604 = arith.mulf %parallel_loop3A_601, %parallel_loop3A_603 : vector<16xf32>
      %parallel_loop3A_605 = arith.index_cast %parallel_loop3A_580 : i32 to index
      %parallel_loop3A_606 = arith.constant 32 : index
      %parallel_loop3A_607 = tpu.vector_load %arg8[%parallel_loop3A_605, %parallel_loop3A_606] {strides = array<i32>} : memref<256x128xf32, #tpu.memory_space<vmem>>, vector<16xf32>,
      tpu.vector_store %arg8[%parallel_loop3A_605, %parallel_loop3A_606], %parallel_loop3A_604 {strides = array<i32>} : memref<256x128xf32, #tpu.memory_space<vmem>>, vector<16xf32>,
      %parallel_loop3A_608 = arith.index_cast %parallel_loop3A_580 : i32 to index
      %parallel_loop3A_609 = arith.constant 48 : index
      %parallel_loop3A_610 = tpu.vector_load %arg8[%parallel_loop3A_608, %parallel_loop3A_609] {strides = array<i32>} : memref<256x128xf32, #tpu.memory_space<vmem>>, vector<16xf32>,
      %parallel_loop3A_611 = arith.constant 11.3137083 : f32
      %parallel_loop3A_612 = vector.broadcast %parallel_loop3A_611 : f32 to vector<16xf32>
      %parallel_loop3A_613 = arith.mulf %parallel_loop3A_610, %parallel_loop3A_612 : vector<16xf32>
      %parallel_loop3A_614 = arith.index_cast %parallel_loop3A_580 : i32 to index
      %parallel_loop3A_615 = arith.constant 48 : index
      %parallel_loop3A_616 = tpu.vector_load %arg8[%parallel_loop3A_614, %parallel_loop3A_615] {strides = array<i32>} : memref<256x128xf32, #tpu.memory_space<vmem>>, vector<16xf32>,
      tpu.vector_store %arg8[%parallel_loop3A_614, %parallel_loop3A_615], %parallel_loop3A_613 {strides = array<i32>} : memref<256x128xf32, #tpu.memory_space<vmem>>, vector<16xf32>,
      %parallel_loop3A_617 = arith.index_cast %parallel_loop3A_580 : i32 to index
      %parallel_loop3A_618 = arith.constant 64 : index
      %parallel_loop3A_619 = tpu.vector_load %arg8[%parallel_loop3A_617, %parallel_loop3A_618] {strides = array<i32>} : memref<256x128xf32, #tpu.memory_space<vmem>>, vector<16xf32>,
      %parallel_loop3A_620 = arith.constant 11.3137083 : f32
      %parallel_loop3A_621 = vector.broadcast %parallel_loop3A_620 : f32 to vector<16xf32>
      %parallel_loop3A_622 = arith.mulf %parallel_loop3A_619, %parallel_loop3A_621 : vector<16xf32>
      %parallel_loop3A_623 = arith.index_cast %parallel_loop3A_580 : i32 to index
      %parallel_loop3A_624 = arith.constant 64 : index
      %parallel_loop3A_625 = tpu.vector_load %arg8[%parallel_loop3A_623, %parallel_loop3A_624] {strides = array<i32>} : memref<256x128xf32, #tpu.memory_space<vmem>>, vector<16xf32>,
      tpu.vector_store %arg8[%parallel_loop3A_623, %parallel_loop3A_624], %parallel_loop3A_622 {strides = array<i32>} : memref<256x128xf32, #tpu.memory_space<vmem>>, vector<16xf32>,
      %parallel_loop3A_626 = arith.index_cast %parallel_loop3A_580 : i32 to index
      %parallel_loop3A_627 = arith.constant 80 : index
      %parallel_loop3A_628 = tpu.vector_load %arg8[%parallel_loop3A_626, %parallel_loop3A_627] {strides = array<i32>} : memref<256x128xf32, #tpu.memory_space<vmem>>, vector<16xf32>,
      %parallel_loop3A_629 = arith.constant 11.3137083 : f32
      %parallel_loop3A_630 = vector.broadcast %parallel_loop3A_629 : f32 to vector<16xf32>
      %parallel_loop3A_631 = arith.mulf %parallel_loop3A_628, %parallel_loop3A_630 : vector<16xf32>
      %parallel_loop3A_632 = arith.index_cast %parallel_loop3A_580 : i32 to index
      %parallel_loop3A_633 = arith.constant 80 : index
      %parallel_loop3A_634 = tpu.vector_load %arg8[%parallel_loop3A_632, %parallel_loop3A_633] {strides = array<i32>} : memref<256x128xf32, #tpu.memory_space<vmem>>, vector<16xf32>,
      tpu.vector_store %arg8[%parallel_loop3A_632, %parallel_loop3A_633], %parallel_loop3A_631 {strides = array<i32>} : memref<256x128xf32, #tpu.memory_space<vmem>>, vector<16xf32>,
      %parallel_loop3A_635 = arith.index_cast %parallel_loop3A_580 : i32 to index
      %parallel_loop3A_636 = arith.constant 96 : index
      %parallel_loop3A_637 = tpu.vector_load %arg8[%parallel_loop3A_635, %parallel_loop3A_636] {strides = array<i32>} : memref<256x128xf32, #tpu.memory_space<vmem>>, vector<16xf32>,
      %parallel_loop3A_638 = arith.constant 11.3137083 : f32
      %parallel_loop3A_639 = vector.broadcast %parallel_loop3A_638 : f32 to vector<16xf32>
      %parallel_loop3A_640 = arith.mulf %parallel_loop3A_637, %parallel_loop3A_639 : vector<16xf32>
      %parallel_loop3A_641 = arith.index_cast %parallel_loop3A_580 : i32 to index
      %parallel_loop3A_642 = arith.constant 96 : index
      %parallel_loop3A_643 = tpu.vector_load %arg8[%parallel_loop3A_641, %parallel_loop3A_642] {strides = array<i32>} : memref<256x128xf32, #tpu.memory_space<vmem>>, vector<16xf32>,
      tpu.vector_store %arg8[%parallel_loop3A_641, %parallel_loop3A_642], %parallel_loop3A_640 {strides = array<i32>} : memref<256x128xf32, #tpu.memory_space<vmem>>, vector<16xf32>,
      %parallel_loop3A_644 = arith.index_cast %parallel_loop3A_580 : i32 to index
      %parallel_loop3A_645 = arith.constant 112 : index
      %parallel_loop3A_646 = tpu.vector_load %arg8[%parallel_loop3A_644, %parallel_loop3A_645] {strides = array<i32>} : memref<256x128xf32, #tpu.memory_space<vmem>>, vector<16xf32>,
      %parallel_loop3A_647 = arith.constant 11.3137083 : f32
      %parallel_loop3A_648 = vector.broadcast %parallel_loop3A_647 : f32 to vector<16xf32>
      %parallel_loop3A_649 = arith.mulf %parallel_loop3A_646, %parallel_loop3A_648 : vector<16xf32>
      %parallel_loop3A_650 = arith.index_cast %parallel_loop3A_580 : i32 to index
      %parallel_loop3A_651 = arith.constant 112 : index
      %parallel_loop3A_652 = tpu.vector_load %arg8[%parallel_loop3A_650, %parallel_loop3A_651] {strides = array<i32>} : memref<256x128xf32, #tpu.memory_space<vmem>>, vector<16xf32>,
      tpu.vector_store %arg8[%parallel_loop3A_650, %parallel_loop3A_651], %parallel_loop3A_649 {strides = array<i32>} : memref<256x128xf32, #tpu.memory_space<vmem>>, vector<16xf32>,
    } {sc.loop_unroll_factor = 4 : i64, sc.parallel_access}
    %convert_element_type3A_438 = arith.extui %eq3A_434 : i1 to i32
    %cond3A_439 = arith.constant 0 : i32
    %cond3A_440 = arith.cmpi ne, %convert_element_type3A_438, %cond3A_439 : i32
    scf.if %cond3A_440 {
      %scan3A_580 = arith.constant 0 : i32
      %scan3A_581 = arith.constant 256 : i32
      %scan3A_582 = arith.addi %scan3A_580, %scan3A_581 : i32
      %scan3A_583 = arith.constant 1 : i32
      scf.for %scan3A_585 = %scan3A_580 to %scan3A_582 step %scan3A_583  : i32 {
        %mul3A_586 = arith.constant 1 : i32
        %mul3A_587 = arith.muli %scan3A_585, %mul3A_586 : i32
        %add3A_588 = arith.constant 0 : i32
        %add3A_589 = arith.addi %add3A_588, %mul3A_587 : i32
        %jit3A = arith.constant 128 : i32
        %div3A = arith.divsi %add3A_589, %jit3A : i32
        %sign3A = arith.constant 0 : i32
        %sign3A_590 = arith.cmpi sgt, %add3A_589, %sign3A : i32
        %sign3A_591 = arith.extui %sign3A_590 : i1 to i32
        %sign3A_592 = arith.constant 0 : i32
        %sign3A_593 = arith.cmpi slt, %add3A_589, %sign3A_592 : i32
        %sign3A_594 = arith.extui %sign3A_593 : i1 to i32
        %sign3A_595 = arith.subi %sign3A_591, %sign3A_594 : i32
        %sign3A_596 = arith.constant 0 : i32
        %sign3A_597 = arith.cmpi sgt, %jit3A, %sign3A_596 : i32
        %sign3A_598 = arith.extui %sign3A_597 : i1 to i32
        %sign3A_599 = arith.constant 0 : i32
        %sign3A_600 = arith.cmpi slt, %jit3A, %sign3A_599 : i32
        %sign3A_601 = arith.extui %sign3A_600 : i1 to i32
        %sign3A_602 = arith.subi %sign3A_598, %sign3A_601 : i32
        %ne3A = arith.cmpi ne, %sign3A_595, %sign3A_602 : i32
        %rem3A = arith.remsi %add3A_589, %jit3A : i32
        %ne3A_603 = arith.constant 0 : i32
        %ne3A_604 = arith.cmpi ne, %rem3A, %ne3A_603 : i32
        %and3A = arith.andi %ne3A, %ne3A_604 : i1
        %sub3A = arith.constant 1 : i32
        %sub3A_605 = arith.subi %div3A, %sub3A : i32
        %select_n3A = arith.select %and3A, %sub3A_605, %div3A : i32
        %add3A_606 = arith.constant 46 : i32
        %add3A_607 = arith.addi %add3A_606, %select_n3A : i32
        %broadcast_in_dim3A = vector.broadcast %add3A_607 : i32 to vector<16xi32>
        %jit3A_608 = arith.constant 128 : i32
        %eq3A_609 = arith.constant 0 : i32
        %eq3A_610 = arith.cmpi eq, %jit3A_608, %eq3A_609 : i32
        %jit3A_611 = arith.constant 1 : i32
        %select_n3A_612 = arith.select %eq3A_610, %jit3A_611, %jit3A_608 : i32
        %rem3A_613 = arith.remsi %add3A_589, %select_n3A_612 : i32
        %ne3A_614 = arith.constant 0 : i32
        %ne3A_615 = arith.cmpi ne, %rem3A_613, %ne3A_614 : i32
        %lt3A = arith.constant 0 : i32
        %lt3A_616 = arith.cmpi slt, %rem3A_613, %lt3A : i32
        %lt3A_617 = arith.constant 0 : i32
        %lt3A_618 = arith.cmpi slt, %select_n3A_612, %lt3A_617 : i32
        %ne3A_619 = arith.xori %lt3A_616, %lt3A_618 : i1
        %and3A_620 = arith.andi %ne3A_619, %ne3A_615 : i1
        %add3A_621 = arith.addi %rem3A_613, %select_n3A_612 : i32
        %select_n3A_622 = arith.select %and3A_620, %add3A_621, %rem3A_613 : i32
        %broadcast_in_dim3A_623 = vector.broadcast %select_n3A_622 : i32 to vector<16xi32>
        %gather3A = tpu.vector_load_idx %arg5[%broadcast_in_dim3A, %broadcast_in_dim3A_623] : memref<50x128xi32, #tpu.memory_space<vmem>>[vector<16xi32>, vector<16xi32>], vector<16xi32>,
        %ne3A_624 = arith.constant 0 : i32
        %ne3A_625 = vector.broadcast %ne3A_624 : i32 to vector<16xi32>
        %ne3A_626 = arith.cmpi ne, %gather3A, %ne3A_625 : vector<16xi32>
        %jit3A_627 = arith.constant 1.000000e+00 : f32
        %jit3A_628 = arith.constant 0.000000e+00 : f32
        %broadcast_in_dim3A_629 = vector.broadcast %jit3A_627 : f32 to vector<16xf32>
        %broadcast_in_dim3A_630 = vector.broadcast %jit3A_628 : f32 to vector<16xf32>
        %select_n3A_631 = arith.select %ne3A_626, %broadcast_in_dim3A_629, %broadcast_in_dim3A_630 : vector<16xi1>, vector<16xf32>
        %get3A_632 = arith.index_cast %add3A_589 : i32 to index
        %get3A_633 = arith.constant 0 : index
        %get3A_634 = tpu.vector_load %arg8[%get3A_632, %get3A_633] {strides = array<i32>} : memref<256x128xf32, #tpu.memory_space<vmem>>, vector<16xf32>,
        %mul3A_635 = arith.mulf %get3A_634, %select_n3A_631 : vector<16xf32>
        %swap3A = arith.index_cast %add3A_589 : i32 to index
        %swap3A_636 = arith.constant 0 : index
        %swap3A_637 = tpu.vector_load %arg8[%swap3A, %swap3A_636] {strides = array<i32>} : memref<256x128xf32, #tpu.memory_space<vmem>>, vector<16xf32>,
        tpu.vector_store %arg8[%swap3A, %swap3A_636], %mul3A_635 {strides = array<i32>} : memref<256x128xf32, #tpu.memory_space<vmem>>, vector<16xf32>,
        %get3A_638 = arith.index_cast %add3A_589 : i32 to index
        %get3A_639 = arith.constant 16 : index
        %get3A_640 = tpu.vector_load %arg8[%get3A_638, %get3A_639] {strides = array<i32>} : memref<256x128xf32, #tpu.memory_space<vmem>>, vector<16xf32>,
        %mul3A_641 = arith.mulf %get3A_640, %select_n3A_631 : vector<16xf32>
        %swap3A_642 = arith.index_cast %add3A_589 : i32 to index
        %swap3A_643 = arith.constant 16 : index
        %swap3A_644 = tpu.vector_load %arg8[%swap3A_642, %swap3A_643] {strides = array<i32>} : memref<256x128xf32, #tpu.memory_space<vmem>>, vector<16xf32>,
        tpu.vector_store %arg8[%swap3A_642, %swap3A_643], %mul3A_641 {strides = array<i32>} : memref<256x128xf32, #tpu.memory_space<vmem>>, vector<16xf32>,
        %get3A_645 = arith.index_cast %add3A_589 : i32 to index
        %get3A_646 = arith.constant 32 : index
        %get3A_647 = tpu.vector_load %arg8[%get3A_645, %get3A_646] {strides = array<i32>} : memref<256x128xf32, #tpu.memory_space<vmem>>, vector<16xf32>,
        %mul3A_648 = arith.mulf %get3A_647, %select_n3A_631 : vector<16xf32>
        %swap3A_649 = arith.index_cast %add3A_589 : i32 to index
        %swap3A_650 = arith.constant 32 : index
        %swap3A_651 = tpu.vector_load %arg8[%swap3A_649, %swap3A_650] {strides = array<i32>} : memref<256x128xf32, #tpu.memory_space<vmem>>, vector<16xf32>,
        tpu.vector_store %arg8[%swap3A_649, %swap3A_650], %mul3A_648 {strides = array<i32>} : memref<256x128xf32, #tpu.memory_space<vmem>>, vector<16xf32>,
        %get3A_652 = arith.index_cast %add3A_589 : i32 to index
        %get3A_653 = arith.constant 48 : index
        %get3A_654 = tpu.vector_load %arg8[%get3A_652, %get3A_653] {strides = array<i32>} : memref<256x128xf32, #tpu.memory_space<vmem>>, vector<16xf32>,
        %mul3A_655 = arith.mulf %get3A_654, %select_n3A_631 : vector<16xf32>
        %swap3A_656 = arith.index_cast %add3A_589 : i32 to index
        %swap3A_657 = arith.constant 48 : index
        %swap3A_658 = tpu.vector_load %arg8[%swap3A_656, %swap3A_657] {strides = array<i32>} : memref<256x128xf32, #tpu.memory_space<vmem>>, vector<16xf32>,
        tpu.vector_store %arg8[%swap3A_656, %swap3A_657], %mul3A_655 {strides = array<i32>} : memref<256x128xf32, #tpu.memory_space<vmem>>, vector<16xf32>,
        %get3A_659 = arith.index_cast %add3A_589 : i32 to index
        %get3A_660 = arith.constant 64 : index
        %get3A_661 = tpu.vector_load %arg8[%get3A_659, %get3A_660] {strides = array<i32>} : memref<256x128xf32, #tpu.memory_space<vmem>>, vector<16xf32>,
        %mul3A_662 = arith.mulf %get3A_661, %select_n3A_631 : vector<16xf32>
        %swap3A_663 = arith.index_cast %add3A_589 : i32 to index
        %swap3A_664 = arith.constant 64 : index
        %swap3A_665 = tpu.vector_load %arg8[%swap3A_663, %swap3A_664] {strides = array<i32>} : memref<256x128xf32, #tpu.memory_space<vmem>>, vector<16xf32>,
        tpu.vector_store %arg8[%swap3A_663, %swap3A_664], %mul3A_662 {strides = array<i32>} : memref<256x128xf32, #tpu.memory_space<vmem>>, vector<16xf32>,
        %get3A_666 = arith.index_cast %add3A_589 : i32 to index
        %get3A_667 = arith.constant 80 : index
        %get3A_668 = tpu.vector_load %arg8[%get3A_666, %get3A_667] {strides = array<i32>} : memref<256x128xf32, #tpu.memory_space<vmem>>, vector<16xf32>,
        %mul3A_669 = arith.mulf %get3A_668, %select_n3A_631 : vector<16xf32>
        %swap3A_670 = arith.index_cast %add3A_589 : i32 to index
        %swap3A_671 = arith.constant 80 : index
        %swap3A_672 = tpu.vector_load %arg8[%swap3A_670, %swap3A_671] {strides = array<i32>} : memref<256x128xf32, #tpu.memory_space<vmem>>, vector<16xf32>,
        tpu.vector_store %arg8[%swap3A_670, %swap3A_671], %mul3A_669 {strides = array<i32>} : memref<256x128xf32, #tpu.memory_space<vmem>>, vector<16xf32>,
        %get3A_673 = arith.index_cast %add3A_589 : i32 to index
        %get3A_674 = arith.constant 96 : index
        %get3A_675 = tpu.vector_load %arg8[%get3A_673, %get3A_674] {strides = array<i32>} : memref<256x128xf32, #tpu.memory_space<vmem>>, vector<16xf32>,
        %mul3A_676 = arith.mulf %get3A_675, %select_n3A_631 : vector<16xf32>
        %swap3A_677 = arith.index_cast %add3A_589 : i32 to index
        %swap3A_678 = arith.constant 96 : index
        %swap3A_679 = tpu.vector_load %arg8[%swap3A_677, %swap3A_678] {strides = array<i32>} : memref<256x128xf32, #tpu.memory_space<vmem>>, vector<16xf32>,
        tpu.vector_store %arg8[%swap3A_677, %swap3A_678], %mul3A_676 {strides = array<i32>} : memref<256x128xf32, #tpu.memory_space<vmem>>, vector<16xf32>,
        %get3A_680 = arith.index_cast %add3A_589 : i32 to index
        %get3A_681 = arith.constant 112 : index
        %get3A_682 = tpu.vector_load %arg8[%get3A_680, %get3A_681] {strides = array<i32>} : memref<256x128xf32, #tpu.memory_space<vmem>>, vector<16xf32>,
        %mul3A_683 = arith.mulf %get3A_682, %select_n3A_631 : vector<16xf32>
        %swap3A_684 = arith.index_cast %add3A_589 : i32 to index
        %swap3A_685 = arith.constant 112 : index
        %swap3A_686 = tpu.vector_load %arg8[%swap3A_684, %swap3A_685] {strides = array<i32>} : memref<256x128xf32, #tpu.memory_space<vmem>>, vector<16xf32>,
        tpu.vector_store %arg8[%swap3A_684, %swap3A_685], %mul3A_683 {strides = array<i32>} : memref<256x128xf32, #tpu.memory_space<vmem>>, vector<16xf32>,
      }
      %scan3A_584 = arith.constant 256 : i32
    } else {
    }
    %add3A_441 = arith.constant 5888 : i32
    %add3A_442 = arith.addi %mul3A_4, %add3A_441 : i32
    %dma_start3A_443 = arith.constant 0 : i32
    %dma_start3A_444 = tpu.memref_slice %arg4[%add3A_442, %dma_start3A_443] : memref<204800x128xf32, #tpu.memory_space<hbm>> -> memref<256x128xf32, #tpu.memory_space<hbm>>
    %dma_start3A_445 = arith.constant 0 : i32
    %dma_start3A_446 = tpu.memref_slice %arg4[%add3A_442, %dma_start3A_445] : memref<204800x128xf32, #tpu.memory_space<hbm>> -> memref<256x128xf32, #tpu.memory_space<hbm>>
    tpu.enqueue_dma source(%arg8 : memref<256x128xf32, #tpu.memory_space<vmem>>) target(%dma_start3A_446 : memref<256x128xf32, #tpu.memory_space<hbm>>) target_semaphore(%arg14 : memref<!tpu.dma_semaphore, #tpu.memory_space<semaphore_mem>>)
    %dma_wait3A_447 = arith.constant 0 : i32
    %dma_wait3A_448 = arith.constant 0 : i32
    %dma_wait3A_449 = arith.constant 0 : i32
    %dma_wait3A_450 = tpu.memref_slice %arg6[%dma_wait3A_448, %dma_wait3A_449] : memref<256x128xf32, #tpu.memory_space<vmem>> -> memref<128x128xf32, #tpu.memory_space<vmem>>
    %dma_wait3A_451 = arith.constant 0 : i32
    %dma_wait3A_452 = tpu.memref_slice %arg5[%dma_wait3A_447, %dma_wait3A_451] : memref<50x128xi32, #tpu.memory_space<vmem>> -> memref<1x128xi32, #tpu.memory_space<vmem>>
    %dma_wait3A_453 = tpu.memref_squeeze %dma_wait3A_452 : memref<1x128xi32, #tpu.memory_space<vmem>> -> memref<128xi32, #tpu.memory_space<vmem>>
    %dma_wait3A_454 = arith.constant 0 : i32
    %dma_wait3A_455 = arith.constant 0 : i32
    %dma_wait3A_456 = tpu.memref_slice %arg2[%dma_wait3A_454, %dma_wait3A_455] : memref<1000000x128xf32, #tpu.memory_space<hbm>> -> memref<1000000x128xf32, #tpu.memory_space<hbm>>
    tpu.wait_indirect_dma semaphore(%arg9 : memref<!tpu.dma_semaphore, #tpu.memory_space<semaphore_mem>>) src(%dma_wait3A_456 : memref<1000000x128xf32, #tpu.memory_space<hbm>>) dst(%dma_wait3A_450 : memref<128x128xf32, #tpu.memory_space<vmem>>)
    %dma_wait3A_457 = arith.constant 0 : i32
    %dma_wait3A_458 = arith.constant 128 : i32
    %dma_wait3A_459 = arith.constant 0 : i32
    %dma_wait3A_460 = tpu.memref_slice %arg6[%dma_wait3A_458, %dma_wait3A_459] : memref<256x128xf32, #tpu.memory_space<vmem>> -> memref<128x128xf32, #tpu.memory_space<vmem>>
    %dma_wait3A_461 = arith.constant 0 : i32
    %dma_wait3A_462 = tpu.memref_slice %arg5[%dma_wait3A_457, %dma_wait3A_461] : memref<50x128xi32, #tpu.memory_space<vmem>> -> memref<1x128xi32, #tpu.memory_space<vmem>>
    %dma_wait3A_463 = tpu.memref_squeeze %dma_wait3A_462 : memref<1x128xi32, #tpu.memory_space<vmem>> -> memref<128xi32, #tpu.memory_space<vmem>>
    %dma_wait3A_464 = arith.constant 0 : i32
    %dma_wait3A_465 = arith.constant 0 : i32
    %dma_wait3A_466 = tpu.memref_slice %arg2[%dma_wait3A_464, %dma_wait3A_465] : memref<1000000x128xf32, #tpu.memory_space<hbm>> -> memref<1000000x128xf32, #tpu.memory_space<hbm>>
    tpu.wait_indirect_dma semaphore(%arg9 : memref<!tpu.dma_semaphore, #tpu.memory_space<semaphore_mem>>) src(%dma_wait3A_466 : memref<1000000x128xf32, #tpu.memory_space<hbm>>) dst(%dma_wait3A_460 : memref<128x128xf32, #tpu.memory_space<vmem>>)
    %get3A_467 = arith.constant 48 : i32
    %get3A_468 = arith.index_cast %get3A_467 : i32 to index
    %get3A_469 = arith.constant 0 : index
    %get3A_470 = tpu.vector_load %arg5[%get3A_468, %get3A_469] {strides = array<i32>} : memref<50x128xi32, #tpu.memory_space<vmem>>, vector<16xi32>,
    %get3A_471 = arith.constant 48 : i32
    %get3A_472 = arith.index_cast %get3A_471 : i32 to index
    %get3A_473 = arith.constant 16 : index
    %get3A_474 = tpu.vector_load %arg5[%get3A_472, %get3A_473] {strides = array<i32>} : memref<50x128xi32, #tpu.memory_space<vmem>>, vector<16xi32>,
    %min3A_475 = arith.minsi %get3A_470, %get3A_474 : vector<16xi32>
    %get3A_476 = arith.constant 48 : i32
    %get3A_477 = arith.index_cast %get3A_476 : i32 to index
    %get3A_478 = arith.constant 32 : index
    %get3A_479 = tpu.vector_load %arg5[%get3A_477, %get3A_478] {strides = array<i32>} : memref<50x128xi32, #tpu.memory_space<vmem>>, vector<16xi32>,
    %min3A_480 = arith.minsi %min3A_475, %get3A_479 : vector<16xi32>
    %get3A_481 = arith.constant 48 : i32
    %get3A_482 = arith.index_cast %get3A_481 : i32 to index
    %get3A_483 = arith.constant 48 : index
    %get3A_484 = tpu.vector_load %arg5[%get3A_482, %get3A_483] {strides = array<i32>} : memref<50x128xi32, #tpu.memory_space<vmem>>, vector<16xi32>,
    %min3A_485 = arith.minsi %min3A_480, %get3A_484 : vector<16xi32>
    %get3A_486 = arith.constant 48 : i32
    %get3A_487 = arith.index_cast %get3A_486 : i32 to index
    %get3A_488 = arith.constant 64 : index
    %get3A_489 = tpu.vector_load %arg5[%get3A_487, %get3A_488] {strides = array<i32>} : memref<50x128xi32, #tpu.memory_space<vmem>>, vector<16xi32>,
    %min3A_490 = arith.minsi %min3A_485, %get3A_489 : vector<16xi32>
    %get3A_491 = arith.constant 48 : i32
    %get3A_492 = arith.index_cast %get3A_491 : i32 to index
    %get3A_493 = arith.constant 80 : index
    %get3A_494 = tpu.vector_load %arg5[%get3A_492, %get3A_493] {strides = array<i32>} : memref<50x128xi32, #tpu.memory_space<vmem>>, vector<16xi32>,
    %min3A_495 = arith.minsi %min3A_490, %get3A_494 : vector<16xi32>
    %get3A_496 = arith.constant 48 : i32
    %get3A_497 = arith.index_cast %get3A_496 : i32 to index
    %get3A_498 = arith.constant 96 : index
    %get3A_499 = tpu.vector_load %arg5[%get3A_497, %get3A_498] {strides = array<i32>} : memref<50x128xi32, #tpu.memory_space<vmem>>, vector<16xi32>,
    %min3A_500 = arith.minsi %min3A_495, %get3A_499 : vector<16xi32>
    %get3A_501 = arith.constant 48 : i32
    %get3A_502 = arith.index_cast %get3A_501 : i32 to index
    %get3A_503 = arith.constant 112 : index
    %get3A_504 = tpu.vector_load %arg5[%get3A_502, %get3A_503] {strides = array<i32>} : memref<50x128xi32, #tpu.memory_space<vmem>>, vector<16xi32>,
    %min3A_505 = arith.minsi %min3A_500, %get3A_504 : vector<16xi32>
    %get3A_506 = arith.constant 49 : i32
    %get3A_507 = arith.index_cast %get3A_506 : i32 to index
    %get3A_508 = arith.constant 0 : index
    %get3A_509 = tpu.vector_load %arg5[%get3A_507, %get3A_508] {strides = array<i32>} : memref<50x128xi32, #tpu.memory_space<vmem>>, vector<16xi32>,
    %min3A_510 = arith.minsi %min3A_505, %get3A_509 : vector<16xi32>
    %get3A_511 = arith.constant 49 : i32
    %get3A_512 = arith.index_cast %get3A_511 : i32 to index
    %get3A_513 = arith.constant 16 : index
    %get3A_514 = tpu.vector_load %arg5[%get3A_512, %get3A_513] {strides = array<i32>} : memref<50x128xi32, #tpu.memory_space<vmem>>, vector<16xi32>,
    %min3A_515 = arith.minsi %min3A_510, %get3A_514 : vector<16xi32>
    %get3A_516 = arith.constant 49 : i32
    %get3A_517 = arith.index_cast %get3A_516 : i32 to index
    %get3A_518 = arith.constant 32 : index
    %get3A_519 = tpu.vector_load %arg5[%get3A_517, %get3A_518] {strides = array<i32>} : memref<50x128xi32, #tpu.memory_space<vmem>>, vector<16xi32>,
    %min3A_520 = arith.minsi %min3A_515, %get3A_519 : vector<16xi32>
    %get3A_521 = arith.constant 49 : i32
    %get3A_522 = arith.index_cast %get3A_521 : i32 to index
    %get3A_523 = arith.constant 48 : index
    %get3A_524 = tpu.vector_load %arg5[%get3A_522, %get3A_523] {strides = array<i32>} : memref<50x128xi32, #tpu.memory_space<vmem>>, vector<16xi32>,
    %min3A_525 = arith.minsi %min3A_520, %get3A_524 : vector<16xi32>
    %get3A_526 = arith.constant 49 : i32
    %get3A_527 = arith.index_cast %get3A_526 : i32 to index
    %get3A_528 = arith.constant 64 : index
    %get3A_529 = tpu.vector_load %arg5[%get3A_527, %get3A_528] {strides = array<i32>} : memref<50x128xi32, #tpu.memory_space<vmem>>, vector<16xi32>,
    %min3A_530 = arith.minsi %min3A_525, %get3A_529 : vector<16xi32>
    %get3A_531 = arith.constant 49 : i32
    %get3A_532 = arith.index_cast %get3A_531 : i32 to index
    %get3A_533 = arith.constant 80 : index
    %get3A_534 = tpu.vector_load %arg5[%get3A_532, %get3A_533] {strides = array<i32>} : memref<50x128xi32, #tpu.memory_space<vmem>>, vector<16xi32>,
    %min3A_535 = arith.minsi %min3A_530, %get3A_534 : vector<16xi32>
    %get3A_536 = arith.constant 49 : i32
    %get3A_537 = arith.index_cast %get3A_536 : i32 to index
    %get3A_538 = arith.constant 96 : index
    %get3A_539 = tpu.vector_load %arg5[%get3A_537, %get3A_538] {strides = array<i32>} : memref<50x128xi32, #tpu.memory_space<vmem>>, vector<16xi32>,
    %min3A_540 = arith.minsi %min3A_535, %get3A_539 : vector<16xi32>
    %get3A_541 = arith.constant 49 : i32
    %get3A_542 = arith.index_cast %get3A_541 : i32 to index
    %get3A_543 = arith.constant 112 : index
    %get3A_544 = tpu.vector_load %arg5[%get3A_542, %get3A_543] {strides = array<i32>} : memref<50x128xi32, #tpu.memory_space<vmem>>, vector<16xi32>,
    %min3A_545 = arith.minsi %min3A_540, %get3A_544 : vector<16xi32>
    %reduce_min3A_546 = arith.constant true
    %reduce_min3A_547 = vector.broadcast %reduce_min3A_546 : i1 to vector<16xi1>
    %reduce_min3A_548 = arith.constant -2147483648 : i32
    %reduce_min3A_549 = vector.broadcast %reduce_min3A_548 : i32 to vector<16xi32>
    %reduce_min3A_550 = arith.xori %min3A_545, %reduce_min3A_549 : vector<16xi32>
    %reduce_min3A_551 = tpu.scan <min>, %reduce_min3A_550 masked %reduce_min3A_547 : vector<16xi32>, vector<16xi1> -> vector<16xi32>
    %reduce_min3A_552 = arith.xori %reduce_min3A_551, %reduce_min3A_549 : vector<16xi32>
    %reduce_min3A_553 = vector.extract %reduce_min3A_552[15] : i32 from vector<16xi32>
    %eq3A_554 = arith.constant 0 : i32
    %eq3A_555 = arith.cmpi eq, %reduce_min3A_553, %eq3A_554 : i32
    %parallel_loop3A_556 = arith.constant 0 : i32
    %parallel_loop3A_557 = arith.constant 256 : i32
    %parallel_loop3A_558 = arith.constant 1 : i32
    scf.for %parallel_loop3A_580 = %parallel_loop3A_556 to %parallel_loop3A_557 step %parallel_loop3A_558  : i32 {
      %parallel_loop3A_581 = arith.index_cast %parallel_loop3A_580 : i32 to index
      %parallel_loop3A_582 = arith.constant 0 : index
      %parallel_loop3A_583 = tpu.vector_load %arg6[%parallel_loop3A_581, %parallel_loop3A_582] {strides = array<i32>} : memref<256x128xf32, #tpu.memory_space<vmem>>, vector<16xf32>,
      %parallel_loop3A_584 = arith.constant 11.3137083 : f32
      %parallel_loop3A_585 = vector.broadcast %parallel_loop3A_584 : f32 to vector<16xf32>
      %parallel_loop3A_586 = arith.mulf %parallel_loop3A_583, %parallel_loop3A_585 : vector<16xf32>
      %parallel_loop3A_587 = arith.index_cast %parallel_loop3A_580 : i32 to index
      %parallel_loop3A_588 = arith.constant 0 : index
      %parallel_loop3A_589 = tpu.vector_load %arg6[%parallel_loop3A_587, %parallel_loop3A_588] {strides = array<i32>} : memref<256x128xf32, #tpu.memory_space<vmem>>, vector<16xf32>,
      tpu.vector_store %arg6[%parallel_loop3A_587, %parallel_loop3A_588], %parallel_loop3A_586 {strides = array<i32>} : memref<256x128xf32, #tpu.memory_space<vmem>>, vector<16xf32>,
      %parallel_loop3A_590 = arith.index_cast %parallel_loop3A_580 : i32 to index
      %parallel_loop3A_591 = arith.constant 16 : index
      %parallel_loop3A_592 = tpu.vector_load %arg6[%parallel_loop3A_590, %parallel_loop3A_591] {strides = array<i32>} : memref<256x128xf32, #tpu.memory_space<vmem>>, vector<16xf32>,
      %parallel_loop3A_593 = arith.constant 11.3137083 : f32
      %parallel_loop3A_594 = vector.broadcast %parallel_loop3A_593 : f32 to vector<16xf32>
      %parallel_loop3A_595 = arith.mulf %parallel_loop3A_592, %parallel_loop3A_594 : vector<16xf32>
      %parallel_loop3A_596 = arith.index_cast %parallel_loop3A_580 : i32 to index
      %parallel_loop3A_597 = arith.constant 16 : index
      %parallel_loop3A_598 = tpu.vector_load %arg6[%parallel_loop3A_596, %parallel_loop3A_597] {strides = array<i32>} : memref<256x128xf32, #tpu.memory_space<vmem>>, vector<16xf32>,
      tpu.vector_store %arg6[%parallel_loop3A_596, %parallel_loop3A_597], %parallel_loop3A_595 {strides = array<i32>} : memref<256x128xf32, #tpu.memory_space<vmem>>, vector<16xf32>,
      %parallel_loop3A_599 = arith.index_cast %parallel_loop3A_580 : i32 to index
      %parallel_loop3A_600 = arith.constant 32 : index
      %parallel_loop3A_601 = tpu.vector_load %arg6[%parallel_loop3A_599, %parallel_loop3A_600] {strides = array<i32>} : memref<256x128xf32, #tpu.memory_space<vmem>>, vector<16xf32>,
      %parallel_loop3A_602 = arith.constant 11.3137083 : f32
      %parallel_loop3A_603 = vector.broadcast %parallel_loop3A_602 : f32 to vector<16xf32>
      %parallel_loop3A_604 = arith.mulf %parallel_loop3A_601, %parallel_loop3A_603 : vector<16xf32>
      %parallel_loop3A_605 = arith.index_cast %parallel_loop3A_580 : i32 to index
      %parallel_loop3A_606 = arith.constant 32 : index
      %parallel_loop3A_607 = tpu.vector_load %arg6[%parallel_loop3A_605, %parallel_loop3A_606] {strides = array<i32>} : memref<256x128xf32, #tpu.memory_space<vmem>>, vector<16xf32>,
      tpu.vector_store %arg6[%parallel_loop3A_605, %parallel_loop3A_606], %parallel_loop3A_604 {strides = array<i32>} : memref<256x128xf32, #tpu.memory_space<vmem>>, vector<16xf32>,
      %parallel_loop3A_608 = arith.index_cast %parallel_loop3A_580 : i32 to index
      %parallel_loop3A_609 = arith.constant 48 : index
      %parallel_loop3A_610 = tpu.vector_load %arg6[%parallel_loop3A_608, %parallel_loop3A_609] {strides = array<i32>} : memref<256x128xf32, #tpu.memory_space<vmem>>, vector<16xf32>,
      %parallel_loop3A_611 = arith.constant 11.3137083 : f32
      %parallel_loop3A_612 = vector.broadcast %parallel_loop3A_611 : f32 to vector<16xf32>
      %parallel_loop3A_613 = arith.mulf %parallel_loop3A_610, %parallel_loop3A_612 : vector<16xf32>
      %parallel_loop3A_614 = arith.index_cast %parallel_loop3A_580 : i32 to index
      %parallel_loop3A_615 = arith.constant 48 : index
      %parallel_loop3A_616 = tpu.vector_load %arg6[%parallel_loop3A_614, %parallel_loop3A_615] {strides = array<i32>} : memref<256x128xf32, #tpu.memory_space<vmem>>, vector<16xf32>,
      tpu.vector_store %arg6[%parallel_loop3A_614, %parallel_loop3A_615], %parallel_loop3A_613 {strides = array<i32>} : memref<256x128xf32, #tpu.memory_space<vmem>>, vector<16xf32>,
      %parallel_loop3A_617 = arith.index_cast %parallel_loop3A_580 : i32 to index
      %parallel_loop3A_618 = arith.constant 64 : index
      %parallel_loop3A_619 = tpu.vector_load %arg6[%parallel_loop3A_617, %parallel_loop3A_618] {strides = array<i32>} : memref<256x128xf32, #tpu.memory_space<vmem>>, vector<16xf32>,
      %parallel_loop3A_620 = arith.constant 11.3137083 : f32
      %parallel_loop3A_621 = vector.broadcast %parallel_loop3A_620 : f32 to vector<16xf32>
      %parallel_loop3A_622 = arith.mulf %parallel_loop3A_619, %parallel_loop3A_621 : vector<16xf32>
      %parallel_loop3A_623 = arith.index_cast %parallel_loop3A_580 : i32 to index
      %parallel_loop3A_624 = arith.constant 64 : index
      %parallel_loop3A_625 = tpu.vector_load %arg6[%parallel_loop3A_623, %parallel_loop3A_624] {strides = array<i32>} : memref<256x128xf32, #tpu.memory_space<vmem>>, vector<16xf32>,
      tpu.vector_store %arg6[%parallel_loop3A_623, %parallel_loop3A_624], %parallel_loop3A_622 {strides = array<i32>} : memref<256x128xf32, #tpu.memory_space<vmem>>, vector<16xf32>,
      %parallel_loop3A_626 = arith.index_cast %parallel_loop3A_580 : i32 to index
      %parallel_loop3A_627 = arith.constant 80 : index
      %parallel_loop3A_628 = tpu.vector_load %arg6[%parallel_loop3A_626, %parallel_loop3A_627] {strides = array<i32>} : memref<256x128xf32, #tpu.memory_space<vmem>>, vector<16xf32>,
      %parallel_loop3A_629 = arith.constant 11.3137083 : f32
      %parallel_loop3A_630 = vector.broadcast %parallel_loop3A_629 : f32 to vector<16xf32>
      %parallel_loop3A_631 = arith.mulf %parallel_loop3A_628, %parallel_loop3A_630 : vector<16xf32>
      %parallel_loop3A_632 = arith.index_cast %parallel_loop3A_580 : i32 to index
      %parallel_loop3A_633 = arith.constant 80 : index
      %parallel_loop3A_634 = tpu.vector_load %arg6[%parallel_loop3A_632, %parallel_loop3A_633] {strides = array<i32>} : memref<256x128xf32, #tpu.memory_space<vmem>>, vector<16xf32>,
      tpu.vector_store %arg6[%parallel_loop3A_632, %parallel_loop3A_633], %parallel_loop3A_631 {strides = array<i32>} : memref<256x128xf32, #tpu.memory_space<vmem>>, vector<16xf32>,
      %parallel_loop3A_635 = arith.index_cast %parallel_loop3A_580 : i32 to index
      %parallel_loop3A_636 = arith.constant 96 : index
      %parallel_loop3A_637 = tpu.vector_load %arg6[%parallel_loop3A_635, %parallel_loop3A_636] {strides = array<i32>} : memref<256x128xf32, #tpu.memory_space<vmem>>, vector<16xf32>,
      %parallel_loop3A_638 = arith.constant 11.3137083 : f32
      %parallel_loop3A_639 = vector.broadcast %parallel_loop3A_638 : f32 to vector<16xf32>
      %parallel_loop3A_640 = arith.mulf %parallel_loop3A_637, %parallel_loop3A_639 : vector<16xf32>
      %parallel_loop3A_641 = arith.index_cast %parallel_loop3A_580 : i32 to index
      %parallel_loop3A_642 = arith.constant 96 : index
      %parallel_loop3A_643 = tpu.vector_load %arg6[%parallel_loop3A_641, %parallel_loop3A_642] {strides = array<i32>} : memref<256x128xf32, #tpu.memory_space<vmem>>, vector<16xf32>,
      tpu.vector_store %arg6[%parallel_loop3A_641, %parallel_loop3A_642], %parallel_loop3A_640 {strides = array<i32>} : memref<256x128xf32, #tpu.memory_space<vmem>>, vector<16xf32>,
      %parallel_loop3A_644 = arith.index_cast %parallel_loop3A_580 : i32 to index
      %parallel_loop3A_645 = arith.constant 112 : index
      %parallel_loop3A_646 = tpu.vector_load %arg6[%parallel_loop3A_644, %parallel_loop3A_645] {strides = array<i32>} : memref<256x128xf32, #tpu.memory_space<vmem>>, vector<16xf32>,
      %parallel_loop3A_647 = arith.constant 11.3137083 : f32
      %parallel_loop3A_648 = vector.broadcast %parallel_loop3A_647 : f32 to vector<16xf32>
      %parallel_loop3A_649 = arith.mulf %parallel_loop3A_646, %parallel_loop3A_648 : vector<16xf32>
      %parallel_loop3A_650 = arith.index_cast %parallel_loop3A_580 : i32 to index
      %parallel_loop3A_651 = arith.constant 112 : index
      %parallel_loop3A_652 = tpu.vector_load %arg6[%parallel_loop3A_650, %parallel_loop3A_651] {strides = array<i32>} : memref<256x128xf32, #tpu.memory_space<vmem>>, vector<16xf32>,
      tpu.vector_store %arg6[%parallel_loop3A_650, %parallel_loop3A_651], %parallel_loop3A_649 {strides = array<i32>} : memref<256x128xf32, #tpu.memory_space<vmem>>, vector<16xf32>,
    } {sc.loop_unroll_factor = 4 : i64, sc.parallel_access}
    %convert_element_type3A_559 = arith.extui %eq3A_555 : i1 to i32
    %cond3A_560 = arith.constant 0 : i32
    %cond3A_561 = arith.cmpi ne, %convert_element_type3A_559, %cond3A_560 : i32
    scf.if %cond3A_561 {
      %scan3A_580 = arith.constant 0 : i32
      %scan3A_581 = arith.constant 256 : i32
      %scan3A_582 = arith.addi %scan3A_580, %scan3A_581 : i32
      %scan3A_583 = arith.constant 1 : i32
      scf.for %scan3A_585 = %scan3A_580 to %scan3A_582 step %scan3A_583  : i32 {
        %mul3A_586 = arith.constant 1 : i32
        %mul3A_587 = arith.muli %scan3A_585, %mul3A_586 : i32
        %add3A_588 = arith.constant 0 : i32
        %add3A_589 = arith.addi %add3A_588, %mul3A_587 : i32
        %jit3A = arith.constant 128 : i32
        %div3A = arith.divsi %add3A_589, %jit3A : i32
        %sign3A = arith.constant 0 : i32
        %sign3A_590 = arith.cmpi sgt, %add3A_589, %sign3A : i32
        %sign3A_591 = arith.extui %sign3A_590 : i1 to i32
        %sign3A_592 = arith.constant 0 : i32
        %sign3A_593 = arith.cmpi slt, %add3A_589, %sign3A_592 : i32
        %sign3A_594 = arith.extui %sign3A_593 : i1 to i32
        %sign3A_595 = arith.subi %sign3A_591, %sign3A_594 : i32
        %sign3A_596 = arith.constant 0 : i32
        %sign3A_597 = arith.cmpi sgt, %jit3A, %sign3A_596 : i32
        %sign3A_598 = arith.extui %sign3A_597 : i1 to i32
        %sign3A_599 = arith.constant 0 : i32
        %sign3A_600 = arith.cmpi slt, %jit3A, %sign3A_599 : i32
        %sign3A_601 = arith.extui %sign3A_600 : i1 to i32
        %sign3A_602 = arith.subi %sign3A_598, %sign3A_601 : i32
        %ne3A = arith.cmpi ne, %sign3A_595, %sign3A_602 : i32
        %rem3A = arith.remsi %add3A_589, %jit3A : i32
        %ne3A_603 = arith.constant 0 : i32
        %ne3A_604 = arith.cmpi ne, %rem3A, %ne3A_603 : i32
        %and3A = arith.andi %ne3A, %ne3A_604 : i1
        %sub3A = arith.constant 1 : i32
        %sub3A_605 = arith.subi %div3A, %sub3A : i32
        %select_n3A = arith.select %and3A, %sub3A_605, %div3A : i32
        %add3A_606 = arith.constant 48 : i32
        %add3A_607 = arith.addi %add3A_606, %select_n3A : i32
        %broadcast_in_dim3A = vector.broadcast %add3A_607 : i32 to vector<16xi32>
        %jit3A_608 = arith.constant 128 : i32
        %eq3A_609 = arith.constant 0 : i32
        %eq3A_610 = arith.cmpi eq, %jit3A_608, %eq3A_609 : i32
        %jit3A_611 = arith.constant 1 : i32
        %select_n3A_612 = arith.select %eq3A_610, %jit3A_611, %jit3A_608 : i32
        %rem3A_613 = arith.remsi %add3A_589, %select_n3A_612 : i32
        %ne3A_614 = arith.constant 0 : i32
        %ne3A_615 = arith.cmpi ne, %rem3A_613, %ne3A_614 : i32
        %lt3A = arith.constant 0 : i32
        %lt3A_616 = arith.cmpi slt, %rem3A_613, %lt3A : i32
        %lt3A_617 = arith.constant 0 : i32
        %lt3A_618 = arith.cmpi slt, %select_n3A_612, %lt3A_617 : i32
        %ne3A_619 = arith.xori %lt3A_616, %lt3A_618 : i1
        %and3A_620 = arith.andi %ne3A_619, %ne3A_615 : i1
        %add3A_621 = arith.addi %rem3A_613, %select_n3A_612 : i32
        %select_n3A_622 = arith.select %and3A_620, %add3A_621, %rem3A_613 : i32
        %broadcast_in_dim3A_623 = vector.broadcast %select_n3A_622 : i32 to vector<16xi32>
        %gather3A = tpu.vector_load_idx %arg5[%broadcast_in_dim3A, %broadcast_in_dim3A_623] : memref<50x128xi32, #tpu.memory_space<vmem>>[vector<16xi32>, vector<16xi32>], vector<16xi32>,
        %ne3A_624 = arith.constant 0 : i32
        %ne3A_625 = vector.broadcast %ne3A_624 : i32 to vector<16xi32>
        %ne3A_626 = arith.cmpi ne, %gather3A, %ne3A_625 : vector<16xi32>
        %jit3A_627 = arith.constant 1.000000e+00 : f32
        %jit3A_628 = arith.constant 0.000000e+00 : f32
        %broadcast_in_dim3A_629 = vector.broadcast %jit3A_627 : f32 to vector<16xf32>
        %broadcast_in_dim3A_630 = vector.broadcast %jit3A_628 : f32 to vector<16xf32>
        %select_n3A_631 = arith.select %ne3A_626, %broadcast_in_dim3A_629, %broadcast_in_dim3A_630 : vector<16xi1>, vector<16xf32>
        %get3A_632 = arith.index_cast %add3A_589 : i32 to index
        %get3A_633 = arith.constant 0 : index
        %get3A_634 = tpu.vector_load %arg6[%get3A_632, %get3A_633] {strides = array<i32>} : memref<256x128xf32, #tpu.memory_space<vmem>>, vector<16xf32>,
        %mul3A_635 = arith.mulf %get3A_634, %select_n3A_631 : vector<16xf32>
        %swap3A = arith.index_cast %add3A_589 : i32 to index
        %swap3A_636 = arith.constant 0 : index
        %swap3A_637 = tpu.vector_load %arg6[%swap3A, %swap3A_636] {strides = array<i32>} : memref<256x128xf32, #tpu.memory_space<vmem>>, vector<16xf32>,
        tpu.vector_store %arg6[%swap3A, %swap3A_636], %mul3A_635 {strides = array<i32>} : memref<256x128xf32, #tpu.memory_space<vmem>>, vector<16xf32>,
        %get3A_638 = arith.index_cast %add3A_589 : i32 to index
        %get3A_639 = arith.constant 16 : index
        %get3A_640 = tpu.vector_load %arg6[%get3A_638, %get3A_639] {strides = array<i32>} : memref<256x128xf32, #tpu.memory_space<vmem>>, vector<16xf32>,
        %mul3A_641 = arith.mulf %get3A_640, %select_n3A_631 : vector<16xf32>
        %swap3A_642 = arith.index_cast %add3A_589 : i32 to index
        %swap3A_643 = arith.constant 16 : index
        %swap3A_644 = tpu.vector_load %arg6[%swap3A_642, %swap3A_643] {strides = array<i32>} : memref<256x128xf32, #tpu.memory_space<vmem>>, vector<16xf32>,
        tpu.vector_store %arg6[%swap3A_642, %swap3A_643], %mul3A_641 {strides = array<i32>} : memref<256x128xf32, #tpu.memory_space<vmem>>, vector<16xf32>,
        %get3A_645 = arith.index_cast %add3A_589 : i32 to index
        %get3A_646 = arith.constant 32 : index
        %get3A_647 = tpu.vector_load %arg6[%get3A_645, %get3A_646] {strides = array<i32>} : memref<256x128xf32, #tpu.memory_space<vmem>>, vector<16xf32>,
        %mul3A_648 = arith.mulf %get3A_647, %select_n3A_631 : vector<16xf32>
        %swap3A_649 = arith.index_cast %add3A_589 : i32 to index
        %swap3A_650 = arith.constant 32 : index
        %swap3A_651 = tpu.vector_load %arg6[%swap3A_649, %swap3A_650] {strides = array<i32>} : memref<256x128xf32, #tpu.memory_space<vmem>>, vector<16xf32>,
        tpu.vector_store %arg6[%swap3A_649, %swap3A_650], %mul3A_648 {strides = array<i32>} : memref<256x128xf32, #tpu.memory_space<vmem>>, vector<16xf32>,
        %get3A_652 = arith.index_cast %add3A_589 : i32 to index
        %get3A_653 = arith.constant 48 : index
        %get3A_654 = tpu.vector_load %arg6[%get3A_652, %get3A_653] {strides = array<i32>} : memref<256x128xf32, #tpu.memory_space<vmem>>, vector<16xf32>,
        %mul3A_655 = arith.mulf %get3A_654, %select_n3A_631 : vector<16xf32>
        %swap3A_656 = arith.index_cast %add3A_589 : i32 to index
        %swap3A_657 = arith.constant 48 : index
        %swap3A_658 = tpu.vector_load %arg6[%swap3A_656, %swap3A_657] {strides = array<i32>} : memref<256x128xf32, #tpu.memory_space<vmem>>, vector<16xf32>,
        tpu.vector_store %arg6[%swap3A_656, %swap3A_657], %mul3A_655 {strides = array<i32>} : memref<256x128xf32, #tpu.memory_space<vmem>>, vector<16xf32>,
        %get3A_659 = arith.index_cast %add3A_589 : i32 to index
        %get3A_660 = arith.constant 64 : index
        %get3A_661 = tpu.vector_load %arg6[%get3A_659, %get3A_660] {strides = array<i32>} : memref<256x128xf32, #tpu.memory_space<vmem>>, vector<16xf32>,
        %mul3A_662 = arith.mulf %get3A_661, %select_n3A_631 : vector<16xf32>
        %swap3A_663 = arith.index_cast %add3A_589 : i32 to index
        %swap3A_664 = arith.constant 64 : index
        %swap3A_665 = tpu.vector_load %arg6[%swap3A_663, %swap3A_664] {strides = array<i32>} : memref<256x128xf32, #tpu.memory_space<vmem>>, vector<16xf32>,
        tpu.vector_store %arg6[%swap3A_663, %swap3A_664], %mul3A_662 {strides = array<i32>} : memref<256x128xf32, #tpu.memory_space<vmem>>, vector<16xf32>,
        %get3A_666 = arith.index_cast %add3A_589 : i32 to index
        %get3A_667 = arith.constant 80 : index
        %get3A_668 = tpu.vector_load %arg6[%get3A_666, %get3A_667] {strides = array<i32>} : memref<256x128xf32, #tpu.memory_space<vmem>>, vector<16xf32>,
        %mul3A_669 = arith.mulf %get3A_668, %select_n3A_631 : vector<16xf32>
        %swap3A_670 = arith.index_cast %add3A_589 : i32 to index
        %swap3A_671 = arith.constant 80 : index
        %swap3A_672 = tpu.vector_load %arg6[%swap3A_670, %swap3A_671] {strides = array<i32>} : memref<256x128xf32, #tpu.memory_space<vmem>>, vector<16xf32>,
        tpu.vector_store %arg6[%swap3A_670, %swap3A_671], %mul3A_669 {strides = array<i32>} : memref<256x128xf32, #tpu.memory_space<vmem>>, vector<16xf32>,
        %get3A_673 = arith.index_cast %add3A_589 : i32 to index
        %get3A_674 = arith.constant 96 : index
        %get3A_675 = tpu.vector_load %arg6[%get3A_673, %get3A_674] {strides = array<i32>} : memref<256x128xf32, #tpu.memory_space<vmem>>, vector<16xf32>,
        %mul3A_676 = arith.mulf %get3A_675, %select_n3A_631 : vector<16xf32>
        %swap3A_677 = arith.index_cast %add3A_589 : i32 to index
        %swap3A_678 = arith.constant 96 : index
        %swap3A_679 = tpu.vector_load %arg6[%swap3A_677, %swap3A_678] {strides = array<i32>} : memref<256x128xf32, #tpu.memory_space<vmem>>, vector<16xf32>,
        tpu.vector_store %arg6[%swap3A_677, %swap3A_678], %mul3A_676 {strides = array<i32>} : memref<256x128xf32, #tpu.memory_space<vmem>>, vector<16xf32>,
        %get3A_680 = arith.index_cast %add3A_589 : i32 to index
        %get3A_681 = arith.constant 112 : index
        %get3A_682 = tpu.vector_load %arg6[%get3A_680, %get3A_681] {strides = array<i32>} : memref<256x128xf32, #tpu.memory_space<vmem>>, vector<16xf32>,
        %mul3A_683 = arith.mulf %get3A_682, %select_n3A_631 : vector<16xf32>
        %swap3A_684 = arith.index_cast %add3A_589 : i32 to index
        %swap3A_685 = arith.constant 112 : index
        %swap3A_686 = tpu.vector_load %arg6[%swap3A_684, %swap3A_685] {strides = array<i32>} : memref<256x128xf32, #tpu.memory_space<vmem>>, vector<16xf32>,
        tpu.vector_store %arg6[%swap3A_684, %swap3A_685], %mul3A_683 {strides = array<i32>} : memref<256x128xf32, #tpu.memory_space<vmem>>, vector<16xf32>,
      }
      %scan3A_584 = arith.constant 256 : i32
    } else {
    }
    %add3A_562 = arith.constant 6144 : i32
    %add3A_563 = arith.addi %mul3A_4, %add3A_562 : i32
    %dma_start3A_564 = arith.constant 0 : i32
    %dma_start3A_565 = tpu.memref_slice %arg4[%add3A_563, %dma_start3A_564] : memref<204800x128xf32, #tpu.memory_space<hbm>> -> memref<256x128xf32, #tpu.memory_space<hbm>>
    %dma_start3A_566 = arith.constant 0 : i32
    %dma_start3A_567 = tpu.memref_slice %arg4[%add3A_563, %dma_start3A_566] : memref<204800x128xf32, #tpu.memory_space<hbm>> -> memref<256x128xf32, #tpu.memory_space<hbm>>
    tpu.enqueue_dma source(%arg6 : memref<256x128xf32, #tpu.memory_space<vmem>>) target(%dma_start3A_567 : memref<256x128xf32, #tpu.memory_space<hbm>>) target_semaphore(%arg12 : memref<!tpu.dma_semaphore, #tpu.memory_space<semaphore_mem>>)
    %dma_wait3A_568 = arith.constant 0 : i32
    %dma_wait3A_569 = tpu.memref_slice %arg4[%mul3A_4, %dma_wait3A_568] : memref<204800x128xf32, #tpu.memory_space<hbm>> -> memref<256x128xf32, #tpu.memory_space<hbm>>
    %dma_wait3A_570 = arith.constant 0 : i32
    %dma_wait3A_571 = tpu.memref_slice %arg4[%mul3A_4, %dma_wait3A_570] : memref<204800x128xf32, #tpu.memory_space<hbm>> -> memref<256x128xf32, #tpu.memory_space<hbm>>
    tpu.wait_dma2 semaphore(%arg12 : memref<!tpu.dma_semaphore, #tpu.memory_space<semaphore_mem>>) src(%arg6 : memref<256x128xf32, #tpu.memory_space<vmem>>) dst(%dma_wait3A_571 : memref<256x128xf32, #tpu.memory_space<hbm>>)
    %dma_wait3A_572 = arith.constant 0 : i32
    %dma_wait3A_573 = tpu.memref_slice %arg4[%mul3A_4, %dma_wait3A_572] : memref<204800x128xf32, #tpu.memory_space<hbm>> -> memref<256x128xf32, #tpu.memory_space<hbm>>
    %dma_wait3A_574 = arith.constant 0 : i32
    %dma_wait3A_575 = tpu.memref_slice %arg4[%mul3A_4, %dma_wait3A_574] : memref<204800x128xf32, #tpu.memory_space<hbm>> -> memref<256x128xf32, #tpu.memory_space<hbm>>
    tpu.wait_dma2 semaphore(%arg13 : memref<!tpu.dma_semaphore, #tpu.memory_space<semaphore_mem>>) src(%arg7 : memref<256x128xf32, #tpu.memory_space<vmem>>) dst(%dma_wait3A_575 : memref<256x128xf32, #tpu.memory_space<hbm>>)
    %dma_wait3A_576 = arith.constant 0 : i32
    %dma_wait3A_577 = tpu.memref_slice %arg4[%mul3A_4, %dma_wait3A_576] : memref<204800x128xf32, #tpu.memory_space<hbm>> -> memref<256x128xf32, #tpu.memory_space<hbm>>
    %dma_wait3A_578 = arith.constant 0 : i32
    %dma_wait3A_579 = tpu.memref_slice %arg4[%mul3A_4, %dma_wait3A_578] : memref<204800x128xf32, #tpu.memory_space<hbm>> -> memref<256x128xf32, #tpu.memory_space<hbm>>
    tpu.wait_dma2 semaphore(%arg14 : memref<!tpu.dma_semaphore, #tpu.memory_space<semaphore_mem>>) src(%arg8 : memref<256x128xf32, #tpu.memory_space<vmem>>) dst(%dma_wait3A_579 : memref<256x128xf32, #tpu.memory_space<hbm>>)
    return
  }
}

</mosaic_0001>

<sc_bundles>
// kernel: kernel.3.cloned.1.call-start
scs
__scs_entry_jumppad:
0x0: {  	(pc) =	sbr.rel $0x88, $3  }
0x1: {  	(tag) =	ssettag $0x0;
	lr =	simm.s32 $0x1  }
0x2: {  	[smem:$0x3F9F] =	sst lr;
	_ =	strace $0xD0000000  }
0x3: {  	_ = 	snop  }
0x4: {  	_ = 	snop  }
0x5: {  	_ = 	snop  }
0x6: {  	_ = 	snop  }
0x7: {  	_ = 	snop  }
__scs_overlays_trampoline_lowered:
0x8: {  	[smem:$0x3FAE] =	sst s0  }
0x9: {  	[smem:$0x3FAF] =	sst s1  }
0xa: {  	[smem:$0x3FB0] =	sst s2  }
0xb: {  	[smem:$0x3FB1] =	sst s3  }
0xc: {  	[smem:$0x3FB2] =	sst s4  }
0xd: {  	[smem:$0x3FB3] =	sst s5  }
0xe: {  	[smem:$0x3FB4] =	sst s6  }
0xf: {  	[smem:$0x3FB5] =	sst s7  }
0x10: {  	[smem:$0x3FB6] =	sst s8  }
0x11: {  	[smem:$0x3FB7] =	sst s9;
	s0 =	simm.s32 @!p0 $0x0  }
0x12: {  	s1 =	sld [smem:$0x3F9D];
	s0 =	simm.s32 @p0 $0x1  }
0x13: {  	[smem:$0x3FB8] =	sst s0;
	s0 =	simm.s32 @!p1 $0x0  }
0x14: {  	s2 =	sld [smem:$0x3F9C];
	s0 =	simm.s32 @p1 $0x1  }
0x15: {  	[smem:$0x3FB9] =	sst s0;
	s0 =	simm.s32 @!p2 $0x0  }
0x16: {  	s3 =	sld [smem:$0x3FDB];
	s0 =	simm.s32 @p2 $0x1  }
0x17: {  	s4 =	simm.s32 $0x1BF5;
	[smem:$0x3FBB] =	sst s0  }
0x18: {  	s0 =	sld [smem:$0x3F9E];
	_ =	swait.ge [sflag:s4], $0x0  }
0x19: {  	s7 =	sld [smem:$0x3F9F]  }
0x1a: {  	s8 =	sadd.s32 $0xFFFFE003, lr  }
0x1b: {  	s9 =	sadd.s32 $0xFFFFFEF7, lr;
	s5 =	simm.s32 $0xFFFFFFFF;
	p2 =	slt.u32 s8, $0xFFFFF086  }
0x1c: {  	p1 =	slt.u32 s9, $0xF7A;
	s5 =	simm.s32 @!p2 $0x0  }
0x1d: {  	s5 =	simm.s32 @p1 $0x1;
	p0 =	seq.s32 s7, s2  }
0x1e: {  	s7 =	smul.u32 @!p0 $0xF7A, s2;
	p2 =	seq.s32 @!p0 s5, $0x0  }
0x1f: {  	s9 =	smul.u32 $0xF7A, s1;
	s8 =	simm.s32 @!p0 $0x1BF5;
	p2 =	por !p2, p0  }
0x20: {  	[sflag:s8] =	ssyncset.s32 @!p0 $0xFFFFF086;
	s6 =	sadd.s32 @!p0 s3, s7;
	s7 =	simm.s32 @!p0 $0x108  }
0x21: {  	s3 =	sadd.s32 s3, s9;
	s6 =	sadd.s32 @!p0 $0x88, s6;
	s7 =	simm.s32 @p2 $0x1082  }
0x22: {  	[simem:s7], [sflag:s8] =	dma.local @!p0 [hbm:s6], $0xF7A  }
0x23: {  	s9 =	sor.u32 $0xD0000000, s2;
	s6 =	simm.s32 $0x108;
	_ =	swait.ge @!p0 [sflag:s8], $0x0  }
0x24: {  	s3 =	sadd.s32 $0x88, s3;
	s6 =	simm.s32 @!p1 $0x1082;
	[sflag:s4] =	ssyncset.s32 $0xFFFFF086  }
0x25: {  	[simem:s6], [sflag:s4] =	dma.local [hbm:s3], $0xF7A  }
0x26: {  	[smem:$0x3F9F] =	sst s1;
	(tag) =	ssettag s2;
	_ =	strace s9  }
0x27: {  	s1 =	sld [smem:$0x3FAF]  }
0x28: {  	s2 =	sld [smem:$0x3FB0]  }
0x29: {  	s4 =	sld [smem:$0x3FB2]  }
0x2a: {  	p0 =	seq.s32 s5, $0x0;
	s5 =	sld [smem:$0x3FB3]  }
0x2b: {  	s6 =	sld [smem:$0x3FB4]  }
0x2c: {  	s7 =	sld [smem:$0x3FB5]  }
0x2d: {  	s3 =	simm.s32 $0x108;
	s8 =	sld [smem:$0x3FB6]  }
0x2e: {  	s3 =	simm.s32 @!p0 $0x1082;
	s9 =	sld [smem:$0x3FB7]  }
0x2f: {  	lr =	sadd.s32 s0, s3;
	s0 =	sld [smem:$0x3FAE]  }
0x30: {  	s3 =	sld [smem:$0x3FB1]  }
0x31: {  	[smem:$0x3FBA] =	sst s10  }
0x32: {  	s10 =	sld [smem:$0x3FB8];
	_ =	sdelay $0x3  }
0x33: {  	p0 =	seq.s32 s10, $0x1;
	s10 =	sld [smem:$0x3FBA];
	_ =	sdelay $0x3  }
0x34: {  	[smem:$0x3FBA] =	sst s10  }
0x35: {  	s10 =	sld [smem:$0x3FB9];
	_ =	sdelay $0x3  }
0x36: {  	p1 =	seq.s32 s10, $0x1;
	s10 =	sld [smem:$0x3FBA];
	_ =	sdelay $0x3  }
0x37: {  	[smem:$0x3FBA] =	sst s10  }
0x38: {  	s10 =	sld [smem:$0x3FBB]  }
0x39: {  	_ = 	snop;
	(pc) =	sbr.ind lr, $3  }
0x3a: {  	_ = 	snop  }
0x3b: {  	_ = 	snop  }
0x3c: {  	p2 =	seq.s32 s10, $0x1;
	s10 =	sld [smem:$0x3FBA]  }
0x3d: {  	_ =	shalt  }
0x3e: {  	_ =	shalt  }
0x3f: {  	_ =	shalt  }
0x40: {  	_ =	shalt  }
0x41: {  	_ =	shalt  }
0x42: {  	_ =	shalt  }
0x43: {  	_ =	shalt  }
0x44: {  	_ =	shalt  }
0x45: {  	_ =	shalt  }
0x46: {  	_ =	shalt  }
0x47: {  	_ =	shalt  }
0x48: {  	_ =	shalt  }
0x49: {  	_ =	shalt  }
0x4a: {  	_ =	shalt  }
0x4b: {  	_ =	shalt  }
0x4c: {  	_ =	shalt  }
0x4d: {  	_ =	shalt  }
0x4e: {  	_ =	shalt  }
0x4f: {  	_ =	shalt  }
0x50: {  	_ =	shalt  }
0x51: {  	_ =	shalt  }
0x52: {  	_ =	shalt  }
0x53: {  	_ =	shalt  }
0x54: {  	_ =	shalt  }
0x55: {  	_ =	shalt  }
0x56: {  	_ =	shalt  }
0x57: {  	_ =	shalt  }
0x58: {  	_ =	shalt  }
0x59: {  	_ =	shalt  }
0x5a: {  	_ =	shalt  }
0x5b: {  	_ =	shalt  }
0x5c: {  	_ =	shalt  }
0x5d: {  	_ =	shalt  }
0x5e: {  	_ =	shalt  }
0x5f: {  	_ =	shalt  }
0x60: {  	_ =	shalt  }
0x61: {  	_ =	shalt  }
0x62: {  	_ =	shalt  }
0x63: {  	_ =	shalt  }
0x64: {  	_ =	shalt  }
0x65: {  	_ =	shalt  }
0x66: {  	_ =	shalt  }
0x67: {  	_ =	shalt  }
0x68: {  	_ =	shalt  }
0x69: {  	_ =	shalt  }
0x6a: {  	_ =	shalt  }
0x6b: {  	_ =	shalt  }
0x6c: {  	_ =	shalt  }
0x6d: {  	_ =	shalt  }
0x6e: {  	_ =	shalt  }
0x6f: {  	_ =	shalt  }
0x70: {  	_ =	shalt  }
0x71: {  	_ =	shalt  }
0x72: {  	_ =	shalt  }
0x73: {  	_ =	shalt  }
0x74: {  	_ =	shalt  }
0x75: {  	_ =	shalt  }
0x76: {  	_ =	shalt  }
0x77: {  	_ =	shalt  }
0x78: {  	_ =	shalt  }
0x79: {  	_ =	shalt  }
0x7a: {  	_ =	shalt  }
0x7b: {  	_ =	shalt  }
0x7c: {  	_ =	shalt  }
0x7d: {  	_ =	shalt  }
0x7e: {  	_ =	shalt  }
0x7f: {  	_ =	shalt  }
0x80: {  	_ =	shalt  }
0x81: {  	_ =	shalt  }
0x82: {  	_ =	shalt  }
0x83: {  	_ =	shalt  }
0x84: {  	_ =	shalt  }
0x85: {  	_ =	shalt  }
0x86: {  	_ =	shalt  }
0x87: {  	_ =	shalt  }
.Lfunc_end0:
.L_simem_size_0:
called_computation_lowered:
.L_overlay_start_0:
0x88: {  	s2 =	sld [smem:$0x3FD9]  }
0x89: {  	s3 =	sld [smem:$0x3FFE];
	_ =	sdelay $0x1  }
0x8a: {  	s1 =	srdreg.scid  }
0x8b: {  	s0 =	sand.u32 $0x1, s1  }
0x8c: {  	s17 =	sshll.u32 s0, $0xA;
	s2 =	sadd.s32 s3, s2  }
0x8d: {  	s2 =	sadd.s32 s2, s17  }
0x8e: {  	[smem:$0x3FC6] =	sst s2  }
0x8f: {  	_ = 	snop  }
0x90: {  	s2 =	sld [smem:$0x3FC8]  }
0x91: {  	s18 =	sld [smem:$0x3FD0];
	(tm) =	ssettm $0x1  }
0x92: {  	s4 =	sld [smem:$0x3FFB];
	_ =	sdelay $0x3  }
0x93: {  	_ =	strace s4  }
0x94: {  	s4 =	sld [smem:$0x3FFC];
	_ =	sdelay $0x3  }
0x95: {  	_ =	strace s4  }
0x96: {  	s4 =	sld [smem:$0x3FFD];
	_ =	sdelay $0x3  }
0x97: {  	_ =	strace s4  }
0x98: {  	_ =	strace $0x8FFFFFFF  }
0x99: {  	s19 =	sld [smem:$0x3FDB];
	_ =	sdelay $0x1  }
0x9a: {  	s5 =	simm.s32 $_scs_section_size  }
0x9b: {  	s6 =	simm.s32 $_size__tile_overlayer_lowered;
	s7 =	simm.s32 $_tile_overlayer_lowered  }
0x9c: {  	s22 =	simm.s32 $0x1BFF;
	s21 =	sshll.u32 s7, $0x1;
	s4 =	sadd.s32 s5, s19  }
0x9d: {  	s8 =	simm.s32 $0x0;
	s20 =	sshll.u32 s6, $0x1;
	s6 =	sadd.s32 s21, s4  }
0x9e: {  	[timem:s8], [sflag:s22] =	dma.local [hbm:s6], s20  }
0x9f: {  	_ =	swait.ge [sflag:s22], s20  }
0xa0: {  	s5 =	ssub.s32 $0x0, s20;
	[sflag:s22] =	ssyncset.done $0x0  }
0xa1: {  	[sflag:s22] =	ssyncadd.s32 s5;
	_ =	sdelay $0x1  }
0xa2: {  	s23 =	simm.s32 $0x1B8B  }
0xa3: {  	_ =	swait.ge [sflag:s23], $0x1  }
0xa4: {  	[sflag:s23] =	ssyncset.done $0x0  }
0xa5: {  	s25 =	simm.s32 $0x1B8E;
	s24 =	sld [smem:$0x3FFE];
	[sflag:s23] =	ssyncadd.s32 $0xFFFFFFFF  }
0xa6: {  	s26 =	simm.s32 $execute0_lowered;
	[smem:$0x3FD2] =	sst s25  }
0xa7: {  	s6 =	sshll.u32 s26, $0x1;
	_ =	strace $0x80000046;
	[dreg:$0x1] =	wrdreg $0xFFFFFFFF  }
0xa8: {  	s28 =	simm.s32 $_size_execute0_lowered;
	s4 =	sadd.s32 s4, s6;
	[dreg:$0x0] =	wrdreg $0x0  }
0xa9: {  	s6 =	sshll.u32 s28, $0x1;
	[dreg:$0x2] =	wrdreg s4  }
0xaa: {  	[dreg:$0x3] =	wrdreg s6  }
0xab: {  	[dreg:$0x4] =	wrdreg $0xC0  }
0xac: {  	_ =	task [dreg:s8], $0x5FFFF  }
0xad: {  	[dreg:$0x1] =	wrdreg $0xFFFFFFFF  }
0xae: {  	[dreg:$0x0] =	wrdreg $0x60  }
0xaf: {  	[dreg:$0x2] =	wrdreg s2  }
0xb0: {  	[dreg:$0x3] =	wrdreg s24  }
0xb1: {  	[dreg:$0x4] =	wrdreg s18  }
0xb2: {  	[dreg:$0x5] =	wrdreg $0x9  }
0xb3: {  	_ =	task.clear_ibuf [dreg:s8], $0x6FFFF;
	_ =	strace $0x90000046  }
0xb4: {  	s29 =	simm.s32 $0x9;
	_ =	strace $0x80000048  }
0xb5: {  	_ =	swait.ge [sflag:s29], $0x1  }
0xb6: {  	[sflag:s29] =	ssyncadd.s32 $0xFFFFFFFF  }
0xb7: {  	_ =	strace $0x90000048  }
0xb8: {  	_ =	sfence  }
0xb9: {  	s30 =	sld [smem:$0x0];
	_ =	sdelay $0x2  }
0xba: {  	s31 =	sshll.u32 s1, $0xD;
	s1 =	sshrl.u32 s1, $0x2  }
0xbb: {  	s3 =	sand.u32 $0x4000, s31;
	s1 =	sadd.s32 s1, s30  }
0xbc: {  	s0 =	sor.u32 s3, s0;
	s1 =	sshll.u32 s1, $0x11  }
0xbd: {  	s0 =	sor.u32 s1, s0  }
0xbe: {  	s0 =	sadd.s32 $0x8F2B, s0  }
0xbf: {  	[sflag:s0] =	ssyncadd.remote.s32 $0x1  }
0xc0: {  	_ =	sfence.sel $0xFFFF  }
0xc1: {  	[dreg:$0x0] =	wrdreg $0xFFFFFFFF;
	(pc) =	sbr.abs _section_cstart, $3  }
0xc2: {  	[dreg:$0x1] =	wrdreg $0xFFFFFFFF  }
0xc3: {  	_ =	task.clear_ibuf [dreg:s8], $0x2FFFF;
	_ =	strace $0x9FFFFFFF  }
0xc4: {  	(tm) =	ssettm $0x7FFFFFFF  }
0xc5: {  	_ =	shalt  }
tec
execute0_lowered:
.L_overlay_start_1:
0x0: {  	(tag) =	ssettag $0x1  }
0x1: {  	s1 =	rddreg [dreg:$0x0]  }
0x2: {  	s0 =	rddreg [dreg:$0x1];
	s2 =	srdreg.scid  }
0x3: {  	s4 =	stileid.u32;
	s3 =	rddreg [dreg:$0x2]  }
0x4: {  	s13 =	simm.s32 $0x80;
	s2 =	sand.u32 $0x1, s2;
	s5 =	sshll.u32 s4, $0x1  }
0x5: {  	s14 =	simm.s32 $0x1C00;
	s15 =	simm.s32 $0x5C00;
	s6 =	sor.u32 s2, s5  }
0x6: {  	s17 =	simm.s32 $0x9C00;
	s19 =	simm.s32 $0xDC00;
	s5 =	smul.u32 $0xC8000, s6  }
0x7: {  	s20 =	simm.s32 $0x1;
	s4 =	simm.s32 $0x0;
	s7 =	smul.u32 $0x380, s6  }
0x8: {  	[smem:$0x7FF] =	sst s4;
	s2 =	ssub.s32 $0x2, s2;
	s6 =	smul.u32 $0x19000, s6  }
0x9: {  	s28 =	simm.s32 $0x3;
	_ =	strace $0x80000047;
	s8 =	sshrl.u32 s2, $0x1  }
0xa: {  	s2 =	ssub.s32 s2, s8;
	s9 =	sshrl.u32 s5, $0x3;
	s23 =	sadd.s32 s3, s6  }
0xb: {  	s0 =	sadd.s32 s7, s0;
	s31 =	smax.u32 s2, $0x1;
	[dreg:$0x5] =	wrdreg s23  }
0xc: {  	s22 =	sadd.s32 s3, s9;
	s0 =	sadd.s32 $0x400, s0;
	[dreg:$0x9] =	wrdreg s31  }
.Ltmp0:
0xd: {  	[dreg:$0x4] =	wrdreg s0;
	s24 =	sadd.s32 $0x16000, s22;
	(pc) =	sbr.rel .LBB2_1-.Ltmp0, $4  }
0xe: {  	s29 =	simm.s32 $0x5;
	s25 =	sadd.s32 $0x17000, s22;
	[dreg:$0x6] =	wrdreg s24  }
0xf: {  	s30 =	simm.s32 $0x6;
	s26 =	sadd.s32 $0x18000, s22;
	[dreg:$0x7] =	wrdreg s25  }
0x10: {  	s2 =	simm.s32 $0x0;
	s22 =	simm.s32 $0x11C00;
	[dreg:$0x8] =	wrdreg s26  }
0x11: {  	v0 =	vimm.f32 $1.000000000e+00;
	s24 =	simm.s32 $0x15C00;
	s25 =	simm.s32 $0x2;
	s26 =	simm.s32 $0x4  }
.LBB2_45:
0x12: {  	s0 =	rddreg [dreg:$0x8]  }
0x13: {  	[hbm4b:s0+s4] =	stream.linear.scatter [tilespmem:s14], [sflag:$0x4], $0x8000, $0x38;
	[tilespmem:$0x19C00] =	vst v63  }
0x14: {  	_ =	swait.ge [sflag:s26], $0x8000  }
0x15: {  	[sflag:s26] =	ssyncset.done $0x0  }
0x16: {  	[sflag:s26] =	ssyncadd.s32 $0xFFFF8000  }
0x17: {  	_ =	swait.ge [sflag:s29], $0x8000  }
0x18: {  	[sflag:s29] =	ssyncset.done $0x0  }
0x19: {  	[sflag:s29] =	ssyncadd.s32 $0xFFFF8000  }
0x1a: {  	_ =	swait.ge [sflag:s30], $0x8000  }
0x1b: {  	s2 =	sadd.s32 $0x1, s2;
	s31 =	rddreg [dreg:$0x9]  }
0x1c: {  	p0 =	sne.s32 s2, s31  }
.Ltmp1:
0x1d: {  	_ = 	snop;
	(pc) =	sbr.rel @!p0 .LBB2_46-.Ltmp1, $3  }
0x1e: {  	_ =	sdelay $0x1  }
0x1f: {  	[sflag:s30] =	ssyncset.done $0x0  }
0x20: {  	[sflag:s30] =	ssyncadd.s32 $0xFFFF8000  }
.LBB2_1:
0x21: {  	[dreg:$0xa] =	wrdreg s2  }
0x22: {  	s0 =	rddreg [dreg:$0x4];
	s16 =	simm.s32 $0x7  }
0x23: {  	[tilespmem:s4], [sflag:$0x7] =	stream.linear.gather [hbm4b:s0+s4], $0x1900, $0x38;
	[tilespmem:$0x19C00] =	vst v63  }
0x24: {  	_ =	swait.ge [sflag:s16], $0x1900  }
0x25: {  	[sflag:s16] =	ssyncset.done $0x0  }
0x26: {  	[sflag:s16] =	ssyncadd.s32 $0xFFFFE700  }
0x27: {  	[tilespmem:s14], [sflag:$0x1] =	stream.indirect.gather [hbm4b:s1+s13], $0x80, s4, s13, $0xb8;
	[tilespmem:$0x19C00] =	vst v63  }
0x28: {  	_ = 	snop  }
0x29: {  	[tilespmem:s15], [sflag:$0x1] =	stream.indirect.gather [hbm4b:s1+s13], $0x80, s13, s13, $0xb8;
	[tilespmem:$0x19C00] =	vst v63  }
0x2a: {  	s18 =	simm.s32 $0x100  }
0x2b: {  	[tilespmem:s17], [sflag:$0x2] =	stream.indirect.gather [hbm4b:s1+s13], $0x80, s18, s13, $0xb8;
	[tilespmem:$0x19C00] =	vst v63  }
0x2c: {  	s21 =	simm.s32 $0x180  }
0x2d: {  	[tilespmem:s19], [sflag:$0x2] =	stream.indirect.gather [hbm4b:s1+s13], $0x80, s21, s13, $0xb8;
	[tilespmem:$0x19C00] =	vst v63  }
0x2e: {  	_ =	swait.ge [sflag:s20], $0x4000  }
0x2f: {  	[sflag:s20] =	ssyncset.done $0x0  }
0x30: {  	[sflag:s20] =	ssyncadd.s32 $0xFFFFC000  }
0x31: {  	_ =	swait.ge [sflag:s20], $0x4000  }
0x32: {  	[sflag:s20] =	ssyncset.done $0x0  }
0x33: {  	s23 =	simm.s32 $0x200;
	[sflag:s20] =	ssyncadd.s32 $0xFFFFC000  }
0x34: {  	[tilespmem:s22], [sflag:$0x3] =	stream.indirect.gather [hbm4b:s1+s13], $0x80, s23, s13, $0xb8;
	[tilespmem:$0x19C00] =	vst v63  }
0x35: {  	s31 =	simm.s32 $0x280  }
0x36: {  	[tilespmem:s24], [sflag:$0x3] =	stream.indirect.gather [hbm4b:s1+s13], $0x80, s31, s13, $0xb8;
	[tilespmem:$0x19C00] =	vst v63  }
0x37: {  	v14 =	vld [tilespmem:$0x0]  }
0x38: {  	v16 =	vld [tilespmem:$0x10]  }
0x39: {  	v15 =	vld [tilespmem:$0x20]  }
0x3a: {  	v13 =	vld [tilespmem:$0x30]  }
0x3b: {  	v12 =	vld [tilespmem:$0x40]  }
0x3c: {  	v11 =	vld [tilespmem:$0x50]  }
0x3d: {  	v10 =	vld [tilespmem:$0x60]  }
0x3e: {  	v9 =	vld [tilespmem:$0x70]  }
0x3f: {  	v8 =	vld [tilespmem:$0x80]  }
0x40: {  	v7 =	vld [tilespmem:$0x90]  }
0x41: {  	v6 =	vld [tilespmem:$0xA0]  }
0x42: {  	v5 =	vld [tilespmem:$0xB0]  }
0x43: {  	v4 =	vld [tilespmem:$0xC0]  }
0x44: {  	v3 =	vld [tilespmem:$0xD0]  }
0x45: {  	v1 =	vld [tilespmem:$0xE0]  }
0x46: {  	s2 =	simm.s32 $0x1D00;
	v2 =	vld [tilespmem:$0xF0]  }
0x47: {  	v17 =	vld [tilespmem:s2+$0xF0]  }
0x48: {  	v18 =	vld [tilespmem:s2+$0xFFFFFF10]  }
0x49: {  	v19 =	vld [tilespmem:s2+$0xFFFFFF20]  }
0x4a: {  	v23 =	vld [tilespmem:s2+$0xFFFFFF60]  }
0x4b: {  	v21 =	vld [tilespmem:s2+$0xFFFFFF40]  }
0x4c: {  	v20 =	vld [tilespmem:s2+$0xFFFFFF30];
	v17 =	vmul.f32 $1.131370830e+01, v17  }
0x4d: {  	v25 =	vld [tilespmem:s2+$0xFFFFFF80];
	v18 =	vmul.f32 $1.131370830e+01, v18  }
0x4e: {  	v22 =	vld [tilespmem:s2+$0xFFFFFF50];
	v19 =	vmul.f32 $1.131370830e+01, v19;
	[tilespmem:s2+$0xF0] =	vst v17  }
0x4f: {  	v24 =	vld [tilespmem:s2+$0xFFFFFF70];
	v23 =	vmul.f32 $1.131370830e+01, v23;
	[tilespmem:s2+$0xFFFFFF10] =	vst v18  }
0x50: {  	v17 =	vld [tilespmem:s2+$0xFFFFFF90];
	[tilespmem:s2+$0xFFFFFF20] =	vst v19;
	v19 =	vmul.f32 $1.131370830e+01, v21  }
0x51: {  	v18 =	vmul.f32 $1.131370830e+01, v20;
	[tilespmem:s2+$0xFFFFFF60] =	vst v23;
	v23 =	vld [tilespmem:s2+$0xFFFFFFF0]  }
0x52: {  	v20 =	vld [tilespmem:s2+$0xFFFFFFA0];
	[tilespmem:s2+$0xFFFFFF40] =	vst v19;
	v19 =	vmul.f32 $1.131370830e+01, v25  }
0x53: {  	v21 =	vld [tilespmem:s2+$0xFFFFFFB0];
	[tilespmem:s2+$0xFFFFFF30] =	vst v18;
	v18 =	vmul.f32 $1.131370830e+01, v22  }
0x54: {  	v22 =	vld [tilespmem:s2+$0xFFFFFFC0];
	[tilespmem:s2+$0xFFFFFF80] =	vst v19;
	v19 =	vmul.f32 $1.131370830e+01, v24  }
0x55: {  	v60 =	vld [tilespmem:s2+$0xFFFFFFD0];
	[tilespmem:s2+$0xFFFFFF50] =	vst v18;
	v17 =	vmul.f32 $1.131370830e+01, v17  }
0x56: {  	v18 =	vld [tilespmem:s2+$0xFFFFFFE0];
	v23 =	vmul.f32 $1.131370830e+01, v23;
	[tilespmem:s2+$0xFFFFFF70] =	vst v19  }
0x57: {  	v19 =	vmul.f32 $1.131370830e+01, v20;
	v20 =	vld [tilespmem:s2+$0x0];
	[tilespmem:s2+$0xFFFFFF90] =	vst v17  }
0x58: {  	v17 =	vmul.f32 $1.131370830e+01, v21;
	v21 =	vld [tilespmem:s2+$0x10];
	[tilespmem:s2+$0xFFFFFFF0] =	vst v23  }
0x59: {  	[tilespmem:s2+$0xFFFFFFA0] =	vst v19;
	v19 =	vmul.f32 $1.131370830e+01, v22;
	v22 =	vld [tilespmem:s2+$0x20]  }
0x5a: {  	v23 =	vld [tilespmem:s2+$0x80];
	[tilespmem:s2+$0xFFFFFFB0] =	vst v17;
	v17 =	vmul.f32 $1.131370830e+01, v60  }
0x5b: {  	v18 =	vmul.f32 $1.131370830e+01, v18;
	[tilespmem:s2+$0xFFFFFFC0] =	vst v19;
	v19 =	vld [tilespmem:s2+$0x40]  }
0x5c: {  	v61 =	vld [tilespmem:s2+$0x30];
	[tilespmem:s2+$0xFFFFFFD0] =	vst v17;
	v17 =	vmul.f32 $1.131370830e+01, v20  }
0x5d: {  	v20 =	vld [tilespmem:s2+$0x50];
	[tilespmem:s2+$0xFFFFFFE0] =	vst v18;
	v21 =	vmul.f32 $1.131370830e+01, v21  }
0x5e: {  	v18 =	vld [tilespmem:s2+$0x60];
	[tilespmem:s2+$0x0] =	vst v17;
	v17 =	vmul.f32 $1.131370830e+01, v22  }
0x5f: {  	v23 =	vmul.f32 $1.131370830e+01, v23;
	v22 =	vld [tilespmem:s2+$0x70];
	[tilespmem:s2+$0x10] =	vst v21  }
0x60: {  	v62 =	vld [tilespmem:s2+$0x90];
	[tilespmem:s2+$0x20] =	vst v17;
	v17 =	vmul.f32 $1.131370830e+01, v19  }
0x61: {  	v63 =	vld [tilespmem:s2+$0xA0];
	v21 =	vmul.f32 $1.131370830e+01, v61;
	[tilespmem:s2+$0x80] =	vst v23  }
0x62: {  	v19 =	vmul.f32 $1.131370830e+01, v20;
	[tilespmem:s2+$0x40] =	vst v17;
	v17 =	vld [tilespmem:s2+$0xB0]  }
0x63: {  	[tilespmem:s2+$0x30] =	vst v21;
	v20 =	vmul.f32 $1.131370830e+01, v18;
	v18 =	vld [tilespmem:s2+$0xC0]  }
0x64: {  	[tilespmem:s2+$0x50] =	vst v19;
	v21 =	vmul.f32 $1.131370830e+01, v22;
	v19 =	vld [tilespmem:s2+$0xD0]  }
0x65: {  	[tilespmem:s2+$0x60] =	vst v20;
	v20 =	vld [tilespmem:s2+$0xE0];
	v22 =	vmul.f32 $1.131370830e+01, v62  }
0x66: {  	s6 =	simm.s32 $0x0;
	s7 =	simm.s32 $0x1F00;
	v23 =	vmul.f32 $1.131370830e+01, v63;
	[tilespmem:s2+$0x70] =	vst v21;
	v21 =	vld [tilespmem:s2+$0xFFFFFF00]  }
.LBB2_2:
0x67: {  	v24 =	vld [tilespmem:s7+$0xF0];
	s6 =	sadd.s32 $0x4, s6;
	[tilespmem:s2+$0x90] =	vst v22;
	v17 =	vmul.f32 $1.131370830e+01, v17  }
0x68: {  	v22 =	vld [tilespmem:s7+$0xFFFFFF10];
	p0 =	slt.u32 s6, $0xFC;
	[tilespmem:s2+$0xA0] =	vst v23;
	v18 =	vmul.f32 $1.131370830e+01, v18  }
0x69: {  	v23 =	vld [tilespmem:s7+$0xFFFFFF20];
	[tilespmem:s2+$0xB0] =	vst v17;
	v17 =	vmul.f32 $1.131370830e+01, v19  }
0x6a: {  	v19 =	vld [tilespmem:s7+$0xFFFFFF30];
	[tilespmem:s2+$0xC0] =	vst v18;
	v18 =	vmul.f32 $1.131370830e+01, v20  }
0x6b: {  	v20 =	vld [tilespmem:s7+$0xFFFFFF40];
	v21 =	vmul.f32 $1.131370830e+01, v21;
	[tilespmem:s2+$0xD0] =	vst v17  }
0x6c: {  	v17 =	vld [tilespmem:s7+$0xFFFFFF50];
	v24 =	vmul.f32 $1.131370830e+01, v24;
	[tilespmem:s2+$0xE0] =	vst v18  }
0x6d: {  	v18 =	vmul.f32 $1.131370830e+01, v22;
	v22 =	vld [tilespmem:s7+$0xFFFFFF60];
	[tilespmem:s2+$0xFFFFFF00] =	vst v21;
	s2 =	smov.u32 s7  }
0x6e: {  	v21 =	vmul.f32 $1.131370830e+01, v23;
	v23 =	vld [tilespmem:s7+$0xFFFFFF70];
	[tilespmem:s7+$0xF0] =	vst v24  }
0x6f: {  	[tilespmem:s7+$0xFFFFFF10] =	vst v18;
	v18 =	vmul.f32 $1.131370830e+01, v19;
	v19 =	vld [tilespmem:s7+$0xFFFFFF80]  }
0x70: {  	[tilespmem:s7+$0xFFFFFF20] =	vst v21;
	v20 =	vmul.f32 $1.131370830e+01, v20;
	v21 =	vld [tilespmem:s7+$0xFFFFFF90]  }
0x71: {  	[tilespmem:s7+$0xFFFFFF30] =	vst v18;
	v17 =	vmul.f32 $1.131370830e+01, v17;
	v18 =	vld [tilespmem:s7+$0xFFFFFFA0]  }
0x72: {  	[tilespmem:s7+$0xFFFFFF40] =	vst v20;
	v20 =	vmul.f32 $1.131370830e+01, v22;
	v22 =	vld [tilespmem:s7+$0xFFFFFFB0]  }
0x73: {  	[tilespmem:s7+$0xFFFFFF50] =	vst v17;
	v17 =	vmul.f32 $1.131370830e+01, v23;
	v23 =	vld [tilespmem:s7+$0xFFFFFFC0]  }
0x74: {  	[tilespmem:s7+$0xFFFFFF60] =	vst v20;
	v19 =	vmul.f32 $1.131370830e+01, v19;
	v20 =	vld [tilespmem:s7+$0xFFFFFFD0]  }
0x75: {  	[tilespmem:s7+$0xFFFFFF70] =	vst v17;
	v17 =	vmul.f32 $1.131370830e+01, v21;
	v21 =	vld [tilespmem:s7+$0xFFFFFFE0]  }
0x76: {  	[tilespmem:s7+$0xFFFFFF80] =	vst v19;
	v18 =	vmul.f32 $1.131370830e+01, v18;
	v19 =	vld [tilespmem:s7+$0xFFFFFFF0]  }
0x77: {  	[tilespmem:s7+$0xFFFFFF90] =	vst v17;
	v17 =	vmul.f32 $1.131370830e+01, v22;
	v22 =	vld [tilespmem:s7+$0x0]  }
0x78: {  	[tilespmem:s7+$0xFFFFFFA0] =	vst v18;
	v18 =	vmul.f32 $1.131370830e+01, v23;
	v23 =	vld [tilespmem:s7+$0x10]  }
0x79: {  	[tilespmem:s7+$0xFFFFFFB0] =	vst v17;
	v17 =	vmul.f32 $1.131370830e+01, v20;
	v20 =	vld [tilespmem:s7+$0x20]  }
0x7a: {  	[tilespmem:s7+$0xFFFFFFC0] =	vst v18;
	v18 =	vmul.f32 $1.131370830e+01, v21;
	v21 =	vld [tilespmem:s7+$0x30]  }
0x7b: {  	[tilespmem:s7+$0xFFFFFFD0] =	vst v17;
	v17 =	vmul.f32 $1.131370830e+01, v19;
	v19 =	vld [tilespmem:s7+$0x40]  }
0x7c: {  	[tilespmem:s7+$0xFFFFFFE0] =	vst v18;
	v18 =	vmul.f32 $1.131370830e+01, v22;
	v22 =	vld [tilespmem:s7+$0x50]  }
0x7d: {  	[tilespmem:s7+$0xFFFFFFF0] =	vst v17;
	v17 =	vmul.f32 $1.131370830e+01, v23;
	v23 =	vld [tilespmem:s7+$0x60]  }
0x7e: {  	[tilespmem:s7+$0x0] =	vst v18;
	v18 =	vmul.f32 $1.131370830e+01, v20;
	v20 =	vld [tilespmem:s7+$0x70]  }
0x7f: {  	[tilespmem:s7+$0x10] =	vst v17;
	v17 =	vmul.f32 $1.131370830e+01, v21;
	v21 =	vld [tilespmem:s7+$0x80]  }
0x80: {  	[tilespmem:s7+$0x20] =	vst v18;
	v18 =	vmul.f32 $1.131370830e+01, v19;
	v24 =	vld [tilespmem:s7+$0x90]  }
0x81: {  	[tilespmem:s7+$0x30] =	vst v17;
	v19 =	vmul.f32 $1.131370830e+01, v22;
	v25 =	vld [tilespmem:s7+$0xA0]  }
.Ltmp2:
0x82: {  	[tilespmem:s7+$0x40] =	vst v18;
	v22 =	vmul.f32 $1.131370830e+01, v23;
	v17 =	vld [tilespmem:s7+$0xB0];
	(pc) =	sbr.rel @p0 .LBB2_2-.Ltmp2, $4  }
0x83: {  	[tilespmem:s7+$0x50] =	vst v19;
	v20 =	vmul.f32 $1.131370830e+01, v20;
	v18 =	vld [tilespmem:s7+$0xC0]  }
0x84: {  	[tilespmem:s7+$0x60] =	vst v22;
	v23 =	vmul.f32 $1.131370830e+01, v21;
	v19 =	vld [tilespmem:s7+$0xD0]  }
0x85: {  	[tilespmem:s7+$0x70] =	vst v20;
	v22 =	vmul.f32 $1.131370830e+01, v24;
	v20 =	vld [tilespmem:s7+$0xE0]  }
0x86: {  	s7 =	sadd.s32 $0x200, s7;
	v21 =	vld [tilespmem:s2+$0xFFFFFF00];
	[tilespmem:s2+$0x80] =	vst v23;
	v23 =	vmul.f32 $1.131370830e+01, v25  }
0x87: {  	vm0 =	vlt.s32 v14, v16  }
0x88: {  	v14 =	vsel vm0, v14, v16  }
0x89: {  	vm0 =	vlt.s32 v14, v15  }
0x8a: {  	v14 =	vsel vm0, v14, v15  }
0x8b: {  	vm0 =	vlt.s32 v14, v13  }
0x8c: {  	v13 =	vsel vm0, v14, v13  }
0x8d: {  	vm0 =	vlt.s32 v13, v12  }
0x8e: {  	v12 =	vsel vm0, v13, v12  }
0x8f: {  	vm0 =	vlt.s32 v12, v11  }
0x90: {  	v11 =	vsel vm0, v12, v11  }
0x91: {  	vm0 =	vlt.s32 v11, v10  }
0x92: {  	v10 =	vsel vm0, v11, v10  }
0x93: {  	vm0 =	vlt.s32 v10, v9  }
0x94: {  	v9 =	vsel vm0, v10, v9  }
0x95: {  	vm0 =	vlt.s32 v9, v8  }
0x96: {  	v8 =	vsel vm0, v9, v8  }
0x97: {  	vm0 =	vlt.s32 v8, v7  }
0x98: {  	v7 =	vsel vm0, v8, v7  }
0x99: {  	vm0 =	vlt.s32 v7, v6  }
0x9a: {  	v6 =	vsel vm0, v7, v6  }
0x9b: {  	vm0 =	vlt.s32 v6, v5  }
0x9c: {  	v5 =	vsel vm0, v6, v5  }
0x9d: {  	vm0 =	vlt.s32 v5, v4  }
0x9e: {  	v4 =	vsel vm0, v5, v4  }
0x9f: {  	vm0 =	vlt.s32 v4, v3  }
0xa0: {  	v3 =	vsel vm0, v4, v3  }
0xa1: {  	vm0 =	vlt.s32 v3, v1  }
0xa2: {  	v1 =	vsel vm0, v3, v1  }
0xa3: {  	vm0 =	vlt.s32 v1, v2  }
0xa4: {  	v1 =	vsel vm0, v1, v2  }
0xa5: {  	v1 =	vxor.u32 $0x80000000, v1  }
0xa6: {  	(xrf0) =	vmin.scan.msk.u32 $0xffff, v1;
	_ =	sdelay $0x5  }
0xa7: {  	v1, _, _ =	vpop (xrf0)  }
0xa8: {  	(v2sf) =	vpush v1, $0xF;
	_ =	sdelay $0xe  }
0xa9: {  	[tilespmem:s2+$0x90] =	vst v22;
	v3 =	vmul.f32 $1.131370830e+01, v21;
	s6 =	spop (v2sf)  }
0xaa: {  	[tilespmem:s2+$0xA0] =	vst v23;
	v2 =	vmul.f32 $1.131370830e+01, v18;
	p0 =	sne.s32 s6, $0x80000000  }
.Ltmp3:
0xab: {  	[tilespmem:s2+$0xFFFFFF00] =	vst v3;
	v1 =	vmul.f32 $1.131370830e+01, v17;
	(pc) =	sbr.rel @p0 .LBB2_7-.Ltmp3, $4  }
0xac: {  	[tilespmem:s2+$0xC0] =	vst v2;
	v2 =	vmul.f32 $1.131370830e+01, v20  }
0xad: {  	[tilespmem:s2+$0xB0] =	vst v1;
	v1 =	vmul.f32 $1.131370830e+01, v19  }
0xae: {  	[tilespmem:s2+$0xE0] =	vst v2  }
0xaf: {  	[tilespmem:s2+$0xD0] =	vst v1  }
0xb0: {  	s2 =	simm.s32 $0x0  }
0xb1: {  	v1 =	vmov s2;
	_ =	sdelay $0x2  }
0xb2: {  	s2 =	simm.s32 $0x1C40  }
0xb3: {  	v5 =	vld [tilespmem:s2+$0x30]  }
0xb4: {  	v2 =	vld.idx.msk [tilespmem:v1+s4+$0x0], $0xffff  }
0xb5: {  	v8 =	vld [tilespmem:s2+$0x10]  }
0xb6: {  	v6 =	vld [tilespmem:s2+$0xFFFFFFC0]  }
0xb7: {  	v10 =	vld [tilespmem:s2+$0xFFFFFFE0]  }
0xb8: {  	v3 =	vld [tilespmem:s2+$0x20]  }
0xb9: {  	v4 =	vld [tilespmem:s2+$0xFFFFFFD0];
	vm0 =	veq.s32 v2, $0x0  }
0xba: {  	v1 =	vld [tilespmem:s2+$0xFFFFFFF0];
	v2 =	vsel vm0, $0x0, v0  }
0xbb: {  	v9 =	vmul.f32 v5, v2;
	v5 =	vld [tilespmem:s2+$0x0]  }
0xbc: {  	v7 =	vmul.f32 v2, v6  }
0xbd: {  	s6 =	simm.s32 $0x1;
	s7 =	simm.s32 $0x1C40;
	v6 =	vmul.f32 v10, v2;
	v8 =	vmul.f32 v8, v2  }
.LBB2_5:
0xbe: {  	p0 =	sne.s32 s6, $0xFF  }
0xbf: {  	v4 =	vmul.f32 v4, v2;
	v3 =	vmul.f32 v3, v2;
	[tilespmem:s2+$0x30] =	vst v9;
	s7 =	sadd.s32 $0x80, s7;
	s8 =	smov.u32 s6;
	s6 =	sadd.s32 $0x1, s6  }
0xc0: {  	v1 =	vmul.f32 v1, v2;
	[tilespmem:s2+$0xFFFFFFC0] =	vst v7;
	v2 =	vmul.f32 v5, v2  }
0xc1: {  	[tilespmem:s2+$0x10] =	vst v8  }
0xc2: {  	v5 =	vmov s8;
	[tilespmem:s2+$0xFFFFFFE0] =	vst v6  }
0xc3: {  	[tilespmem:s2+$0xFFFFFFF0] =	vst v1  }
0xc4: {  	[tilespmem:s2+$0x0] =	vst v2  }
0xc5: {  	v1 =	vld [tilespmem:s7+$0xFFFFFFF0];
	[tilespmem:s2+$0x20] =	vst v3  }
0xc6: {  	v6 =	vld [tilespmem:s7+$0x30];
	[tilespmem:s2+$0xFFFFFFD0] =	vst v4;
	s2 =	smov.u32 s7  }
0xc7: {  	v2 =	vld.idx.msk [tilespmem:v5+s4+$0x0], $0xffff  }
0xc8: {  	v8 =	vld [tilespmem:s7+$0x10]  }
0xc9: {  	v7 =	vld [tilespmem:s7+$0xFFFFFFC0]  }
0xca: {  	v10 =	vld [tilespmem:s7+$0xFFFFFFE0]  }
0xcb: {  	v3 =	vld [tilespmem:s7+$0x20]  }
.Ltmp4:
0xcc: {  	v4 =	vld [tilespmem:s7+$0xFFFFFFD0];
	(pc) =	sbr.rel @p0 .LBB2_5-.Ltmp4, $4  }
0xcd: {  	vm0 =	veq.s32 v2, $0x0;
	v5 =	vld [tilespmem:s7+$0x0]  }
0xce: {  	v2 =	vsel vm0, $0x0, v0  }
0xcf: {  	v7 =	vmul.f32 v2, v7;
	v9 =	vmul.f32 v6, v2  }
0xd0: {  	v8 =	vmul.f32 v8, v2;
	v6 =	vmul.f32 v10, v2  }
0xd1: {  	[tilespmem:s2+$0x30] =	vst v9  }
0xd2: {  	[tilespmem:s2+$0xFFFFFFC0] =	vst v7  }
0xd3: {  	v1 =	vmul.f32 v1, v2;
	[tilespmem:s2+$0x10] =	vst v8  }
0xd4: {  	v3 =	vmul.f32 v3, v2;
	[tilespmem:s2+$0xFFFFFFE0] =	vst v6  }
0xd5: {  	v5 =	vmul.f32 v5, v2;
	[tilespmem:s2+$0xFFFFFFF0] =	vst v1  }
0xd6: {  	v1 =	vmul.f32 v4, v2;
	[tilespmem:s2+$0x20] =	vst v3  }
0xd7: {  	[tilespmem:s2+$0x0] =	vst v5  }
0xd8: {  	[tilespmem:s2+$0xFFFFFFD0] =	vst v1  }
.LBB2_7:
.Ltmp5:
0xd9: {  	(pc) =	sbr.rel .LBB2_8-.Ltmp5, $3  }
0xda: {  	_ =	sdelay $0x1  }
0xdb: {  	s16 =	simm.s32 $0x0;
	s0 =	rddreg [dreg:$0x5]  }
0xdc: {  	[hbm4b:s0+s16] =	stream.linear.scatter [tilespmem:s14], [sflag:$0x4], $0x8000, $0x38;
	[tilespmem:$0x19C00] =	vst v63  }
.LBB2_26:
0xdd: {  	s16 =	sadd.s32 $0x1, s16  }
0xde: {  	p0 =	sne.s32 s16, $0x7  }
.Ltmp6:
0xdf: {  	s0 =	sshll.u32 s18, $0xF;
	(pc) =	sbr.rel @!p0 .LBB2_27-.Ltmp6, $4  }
0xe0: {  	s0 =	sadd.s32 s5, s0  }
0xe1: {  	s0 =	sshrl.u32 s0, $0x3  }
0xe2: {  	s0 =	sadd.s32 s3, s0  }
0xe3: {  	[hbm4b:s0+s4] =	stream.linear.scatter [tilespmem:s14], [sflag:$0x4], $0x8000, $0x38;
	[tilespmem:$0x19C00] =	vst v63  }
.LBB2_8:
0xe4: {  	_ =	swait.ge [sflag:s25], $0x4000  }
0xe5: {  	[sflag:s25] =	ssyncset.done $0x0  }
0xe6: {  	[sflag:s25] =	ssyncadd.s32 $0xFFFFC000  }
0xe7: {  	_ =	swait.ge [sflag:s25], $0x4000  }
0xe8: {  	s23 =	smul.u32 $0x3, s16;
	[sflag:s25] =	ssyncset.done $0x0  }
0xe9: {  	[sflag:s25] =	ssyncadd.s32 $0xFFFFC000  }
0xea: {  	s18 =	sadd.s32 $0x3, s23;
	_ =	swait.ge [sflag:s26], $0x8000  }
0xeb: {  	s2 =	sshll.u32 s18, $0x8;
	[sflag:s26] =	ssyncset.done $0x0  }
0xec: {  	s21 =	sand.u32 $0x3FFFFF00, s2;
	s2 =	sadd.s32 $0x1, s23;
	[sflag:s26] =	ssyncadd.s32 $0xFFFF8000  }
0xed: {  	[tilespmem:s14], [sflag:$0x1] =	stream.indirect.gather [hbm4b:s1+s13], $0x80, s21, s13, $0xb8;
	[tilespmem:$0x19C00] =	vst v63  }
0xee: {  	s6 =	sor.u32 $0x80, s21;
	s12 =	sshll.u32 s2, $0x8  }
0xef: {  	[tilespmem:s15], [sflag:$0x1] =	stream.indirect.gather [hbm4b:s1+s13], $0x80, s6, s13, $0xb8;
	[tilespmem:$0x19C00] =	vst v63  }
0xf0: {  	s6 =	sand.u32 $0x3FFFFF00, s12  }
0xf1: {  	v14 =	vld [tilespmem:s6+$0x0]  }
0xf2: {  	v16 =	vld [tilespmem:s6+$0x10]  }
0xf3: {  	v15 =	vld [tilespmem:s6+$0x20]  }
0xf4: {  	v13 =	vld [tilespmem:s6+$0x30]  }
0xf5: {  	v12 =	vld [tilespmem:s6+$0x40]  }
0xf6: {  	v11 =	vld [tilespmem:s6+$0x50]  }
0xf7: {  	v10 =	vld [tilespmem:s6+$0x60]  }
0xf8: {  	v9 =	vld [tilespmem:s6+$0x70]  }
0xf9: {  	v8 =	vld [tilespmem:s6+$0x80]  }
0xfa: {  	v7 =	vld [tilespmem:s6+$0x90]  }
0xfb: {  	v6 =	vld [tilespmem:s6+$0xA0]  }
0xfc: {  	v5 =	vld [tilespmem:s6+$0xB0]  }
0xfd: {  	v4 =	vld [tilespmem:s6+$0xC0]  }
0xfe: {  	v3 =	vld [tilespmem:s6+$0xD0]  }
0xff: {  	v2 =	vld [tilespmem:s6+$0xE0]  }
0x100: {  	v1 =	vld [tilespmem:s6+$0xF0];
	s6 =	simm.s32 $0x9D00  }
0x101: {  	v17 =	vld [tilespmem:s6+$0xF0]  }
0x102: {  	v18 =	vld [tilespmem:s6+$0xFFFFFF10]  }
0x103: {  	v19 =	vld [tilespmem:s6+$0xFFFFFF20]  }
0x104: {  	v23 =	vld [tilespmem:s6+$0xFFFFFF60]  }
0x105: {  	v21 =	vld [tilespmem:s6+$0xFFFFFF40]  }
0x106: {  	v20 =	vld [tilespmem:s6+$0xFFFFFF30];
	v17 =	vmul.f32 $1.131370830e+01, v17  }
0x107: {  	v25 =	vld [tilespmem:s6+$0xFFFFFF80];
	v18 =	vmul.f32 $1.131370830e+01, v18  }
0x108: {  	v22 =	vld [tilespmem:s6+$0xFFFFFF50];
	v19 =	vmul.f32 $1.131370830e+01, v19;
	[tilespmem:s6+$0xF0] =	vst v17  }
0x109: {  	v24 =	vld [tilespmem:s6+$0xFFFFFF70];
	v23 =	vmul.f32 $1.131370830e+01, v23;
	[tilespmem:s6+$0xFFFFFF10] =	vst v18  }
0x10a: {  	v17 =	vld [tilespmem:s6+$0xFFFFFF90];
	[tilespmem:s6+$0xFFFFFF20] =	vst v19;
	v19 =	vmul.f32 $1.131370830e+01, v21  }
0x10b: {  	v18 =	vmul.f32 $1.131370830e+01, v20;
	[tilespmem:s6+$0xFFFFFF60] =	vst v23;
	v23 =	vld [tilespmem:s6+$0xFFFFFFF0]  }
0x10c: {  	v20 =	vld [tilespmem:s6+$0xFFFFFFA0];
	[tilespmem:s6+$0xFFFFFF40] =	vst v19;
	v19 =	vmul.f32 $1.131370830e+01, v25  }
0x10d: {  	v21 =	vld [tilespmem:s6+$0xFFFFFFB0];
	[tilespmem:s6+$0xFFFFFF30] =	vst v18;
	v18 =	vmul.f32 $1.131370830e+01, v22  }
0x10e: {  	v22 =	vld [tilespmem:s6+$0xFFFFFFC0];
	[tilespmem:s6+$0xFFFFFF80] =	vst v19;
	v19 =	vmul.f32 $1.131370830e+01, v24  }
0x10f: {  	v60 =	vld [tilespmem:s6+$0xFFFFFFD0];
	[tilespmem:s6+$0xFFFFFF50] =	vst v18;
	v17 =	vmul.f32 $1.131370830e+01, v17  }
0x110: {  	v18 =	vld [tilespmem:s6+$0xFFFFFFE0];
	v23 =	vmul.f32 $1.131370830e+01, v23;
	[tilespmem:s6+$0xFFFFFF70] =	vst v19  }
0x111: {  	v19 =	vmul.f32 $1.131370830e+01, v20;
	v20 =	vld [tilespmem:s6+$0x0];
	[tilespmem:s6+$0xFFFFFF90] =	vst v17  }
0x112: {  	v17 =	vmul.f32 $1.131370830e+01, v21;
	v21 =	vld [tilespmem:s6+$0x10];
	[tilespmem:s6+$0xFFFFFFF0] =	vst v23  }
0x113: {  	[tilespmem:s6+$0xFFFFFFA0] =	vst v19;
	v19 =	vmul.f32 $1.131370830e+01, v22;
	v22 =	vld [tilespmem:s6+$0x20]  }
0x114: {  	v23 =	vld [tilespmem:s6+$0x80];
	[tilespmem:s6+$0xFFFFFFB0] =	vst v17;
	v17 =	vmul.f32 $1.131370830e+01, v60  }
0x115: {  	v18 =	vmul.f32 $1.131370830e+01, v18;
	[tilespmem:s6+$0xFFFFFFC0] =	vst v19;
	v19 =	vld [tilespmem:s6+$0x40]  }
0x116: {  	v61 =	vld [tilespmem:s6+$0x30];
	[tilespmem:s6+$0xFFFFFFD0] =	vst v17;
	v17 =	vmul.f32 $1.131370830e+01, v20  }
0x117: {  	v20 =	vld [tilespmem:s6+$0x50];
	[tilespmem:s6+$0xFFFFFFE0] =	vst v18;
	v21 =	vmul.f32 $1.131370830e+01, v21  }
0x118: {  	v18 =	vld [tilespmem:s6+$0x60];
	[tilespmem:s6+$0x0] =	vst v17;
	v17 =	vmul.f32 $1.131370830e+01, v22  }
0x119: {  	v23 =	vmul.f32 $1.131370830e+01, v23;
	v22 =	vld [tilespmem:s6+$0x70];
	[tilespmem:s6+$0x10] =	vst v21  }
0x11a: {  	v62 =	vld [tilespmem:s6+$0x90];
	[tilespmem:s6+$0x20] =	vst v17;
	v17 =	vmul.f32 $1.131370830e+01, v19  }
0x11b: {  	v63 =	vld [tilespmem:s6+$0xA0];
	v21 =	vmul.f32 $1.131370830e+01, v61;
	[tilespmem:s6+$0x80] =	vst v23  }
0x11c: {  	v19 =	vmul.f32 $1.131370830e+01, v20;
	[tilespmem:s6+$0x40] =	vst v17;
	v17 =	vld [tilespmem:s6+$0xB0]  }
0x11d: {  	[tilespmem:s6+$0x30] =	vst v21;
	v20 =	vmul.f32 $1.131370830e+01, v18;
	v18 =	vld [tilespmem:s6+$0xC0]  }
0x11e: {  	[tilespmem:s6+$0x50] =	vst v19;
	v21 =	vmul.f32 $1.131370830e+01, v22;
	v19 =	vld [tilespmem:s6+$0xD0]  }
0x11f: {  	[tilespmem:s6+$0x60] =	vst v20;
	v20 =	vld [tilespmem:s6+$0xE0];
	v22 =	vmul.f32 $1.131370830e+01, v62  }
0x120: {  	s31 =	simm.s32 $0x0;
	s7 =	simm.s32 $0x9F00;
	v23 =	vmul.f32 $1.131370830e+01, v63;
	[tilespmem:s6+$0x70] =	vst v21;
	v21 =	vld [tilespmem:s6+$0xFFFFFF00]  }
.LBB2_9:
0x121: {  	v24 =	vld [tilespmem:s7+$0xF0];
	s31 =	sadd.s32 $0x4, s31;
	[tilespmem:s6+$0x90] =	vst v22;
	v17 =	vmul.f32 $1.131370830e+01, v17  }
0x122: {  	v22 =	vld [tilespmem:s7+$0xFFFFFF10];
	p0 =	slt.u32 s31, $0xFC;
	[tilespmem:s6+$0xA0] =	vst v23;
	v18 =	vmul.f32 $1.131370830e+01, v18  }
0x123: {  	v23 =	vld [tilespmem:s7+$0xFFFFFF20];
	[tilespmem:s6+$0xB0] =	vst v17;
	v17 =	vmul.f32 $1.131370830e+01, v19  }
0x124: {  	v19 =	vld [tilespmem:s7+$0xFFFFFF30];
	[tilespmem:s6+$0xC0] =	vst v18;
	v18 =	vmul.f32 $1.131370830e+01, v20  }
0x125: {  	v20 =	vld [tilespmem:s7+$0xFFFFFF40];
	v21 =	vmul.f32 $1.131370830e+01, v21;
	[tilespmem:s6+$0xD0] =	vst v17  }
0x126: {  	v17 =	vld [tilespmem:s7+$0xFFFFFF50];
	v24 =	vmul.f32 $1.131370830e+01, v24;
	[tilespmem:s6+$0xE0] =	vst v18  }
0x127: {  	v18 =	vmul.f32 $1.131370830e+01, v22;
	v22 =	vld [tilespmem:s7+$0xFFFFFF60];
	[tilespmem:s6+$0xFFFFFF00] =	vst v21;
	s6 =	smov.u32 s7  }
0x128: {  	v21 =	vmul.f32 $1.131370830e+01, v23;
	v23 =	vld [tilespmem:s7+$0xFFFFFF70];
	[tilespmem:s7+$0xF0] =	vst v24  }
0x129: {  	[tilespmem:s7+$0xFFFFFF10] =	vst v18;
	v18 =	vmul.f32 $1.131370830e+01, v19;
	v19 =	vld [tilespmem:s7+$0xFFFFFF80]  }
0x12a: {  	[tilespmem:s7+$0xFFFFFF20] =	vst v21;
	v20 =	vmul.f32 $1.131370830e+01, v20;
	v21 =	vld [tilespmem:s7+$0xFFFFFF90]  }
0x12b: {  	[tilespmem:s7+$0xFFFFFF30] =	vst v18;
	v17 =	vmul.f32 $1.131370830e+01, v17;
	v18 =	vld [tilespmem:s7+$0xFFFFFFA0]  }
0x12c: {  	[tilespmem:s7+$0xFFFFFF40] =	vst v20;
	v20 =	vmul.f32 $1.131370830e+01, v22;
	v22 =	vld [tilespmem:s7+$0xFFFFFFB0]  }
0x12d: {  	[tilespmem:s7+$0xFFFFFF50] =	vst v17;
	v17 =	vmul.f32 $1.131370830e+01, v23;
	v23 =	vld [tilespmem:s7+$0xFFFFFFC0]  }
0x12e: {  	[tilespmem:s7+$0xFFFFFF60] =	vst v20;
	v19 =	vmul.f32 $1.131370830e+01, v19;
	v20 =	vld [tilespmem:s7+$0xFFFFFFD0]  }
0x12f: {  	[tilespmem:s7+$0xFFFFFF70] =	vst v17;
	v17 =	vmul.f32 $1.131370830e+01, v21;
	v21 =	vld [tilespmem:s7+$0xFFFFFFE0]  }
0x130: {  	[tilespmem:s7+$0xFFFFFF80] =	vst v19;
	v18 =	vmul.f32 $1.131370830e+01, v18;
	v19 =	vld [tilespmem:s7+$0xFFFFFFF0]  }
0x131: {  	[tilespmem:s7+$0xFFFFFF90] =	vst v17;
	v17 =	vmul.f32 $1.131370830e+01, v22;
	v22 =	vld [tilespmem:s7+$0x0]  }
0x132: {  	[tilespmem:s7+$0xFFFFFFA0] =	vst v18;
	v18 =	vmul.f32 $1.131370830e+01, v23;
	v23 =	vld [tilespmem:s7+$0x10]  }
0x133: {  	[tilespmem:s7+$0xFFFFFFB0] =	vst v17;
	v17 =	vmul.f32 $1.131370830e+01, v20;
	v20 =	vld [tilespmem:s7+$0x20]  }
0x134: {  	[tilespmem:s7+$0xFFFFFFC0] =	vst v18;
	v18 =	vmul.f32 $1.131370830e+01, v21;
	v21 =	vld [tilespmem:s7+$0x30]  }
0x135: {  	[tilespmem:s7+$0xFFFFFFD0] =	vst v17;
	v17 =	vmul.f32 $1.131370830e+01, v19;
	v19 =	vld [tilespmem:s7+$0x40]  }
0x136: {  	[tilespmem:s7+$0xFFFFFFE0] =	vst v18;
	v18 =	vmul.f32 $1.131370830e+01, v22;
	v22 =	vld [tilespmem:s7+$0x50]  }
0x137: {  	[tilespmem:s7+$0xFFFFFFF0] =	vst v17;
	v17 =	vmul.f32 $1.131370830e+01, v23;
	v23 =	vld [tilespmem:s7+$0x60]  }
0x138: {  	[tilespmem:s7+$0x0] =	vst v18;
	v18 =	vmul.f32 $1.131370830e+01, v20;
	v20 =	vld [tilespmem:s7+$0x70]  }
0x139: {  	[tilespmem:s7+$0x10] =	vst v17;
	v17 =	vmul.f32 $1.131370830e+01, v21;
	v21 =	vld [tilespmem:s7+$0x80]  }
0x13a: {  	[tilespmem:s7+$0x20] =	vst v18;
	v18 =	vmul.f32 $1.131370830e+01, v19;
	v24 =	vld [tilespmem:s7+$0x90]  }
0x13b: {  	[tilespmem:s7+$0x30] =	vst v17;
	v19 =	vmul.f32 $1.131370830e+01, v22;
	v25 =	vld [tilespmem:s7+$0xA0]  }
.Ltmp7:
0x13c: {  	[tilespmem:s7+$0x40] =	vst v18;
	v22 =	vmul.f32 $1.131370830e+01, v23;
	v17 =	vld [tilespmem:s7+$0xB0];
	(pc) =	sbr.rel @p0 .LBB2_9-.Ltmp7, $4  }
0x13d: {  	[tilespmem:s7+$0x50] =	vst v19;
	v20 =	vmul.f32 $1.131370830e+01, v20;
	v18 =	vld [tilespmem:s7+$0xC0]  }
0x13e: {  	[tilespmem:s7+$0x60] =	vst v22;
	v23 =	vmul.f32 $1.131370830e+01, v21;
	v19 =	vld [tilespmem:s7+$0xD0]  }
0x13f: {  	[tilespmem:s7+$0x70] =	vst v20;
	v22 =	vmul.f32 $1.131370830e+01, v24;
	v20 =	vld [tilespmem:s7+$0xE0]  }
0x140: {  	s7 =	sadd.s32 $0x200, s7;
	v21 =	vld [tilespmem:s6+$0xFFFFFF00];
	[tilespmem:s6+$0x80] =	vst v23;
	v23 =	vmul.f32 $1.131370830e+01, v25  }
0x141: {  	vm0 =	vlt.s32 v14, v16  }
0x142: {  	v14 =	vsel vm0, v14, v16  }
0x143: {  	vm0 =	vlt.s32 v14, v15  }
0x144: {  	v14 =	vsel vm0, v14, v15  }
0x145: {  	vm0 =	vlt.s32 v14, v13  }
0x146: {  	v13 =	vsel vm0, v14, v13  }
0x147: {  	vm0 =	vlt.s32 v13, v12  }
0x148: {  	v12 =	vsel vm0, v13, v12  }
0x149: {  	vm0 =	vlt.s32 v12, v11  }
0x14a: {  	v11 =	vsel vm0, v12, v11  }
0x14b: {  	vm0 =	vlt.s32 v11, v10  }
0x14c: {  	v10 =	vsel vm0, v11, v10  }
0x14d: {  	vm0 =	vlt.s32 v10, v9  }
0x14e: {  	v9 =	vsel vm0, v10, v9  }
0x14f: {  	vm0 =	vlt.s32 v9, v8  }
0x150: {  	v8 =	vsel vm0, v9, v8  }
0x151: {  	vm0 =	vlt.s32 v8, v7  }
0x152: {  	v7 =	vsel vm0, v8, v7  }
0x153: {  	vm0 =	vlt.s32 v7, v6  }
0x154: {  	v6 =	vsel vm0, v7, v6  }
0x155: {  	vm0 =	vlt.s32 v6, v5  }
0x156: {  	v5 =	vsel vm0, v6, v5  }
0x157: {  	vm0 =	vlt.s32 v5, v4  }
0x158: {  	v4 =	vsel vm0, v5, v4  }
0x159: {  	vm0 =	vlt.s32 v4, v3  }
0x15a: {  	v3 =	vsel vm0, v4, v3  }
0x15b: {  	vm0 =	vlt.s32 v3, v2  }
0x15c: {  	v2 =	vsel vm0, v3, v2  }
0x15d: {  	vm0 =	vlt.s32 v2, v1  }
0x15e: {  	v1 =	vsel vm0, v2, v1  }
0x15f: {  	v1 =	vxor.u32 $0x80000000, v1  }
0x160: {  	(xrf0) =	vmin.scan.msk.u32 $0xffff, v1;
	_ =	sdelay $0x5  }
0x161: {  	v1, _, _ =	vpop (xrf0)  }
0x162: {  	(v2sf) =	vpush v1, $0xF;
	_ =	sdelay $0xe  }
0x163: {  	[tilespmem:s6+$0x90] =	vst v22;
	v3 =	vmul.f32 $1.131370830e+01, v21;
	s7 =	spop (v2sf)  }
0x164: {  	[tilespmem:s6+$0xA0] =	vst v23;
	v2 =	vmul.f32 $1.131370830e+01, v18;
	p0 =	sne.s32 s7, $0x80000000  }
.Ltmp8:
0x165: {  	[tilespmem:s6+$0xFFFFFF00] =	vst v3;
	v1 =	vmul.f32 $1.131370830e+01, v17;
	(pc) =	sbr.rel @p0 .LBB2_14-.Ltmp8, $4  }
0x166: {  	[tilespmem:s6+$0xC0] =	vst v2;
	v2 =	vmul.f32 $1.131370830e+01, v20  }
0x167: {  	[tilespmem:s6+$0xB0] =	vst v1;
	v1 =	vmul.f32 $1.131370830e+01, v19  }
0x168: {  	[tilespmem:s6+$0xE0] =	vst v2  }
0x169: {  	[tilespmem:s6+$0xD0] =	vst v1  }
0x16a: {  	s7 =	sshll.u32 s2, $0x1  }
0x16b: {  	s6 =	simm.s32 $0x0;
	s8 =	sadd.s32 $0x0, s7  }
0x16c: {  	s6 =	sand.u32 $0x7F, s6;
	s8 =	sshll.u32 s8, $0x7  }
0x16d: {  	s6 =	sor.u32 s6, s8  }
0x16e: {  	v1 =	vmov s6;
	_ =	sdelay $0x2  }
0x16f: {  	s6 =	simm.s32 $0x9C40  }
0x170: {  	v5 =	vld [tilespmem:s6+$0x30]  }
0x171: {  	v2 =	vld.idx.msk [tilespmem:v1+s4+$0x0], $0xffff  }
0x172: {  	v8 =	vld [tilespmem:s6+$0x10]  }
0x173: {  	v6 =	vld [tilespmem:s6+$0xFFFFFFC0]  }
0x174: {  	v10 =	vld [tilespmem:s6+$0xFFFFFFE0]  }
0x175: {  	v3 =	vld [tilespmem:s6+$0x20]  }
0x176: {  	v4 =	vld [tilespmem:s6+$0xFFFFFFD0];
	vm0 =	veq.s32 v2, $0x0  }
0x177: {  	v1 =	vld [tilespmem:s6+$0xFFFFFFF0];
	v2 =	vsel vm0, $0x0, v0  }
0x178: {  	v9 =	vmul.f32 v5, v2;
	v5 =	vld [tilespmem:s6+$0x0]  }
0x179: {  	s31 =	simm.s32 $0x1;
	v7 =	vmul.f32 v2, v6  }
0x17a: {  	s9 =	simm.s32 $0x2;
	s10 =	simm.s32 $0x0;
	s8 =	simm.s32 $0x9C40;
	v6 =	vmul.f32 v10, v2;
	v8 =	vmul.f32 v8, v2  }
.LBB2_12:
0x17b: {  	s10 =	sadd.s32 s7, s10  }
0x17c: {  	v4 =	vmul.f32 v4, v2;
	v3 =	vmul.f32 v3, v2;
	[tilespmem:s6+$0x30] =	vst v9;
	s8 =	sadd.s32 $0x80, s8;
	s11 =	smov.u32 s9;
	s12 =	sadd.s32 $0x1, s9  }
0x17d: {  	p0 =	sne.s32 s9, $0xFF;
	s9 =	sand.u32 $0x7F, s31;
	v1 =	vmul.f32 v1, v2;
	s10 =	sshll.u32 s10, $0x7;
	[tilespmem:s6+$0xFFFFFFC0] =	vst v7;
	v2 =	vmul.f32 v5, v2  }
0x17e: {  	s31 =	smov.u32 s11;
	s9 =	sor.u32 s9, s10;
	[tilespmem:s6+$0x10] =	vst v8  }
0x17f: {  	v5 =	vmov s9;
	[tilespmem:s6+$0xFFFFFFE0] =	vst v6  }
0x180: {  	[tilespmem:s6+$0xFFFFFFF0] =	vst v1  }
0x181: {  	[tilespmem:s6+$0x0] =	vst v2  }
0x182: {  	v1 =	vld [tilespmem:s8+$0xFFFFFFF0];
	[tilespmem:s6+$0x20] =	vst v3  }
0x183: {  	v6 =	vld [tilespmem:s8+$0x30];
	[tilespmem:s6+$0xFFFFFFD0] =	vst v4;
	s6 =	smov.u32 s8  }
0x184: {  	v2 =	vld.idx.msk [tilespmem:v5+s4+$0x0], $0xffff  }
0x185: {  	v8 =	vld [tilespmem:s8+$0x10]  }
0x186: {  	v7 =	vld [tilespmem:s8+$0xFFFFFFC0]  }
0x187: {  	v10 =	vld [tilespmem:s8+$0xFFFFFFE0]  }
0x188: {  	v3 =	vld [tilespmem:s8+$0x20]  }
.Ltmp9:
0x189: {  	v4 =	vld [tilespmem:s8+$0xFFFFFFD0];
	(pc) =	sbr.rel @p0 .LBB2_12-.Ltmp9, $4  }
0x18a: {  	vm0 =	veq.s32 v2, $0x0;
	v5 =	vld [tilespmem:s8+$0x0]  }
0x18b: {  	v2 =	vsel vm0, $0x0, v0  }
0x18c: {  	v7 =	vmul.f32 v2, v7;
	v9 =	vmul.f32 v6, v2  }
0x18d: {  	s10 =	sshrl.u32 s31, $0x7;
	s9 =	smov.u32 s12;
	v8 =	vmul.f32 v8, v2;
	v6 =	vmul.f32 v10, v2  }
0x18e: {  	[tilespmem:s6+$0x30] =	vst v9;
	s7 =	sadd.s32 s7, s10  }
0x18f: {  	[tilespmem:s6+$0xFFFFFFC0] =	vst v7;
	s9 =	sand.u32 $0x7F, s31;
	s7 =	sshll.u32 s7, $0x7  }
0x190: {  	v1 =	vmul.f32 v1, v2;
	[tilespmem:s6+$0x10] =	vst v8;
	s7 =	sor.u32 s9, s7  }
0x191: {  	v5 =	vmul.f32 v5, v2;
	[tilespmem:s6+$0xFFFFFFE0] =	vst v6;
	v58 =	vmov s7  }
0x192: {  	[tilespmem:s6+$0xFFFFFFF0] =	vst v1;
	v1 =	vmul.f32 v3, v2  }
0x193: {  	s31 =	sadd.s32 $0x80, s8;
	v2 =	vmul.f32 v4, v2;
	[tilespmem:s6+$0x0] =	vst v5  }
0x194: {  	v3 =	vld [tilespmem:s31+$0xFFFFFFF0];
	[tilespmem:s6+$0x20] =	vst v1  }
0x195: {  	[tilespmem:s6+$0xFFFFFFD0] =	vst v2  }
0x196: {  	v1 =	vld.idx.msk [tilespmem:v58+s4+$0x0], $0xffff;
	_ =	sdelay $0x1  }
0x197: {  	v2 =	vld [tilespmem:s31+$0x30]  }
0x198: {  	v59 =	vld [tilespmem:s31+$0xFFFFFFC0]  }
0x199: {  	v5 =	vld [tilespmem:s31+$0x10]  }
0x19a: {  	vm0 =	veq.s32 v1, $0x0  }
0x19b: {  	v60 =	vld [tilespmem:s31+$0xFFFFFFE0];
	v1 =	vsel vm0, $0x0, v0  }
0x19c: {  	v61 =	vld [tilespmem:s31+$0x0];
	v2 =	vmul.f32 v2, v1  }
0x19d: {  	v8 =	vld [tilespmem:s31+$0x20];
	v4 =	vmul.f32 v1, v59  }
0x19e: {  	v62 =	vld [tilespmem:s31+$0xFFFFFFD0];
	v5 =	vmul.f32 v5, v1;
	[tilespmem:s31+$0x30] =	vst v2  }
0x19f: {  	v3 =	vmul.f32 v3, v1;
	[tilespmem:s31+$0xFFFFFFC0] =	vst v4  }
0x1a0: {  	v2 =	vmul.f32 v60, v1;
	[tilespmem:s31+$0x10] =	vst v5  }
0x1a1: {  	v63 =	vmul.f32 v61, v1;
	[tilespmem:s31+$0xFFFFFFF0] =	vst v3  }
0x1a2: {  	[tilespmem:s31+$0xFFFFFFE0] =	vst v2;
	v2 =	vmul.f32 v8, v1  }
0x1a3: {  	[tilespmem:s31+$0x0] =	vst v63;
	v1 =	vmul.f32 v62, v1  }
0x1a4: {  	[tilespmem:s31+$0x20] =	vst v2  }
0x1a5: {  	[tilespmem:s31+$0xFFFFFFD0] =	vst v1  }
.LBB2_14:
0x1a6: {  	s2 =	sshll.u32 s2, $0xF  }
0x1a7: {  	s2 =	sadd.s32 s5, s2  }
0x1a8: {  	s2 =	sshrl.u32 s2, $0x3  }
0x1a9: {  	s2 =	sadd.s32 s3, s2  }
0x1aa: {  	[hbm4b:s2+s4] =	stream.linear.scatter [tilespmem:s17], [sflag:$0x5], $0x8000, $0x38;
	[tilespmem:$0x19C00] =	vst v63  }
0x1ab: {  	_ =	swait.ge [sflag:s28], $0x4000  }
0x1ac: {  	[sflag:s28] =	ssyncset.done $0x0  }
0x1ad: {  	[sflag:s28] =	ssyncadd.s32 $0xFFFFC000  }
0x1ae: {  	_ =	swait.ge [sflag:s28], $0x4000  }
0x1af: {  	[sflag:s28] =	ssyncset.done $0x0  }
0x1b0: {  	s12 =	smul.u32 $0xC00, s16;
	[sflag:s28] =	ssyncadd.s32 $0xFFFFC000  }
0x1b1: {  	_ =	swait.ge [sflag:s29], $0x8000  }
0x1b2: {  	s31 =	sshra.s32 s12, $0x2;
	[sflag:s29] =	ssyncset.done $0x0  }
0x1b3: {  	s2 =	sadd.s32 $0x400, s31;
	[sflag:s29] =	ssyncadd.s32 $0xFFFF8000  }
0x1b4: {  	[tilespmem:s17], [sflag:$0x2] =	stream.indirect.gather [hbm4b:s1+s13], $0x80, s2, s13, $0xb8;
	[tilespmem:$0x19C00] =	vst v63  }
0x1b5: {  	s2 =	sadd.s32 $0x2, s23  }
0x1b6: {  	s6 =	sadd.s32 $0x480, s31;
	s23 =	sshll.u32 s2, $0x8  }
0x1b7: {  	[tilespmem:s19], [sflag:$0x2] =	stream.indirect.gather [hbm4b:s1+s13], $0x80, s6, s13, $0xb8;
	[tilespmem:$0x19C00] =	vst v63  }
0x1b8: {  	s6 =	sand.u32 $0x3FFFFF00, s23  }
0x1b9: {  	v14 =	vld [tilespmem:s6+$0x0]  }
0x1ba: {  	v16 =	vld [tilespmem:s6+$0x10]  }
0x1bb: {  	v15 =	vld [tilespmem:s6+$0x20]  }
0x1bc: {  	v13 =	vld [tilespmem:s6+$0x30]  }
0x1bd: {  	v12 =	vld [tilespmem:s6+$0x40]  }
0x1be: {  	v11 =	vld [tilespmem:s6+$0x50]  }
0x1bf: {  	v10 =	vld [tilespmem:s6+$0x60]  }
0x1c0: {  	v9 =	vld [tilespmem:s6+$0x70]  }
0x1c1: {  	v8 =	vld [tilespmem:s6+$0x80]  }
0x1c2: {  	v7 =	vld [tilespmem:s6+$0x90]  }
0x1c3: {  	v6 =	vld [tilespmem:s6+$0xA0]  }
0x1c4: {  	v5 =	vld [tilespmem:s6+$0xB0]  }
0x1c5: {  	v4 =	vld [tilespmem:s6+$0xC0]  }
0x1c6: {  	v3 =	vld [tilespmem:s6+$0xD0]  }
0x1c7: {  	v2 =	vld [tilespmem:s6+$0xE0]  }
0x1c8: {  	v1 =	vld [tilespmem:s6+$0xF0];
	s6 =	simm.s32 $0x11D00  }
0x1c9: {  	v17 =	vld [tilespmem:s6+$0xF0]  }
0x1ca: {  	v18 =	vld [tilespmem:s6+$0xFFFFFF10]  }
0x1cb: {  	v19 =	vld [tilespmem:s6+$0xFFFFFF20]  }
0x1cc: {  	v23 =	vld [tilespmem:s6+$0xFFFFFF60]  }
0x1cd: {  	v21 =	vld [tilespmem:s6+$0xFFFFFF40]  }
0x1ce: {  	v20 =	vld [tilespmem:s6+$0xFFFFFF30];
	v17 =	vmul.f32 $1.131370830e+01, v17  }
0x1cf: {  	v25 =	vld [tilespmem:s6+$0xFFFFFF80];
	v18 =	vmul.f32 $1.131370830e+01, v18  }
0x1d0: {  	v22 =	vld [tilespmem:s6+$0xFFFFFF50];
	v19 =	vmul.f32 $1.131370830e+01, v19;
	[tilespmem:s6+$0xF0] =	vst v17  }
0x1d1: {  	v24 =	vld [tilespmem:s6+$0xFFFFFF70];
	v23 =	vmul.f32 $1.131370830e+01, v23;
	[tilespmem:s6+$0xFFFFFF10] =	vst v18  }
0x1d2: {  	v17 =	vld [tilespmem:s6+$0xFFFFFF90];
	[tilespmem:s6+$0xFFFFFF20] =	vst v19;
	v19 =	vmul.f32 $1.131370830e+01, v21  }
0x1d3: {  	v18 =	vmul.f32 $1.131370830e+01, v20;
	[tilespmem:s6+$0xFFFFFF60] =	vst v23;
	v23 =	vld [tilespmem:s6+$0xFFFFFFF0]  }
0x1d4: {  	v20 =	vld [tilespmem:s6+$0xFFFFFFA0];
	[tilespmem:s6+$0xFFFFFF40] =	vst v19;
	v19 =	vmul.f32 $1.131370830e+01, v25  }
0x1d5: {  	v21 =	vld [tilespmem:s6+$0xFFFFFFB0];
	[tilespmem:s6+$0xFFFFFF30] =	vst v18;
	v18 =	vmul.f32 $1.131370830e+01, v22  }
0x1d6: {  	v22 =	vld [tilespmem:s6+$0xFFFFFFC0];
	[tilespmem:s6+$0xFFFFFF80] =	vst v19;
	v19 =	vmul.f32 $1.131370830e+01, v24  }
0x1d7: {  	v60 =	vld [tilespmem:s6+$0xFFFFFFD0];
	[tilespmem:s6+$0xFFFFFF50] =	vst v18;
	v17 =	vmul.f32 $1.131370830e+01, v17  }
0x1d8: {  	v18 =	vld [tilespmem:s6+$0xFFFFFFE0];
	v23 =	vmul.f32 $1.131370830e+01, v23;
	[tilespmem:s6+$0xFFFFFF70] =	vst v19  }
0x1d9: {  	v19 =	vmul.f32 $1.131370830e+01, v20;
	v20 =	vld [tilespmem:s6+$0x0];
	[tilespmem:s6+$0xFFFFFF90] =	vst v17  }
0x1da: {  	v17 =	vmul.f32 $1.131370830e+01, v21;
	v21 =	vld [tilespmem:s6+$0x10];
	[tilespmem:s6+$0xFFFFFFF0] =	vst v23  }
0x1db: {  	[tilespmem:s6+$0xFFFFFFA0] =	vst v19;
	v19 =	vmul.f32 $1.131370830e+01, v22;
	v22 =	vld [tilespmem:s6+$0x20]  }
0x1dc: {  	v23 =	vld [tilespmem:s6+$0x80];
	[tilespmem:s6+$0xFFFFFFB0] =	vst v17;
	v17 =	vmul.f32 $1.131370830e+01, v60  }
0x1dd: {  	v18 =	vmul.f32 $1.131370830e+01, v18;
	[tilespmem:s6+$0xFFFFFFC0] =	vst v19;
	v19 =	vld [tilespmem:s6+$0x40]  }
0x1de: {  	v61 =	vld [tilespmem:s6+$0x30];
	[tilespmem:s6+$0xFFFFFFD0] =	vst v17;
	v17 =	vmul.f32 $1.131370830e+01, v20  }
0x1df: {  	v20 =	vld [tilespmem:s6+$0x50];
	[tilespmem:s6+$0xFFFFFFE0] =	vst v18;
	v21 =	vmul.f32 $1.131370830e+01, v21  }
0x1e0: {  	v18 =	vld [tilespmem:s6+$0x60];
	[tilespmem:s6+$0x0] =	vst v17;
	v17 =	vmul.f32 $1.131370830e+01, v22  }
0x1e1: {  	v23 =	vmul.f32 $1.131370830e+01, v23;
	v22 =	vld [tilespmem:s6+$0x70];
	[tilespmem:s6+$0x10] =	vst v21  }
0x1e2: {  	v62 =	vld [tilespmem:s6+$0x90];
	[tilespmem:s6+$0x20] =	vst v17;
	v17 =	vmul.f32 $1.131370830e+01, v19  }
0x1e3: {  	v63 =	vld [tilespmem:s6+$0xA0];
	v21 =	vmul.f32 $1.131370830e+01, v61;
	[tilespmem:s6+$0x80] =	vst v23  }
0x1e4: {  	v19 =	vmul.f32 $1.131370830e+01, v20;
	[tilespmem:s6+$0x40] =	vst v17;
	v17 =	vld [tilespmem:s6+$0xB0]  }
0x1e5: {  	[tilespmem:s6+$0x30] =	vst v21;
	v20 =	vmul.f32 $1.131370830e+01, v18;
	v18 =	vld [tilespmem:s6+$0xC0]  }
0x1e6: {  	[tilespmem:s6+$0x50] =	vst v19;
	v21 =	vmul.f32 $1.131370830e+01, v22;
	v19 =	vld [tilespmem:s6+$0xD0]  }
0x1e7: {  	[tilespmem:s6+$0x60] =	vst v20;
	v20 =	vld [tilespmem:s6+$0xE0];
	v22 =	vmul.f32 $1.131370830e+01, v62  }
0x1e8: {  	s7 =	simm.s32 $0x0;
	s8 =	simm.s32 $0x11F00;
	s23 =	sshll.u32 s18, $0x1;
	v23 =	vmul.f32 $1.131370830e+01, v63;
	[tilespmem:s6+$0x70] =	vst v21;
	v21 =	vld [tilespmem:s6+$0xFFFFFF00]  }
.LBB2_15:
0x1e9: {  	v24 =	vld [tilespmem:s8+$0xF0];
	s7 =	sadd.s32 $0x4, s7;
	[tilespmem:s6+$0x90] =	vst v22;
	v17 =	vmul.f32 $1.131370830e+01, v17  }
0x1ea: {  	v22 =	vld [tilespmem:s8+$0xFFFFFF10];
	p0 =	slt.u32 s7, $0xFC;
	[tilespmem:s6+$0xA0] =	vst v23;
	v18 =	vmul.f32 $1.131370830e+01, v18  }
0x1eb: {  	v23 =	vld [tilespmem:s8+$0xFFFFFF20];
	[tilespmem:s6+$0xB0] =	vst v17;
	v17 =	vmul.f32 $1.131370830e+01, v19  }
0x1ec: {  	v19 =	vld [tilespmem:s8+$0xFFFFFF30];
	[tilespmem:s6+$0xC0] =	vst v18;
	v18 =	vmul.f32 $1.131370830e+01, v20  }
0x1ed: {  	v20 =	vld [tilespmem:s8+$0xFFFFFF40];
	v21 =	vmul.f32 $1.131370830e+01, v21;
	[tilespmem:s6+$0xD0] =	vst v17  }
0x1ee: {  	v17 =	vld [tilespmem:s8+$0xFFFFFF50];
	v24 =	vmul.f32 $1.131370830e+01, v24;
	[tilespmem:s6+$0xE0] =	vst v18  }
0x1ef: {  	v18 =	vmul.f32 $1.131370830e+01, v22;
	v22 =	vld [tilespmem:s8+$0xFFFFFF60];
	[tilespmem:s6+$0xFFFFFF00] =	vst v21;
	s6 =	smov.u32 s8  }
0x1f0: {  	v21 =	vmul.f32 $1.131370830e+01, v23;
	v23 =	vld [tilespmem:s8+$0xFFFFFF70];
	[tilespmem:s8+$0xF0] =	vst v24  }
0x1f1: {  	[tilespmem:s8+$0xFFFFFF10] =	vst v18;
	v18 =	vmul.f32 $1.131370830e+01, v19;
	v19 =	vld [tilespmem:s8+$0xFFFFFF80]  }
0x1f2: {  	[tilespmem:s8+$0xFFFFFF20] =	vst v21;
	v20 =	vmul.f32 $1.131370830e+01, v20;
	v21 =	vld [tilespmem:s8+$0xFFFFFF90]  }
0x1f3: {  	[tilespmem:s8+$0xFFFFFF30] =	vst v18;
	v17 =	vmul.f32 $1.131370830e+01, v17;
	v18 =	vld [tilespmem:s8+$0xFFFFFFA0]  }
0x1f4: {  	[tilespmem:s8+$0xFFFFFF40] =	vst v20;
	v20 =	vmul.f32 $1.131370830e+01, v22;
	v22 =	vld [tilespmem:s8+$0xFFFFFFB0]  }
0x1f5: {  	[tilespmem:s8+$0xFFFFFF50] =	vst v17;
	v17 =	vmul.f32 $1.131370830e+01, v23;
	v23 =	vld [tilespmem:s8+$0xFFFFFFC0]  }
0x1f6: {  	[tilespmem:s8+$0xFFFFFF60] =	vst v20;
	v19 =	vmul.f32 $1.131370830e+01, v19;
	v20 =	vld [tilespmem:s8+$0xFFFFFFD0]  }
0x1f7: {  	[tilespmem:s8+$0xFFFFFF70] =	vst v17;
	v17 =	vmul.f32 $1.131370830e+01, v21;
	v21 =	vld [tilespmem:s8+$0xFFFFFFE0]  }
0x1f8: {  	[tilespmem:s8+$0xFFFFFF80] =	vst v19;
	v18 =	vmul.f32 $1.131370830e+01, v18;
	v19 =	vld [tilespmem:s8+$0xFFFFFFF0]  }
0x1f9: {  	[tilespmem:s8+$0xFFFFFF90] =	vst v17;
	v17 =	vmul.f32 $1.131370830e+01, v22;
	v22 =	vld [tilespmem:s8+$0x0]  }
0x1fa: {  	[tilespmem:s8+$0xFFFFFFA0] =	vst v18;
	v18 =	vmul.f32 $1.131370830e+01, v23;
	v23 =	vld [tilespmem:s8+$0x10]  }
0x1fb: {  	[tilespmem:s8+$0xFFFFFFB0] =	vst v17;
	v17 =	vmul.f32 $1.131370830e+01, v20;
	v20 =	vld [tilespmem:s8+$0x20]  }
0x1fc: {  	[tilespmem:s8+$0xFFFFFFC0] =	vst v18;
	v18 =	vmul.f32 $1.131370830e+01, v21;
	v21 =	vld [tilespmem:s8+$0x30]  }
0x1fd: {  	[tilespmem:s8+$0xFFFFFFD0] =	vst v17;
	v17 =	vmul.f32 $1.131370830e+01, v19;
	v19 =	vld [tilespmem:s8+$0x40]  }
0x1fe: {  	[tilespmem:s8+$0xFFFFFFE0] =	vst v18;
	v18 =	vmul.f32 $1.131370830e+01, v22;
	v22 =	vld [tilespmem:s8+$0x50]  }
0x1ff: {  	[tilespmem:s8+$0xFFFFFFF0] =	vst v17;
	v17 =	vmul.f32 $1.131370830e+01, v23;
	v23 =	vld [tilespmem:s8+$0x60]  }
0x200: {  	[tilespmem:s8+$0x0] =	vst v18;
	v18 =	vmul.f32 $1.131370830e+01, v20;
	v20 =	vld [tilespmem:s8+$0x70]  }
0x201: {  	[tilespmem:s8+$0x10] =	vst v17;
	v17 =	vmul.f32 $1.131370830e+01, v21;
	v21 =	vld [tilespmem:s8+$0x80]  }
0x202: {  	[tilespmem:s8+$0x20] =	vst v18;
	v18 =	vmul.f32 $1.131370830e+01, v19;
	v24 =	vld [tilespmem:s8+$0x90]  }
0x203: {  	[tilespmem:s8+$0x30] =	vst v17;
	v19 =	vmul.f32 $1.131370830e+01, v22;
	v25 =	vld [tilespmem:s8+$0xA0]  }
.Ltmp10:
0x204: {  	[tilespmem:s8+$0x40] =	vst v18;
	v22 =	vmul.f32 $1.131370830e+01, v23;
	v17 =	vld [tilespmem:s8+$0xB0];
	(pc) =	sbr.rel @p0 .LBB2_15-.Ltmp10, $4  }
0x205: {  	[tilespmem:s8+$0x50] =	vst v19;
	v20 =	vmul.f32 $1.131370830e+01, v20;
	v18 =	vld [tilespmem:s8+$0xC0]  }
0x206: {  	[tilespmem:s8+$0x60] =	vst v22;
	v23 =	vmul.f32 $1.131370830e+01, v21;
	v19 =	vld [tilespmem:s8+$0xD0]  }
0x207: {  	[tilespmem:s8+$0x70] =	vst v20;
	v22 =	vmul.f32 $1.131370830e+01, v24;
	v20 =	vld [tilespmem:s8+$0xE0]  }
0x208: {  	s8 =	sadd.s32 $0x200, s8;
	v21 =	vld [tilespmem:s6+$0xFFFFFF00];
	[tilespmem:s6+$0x80] =	vst v23;
	v23 =	vmul.f32 $1.131370830e+01, v25  }
0x209: {  	vm0 =	vlt.s32 v14, v16  }
0x20a: {  	v14 =	vsel vm0, v14, v16  }
0x20b: {  	vm0 =	vlt.s32 v14, v15  }
0x20c: {  	v14 =	vsel vm0, v14, v15  }
0x20d: {  	vm0 =	vlt.s32 v14, v13  }
0x20e: {  	v13 =	vsel vm0, v14, v13  }
0x20f: {  	vm0 =	vlt.s32 v13, v12  }
0x210: {  	v12 =	vsel vm0, v13, v12  }
0x211: {  	vm0 =	vlt.s32 v12, v11  }
0x212: {  	v11 =	vsel vm0, v12, v11  }
0x213: {  	vm0 =	vlt.s32 v11, v10  }
0x214: {  	v10 =	vsel vm0, v11, v10  }
0x215: {  	vm0 =	vlt.s32 v10, v9  }
0x216: {  	v9 =	vsel vm0, v10, v9  }
0x217: {  	vm0 =	vlt.s32 v9, v8  }
0x218: {  	v8 =	vsel vm0, v9, v8  }
0x219: {  	vm0 =	vlt.s32 v8, v7  }
0x21a: {  	v7 =	vsel vm0, v8, v7  }
0x21b: {  	vm0 =	vlt.s32 v7, v6  }
0x21c: {  	v6 =	vsel vm0, v7, v6  }
0x21d: {  	vm0 =	vlt.s32 v6, v5  }
0x21e: {  	v5 =	vsel vm0, v6, v5  }
0x21f: {  	vm0 =	vlt.s32 v5, v4  }
0x220: {  	v4 =	vsel vm0, v5, v4  }
0x221: {  	vm0 =	vlt.s32 v4, v3  }
0x222: {  	v3 =	vsel vm0, v4, v3  }
0x223: {  	vm0 =	vlt.s32 v3, v2  }
0x224: {  	v2 =	vsel vm0, v3, v2  }
0x225: {  	vm0 =	vlt.s32 v2, v1  }
0x226: {  	v1 =	vsel vm0, v2, v1  }
0x227: {  	v1 =	vxor.u32 $0x80000000, v1  }
0x228: {  	(xrf0) =	vmin.scan.msk.u32 $0xffff, v1;
	_ =	sdelay $0x5  }
0x229: {  	v1, _, _ =	vpop (xrf0)  }
0x22a: {  	(v2sf) =	vpush v1, $0xF;
	_ =	sdelay $0xe  }
0x22b: {  	[tilespmem:s6+$0x90] =	vst v22;
	v3 =	vmul.f32 $1.131370830e+01, v21;
	s7 =	spop (v2sf)  }
0x22c: {  	[tilespmem:s6+$0xA0] =	vst v23;
	v2 =	vmul.f32 $1.131370830e+01, v18;
	p0 =	sne.s32 s7, $0x80000000  }
.Ltmp11:
0x22d: {  	[tilespmem:s6+$0xFFFFFF00] =	vst v3;
	v1 =	vmul.f32 $1.131370830e+01, v17;
	(pc) =	sbr.rel @p0 .LBB2_20-.Ltmp11, $4  }
0x22e: {  	[tilespmem:s6+$0xC0] =	vst v2;
	v2 =	vmul.f32 $1.131370830e+01, v20  }
0x22f: {  	[tilespmem:s6+$0xB0] =	vst v1;
	v1 =	vmul.f32 $1.131370830e+01, v19  }
0x230: {  	[tilespmem:s6+$0xE0] =	vst v2  }
0x231: {  	[tilespmem:s6+$0xD0] =	vst v1  }
0x232: {  	s7 =	sshll.u32 s2, $0x1  }
0x233: {  	s6 =	simm.s32 $0x0;
	s8 =	sadd.s32 $0x0, s7  }
0x234: {  	s6 =	sand.u32 $0x7F, s6;
	s8 =	sshll.u32 s8, $0x7  }
0x235: {  	s6 =	sor.u32 s6, s8  }
0x236: {  	v1 =	vmov s6;
	_ =	sdelay $0x2  }
0x237: {  	s6 =	simm.s32 $0x11C40  }
0x238: {  	v5 =	vld [tilespmem:s6+$0x30]  }
0x239: {  	v2 =	vld.idx.msk [tilespmem:v1+s4+$0x0], $0xffff  }
0x23a: {  	v8 =	vld [tilespmem:s6+$0x10]  }
0x23b: {  	v6 =	vld [tilespmem:s6+$0xFFFFFFC0]  }
0x23c: {  	v10 =	vld [tilespmem:s6+$0xFFFFFFE0]  }
0x23d: {  	v3 =	vld [tilespmem:s6+$0x20]  }
0x23e: {  	v4 =	vld [tilespmem:s6+$0xFFFFFFD0];
	vm0 =	veq.s32 v2, $0x0  }
0x23f: {  	v1 =	vld [tilespmem:s6+$0xFFFFFFF0];
	v2 =	vsel vm0, $0x0, v0  }
0x240: {  	v9 =	vmul.f32 v5, v2;
	v5 =	vld [tilespmem:s6+$0x0]  }
0x241: {  	s9 =	simm.s32 $0x1;
	v7 =	vmul.f32 v2, v6  }
0x242: {  	s10 =	simm.s32 $0x2;
	s11 =	simm.s32 $0x0;
	s8 =	simm.s32 $0x11C40;
	v6 =	vmul.f32 v10, v2;
	v8 =	vmul.f32 v8, v2  }
.LBB2_18:
0x243: {  	s11 =	sadd.s32 s7, s11  }
0x244: {  	v4 =	vmul.f32 v4, v2;
	v3 =	vmul.f32 v3, v2;
	[tilespmem:s6+$0x30] =	vst v9;
	s8 =	sadd.s32 $0x80, s8;
	s12 =	smov.u32 s10;
	s0 =	sadd.s32 $0x1, s10  }
0x245: {  	p0 =	sne.s32 s10, $0xFF;
	s9 =	sand.u32 $0x7F, s9;
	v1 =	vmul.f32 v1, v2;
	s10 =	sshll.u32 s11, $0x7;
	[tilespmem:s6+$0xFFFFFFC0] =	vst v7;
	v2 =	vmul.f32 v5, v2  }
0x246: {  	s10 =	sor.u32 s9, s10;
	[tilespmem:s6+$0x10] =	vst v8;
	s9 =	smov.u32 s12  }
0x247: {  	v5 =	vmov s10;
	[tilespmem:s6+$0xFFFFFFE0] =	vst v6  }
0x248: {  	[tilespmem:s6+$0xFFFFFFF0] =	vst v1  }
0x249: {  	[tilespmem:s6+$0x0] =	vst v2  }
0x24a: {  	v1 =	vld [tilespmem:s8+$0xFFFFFFF0];
	[tilespmem:s6+$0x20] =	vst v3  }
0x24b: {  	v6 =	vld [tilespmem:s8+$0x30];
	[tilespmem:s6+$0xFFFFFFD0] =	vst v4;
	s6 =	smov.u32 s8  }
0x24c: {  	v2 =	vld.idx.msk [tilespmem:v5+s4+$0x0], $0xffff  }
0x24d: {  	v8 =	vld [tilespmem:s8+$0x10]  }
0x24e: {  	v7 =	vld [tilespmem:s8+$0xFFFFFFC0]  }
0x24f: {  	v10 =	vld [tilespmem:s8+$0xFFFFFFE0]  }
0x250: {  	v3 =	vld [tilespmem:s8+$0x20]  }
.Ltmp12:
0x251: {  	v4 =	vld [tilespmem:s8+$0xFFFFFFD0];
	(pc) =	sbr.rel @p0 .LBB2_18-.Ltmp12, $4  }
0x252: {  	vm0 =	veq.s32 v2, $0x0;
	v5 =	vld [tilespmem:s8+$0x0]  }
0x253: {  	v2 =	vsel vm0, $0x0, v0  }
0x254: {  	v7 =	vmul.f32 v2, v7;
	v9 =	vmul.f32 v6, v2  }
0x255: {  	s11 =	sshrl.u32 s9, $0x7;
	s10 =	smov.u32 s0;
	v8 =	vmul.f32 v8, v2;
	v6 =	vmul.f32 v10, v2  }
0x256: {  	[tilespmem:s6+$0x30] =	vst v9;
	s0 =	sadd.s32 s7, s11  }
0x257: {  	[tilespmem:s6+$0xFFFFFFC0] =	vst v7;
	s11 =	sand.u32 $0x7F, s9;
	s0 =	sshll.u32 s0, $0x7  }
0x258: {  	v1 =	vmul.f32 v1, v2;
	[tilespmem:s6+$0x10] =	vst v8;
	s0 =	sor.u32 s11, s0  }
0x259: {  	v5 =	vmul.f32 v5, v2;
	[tilespmem:s6+$0xFFFFFFE0] =	vst v6;
	v58 =	vmov s0  }
0x25a: {  	[tilespmem:s6+$0xFFFFFFF0] =	vst v1;
	v1 =	vmul.f32 v3, v2  }
0x25b: {  	s12 =	sadd.s32 $0x80, s8;
	v2 =	vmul.f32 v4, v2;
	[tilespmem:s6+$0x0] =	vst v5  }
0x25c: {  	v3 =	vld [tilespmem:s12+$0xFFFFFFF0];
	[tilespmem:s6+$0x20] =	vst v1  }
0x25d: {  	[tilespmem:s6+$0xFFFFFFD0] =	vst v2  }
0x25e: {  	v1 =	vld.idx.msk [tilespmem:v58+s4+$0x0], $0xffff;
	_ =	sdelay $0x1  }
0x25f: {  	v2 =	vld [tilespmem:s12+$0x30]  }
0x260: {  	v59 =	vld [tilespmem:s12+$0xFFFFFFC0]  }
0x261: {  	v5 =	vld [tilespmem:s12+$0x10]  }
0x262: {  	vm0 =	veq.s32 v1, $0x0  }
0x263: {  	v60 =	vld [tilespmem:s12+$0xFFFFFFE0];
	v1 =	vsel vm0, $0x0, v0  }
0x264: {  	v61 =	vld [tilespmem:s12+$0x0];
	v2 =	vmul.f32 v2, v1  }
0x265: {  	v8 =	vld [tilespmem:s12+$0x20];
	v4 =	vmul.f32 v1, v59  }
0x266: {  	v62 =	vld [tilespmem:s12+$0xFFFFFFD0];
	v5 =	vmul.f32 v5, v1;
	[tilespmem:s12+$0x30] =	vst v2  }
0x267: {  	v3 =	vmul.f32 v3, v1;
	[tilespmem:s12+$0xFFFFFFC0] =	vst v4  }
0x268: {  	v2 =	vmul.f32 v60, v1;
	[tilespmem:s12+$0x10] =	vst v5  }
0x269: {  	v63 =	vmul.f32 v61, v1;
	[tilespmem:s12+$0xFFFFFFF0] =	vst v3  }
0x26a: {  	[tilespmem:s12+$0xFFFFFFE0] =	vst v2;
	v2 =	vmul.f32 v8, v1  }
0x26b: {  	[tilespmem:s12+$0x0] =	vst v63;
	v1 =	vmul.f32 v62, v1  }
0x26c: {  	[tilespmem:s12+$0x20] =	vst v2  }
0x26d: {  	[tilespmem:s12+$0xFFFFFFD0] =	vst v1  }
.LBB2_20:
0x26e: {  	s0 =	sshll.u32 s2, $0xF  }
0x26f: {  	s0 =	sadd.s32 s5, s0  }
0x270: {  	s0 =	sshrl.u32 s0, $0x3  }
0x271: {  	s0 =	sadd.s32 s3, s0  }
0x272: {  	[hbm4b:s0+s4] =	stream.linear.scatter [tilespmem:s22], [sflag:$0x6], $0x8000, $0x38;
	[tilespmem:$0x19C00] =	vst v63  }
0x273: {  	_ =	swait.ge [sflag:s20], $0x4000  }
0x274: {  	[sflag:s20] =	ssyncset.done $0x0  }
0x275: {  	[sflag:s20] =	ssyncadd.s32 $0xFFFFC000  }
0x276: {  	_ =	swait.ge [sflag:s20], $0x4000  }
0x277: {  	[sflag:s20] =	ssyncset.done $0x0  }
0x278: {  	[sflag:s20] =	ssyncadd.s32 $0xFFFFC000  }
0x279: {  	_ =	swait.ge [sflag:s30], $0x8000  }
0x27a: {  	[sflag:s30] =	ssyncset.done $0x0  }
0x27b: {  	s12 =	sadd.s32 $0x500, s31;
	[sflag:s30] =	ssyncadd.s32 $0xFFFF8000  }
0x27c: {  	[tilespmem:s22], [sflag:$0x3] =	stream.indirect.gather [hbm4b:s1+s13], $0x80, s12, s13, $0xb8;
	[tilespmem:$0x19C00] =	vst v63  }
0x27d: {  	s31 =	sadd.s32 $0x580, s31  }
0x27e: {  	[tilespmem:s24], [sflag:$0x3] =	stream.indirect.gather [hbm4b:s1+s13], $0x80, s31, s13, $0xb8;
	[tilespmem:$0x19C00] =	vst v63  }
0x27f: {  	v14 =	vld [tilespmem:s21+$0x0]  }
0x280: {  	v16 =	vld [tilespmem:s21+$0x10]  }
0x281: {  	v15 =	vld [tilespmem:s21+$0x20]  }
0x282: {  	v13 =	vld [tilespmem:s21+$0x30]  }
0x283: {  	v12 =	vld [tilespmem:s21+$0x40]  }
0x284: {  	v11 =	vld [tilespmem:s21+$0x50]  }
0x285: {  	v10 =	vld [tilespmem:s21+$0x60]  }
0x286: {  	v9 =	vld [tilespmem:s21+$0x70]  }
0x287: {  	v8 =	vld [tilespmem:s21+$0x80]  }
0x288: {  	v7 =	vld [tilespmem:s21+$0x90]  }
0x289: {  	v6 =	vld [tilespmem:s21+$0xA0]  }
0x28a: {  	v5 =	vld [tilespmem:s21+$0xB0]  }
0x28b: {  	v4 =	vld [tilespmem:s21+$0xC0]  }
0x28c: {  	v3 =	vld [tilespmem:s21+$0xD0]  }
0x28d: {  	v2 =	vld [tilespmem:s21+$0xE0]  }
0x28e: {  	s2 =	simm.s32 $0x1D00;
	v1 =	vld [tilespmem:s21+$0xF0]  }
0x28f: {  	v17 =	vld [tilespmem:s2+$0xF0]  }
0x290: {  	v18 =	vld [tilespmem:s2+$0xFFFFFF10]  }
0x291: {  	v19 =	vld [tilespmem:s2+$0xFFFFFF20]  }
0x292: {  	v23 =	vld [tilespmem:s2+$0xFFFFFF60]  }
0x293: {  	v21 =	vld [tilespmem:s2+$0xFFFFFF40]  }
0x294: {  	v20 =	vld [tilespmem:s2+$0xFFFFFF30];
	v17 =	vmul.f32 $1.131370830e+01, v17  }
0x295: {  	v25 =	vld [tilespmem:s2+$0xFFFFFF80];
	v18 =	vmul.f32 $1.131370830e+01, v18  }
0x296: {  	v22 =	vld [tilespmem:s2+$0xFFFFFF50];
	v19 =	vmul.f32 $1.131370830e+01, v19;
	[tilespmem:s2+$0xF0] =	vst v17  }
0x297: {  	v24 =	vld [tilespmem:s2+$0xFFFFFF70];
	v23 =	vmul.f32 $1.131370830e+01, v23;
	[tilespmem:s2+$0xFFFFFF10] =	vst v18  }
0x298: {  	v17 =	vld [tilespmem:s2+$0xFFFFFF90];
	[tilespmem:s2+$0xFFFFFF20] =	vst v19;
	v19 =	vmul.f32 $1.131370830e+01, v21  }
0x299: {  	v18 =	vmul.f32 $1.131370830e+01, v20;
	[tilespmem:s2+$0xFFFFFF60] =	vst v23;
	v23 =	vld [tilespmem:s2+$0xFFFFFFF0]  }
0x29a: {  	v20 =	vld [tilespmem:s2+$0xFFFFFFA0];
	[tilespmem:s2+$0xFFFFFF40] =	vst v19;
	v19 =	vmul.f32 $1.131370830e+01, v25  }
0x29b: {  	v21 =	vld [tilespmem:s2+$0xFFFFFFB0];
	[tilespmem:s2+$0xFFFFFF30] =	vst v18;
	v18 =	vmul.f32 $1.131370830e+01, v22  }
0x29c: {  	v22 =	vld [tilespmem:s2+$0xFFFFFFC0];
	[tilespmem:s2+$0xFFFFFF80] =	vst v19;
	v19 =	vmul.f32 $1.131370830e+01, v24  }
0x29d: {  	v60 =	vld [tilespmem:s2+$0xFFFFFFD0];
	[tilespmem:s2+$0xFFFFFF50] =	vst v18;
	v17 =	vmul.f32 $1.131370830e+01, v17  }
0x29e: {  	v18 =	vld [tilespmem:s2+$0xFFFFFFE0];
	v23 =	vmul.f32 $1.131370830e+01, v23;
	[tilespmem:s2+$0xFFFFFF70] =	vst v19  }
0x29f: {  	v19 =	vmul.f32 $1.131370830e+01, v20;
	v20 =	vld [tilespmem:s2+$0x0];
	[tilespmem:s2+$0xFFFFFF90] =	vst v17  }
0x2a0: {  	v17 =	vmul.f32 $1.131370830e+01, v21;
	v21 =	vld [tilespmem:s2+$0x10];
	[tilespmem:s2+$0xFFFFFFF0] =	vst v23  }
0x2a1: {  	[tilespmem:s2+$0xFFFFFFA0] =	vst v19;
	v19 =	vmul.f32 $1.131370830e+01, v22;
	v22 =	vld [tilespmem:s2+$0x20]  }
0x2a2: {  	v23 =	vld [tilespmem:s2+$0x80];
	[tilespmem:s2+$0xFFFFFFB0] =	vst v17;
	v17 =	vmul.f32 $1.131370830e+01, v60  }
0x2a3: {  	v18 =	vmul.f32 $1.131370830e+01, v18;
	[tilespmem:s2+$0xFFFFFFC0] =	vst v19;
	v19 =	vld [tilespmem:s2+$0x40]  }
0x2a4: {  	v61 =	vld [tilespmem:s2+$0x30];
	[tilespmem:s2+$0xFFFFFFD0] =	vst v17;
	v17 =	vmul.f32 $1.131370830e+01, v20  }
0x2a5: {  	v20 =	vld [tilespmem:s2+$0x50];
	[tilespmem:s2+$0xFFFFFFE0] =	vst v18;
	v21 =	vmul.f32 $1.131370830e+01, v21  }
0x2a6: {  	v18 =	vld [tilespmem:s2+$0x60];
	[tilespmem:s2+$0x0] =	vst v17;
	v17 =	vmul.f32 $1.131370830e+01, v22  }
0x2a7: {  	v23 =	vmul.f32 $1.131370830e+01, v23;
	v22 =	vld [tilespmem:s2+$0x70];
	[tilespmem:s2+$0x10] =	vst v21  }
0x2a8: {  	v62 =	vld [tilespmem:s2+$0x90];
	[tilespmem:s2+$0x20] =	vst v17;
	v17 =	vmul.f32 $1.131370830e+01, v19  }
0x2a9: {  	v63 =	vld [tilespmem:s2+$0xA0];
	v21 =	vmul.f32 $1.131370830e+01, v61;
	[tilespmem:s2+$0x80] =	vst v23  }
0x2aa: {  	v19 =	vmul.f32 $1.131370830e+01, v20;
	[tilespmem:s2+$0x40] =	vst v17;
	v17 =	vld [tilespmem:s2+$0xB0]  }
0x2ab: {  	[tilespmem:s2+$0x30] =	vst v21;
	v20 =	vmul.f32 $1.131370830e+01, v18;
	v18 =	vld [tilespmem:s2+$0xC0]  }
0x2ac: {  	[tilespmem:s2+$0x50] =	vst v19;
	v21 =	vmul.f32 $1.131370830e+01, v22;
	v19 =	vld [tilespmem:s2+$0xD0]  }
0x2ad: {  	[tilespmem:s2+$0x60] =	vst v20;
	v20 =	vld [tilespmem:s2+$0xE0];
	v22 =	vmul.f32 $1.131370830e+01, v62  }
0x2ae: {  	s6 =	simm.s32 $0x0;
	s7 =	simm.s32 $0x1F00;
	v23 =	vmul.f32 $1.131370830e+01, v63;
	[tilespmem:s2+$0x70] =	vst v21;
	v21 =	vld [tilespmem:s2+$0xFFFFFF00]  }
.LBB2_21:
0x2af: {  	v24 =	vld [tilespmem:s7+$0xF0];
	s6 =	sadd.s32 $0x4, s6;
	[tilespmem:s2+$0x90] =	vst v22;
	v17 =	vmul.f32 $1.131370830e+01, v17  }
0x2b0: {  	v22 =	vld [tilespmem:s7+$0xFFFFFF10];
	p0 =	slt.u32 s6, $0xFC;
	[tilespmem:s2+$0xA0] =	vst v23;
	v18 =	vmul.f32 $1.131370830e+01, v18  }
0x2b1: {  	v23 =	vld [tilespmem:s7+$0xFFFFFF20];
	[tilespmem:s2+$0xB0] =	vst v17;
	v17 =	vmul.f32 $1.131370830e+01, v19  }
0x2b2: {  	v19 =	vld [tilespmem:s7+$0xFFFFFF30];
	[tilespmem:s2+$0xC0] =	vst v18;
	v18 =	vmul.f32 $1.131370830e+01, v20  }
0x2b3: {  	v20 =	vld [tilespmem:s7+$0xFFFFFF40];
	v21 =	vmul.f32 $1.131370830e+01, v21;
	[tilespmem:s2+$0xD0] =	vst v17  }
0x2b4: {  	v17 =	vld [tilespmem:s7+$0xFFFFFF50];
	v24 =	vmul.f32 $1.131370830e+01, v24;
	[tilespmem:s2+$0xE0] =	vst v18  }
0x2b5: {  	v18 =	vmul.f32 $1.131370830e+01, v22;
	v22 =	vld [tilespmem:s7+$0xFFFFFF60];
	[tilespmem:s2+$0xFFFFFF00] =	vst v21;
	s2 =	smov.u32 s7  }
0x2b6: {  	v21 =	vmul.f32 $1.131370830e+01, v23;
	v23 =	vld [tilespmem:s7+$0xFFFFFF70];
	[tilespmem:s7+$0xF0] =	vst v24  }
0x2b7: {  	[tilespmem:s7+$0xFFFFFF10] =	vst v18;
	v18 =	vmul.f32 $1.131370830e+01, v19;
	v19 =	vld [tilespmem:s7+$0xFFFFFF80]  }
0x2b8: {  	[tilespmem:s7+$0xFFFFFF20] =	vst v21;
	v20 =	vmul.f32 $1.131370830e+01, v20;
	v21 =	vld [tilespmem:s7+$0xFFFFFF90]  }
0x2b9: {  	[tilespmem:s7+$0xFFFFFF30] =	vst v18;
	v17 =	vmul.f32 $1.131370830e+01, v17;
	v18 =	vld [tilespmem:s7+$0xFFFFFFA0]  }
0x2ba: {  	[tilespmem:s7+$0xFFFFFF40] =	vst v20;
	v20 =	vmul.f32 $1.131370830e+01, v22;
	v22 =	vld [tilespmem:s7+$0xFFFFFFB0]  }
0x2bb: {  	[tilespmem:s7+$0xFFFFFF50] =	vst v17;
	v17 =	vmul.f32 $1.131370830e+01, v23;
	v23 =	vld [tilespmem:s7+$0xFFFFFFC0]  }
0x2bc: {  	[tilespmem:s7+$0xFFFFFF60] =	vst v20;
	v19 =	vmul.f32 $1.131370830e+01, v19;
	v20 =	vld [tilespmem:s7+$0xFFFFFFD0]  }
0x2bd: {  	[tilespmem:s7+$0xFFFFFF70] =	vst v17;
	v17 =	vmul.f32 $1.131370830e+01, v21;
	v21 =	vld [tilespmem:s7+$0xFFFFFFE0]  }
0x2be: {  	[tilespmem:s7+$0xFFFFFF80] =	vst v19;
	v18 =	vmul.f32 $1.131370830e+01, v18;
	v19 =	vld [tilespmem:s7+$0xFFFFFFF0]  }
0x2bf: {  	[tilespmem:s7+$0xFFFFFF90] =	vst v17;
	v17 =	vmul.f32 $1.131370830e+01, v22;
	v22 =	vld [tilespmem:s7+$0x0]  }
0x2c0: {  	[tilespmem:s7+$0xFFFFFFA0] =	vst v18;
	v18 =	vmul.f32 $1.131370830e+01, v23;
	v23 =	vld [tilespmem:s7+$0x10]  }
0x2c1: {  	[tilespmem:s7+$0xFFFFFFB0] =	vst v17;
	v17 =	vmul.f32 $1.131370830e+01, v20;
	v20 =	vld [tilespmem:s7+$0x20]  }
0x2c2: {  	[tilespmem:s7+$0xFFFFFFC0] =	vst v18;
	v18 =	vmul.f32 $1.131370830e+01, v21;
	v21 =	vld [tilespmem:s7+$0x30]  }
0x2c3: {  	[tilespmem:s7+$0xFFFFFFD0] =	vst v17;
	v17 =	vmul.f32 $1.131370830e+01, v19;
	v19 =	vld [tilespmem:s7+$0x40]  }
0x2c4: {  	[tilespmem:s7+$0xFFFFFFE0] =	vst v18;
	v18 =	vmul.f32 $1.131370830e+01, v22;
	v22 =	vld [tilespmem:s7+$0x50]  }
0x2c5: {  	[tilespmem:s7+$0xFFFFFFF0] =	vst v17;
	v17 =	vmul.f32 $1.131370830e+01, v23;
	v23 =	vld [tilespmem:s7+$0x60]  }
0x2c6: {  	[tilespmem:s7+$0x0] =	vst v18;
	v18 =	vmul.f32 $1.131370830e+01, v20;
	v20 =	vld [tilespmem:s7+$0x70]  }
0x2c7: {  	[tilespmem:s7+$0x10] =	vst v17;
	v17 =	vmul.f32 $1.131370830e+01, v21;
	v21 =	vld [tilespmem:s7+$0x80]  }
0x2c8: {  	[tilespmem:s7+$0x20] =	vst v18;
	v18 =	vmul.f32 $1.131370830e+01, v19;
	v24 =	vld [tilespmem:s7+$0x90]  }
0x2c9: {  	[tilespmem:s7+$0x30] =	vst v17;
	v19 =	vmul.f32 $1.131370830e+01, v22;
	v25 =	vld [tilespmem:s7+$0xA0]  }
.Ltmp13:
0x2ca: {  	[tilespmem:s7+$0x40] =	vst v18;
	v22 =	vmul.f32 $1.131370830e+01, v23;
	v17 =	vld [tilespmem:s7+$0xB0];
	(pc) =	sbr.rel @p0 .LBB2_21-.Ltmp13, $4  }
0x2cb: {  	[tilespmem:s7+$0x50] =	vst v19;
	v20 =	vmul.f32 $1.131370830e+01, v20;
	v18 =	vld [tilespmem:s7+$0xC0]  }
0x2cc: {  	[tilespmem:s7+$0x60] =	vst v22;
	v23 =	vmul.f32 $1.131370830e+01, v21;
	v19 =	vld [tilespmem:s7+$0xD0]  }
0x2cd: {  	[tilespmem:s7+$0x70] =	vst v20;
	v22 =	vmul.f32 $1.131370830e+01, v24;
	v20 =	vld [tilespmem:s7+$0xE0]  }
0x2ce: {  	s7 =	sadd.s32 $0x200, s7;
	v21 =	vld [tilespmem:s2+$0xFFFFFF00];
	[tilespmem:s2+$0x80] =	vst v23;
	v23 =	vmul.f32 $1.131370830e+01, v25  }
0x2cf: {  	vm0 =	vlt.s32 v14, v16  }
0x2d0: {  	v14 =	vsel vm0, v14, v16  }
0x2d1: {  	vm0 =	vlt.s32 v14, v15  }
0x2d2: {  	v14 =	vsel vm0, v14, v15  }
0x2d3: {  	vm0 =	vlt.s32 v14, v13  }
0x2d4: {  	v13 =	vsel vm0, v14, v13  }
0x2d5: {  	vm0 =	vlt.s32 v13, v12  }
0x2d6: {  	v12 =	vsel vm0, v13, v12  }
0x2d7: {  	vm0 =	vlt.s32 v12, v11  }
0x2d8: {  	v11 =	vsel vm0, v12, v11  }
0x2d9: {  	vm0 =	vlt.s32 v11, v10  }
0x2da: {  	v10 =	vsel vm0, v11, v10  }
0x2db: {  	vm0 =	vlt.s32 v10, v9  }
0x2dc: {  	v9 =	vsel vm0, v10, v9  }
0x2dd: {  	vm0 =	vlt.s32 v9, v8  }
0x2de: {  	v8 =	vsel vm0, v9, v8  }
0x2df: {  	vm0 =	vlt.s32 v8, v7  }
0x2e0: {  	v7 =	vsel vm0, v8, v7  }
0x2e1: {  	vm0 =	vlt.s32 v7, v6  }
0x2e2: {  	v6 =	vsel vm0, v7, v6  }
0x2e3: {  	vm0 =	vlt.s32 v6, v5  }
0x2e4: {  	v5 =	vsel vm0, v6, v5  }
0x2e5: {  	vm0 =	vlt.s32 v5, v4  }
0x2e6: {  	v4 =	vsel vm0, v5, v4  }
0x2e7: {  	vm0 =	vlt.s32 v4, v3  }
0x2e8: {  	v3 =	vsel vm0, v4, v3  }
0x2e9: {  	vm0 =	vlt.s32 v3, v2  }
0x2ea: {  	v2 =	vsel vm0, v3, v2  }
0x2eb: {  	vm0 =	vlt.s32 v2, v1  }
0x2ec: {  	v1 =	vsel vm0, v2, v1  }
0x2ed: {  	v1 =	vxor.u32 $0x80000000, v1  }
0x2ee: {  	(xrf0) =	vmin.scan.msk.u32 $0xffff, v1;
	_ =	sdelay $0x5  }
0x2ef: {  	v1, _, _ =	vpop (xrf0)  }
0x2f0: {  	(v2sf) =	vpush v1, $0xF;
	_ =	sdelay $0xe  }
0x2f1: {  	[tilespmem:s2+$0x90] =	vst v22;
	v3 =	vmul.f32 $1.131370830e+01, v21;
	s0 =	spop (v2sf)  }
0x2f2: {  	[tilespmem:s2+$0xA0] =	vst v23;
	v2 =	vmul.f32 $1.131370830e+01, v18;
	p0 =	sne.s32 s0, $0x80000000  }
.Ltmp14:
0x2f3: {  	[tilespmem:s2+$0xFFFFFF00] =	vst v3;
	v1 =	vmul.f32 $1.131370830e+01, v17;
	(pc) =	sbr.rel @p0 .LBB2_26-.Ltmp14, $4  }
0x2f4: {  	[tilespmem:s2+$0xC0] =	vst v2;
	v2 =	vmul.f32 $1.131370830e+01, v20  }
0x2f5: {  	[tilespmem:s2+$0xB0] =	vst v1;
	v1 =	vmul.f32 $1.131370830e+01, v19  }
0x2f6: {  	[tilespmem:s2+$0xE0] =	vst v2  }
0x2f7: {  	[tilespmem:s2+$0xD0] =	vst v1  }
0x2f8: {  	s0 =	simm.s32 $0x0;
	s2 =	sadd.s32 $0x0, s23  }
0x2f9: {  	s0 =	sand.u32 $0x7F, s0;
	s2 =	sshll.u32 s2, $0x7  }
0x2fa: {  	s0 =	sor.u32 s0, s2  }
0x2fb: {  	v1 =	vmov s0;
	_ =	sdelay $0x2  }
0x2fc: {  	s2 =	simm.s32 $0x1C40  }
0x2fd: {  	v5 =	vld [tilespmem:s2+$0x30]  }
0x2fe: {  	v2 =	vld.idx.msk [tilespmem:v1+s4+$0x0], $0xffff  }
0x2ff: {  	v8 =	vld [tilespmem:s2+$0x10]  }
0x300: {  	v6 =	vld [tilespmem:s2+$0xFFFFFFC0]  }
0x301: {  	v10 =	vld [tilespmem:s2+$0xFFFFFFE0]  }
0x302: {  	v3 =	vld [tilespmem:s2+$0x20]  }
0x303: {  	v4 =	vld [tilespmem:s2+$0xFFFFFFD0];
	vm0 =	veq.s32 v2, $0x0  }
0x304: {  	v1 =	vld [tilespmem:s2+$0xFFFFFFF0];
	v2 =	vsel vm0, $0x0, v0  }
0x305: {  	v9 =	vmul.f32 v5, v2;
	v5 =	vld [tilespmem:s2+$0x0]  }
0x306: {  	s7 =	simm.s32 $0x1;
	v7 =	vmul.f32 v2, v6  }
0x307: {  	s8 =	simm.s32 $0x2;
	s9 =	simm.s32 $0x0;
	s6 =	simm.s32 $0x1C40;
	v6 =	vmul.f32 v10, v2;
	v8 =	vmul.f32 v8, v2  }
.LBB2_24:
0x308: {  	s0 =	sadd.s32 s23, s9  }
0x309: {  	v4 =	vmul.f32 v4, v2;
	v3 =	vmul.f32 v3, v2;
	[tilespmem:s2+$0x30] =	vst v9;
	s6 =	sadd.s32 $0x80, s6;
	s9 =	smov.u32 s8;
	s10 =	sadd.s32 $0x1, s8  }
0x30a: {  	p0 =	sne.s32 s8, $0xFF;
	s7 =	sand.u32 $0x7F, s7;
	v1 =	vmul.f32 v1, v2;
	s0 =	sshll.u32 s0, $0x7;
	[tilespmem:s2+$0xFFFFFFC0] =	vst v7;
	v2 =	vmul.f32 v5, v2  }
0x30b: {  	s0 =	sor.u32 s7, s0;
	[tilespmem:s2+$0x10] =	vst v8;
	s7 =	smov.u32 s9  }
0x30c: {  	v5 =	vmov s0;
	[tilespmem:s2+$0xFFFFFFE0] =	vst v6  }
0x30d: {  	[tilespmem:s2+$0xFFFFFFF0] =	vst v1  }
0x30e: {  	[tilespmem:s2+$0x0] =	vst v2  }
0x30f: {  	v1 =	vld [tilespmem:s6+$0xFFFFFFF0];
	[tilespmem:s2+$0x20] =	vst v3  }
0x310: {  	v6 =	vld [tilespmem:s6+$0x30];
	[tilespmem:s2+$0xFFFFFFD0] =	vst v4;
	s2 =	smov.u32 s6  }
0x311: {  	v2 =	vld.idx.msk [tilespmem:v5+s4+$0x0], $0xffff  }
0x312: {  	v8 =	vld [tilespmem:s6+$0x10]  }
0x313: {  	v7 =	vld [tilespmem:s6+$0xFFFFFFC0]  }
0x314: {  	v10 =	vld [tilespmem:s6+$0xFFFFFFE0]  }
0x315: {  	v3 =	vld [tilespmem:s6+$0x20]  }
.Ltmp15:
0x316: {  	v4 =	vld [tilespmem:s6+$0xFFFFFFD0];
	(pc) =	sbr.rel @p0 .LBB2_24-.Ltmp15, $4  }
0x317: {  	vm0 =	veq.s32 v2, $0x0;
	v5 =	vld [tilespmem:s6+$0x0]  }
0x318: {  	v2 =	vsel vm0, $0x0, v0  }
0x319: {  	v7 =	vmul.f32 v2, v7;
	v9 =	vmul.f32 v6, v2  }
0x31a: {  	s8 =	smov.u32 s10;
	s9 =	sshrl.u32 s7, $0x7;
	v8 =	vmul.f32 v8, v2;
	v6 =	vmul.f32 v10, v2  }
0x31b: {  	[tilespmem:s2+$0x30] =	vst v9;
	s0 =	sadd.s32 s23, s9  }
0x31c: {  	[tilespmem:s2+$0xFFFFFFC0] =	vst v7;
	s7 =	sand.u32 $0x7F, s7;
	s0 =	sshll.u32 s0, $0x7  }
0x31d: {  	v1 =	vmul.f32 v1, v2;
	[tilespmem:s2+$0x10] =	vst v8;
	s0 =	sor.u32 s7, s0  }
0x31e: {  	v5 =	vmul.f32 v5, v2;
	[tilespmem:s2+$0xFFFFFFE0] =	vst v6;
	v58 =	vmov s0  }
0x31f: {  	[tilespmem:s2+$0xFFFFFFF0] =	vst v1;
	v1 =	vmul.f32 v3, v2  }
0x320: {  	s31 =	sadd.s32 $0x80, s6;
	v2 =	vmul.f32 v4, v2;
	[tilespmem:s2+$0x0] =	vst v5  }
0x321: {  	v3 =	vld [tilespmem:s31+$0xFFFFFFF0];
	[tilespmem:s2+$0x20] =	vst v1  }
0x322: {  	[tilespmem:s2+$0xFFFFFFD0] =	vst v2  }
0x323: {  	v1 =	vld.idx.msk [tilespmem:v58+s4+$0x0], $0xffff;
	_ =	sdelay $0x1  }
0x324: {  	v2 =	vld [tilespmem:s31+$0x30]  }
0x325: {  	v59 =	vld [tilespmem:s31+$0xFFFFFFC0]  }
0x326: {  	v5 =	vld [tilespmem:s31+$0x10]  }
0x327: {  	vm0 =	veq.s32 v1, $0x0  }
0x328: {  	v60 =	vld [tilespmem:s31+$0xFFFFFFE0];
	v1 =	vsel vm0, $0x0, v0  }
0x329: {  	v61 =	vld [tilespmem:s31+$0x0];
	v2 =	vmul.f32 v2, v1  }
0x32a: {  	v8 =	vld [tilespmem:s31+$0x20];
	v4 =	vmul.f32 v1, v59  }
0x32b: {  	v62 =	vld [tilespmem:s31+$0xFFFFFFD0];
	v5 =	vmul.f32 v5, v1;
	[tilespmem:s31+$0x30] =	vst v2  }
0x32c: {  	v3 =	vmul.f32 v3, v1;
	[tilespmem:s31+$0xFFFFFFC0] =	vst v4  }
0x32d: {  	v2 =	vmul.f32 v60, v1;
	[tilespmem:s31+$0x10] =	vst v5  }
.Ltmp16:
0x32e: {  	v63 =	vmul.f32 v61, v1;
	[tilespmem:s31+$0xFFFFFFF0] =	vst v3;
	(pc) =	sbr.rel .LBB2_26-.Ltmp16, $4  }
0x32f: {  	[tilespmem:s31+$0xFFFFFFE0] =	vst v2;
	v2 =	vmul.f32 v8, v1  }
0x330: {  	[tilespmem:s31+$0x0] =	vst v63;
	v1 =	vmul.f32 v62, v1  }
0x331: {  	[tilespmem:s31+$0x20] =	vst v2  }
0x332: {  	[tilespmem:s31+$0xFFFFFFD0] =	vst v1  }
.LBB2_27:
0x333: {  	_ =	swait.ge [sflag:s25], $0x4000  }
0x334: {  	[sflag:s25] =	ssyncset.done $0x0  }
0x335: {  	[sflag:s25] =	ssyncadd.s32 $0xFFFFC000  }
0x336: {  	_ =	swait.ge [sflag:s25], $0x4000  }
0x337: {  	[sflag:s25] =	ssyncset.done $0x0  }
0x338: {  	[sflag:s25] =	ssyncadd.s32 $0xFFFFC000  }
0x339: {  	_ =	swait.ge [sflag:s26], $0x8000  }
0x33a: {  	[sflag:s26] =	ssyncset.done $0x0  }
0x33b: {  	s0 =	simm.s32 $0x1800;
	[sflag:s26] =	ssyncadd.s32 $0xFFFF8000  }
0x33c: {  	[tilespmem:s14], [sflag:$0x1] =	stream.indirect.gather [hbm4b:s1+s13], $0x80, s0, s13, $0xb8;
	[tilespmem:$0x19C00] =	vst v63  }
0x33d: {  	s31 =	simm.s32 $0x1880  }
0x33e: {  	[tilespmem:s15], [sflag:$0x1] =	stream.indirect.gather [hbm4b:s1+s13], $0x80, s31, s13, $0xb8;
	[tilespmem:$0x19C00] =	vst v63  }
0x33f: {  	v14 =	vld [tilespmem:$0x1600]  }
0x340: {  	v16 =	vld [tilespmem:$0x1610]  }
0x341: {  	v15 =	vld [tilespmem:$0x1620]  }
0x342: {  	v13 =	vld [tilespmem:$0x1630]  }
0x343: {  	v12 =	vld [tilespmem:$0x1640]  }
0x344: {  	v11 =	vld [tilespmem:$0x1650]  }
0x345: {  	v10 =	vld [tilespmem:$0x1660]  }
0x346: {  	v9 =	vld [tilespmem:$0x1670]  }
0x347: {  	v8 =	vld [tilespmem:$0x1680]  }
0x348: {  	v7 =	vld [tilespmem:$0x1690]  }
0x349: {  	v6 =	vld [tilespmem:$0x16A0]  }
0x34a: {  	v5 =	vld [tilespmem:$0x16B0]  }
0x34b: {  	v4 =	vld [tilespmem:$0x16C0]  }
0x34c: {  	v3 =	vld [tilespmem:$0x16D0]  }
0x34d: {  	v1 =	vld [tilespmem:$0x16E0]  }
0x34e: {  	s2 =	simm.s32 $0x9D00;
	v2 =	vld [tilespmem:$0x16F0]  }
0x34f: {  	v17 =	vld [tilespmem:s2+$0xF0]  }
0x350: {  	v18 =	vld [tilespmem:s2+$0xFFFFFF10]  }
0x351: {  	v19 =	vld [tilespmem:s2+$0xFFFFFF20]  }
0x352: {  	v23 =	vld [tilespmem:s2+$0xFFFFFF60]  }
0x353: {  	v21 =	vld [tilespmem:s2+$0xFFFFFF40]  }
0x354: {  	v20 =	vld [tilespmem:s2+$0xFFFFFF30];
	v17 =	vmul.f32 $1.131370830e+01, v17  }
0x355: {  	v25 =	vld [tilespmem:s2+$0xFFFFFF80];
	v18 =	vmul.f32 $1.131370830e+01, v18  }
0x356: {  	v22 =	vld [tilespmem:s2+$0xFFFFFF50];
	v19 =	vmul.f32 $1.131370830e+01, v19;
	[tilespmem:s2+$0xF0] =	vst v17  }
0x357: {  	v24 =	vld [tilespmem:s2+$0xFFFFFF70];
	v23 =	vmul.f32 $1.131370830e+01, v23;
	[tilespmem:s2+$0xFFFFFF10] =	vst v18  }
0x358: {  	v17 =	vld [tilespmem:s2+$0xFFFFFF90];
	[tilespmem:s2+$0xFFFFFF20] =	vst v19;
	v19 =	vmul.f32 $1.131370830e+01, v21  }
0x359: {  	v18 =	vmul.f32 $1.131370830e+01, v20;
	[tilespmem:s2+$0xFFFFFF60] =	vst v23;
	v23 =	vld [tilespmem:s2+$0xFFFFFFF0]  }
0x35a: {  	v20 =	vld [tilespmem:s2+$0xFFFFFFA0];
	[tilespmem:s2+$0xFFFFFF40] =	vst v19;
	v19 =	vmul.f32 $1.131370830e+01, v25  }
0x35b: {  	v21 =	vld [tilespmem:s2+$0xFFFFFFB0];
	[tilespmem:s2+$0xFFFFFF30] =	vst v18;
	v18 =	vmul.f32 $1.131370830e+01, v22  }
0x35c: {  	v22 =	vld [tilespmem:s2+$0xFFFFFFC0];
	[tilespmem:s2+$0xFFFFFF80] =	vst v19;
	v19 =	vmul.f32 $1.131370830e+01, v24  }
0x35d: {  	v60 =	vld [tilespmem:s2+$0xFFFFFFD0];
	[tilespmem:s2+$0xFFFFFF50] =	vst v18;
	v17 =	vmul.f32 $1.131370830e+01, v17  }
0x35e: {  	v18 =	vld [tilespmem:s2+$0xFFFFFFE0];
	v23 =	vmul.f32 $1.131370830e+01, v23;
	[tilespmem:s2+$0xFFFFFF70] =	vst v19  }
0x35f: {  	v19 =	vmul.f32 $1.131370830e+01, v20;
	v20 =	vld [tilespmem:s2+$0x0];
	[tilespmem:s2+$0xFFFFFF90] =	vst v17  }
0x360: {  	v17 =	vmul.f32 $1.131370830e+01, v21;
	v21 =	vld [tilespmem:s2+$0x10];
	[tilespmem:s2+$0xFFFFFFF0] =	vst v23  }
0x361: {  	[tilespmem:s2+$0xFFFFFFA0] =	vst v19;
	v19 =	vmul.f32 $1.131370830e+01, v22;
	v22 =	vld [tilespmem:s2+$0x20]  }
0x362: {  	v23 =	vld [tilespmem:s2+$0x80];
	[tilespmem:s2+$0xFFFFFFB0] =	vst v17;
	v17 =	vmul.f32 $1.131370830e+01, v60  }
0x363: {  	v18 =	vmul.f32 $1.131370830e+01, v18;
	[tilespmem:s2+$0xFFFFFFC0] =	vst v19;
	v19 =	vld [tilespmem:s2+$0x40]  }
0x364: {  	v61 =	vld [tilespmem:s2+$0x30];
	[tilespmem:s2+$0xFFFFFFD0] =	vst v17;
	v17 =	vmul.f32 $1.131370830e+01, v20  }
0x365: {  	v20 =	vld [tilespmem:s2+$0x50];
	[tilespmem:s2+$0xFFFFFFE0] =	vst v18;
	v21 =	vmul.f32 $1.131370830e+01, v21  }
0x366: {  	v18 =	vld [tilespmem:s2+$0x60];
	[tilespmem:s2+$0x0] =	vst v17;
	v17 =	vmul.f32 $1.131370830e+01, v22  }
0x367: {  	v23 =	vmul.f32 $1.131370830e+01, v23;
	v22 =	vld [tilespmem:s2+$0x70];
	[tilespmem:s2+$0x10] =	vst v21  }
0x368: {  	v62 =	vld [tilespmem:s2+$0x90];
	[tilespmem:s2+$0x20] =	vst v17;
	v17 =	vmul.f32 $1.131370830e+01, v19  }
0x369: {  	v63 =	vld [tilespmem:s2+$0xA0];
	v21 =	vmul.f32 $1.131370830e+01, v61;
	[tilespmem:s2+$0x80] =	vst v23  }
0x36a: {  	v19 =	vmul.f32 $1.131370830e+01, v20;
	[tilespmem:s2+$0x40] =	vst v17;
	v17 =	vld [tilespmem:s2+$0xB0]  }
0x36b: {  	[tilespmem:s2+$0x30] =	vst v21;
	v20 =	vmul.f32 $1.131370830e+01, v18;
	v18 =	vld [tilespmem:s2+$0xC0]  }
0x36c: {  	[tilespmem:s2+$0x50] =	vst v19;
	v21 =	vmul.f32 $1.131370830e+01, v22;
	v19 =	vld [tilespmem:s2+$0xD0]  }
0x36d: {  	[tilespmem:s2+$0x60] =	vst v20;
	v20 =	vld [tilespmem:s2+$0xE0];
	v22 =	vmul.f32 $1.131370830e+01, v62  }
0x36e: {  	s6 =	simm.s32 $0x0;
	s7 =	simm.s32 $0x9F00;
	v23 =	vmul.f32 $1.131370830e+01, v63;
	[tilespmem:s2+$0x70] =	vst v21;
	v21 =	vld [tilespmem:s2+$0xFFFFFF00]  }
.LBB2_28:
0x36f: {  	v24 =	vld [tilespmem:s7+$0xF0];
	s6 =	sadd.s32 $0x4, s6;
	[tilespmem:s2+$0x90] =	vst v22;
	v17 =	vmul.f32 $1.131370830e+01, v17  }
0x370: {  	v22 =	vld [tilespmem:s7+$0xFFFFFF10];
	p0 =	slt.u32 s6, $0xFC;
	[tilespmem:s2+$0xA0] =	vst v23;
	v18 =	vmul.f32 $1.131370830e+01, v18  }
0x371: {  	v23 =	vld [tilespmem:s7+$0xFFFFFF20];
	[tilespmem:s2+$0xB0] =	vst v17;
	v17 =	vmul.f32 $1.131370830e+01, v19  }
0x372: {  	v19 =	vld [tilespmem:s7+$0xFFFFFF30];
	[tilespmem:s2+$0xC0] =	vst v18;
	v18 =	vmul.f32 $1.131370830e+01, v20  }
0x373: {  	v20 =	vld [tilespmem:s7+$0xFFFFFF40];
	v21 =	vmul.f32 $1.131370830e+01, v21;
	[tilespmem:s2+$0xD0] =	vst v17  }
0x374: {  	v17 =	vld [tilespmem:s7+$0xFFFFFF50];
	v24 =	vmul.f32 $1.131370830e+01, v24;
	[tilespmem:s2+$0xE0] =	vst v18  }
0x375: {  	v18 =	vmul.f32 $1.131370830e+01, v22;
	v22 =	vld [tilespmem:s7+$0xFFFFFF60];
	[tilespmem:s2+$0xFFFFFF00] =	vst v21;
	s2 =	smov.u32 s7  }
0x376: {  	v21 =	vmul.f32 $1.131370830e+01, v23;
	v23 =	vld [tilespmem:s7+$0xFFFFFF70];
	[tilespmem:s7+$0xF0] =	vst v24  }
0x377: {  	[tilespmem:s7+$0xFFFFFF10] =	vst v18;
	v18 =	vmul.f32 $1.131370830e+01, v19;
	v19 =	vld [tilespmem:s7+$0xFFFFFF80]  }
0x378: {  	[tilespmem:s7+$0xFFFFFF20] =	vst v21;
	v20 =	vmul.f32 $1.131370830e+01, v20;
	v21 =	vld [tilespmem:s7+$0xFFFFFF90]  }
0x379: {  	[tilespmem:s7+$0xFFFFFF30] =	vst v18;
	v17 =	vmul.f32 $1.131370830e+01, v17;
	v18 =	vld [tilespmem:s7+$0xFFFFFFA0]  }
0x37a: {  	[tilespmem:s7+$0xFFFFFF40] =	vst v20;
	v20 =	vmul.f32 $1.131370830e+01, v22;
	v22 =	vld [tilespmem:s7+$0xFFFFFFB0]  }
0x37b: {  	[tilespmem:s7+$0xFFFFFF50] =	vst v17;
	v17 =	vmul.f32 $1.131370830e+01, v23;
	v23 =	vld [tilespmem:s7+$0xFFFFFFC0]  }
0x37c: {  	[tilespmem:s7+$0xFFFFFF60] =	vst v20;
	v19 =	vmul.f32 $1.131370830e+01, v19;
	v20 =	vld [tilespmem:s7+$0xFFFFFFD0]  }
0x37d: {  	[tilespmem:s7+$0xFFFFFF70] =	vst v17;
	v17 =	vmul.f32 $1.131370830e+01, v21;
	v21 =	vld [tilespmem:s7+$0xFFFFFFE0]  }
0x37e: {  	[tilespmem:s7+$0xFFFFFF80] =	vst v19;
	v18 =	vmul.f32 $1.131370830e+01, v18;
	v19 =	vld [tilespmem:s7+$0xFFFFFFF0]  }
0x37f: {  	[tilespmem:s7+$0xFFFFFF90] =	vst v17;
	v17 =	vmul.f32 $1.131370830e+01, v22;
	v22 =	vld [tilespmem:s7+$0x0]  }
0x380: {  	[tilespmem:s7+$0xFFFFFFA0] =	vst v18;
	v18 =	vmul.f32 $1.131370830e+01, v23;
	v23 =	vld [tilespmem:s7+$0x10]  }
0x381: {  	[tilespmem:s7+$0xFFFFFFB0] =	vst v17;
	v17 =	vmul.f32 $1.131370830e+01, v20;
	v20 =	vld [tilespmem:s7+$0x20]  }
0x382: {  	[tilespmem:s7+$0xFFFFFFC0] =	vst v18;
	v18 =	vmul.f32 $1.131370830e+01, v21;
	v21 =	vld [tilespmem:s7+$0x30]  }
0x383: {  	[tilespmem:s7+$0xFFFFFFD0] =	vst v17;
	v17 =	vmul.f32 $1.131370830e+01, v19;
	v19 =	vld [tilespmem:s7+$0x40]  }
0x384: {  	[tilespmem:s7+$0xFFFFFFE0] =	vst v18;
	v18 =	vmul.f32 $1.131370830e+01, v22;
	v22 =	vld [tilespmem:s7+$0x50]  }
0x385: {  	[tilespmem:s7+$0xFFFFFFF0] =	vst v17;
	v17 =	vmul.f32 $1.131370830e+01, v23;
	v23 =	vld [tilespmem:s7+$0x60]  }
0x386: {  	[tilespmem:s7+$0x0] =	vst v18;
	v18 =	vmul.f32 $1.131370830e+01, v20;
	v20 =	vld [tilespmem:s7+$0x70]  }
0x387: {  	[tilespmem:s7+$0x10] =	vst v17;
	v17 =	vmul.f32 $1.131370830e+01, v21;
	v21 =	vld [tilespmem:s7+$0x80]  }
0x388: {  	[tilespmem:s7+$0x20] =	vst v18;
	v18 =	vmul.f32 $1.131370830e+01, v19;
	v24 =	vld [tilespmem:s7+$0x90]  }
0x389: {  	[tilespmem:s7+$0x30] =	vst v17;
	v19 =	vmul.f32 $1.131370830e+01, v22;
	v25 =	vld [tilespmem:s7+$0xA0]  }
.Ltmp17:
0x38a: {  	[tilespmem:s7+$0x40] =	vst v18;
	v22 =	vmul.f32 $1.131370830e+01, v23;
	v17 =	vld [tilespmem:s7+$0xB0];
	(pc) =	sbr.rel @p0 .LBB2_28-.Ltmp17, $4  }
0x38b: {  	[tilespmem:s7+$0x50] =	vst v19;
	v20 =	vmul.f32 $1.131370830e+01, v20;
	v18 =	vld [tilespmem:s7+$0xC0]  }
0x38c: {  	[tilespmem:s7+$0x60] =	vst v22;
	v23 =	vmul.f32 $1.131370830e+01, v21;
	v19 =	vld [tilespmem:s7+$0xD0]  }
0x38d: {  	[tilespmem:s7+$0x70] =	vst v20;
	v22 =	vmul.f32 $1.131370830e+01, v24;
	v20 =	vld [tilespmem:s7+$0xE0]  }
0x38e: {  	s7 =	sadd.s32 $0x200, s7;
	v21 =	vld [tilespmem:s2+$0xFFFFFF00];
	[tilespmem:s2+$0x80] =	vst v23;
	v23 =	vmul.f32 $1.131370830e+01, v25  }
0x38f: {  	vm0 =	vlt.s32 v14, v16  }
0x390: {  	v14 =	vsel vm0, v14, v16  }
0x391: {  	vm0 =	vlt.s32 v14, v15  }
0x392: {  	v14 =	vsel vm0, v14, v15  }
0x393: {  	vm0 =	vlt.s32 v14, v13  }
0x394: {  	v13 =	vsel vm0, v14, v13  }
0x395: {  	vm0 =	vlt.s32 v13, v12  }
0x396: {  	v12 =	vsel vm0, v13, v12  }
0x397: {  	vm0 =	vlt.s32 v12, v11  }
0x398: {  	v11 =	vsel vm0, v12, v11  }
0x399: {  	vm0 =	vlt.s32 v11, v10  }
0x39a: {  	v10 =	vsel vm0, v11, v10  }
0x39b: {  	vm0 =	vlt.s32 v10, v9  }
0x39c: {  	v9 =	vsel vm0, v10, v9  }
0x39d: {  	vm0 =	vlt.s32 v9, v8  }
0x39e: {  	v8 =	vsel vm0, v9, v8  }
0x39f: {  	vm0 =	vlt.s32 v8, v7  }
0x3a0: {  	v7 =	vsel vm0, v8, v7  }
0x3a1: {  	vm0 =	vlt.s32 v7, v6  }
0x3a2: {  	v6 =	vsel vm0, v7, v6  }
0x3a3: {  	vm0 =	vlt.s32 v6, v5  }
0x3a4: {  	v5 =	vsel vm0, v6, v5  }
0x3a5: {  	vm0 =	vlt.s32 v5, v4  }
0x3a6: {  	v4 =	vsel vm0, v5, v4  }
0x3a7: {  	vm0 =	vlt.s32 v4, v3  }
0x3a8: {  	v3 =	vsel vm0, v4, v3  }
0x3a9: {  	vm0 =	vlt.s32 v3, v1  }
0x3aa: {  	v1 =	vsel vm0, v3, v1  }
0x3ab: {  	vm0 =	vlt.s32 v1, v2  }
0x3ac: {  	v1 =	vsel vm0, v1, v2  }
0x3ad: {  	v1 =	vxor.u32 $0x80000000, v1  }
0x3ae: {  	(xrf0) =	vmin.scan.msk.u32 $0xffff, v1;
	_ =	sdelay $0x5  }
0x3af: {  	v1, _, _ =	vpop (xrf0)  }
0x3b0: {  	(v2sf) =	vpush v1, $0xF;
	_ =	sdelay $0xe  }
0x3b1: {  	[tilespmem:s2+$0x90] =	vst v22;
	v3 =	vmul.f32 $1.131370830e+01, v21;
	s0 =	spop (v2sf)  }
0x3b2: {  	[tilespmem:s2+$0xA0] =	vst v23;
	v2 =	vmul.f32 $1.131370830e+01, v18;
	p0 =	sne.s32 s0, $0x80000000  }
.Ltmp18:
0x3b3: {  	[tilespmem:s2+$0xFFFFFF00] =	vst v3;
	v1 =	vmul.f32 $1.131370830e+01, v17;
	(pc) =	sbr.rel @p0 .LBB2_33-.Ltmp18, $4  }
0x3b4: {  	[tilespmem:s2+$0xC0] =	vst v2;
	v2 =	vmul.f32 $1.131370830e+01, v20  }
0x3b5: {  	[tilespmem:s2+$0xB0] =	vst v1;
	v1 =	vmul.f32 $1.131370830e+01, v19  }
0x3b6: {  	[tilespmem:s2+$0xE0] =	vst v2  }
0x3b7: {  	[tilespmem:s2+$0xD0] =	vst v1  }
0x3b8: {  	s0 =	simm.s32 $0x0  }
0x3b9: {  	s0 =	sor.u32 $0x1600, s0  }
0x3ba: {  	v1 =	vmov s0;
	_ =	sdelay $0x2  }
0x3bb: {  	s2 =	simm.s32 $0x9C40  }
0x3bc: {  	v5 =	vld [tilespmem:s2+$0x30]  }
0x3bd: {  	v2 =	vld.idx.msk [tilespmem:v1+s4+$0x0], $0xffff  }
0x3be: {  	v8 =	vld [tilespmem:s2+$0x10]  }
0x3bf: {  	v6 =	vld [tilespmem:s2+$0xFFFFFFC0]  }
0x3c0: {  	v10 =	vld [tilespmem:s2+$0xFFFFFFE0]  }
0x3c1: {  	v3 =	vld [tilespmem:s2+$0x20]  }
0x3c2: {  	v4 =	vld [tilespmem:s2+$0xFFFFFFD0];
	vm0 =	veq.s32 v2, $0x0  }
0x3c3: {  	v1 =	vld [tilespmem:s2+$0xFFFFFFF0];
	v2 =	vsel vm0, $0x0, v0  }
0x3c4: {  	v9 =	vmul.f32 v5, v2;
	v5 =	vld [tilespmem:s2+$0x0]  }
0x3c5: {  	v7 =	vmul.f32 v2, v6  }
0x3c6: {  	s6 =	simm.s32 $0x1;
	s7 =	simm.s32 $0x9C40;
	v6 =	vmul.f32 v10, v2;
	v8 =	vmul.f32 v8, v2  }
.LBB2_31:
0x3c7: {  	p0 =	sne.s32 s6, $0xFF  }
0x3c8: {  	v4 =	vmul.f32 v4, v2;
	v3 =	vmul.f32 v3, v2;
	[tilespmem:s2+$0x30] =	vst v9;
	s7 =	sadd.s32 $0x80, s7;
	s0 =	smov.u32 s6;
	s6 =	sadd.s32 $0x1, s6  }
0x3c9: {  	v1 =	vmul.f32 v1, v2;
	[tilespmem:s2+$0xFFFFFFC0] =	vst v7;
	v2 =	vmul.f32 v5, v2  }
0x3ca: {  	s0 =	sor.u32 $0x1600, s0;
	[tilespmem:s2+$0x10] =	vst v8  }
0x3cb: {  	v5 =	vmov s0;
	[tilespmem:s2+$0xFFFFFFE0] =	vst v6  }
0x3cc: {  	[tilespmem:s2+$0xFFFFFFF0] =	vst v1  }
0x3cd: {  	[tilespmem:s2+$0x0] =	vst v2  }
0x3ce: {  	v1 =	vld [tilespmem:s7+$0xFFFFFFF0];
	[tilespmem:s2+$0x20] =	vst v3  }
0x3cf: {  	v6 =	vld [tilespmem:s7+$0x30];
	[tilespmem:s2+$0xFFFFFFD0] =	vst v4;
	s2 =	smov.u32 s7  }
0x3d0: {  	v2 =	vld.idx.msk [tilespmem:v5+s4+$0x0], $0xffff  }
0x3d1: {  	v8 =	vld [tilespmem:s7+$0x10]  }
0x3d2: {  	v7 =	vld [tilespmem:s7+$0xFFFFFFC0]  }
0x3d3: {  	v10 =	vld [tilespmem:s7+$0xFFFFFFE0]  }
0x3d4: {  	v3 =	vld [tilespmem:s7+$0x20]  }
.Ltmp19:
0x3d5: {  	v4 =	vld [tilespmem:s7+$0xFFFFFFD0];
	(pc) =	sbr.rel @p0 .LBB2_31-.Ltmp19, $4  }
0x3d6: {  	vm0 =	veq.s32 v2, $0x0;
	v5 =	vld [tilespmem:s7+$0x0]  }
0x3d7: {  	v2 =	vsel vm0, $0x0, v0  }
0x3d8: {  	v7 =	vmul.f32 v2, v7;
	v9 =	vmul.f32 v6, v2  }
0x3d9: {  	v8 =	vmul.f32 v8, v2;
	v6 =	vmul.f32 v10, v2  }
0x3da: {  	[tilespmem:s2+$0x30] =	vst v9  }
0x3db: {  	[tilespmem:s2+$0xFFFFFFC0] =	vst v7  }
0x3dc: {  	v1 =	vmul.f32 v1, v2;
	[tilespmem:s2+$0x10] =	vst v8  }
0x3dd: {  	v3 =	vmul.f32 v3, v2;
	[tilespmem:s2+$0xFFFFFFE0] =	vst v6  }
0x3de: {  	v5 =	vmul.f32 v5, v2;
	[tilespmem:s2+$0xFFFFFFF0] =	vst v1  }
0x3df: {  	v1 =	vmul.f32 v4, v2;
	[tilespmem:s2+$0x20] =	vst v3  }
0x3e0: {  	[tilespmem:s2+$0x0] =	vst v5  }
0x3e1: {  	[tilespmem:s2+$0xFFFFFFD0] =	vst v1  }
.LBB2_33:
0x3e2: {  	s0 =	rddreg [dreg:$0x6]  }
0x3e3: {  	[hbm4b:s0+s4] =	stream.linear.scatter [tilespmem:s17], [sflag:$0x5], $0x8000, $0x38;
	[tilespmem:$0x19C00] =	vst v63  }
0x3e4: {  	_ =	swait.ge [sflag:s28], $0x4000  }
0x3e5: {  	[sflag:s28] =	ssyncset.done $0x0  }
0x3e6: {  	[sflag:s28] =	ssyncadd.s32 $0xFFFFC000  }
0x3e7: {  	_ =	swait.ge [sflag:s28], $0x4000  }
0x3e8: {  	[sflag:s28] =	ssyncset.done $0x0  }
0x3e9: {  	[sflag:s28] =	ssyncadd.s32 $0xFFFFC000  }
0x3ea: {  	v14 =	vld [tilespmem:$0x1700]  }
0x3eb: {  	v16 =	vld [tilespmem:$0x1710]  }
0x3ec: {  	v15 =	vld [tilespmem:$0x1720]  }
0x3ed: {  	v13 =	vld [tilespmem:$0x1730]  }
0x3ee: {  	v12 =	vld [tilespmem:$0x1740]  }
0x3ef: {  	v11 =	vld [tilespmem:$0x1750]  }
0x3f0: {  	v10 =	vld [tilespmem:$0x1760]  }
0x3f1: {  	v9 =	vld [tilespmem:$0x1770]  }
0x3f2: {  	v8 =	vld [tilespmem:$0x1780]  }
0x3f3: {  	v7 =	vld [tilespmem:$0x1790]  }
0x3f4: {  	v6 =	vld [tilespmem:$0x17A0]  }
0x3f5: {  	v5 =	vld [tilespmem:$0x17B0]  }
0x3f6: {  	v4 =	vld [tilespmem:$0x17C0]  }
0x3f7: {  	v3 =	vld [tilespmem:$0x17D0]  }
0x3f8: {  	v1 =	vld [tilespmem:$0x17E0]  }
0x3f9: {  	s2 =	simm.s32 $0x11D00;
	v2 =	vld [tilespmem:$0x17F0]  }
0x3fa: {  	v17 =	vld [tilespmem:s2+$0xF0]  }
0x3fb: {  	v18 =	vld [tilespmem:s2+$0xFFFFFF10]  }
0x3fc: {  	v19 =	vld [tilespmem:s2+$0xFFFFFF20]  }
0x3fd: {  	v23 =	vld [tilespmem:s2+$0xFFFFFF60]  }
0x3fe: {  	v21 =	vld [tilespmem:s2+$0xFFFFFF40]  }
0x3ff: {  	v20 =	vld [tilespmem:s2+$0xFFFFFF30];
	v17 =	vmul.f32 $1.131370830e+01, v17  }
0x400: {  	v25 =	vld [tilespmem:s2+$0xFFFFFF80];
	v18 =	vmul.f32 $1.131370830e+01, v18  }
0x401: {  	v22 =	vld [tilespmem:s2+$0xFFFFFF50];
	v19 =	vmul.f32 $1.131370830e+01, v19;
	[tilespmem:s2+$0xF0] =	vst v17  }
0x402: {  	v24 =	vld [tilespmem:s2+$0xFFFFFF70];
	v23 =	vmul.f32 $1.131370830e+01, v23;
	[tilespmem:s2+$0xFFFFFF10] =	vst v18  }
0x403: {  	v17 =	vld [tilespmem:s2+$0xFFFFFF90];
	[tilespmem:s2+$0xFFFFFF20] =	vst v19;
	v19 =	vmul.f32 $1.131370830e+01, v21  }
0x404: {  	v18 =	vmul.f32 $1.131370830e+01, v20;
	[tilespmem:s2+$0xFFFFFF60] =	vst v23;
	v23 =	vld [tilespmem:s2+$0xFFFFFFF0]  }
0x405: {  	v20 =	vld [tilespmem:s2+$0xFFFFFFA0];
	[tilespmem:s2+$0xFFFFFF40] =	vst v19;
	v19 =	vmul.f32 $1.131370830e+01, v25  }
0x406: {  	v21 =	vld [tilespmem:s2+$0xFFFFFFB0];
	[tilespmem:s2+$0xFFFFFF30] =	vst v18;
	v18 =	vmul.f32 $1.131370830e+01, v22  }
0x407: {  	v22 =	vld [tilespmem:s2+$0xFFFFFFC0];
	[tilespmem:s2+$0xFFFFFF80] =	vst v19;
	v19 =	vmul.f32 $1.131370830e+01, v24  }
0x408: {  	v60 =	vld [tilespmem:s2+$0xFFFFFFD0];
	[tilespmem:s2+$0xFFFFFF50] =	vst v18;
	v17 =	vmul.f32 $1.131370830e+01, v17  }
0x409: {  	v18 =	vld [tilespmem:s2+$0xFFFFFFE0];
	v23 =	vmul.f32 $1.131370830e+01, v23;
	[tilespmem:s2+$0xFFFFFF70] =	vst v19  }
0x40a: {  	v19 =	vmul.f32 $1.131370830e+01, v20;
	v20 =	vld [tilespmem:s2+$0x0];
	[tilespmem:s2+$0xFFFFFF90] =	vst v17  }
0x40b: {  	v17 =	vmul.f32 $1.131370830e+01, v21;
	v21 =	vld [tilespmem:s2+$0x10];
	[tilespmem:s2+$0xFFFFFFF0] =	vst v23  }
0x40c: {  	[tilespmem:s2+$0xFFFFFFA0] =	vst v19;
	v19 =	vmul.f32 $1.131370830e+01, v22;
	v22 =	vld [tilespmem:s2+$0x20]  }
0x40d: {  	v23 =	vld [tilespmem:s2+$0x80];
	[tilespmem:s2+$0xFFFFFFB0] =	vst v17;
	v17 =	vmul.f32 $1.131370830e+01, v60  }
0x40e: {  	v18 =	vmul.f32 $1.131370830e+01, v18;
	[tilespmem:s2+$0xFFFFFFC0] =	vst v19;
	v19 =	vld [tilespmem:s2+$0x40]  }
0x40f: {  	v61 =	vld [tilespmem:s2+$0x30];
	[tilespmem:s2+$0xFFFFFFD0] =	vst v17;
	v17 =	vmul.f32 $1.131370830e+01, v20  }
0x410: {  	v20 =	vld [tilespmem:s2+$0x50];
	[tilespmem:s2+$0xFFFFFFE0] =	vst v18;
	v21 =	vmul.f32 $1.131370830e+01, v21  }
0x411: {  	v18 =	vld [tilespmem:s2+$0x60];
	[tilespmem:s2+$0x0] =	vst v17;
	v17 =	vmul.f32 $1.131370830e+01, v22  }
0x412: {  	v23 =	vmul.f32 $1.131370830e+01, v23;
	v22 =	vld [tilespmem:s2+$0x70];
	[tilespmem:s2+$0x10] =	vst v21  }
0x413: {  	v62 =	vld [tilespmem:s2+$0x90];
	[tilespmem:s2+$0x20] =	vst v17;
	v17 =	vmul.f32 $1.131370830e+01, v19  }
0x414: {  	v63 =	vld [tilespmem:s2+$0xA0];
	v21 =	vmul.f32 $1.131370830e+01, v61;
	[tilespmem:s2+$0x80] =	vst v23  }
0x415: {  	v19 =	vmul.f32 $1.131370830e+01, v20;
	[tilespmem:s2+$0x40] =	vst v17;
	v17 =	vld [tilespmem:s2+$0xB0]  }
0x416: {  	[tilespmem:s2+$0x30] =	vst v21;
	v20 =	vmul.f32 $1.131370830e+01, v18;
	v18 =	vld [tilespmem:s2+$0xC0]  }
0x417: {  	[tilespmem:s2+$0x50] =	vst v19;
	v21 =	vmul.f32 $1.131370830e+01, v22;
	v19 =	vld [tilespmem:s2+$0xD0]  }
0x418: {  	[tilespmem:s2+$0x60] =	vst v20;
	v20 =	vld [tilespmem:s2+$0xE0];
	v22 =	vmul.f32 $1.131370830e+01, v62  }
0x419: {  	s6 =	simm.s32 $0x0;
	s7 =	simm.s32 $0x11F00;
	v23 =	vmul.f32 $1.131370830e+01, v63;
	[tilespmem:s2+$0x70] =	vst v21;
	v21 =	vld [tilespmem:s2+$0xFFFFFF00]  }
.LBB2_34:
0x41a: {  	v24 =	vld [tilespmem:s7+$0xF0];
	s6 =	sadd.s32 $0x4, s6;
	[tilespmem:s2+$0x90] =	vst v22;
	v17 =	vmul.f32 $1.131370830e+01, v17  }
0x41b: {  	v22 =	vld [tilespmem:s7+$0xFFFFFF10];
	p0 =	slt.u32 s6, $0xFC;
	[tilespmem:s2+$0xA0] =	vst v23;
	v18 =	vmul.f32 $1.131370830e+01, v18  }
0x41c: {  	v23 =	vld [tilespmem:s7+$0xFFFFFF20];
	[tilespmem:s2+$0xB0] =	vst v17;
	v17 =	vmul.f32 $1.131370830e+01, v19  }
0x41d: {  	v19 =	vld [tilespmem:s7+$0xFFFFFF30];
	[tilespmem:s2+$0xC0] =	vst v18;
	v18 =	vmul.f32 $1.131370830e+01, v20  }
0x41e: {  	v20 =	vld [tilespmem:s7+$0xFFFFFF40];
	v21 =	vmul.f32 $1.131370830e+01, v21;
	[tilespmem:s2+$0xD0] =	vst v17  }
0x41f: {  	v17 =	vld [tilespmem:s7+$0xFFFFFF50];
	v24 =	vmul.f32 $1.131370830e+01, v24;
	[tilespmem:s2+$0xE0] =	vst v18  }
0x420: {  	v18 =	vmul.f32 $1.131370830e+01, v22;
	v22 =	vld [tilespmem:s7+$0xFFFFFF60];
	[tilespmem:s2+$0xFFFFFF00] =	vst v21;
	s2 =	smov.u32 s7  }
0x421: {  	v21 =	vmul.f32 $1.131370830e+01, v23;
	v23 =	vld [tilespmem:s7+$0xFFFFFF70];
	[tilespmem:s7+$0xF0] =	vst v24  }
0x422: {  	[tilespmem:s7+$0xFFFFFF10] =	vst v18;
	v18 =	vmul.f32 $1.131370830e+01, v19;
	v19 =	vld [tilespmem:s7+$0xFFFFFF80]  }
0x423: {  	[tilespmem:s7+$0xFFFFFF20] =	vst v21;
	v20 =	vmul.f32 $1.131370830e+01, v20;
	v21 =	vld [tilespmem:s7+$0xFFFFFF90]  }
0x424: {  	[tilespmem:s7+$0xFFFFFF30] =	vst v18;
	v17 =	vmul.f32 $1.131370830e+01, v17;
	v18 =	vld [tilespmem:s7+$0xFFFFFFA0]  }
0x425: {  	[tilespmem:s7+$0xFFFFFF40] =	vst v20;
	v20 =	vmul.f32 $1.131370830e+01, v22;
	v22 =	vld [tilespmem:s7+$0xFFFFFFB0]  }
0x426: {  	[tilespmem:s7+$0xFFFFFF50] =	vst v17;
	v17 =	vmul.f32 $1.131370830e+01, v23;
	v23 =	vld [tilespmem:s7+$0xFFFFFFC0]  }
0x427: {  	[tilespmem:s7+$0xFFFFFF60] =	vst v20;
	v19 =	vmul.f32 $1.131370830e+01, v19;
	v20 =	vld [tilespmem:s7+$0xFFFFFFD0]  }
0x428: {  	[tilespmem:s7+$0xFFFFFF70] =	vst v17;
	v17 =	vmul.f32 $1.131370830e+01, v21;
	v21 =	vld [tilespmem:s7+$0xFFFFFFE0]  }
0x429: {  	[tilespmem:s7+$0xFFFFFF80] =	vst v19;
	v18 =	vmul.f32 $1.131370830e+01, v18;
	v19 =	vld [tilespmem:s7+$0xFFFFFFF0]  }
0x42a: {  	[tilespmem:s7+$0xFFFFFF90] =	vst v17;
	v17 =	vmul.f32 $1.131370830e+01, v22;
	v22 =	vld [tilespmem:s7+$0x0]  }
0x42b: {  	[tilespmem:s7+$0xFFFFFFA0] =	vst v18;
	v18 =	vmul.f32 $1.131370830e+01, v23;
	v23 =	vld [tilespmem:s7+$0x10]  }
0x42c: {  	[tilespmem:s7+$0xFFFFFFB0] =	vst v17;
	v17 =	vmul.f32 $1.131370830e+01, v20;
	v20 =	vld [tilespmem:s7+$0x20]  }
0x42d: {  	[tilespmem:s7+$0xFFFFFFC0] =	vst v18;
	v18 =	vmul.f32 $1.131370830e+01, v21;
	v21 =	vld [tilespmem:s7+$0x30]  }
0x42e: {  	[tilespmem:s7+$0xFFFFFFD0] =	vst v17;
	v17 =	vmul.f32 $1.131370830e+01, v19;
	v19 =	vld [tilespmem:s7+$0x40]  }
0x42f: {  	[tilespmem:s7+$0xFFFFFFE0] =	vst v18;
	v18 =	vmul.f32 $1.131370830e+01, v22;
	v22 =	vld [tilespmem:s7+$0x50]  }
0x430: {  	[tilespmem:s7+$0xFFFFFFF0] =	vst v17;
	v17 =	vmul.f32 $1.131370830e+01, v23;
	v23 =	vld [tilespmem:s7+$0x60]  }
0x431: {  	[tilespmem:s7+$0x0] =	vst v18;
	v18 =	vmul.f32 $1.131370830e+01, v20;
	v20 =	vld [tilespmem:s7+$0x70]  }
0x432: {  	[tilespmem:s7+$0x10] =	vst v17;
	v17 =	vmul.f32 $1.131370830e+01, v21;
	v21 =	vld [tilespmem:s7+$0x80]  }
0x433: {  	[tilespmem:s7+$0x20] =	vst v18;
	v18 =	vmul.f32 $1.131370830e+01, v19;
	v24 =	vld [tilespmem:s7+$0x90]  }
0x434: {  	[tilespmem:s7+$0x30] =	vst v17;
	v19 =	vmul.f32 $1.131370830e+01, v22;
	v25 =	vld [tilespmem:s7+$0xA0]  }
.Ltmp20:
0x435: {  	[tilespmem:s7+$0x40] =	vst v18;
	v22 =	vmul.f32 $1.131370830e+01, v23;
	v17 =	vld [tilespmem:s7+$0xB0];
	(pc) =	sbr.rel @p0 .LBB2_34-.Ltmp20, $4  }
0x436: {  	[tilespmem:s7+$0x50] =	vst v19;
	v20 =	vmul.f32 $1.131370830e+01, v20;
	v18 =	vld [tilespmem:s7+$0xC0]  }
0x437: {  	[tilespmem:s7+$0x60] =	vst v22;
	v23 =	vmul.f32 $1.131370830e+01, v21;
	v19 =	vld [tilespmem:s7+$0xD0]  }
0x438: {  	[tilespmem:s7+$0x70] =	vst v20;
	v22 =	vmul.f32 $1.131370830e+01, v24;
	v20 =	vld [tilespmem:s7+$0xE0]  }
0x439: {  	s7 =	sadd.s32 $0x200, s7;
	v21 =	vld [tilespmem:s2+$0xFFFFFF00];
	[tilespmem:s2+$0x80] =	vst v23;
	v23 =	vmul.f32 $1.131370830e+01, v25  }
0x43a: {  	vm0 =	vlt.s32 v14, v16  }
0x43b: {  	v14 =	vsel vm0, v14, v16  }
0x43c: {  	vm0 =	vlt.s32 v14, v15  }
0x43d: {  	v14 =	vsel vm0, v14, v15  }
0x43e: {  	vm0 =	vlt.s32 v14, v13  }
0x43f: {  	v13 =	vsel vm0, v14, v13  }
0x440: {  	vm0 =	vlt.s32 v13, v12  }
0x441: {  	v12 =	vsel vm0, v13, v12  }
0x442: {  	vm0 =	vlt.s32 v12, v11  }
0x443: {  	v11 =	vsel vm0, v12, v11  }
0x444: {  	vm0 =	vlt.s32 v11, v10  }
0x445: {  	v10 =	vsel vm0, v11, v10  }
0x446: {  	vm0 =	vlt.s32 v10, v9  }
0x447: {  	v9 =	vsel vm0, v10, v9  }
0x448: {  	vm0 =	vlt.s32 v9, v8  }
0x449: {  	v8 =	vsel vm0, v9, v8  }
0x44a: {  	vm0 =	vlt.s32 v8, v7  }
0x44b: {  	v7 =	vsel vm0, v8, v7  }
0x44c: {  	vm0 =	vlt.s32 v7, v6  }
0x44d: {  	v6 =	vsel vm0, v7, v6  }
0x44e: {  	vm0 =	vlt.s32 v6, v5  }
0x44f: {  	v5 =	vsel vm0, v6, v5  }
0x450: {  	vm0 =	vlt.s32 v5, v4  }
0x451: {  	v4 =	vsel vm0, v5, v4  }
0x452: {  	vm0 =	vlt.s32 v4, v3  }
0x453: {  	v3 =	vsel vm0, v4, v3  }
0x454: {  	vm0 =	vlt.s32 v3, v1  }
0x455: {  	v1 =	vsel vm0, v3, v1  }
0x456: {  	vm0 =	vlt.s32 v1, v2  }
0x457: {  	v1 =	vsel vm0, v1, v2  }
0x458: {  	v1 =	vxor.u32 $0x80000000, v1  }
0x459: {  	(xrf0) =	vmin.scan.msk.u32 $0xffff, v1;
	_ =	sdelay $0x5  }
0x45a: {  	v1, _, _ =	vpop (xrf0)  }
0x45b: {  	(v2sf) =	vpush v1, $0xF;
	_ =	sdelay $0xe  }
0x45c: {  	[tilespmem:s2+$0x90] =	vst v22;
	v3 =	vmul.f32 $1.131370830e+01, v21;
	s0 =	spop (v2sf)  }
0x45d: {  	[tilespmem:s2+$0xA0] =	vst v23;
	v2 =	vmul.f32 $1.131370830e+01, v18;
	p0 =	sne.s32 s0, $0x80000000  }
.Ltmp21:
0x45e: {  	[tilespmem:s2+$0xFFFFFF00] =	vst v3;
	v1 =	vmul.f32 $1.131370830e+01, v17;
	(pc) =	sbr.rel @p0 .LBB2_39-.Ltmp21, $4  }
0x45f: {  	[tilespmem:s2+$0xC0] =	vst v2;
	v2 =	vmul.f32 $1.131370830e+01, v20  }
0x460: {  	[tilespmem:s2+$0xB0] =	vst v1;
	v1 =	vmul.f32 $1.131370830e+01, v19  }
0x461: {  	[tilespmem:s2+$0xE0] =	vst v2  }
0x462: {  	[tilespmem:s2+$0xD0] =	vst v1  }
0x463: {  	s0 =	simm.s32 $0x0  }
0x464: {  	s0 =	sor.u32 $0x1700, s0  }
0x465: {  	v1 =	vmov s0;
	_ =	sdelay $0x2  }
0x466: {  	s2 =	simm.s32 $0x11C40  }
0x467: {  	v5 =	vld [tilespmem:s2+$0x30]  }
0x468: {  	v2 =	vld.idx.msk [tilespmem:v1+s4+$0x0], $0xffff  }
0x469: {  	v8 =	vld [tilespmem:s2+$0x10]  }
0x46a: {  	v6 =	vld [tilespmem:s2+$0xFFFFFFC0]  }
0x46b: {  	v10 =	vld [tilespmem:s2+$0xFFFFFFE0]  }
0x46c: {  	v3 =	vld [tilespmem:s2+$0x20]  }
0x46d: {  	v4 =	vld [tilespmem:s2+$0xFFFFFFD0];
	vm0 =	veq.s32 v2, $0x0  }
0x46e: {  	v1 =	vld [tilespmem:s2+$0xFFFFFFF0];
	v2 =	vsel vm0, $0x0, v0  }
0x46f: {  	v9 =	vmul.f32 v5, v2;
	v5 =	vld [tilespmem:s2+$0x0]  }
0x470: {  	v7 =	vmul.f32 v2, v6  }
0x471: {  	s6 =	simm.s32 $0x1;
	s7 =	simm.s32 $0x11C40;
	v6 =	vmul.f32 v10, v2;
	v8 =	vmul.f32 v8, v2  }
.LBB2_37:
0x472: {  	p0 =	sne.s32 s6, $0xFF  }
0x473: {  	v4 =	vmul.f32 v4, v2;
	v3 =	vmul.f32 v3, v2;
	[tilespmem:s2+$0x30] =	vst v9;
	s7 =	sadd.s32 $0x80, s7;
	s0 =	smov.u32 s6;
	s6 =	sadd.s32 $0x1, s6  }
0x474: {  	v1 =	vmul.f32 v1, v2;
	[tilespmem:s2+$0xFFFFFFC0] =	vst v7;
	v2 =	vmul.f32 v5, v2  }
0x475: {  	s0 =	sor.u32 $0x1700, s0;
	[tilespmem:s2+$0x10] =	vst v8  }
0x476: {  	v5 =	vmov s0;
	[tilespmem:s2+$0xFFFFFFE0] =	vst v6  }
0x477: {  	[tilespmem:s2+$0xFFFFFFF0] =	vst v1  }
0x478: {  	[tilespmem:s2+$0x0] =	vst v2  }
0x479: {  	v1 =	vld [tilespmem:s7+$0xFFFFFFF0];
	[tilespmem:s2+$0x20] =	vst v3  }
0x47a: {  	v6 =	vld [tilespmem:s7+$0x30];
	[tilespmem:s2+$0xFFFFFFD0] =	vst v4;
	s2 =	smov.u32 s7  }
0x47b: {  	v2 =	vld.idx.msk [tilespmem:v5+s4+$0x0], $0xffff  }
0x47c: {  	v8 =	vld [tilespmem:s7+$0x10]  }
0x47d: {  	v7 =	vld [tilespmem:s7+$0xFFFFFFC0]  }
0x47e: {  	v10 =	vld [tilespmem:s7+$0xFFFFFFE0]  }
0x47f: {  	v3 =	vld [tilespmem:s7+$0x20]  }
.Ltmp22:
0x480: {  	v4 =	vld [tilespmem:s7+$0xFFFFFFD0];
	(pc) =	sbr.rel @p0 .LBB2_37-.Ltmp22, $4  }
0x481: {  	vm0 =	veq.s32 v2, $0x0;
	v5 =	vld [tilespmem:s7+$0x0]  }
0x482: {  	v2 =	vsel vm0, $0x0, v0  }
0x483: {  	v7 =	vmul.f32 v2, v7;
	v9 =	vmul.f32 v6, v2  }
0x484: {  	v8 =	vmul.f32 v8, v2;
	v6 =	vmul.f32 v10, v2  }
0x485: {  	[tilespmem:s2+$0x30] =	vst v9  }
0x486: {  	[tilespmem:s2+$0xFFFFFFC0] =	vst v7  }
0x487: {  	v1 =	vmul.f32 v1, v2;
	[tilespmem:s2+$0x10] =	vst v8  }
0x488: {  	v3 =	vmul.f32 v3, v2;
	[tilespmem:s2+$0xFFFFFFE0] =	vst v6  }
0x489: {  	v5 =	vmul.f32 v5, v2;
	[tilespmem:s2+$0xFFFFFFF0] =	vst v1  }
0x48a: {  	v1 =	vmul.f32 v4, v2;
	[tilespmem:s2+$0x20] =	vst v3  }
0x48b: {  	[tilespmem:s2+$0x0] =	vst v5  }
0x48c: {  	[tilespmem:s2+$0xFFFFFFD0] =	vst v1  }
.LBB2_39:
0x48d: {  	s0 =	rddreg [dreg:$0x7]  }
0x48e: {  	[hbm4b:s0+s4] =	stream.linear.scatter [tilespmem:s22], [sflag:$0x6], $0x8000, $0x38;
	[tilespmem:$0x19C00] =	vst v63  }
0x48f: {  	_ =	swait.ge [sflag:s20], $0x4000  }
0x490: {  	[sflag:s20] =	ssyncset.done $0x0  }
0x491: {  	[sflag:s20] =	ssyncadd.s32 $0xFFFFC000  }
0x492: {  	_ =	swait.ge [sflag:s20], $0x4000  }
0x493: {  	[sflag:s20] =	ssyncset.done $0x0  }
0x494: {  	[sflag:s20] =	ssyncadd.s32 $0xFFFFC000  }
0x495: {  	v14 =	vld [tilespmem:$0x1800]  }
0x496: {  	v16 =	vld [tilespmem:$0x1810]  }
0x497: {  	v15 =	vld [tilespmem:$0x1820]  }
0x498: {  	v13 =	vld [tilespmem:$0x1830]  }
0x499: {  	v12 =	vld [tilespmem:$0x1840]  }
0x49a: {  	v11 =	vld [tilespmem:$0x1850]  }
0x49b: {  	v10 =	vld [tilespmem:$0x1860]  }
0x49c: {  	v9 =	vld [tilespmem:$0x1870]  }
0x49d: {  	v8 =	vld [tilespmem:$0x1880]  }
0x49e: {  	v7 =	vld [tilespmem:$0x1890]  }
0x49f: {  	v6 =	vld [tilespmem:$0x18A0]  }
0x4a0: {  	v5 =	vld [tilespmem:$0x18B0]  }
0x4a1: {  	v4 =	vld [tilespmem:$0x18C0]  }
0x4a2: {  	v3 =	vld [tilespmem:$0x18D0]  }
0x4a3: {  	v1 =	vld [tilespmem:$0x18E0]  }
0x4a4: {  	s2 =	simm.s32 $0x1D00;
	v2 =	vld [tilespmem:$0x18F0]  }
0x4a5: {  	v17 =	vld [tilespmem:s2+$0xF0]  }
0x4a6: {  	v18 =	vld [tilespmem:s2+$0xFFFFFF10]  }
0x4a7: {  	v19 =	vld [tilespmem:s2+$0xFFFFFF20]  }
0x4a8: {  	v23 =	vld [tilespmem:s2+$0xFFFFFF60]  }
0x4a9: {  	v21 =	vld [tilespmem:s2+$0xFFFFFF40]  }
0x4aa: {  	v20 =	vld [tilespmem:s2+$0xFFFFFF30];
	v17 =	vmul.f32 $1.131370830e+01, v17  }
0x4ab: {  	v25 =	vld [tilespmem:s2+$0xFFFFFF80];
	v18 =	vmul.f32 $1.131370830e+01, v18  }
0x4ac: {  	v22 =	vld [tilespmem:s2+$0xFFFFFF50];
	v19 =	vmul.f32 $1.131370830e+01, v19;
	[tilespmem:s2+$0xF0] =	vst v17  }
0x4ad: {  	v24 =	vld [tilespmem:s2+$0xFFFFFF70];
	v23 =	vmul.f32 $1.131370830e+01, v23;
	[tilespmem:s2+$0xFFFFFF10] =	vst v18  }
0x4ae: {  	v17 =	vld [tilespmem:s2+$0xFFFFFF90];
	[tilespmem:s2+$0xFFFFFF20] =	vst v19;
	v19 =	vmul.f32 $1.131370830e+01, v21  }
0x4af: {  	v18 =	vmul.f32 $1.131370830e+01, v20;
	[tilespmem:s2+$0xFFFFFF60] =	vst v23;
	v23 =	vld [tilespmem:s2+$0xFFFFFFF0]  }
0x4b0: {  	v20 =	vld [tilespmem:s2+$0xFFFFFFA0];
	[tilespmem:s2+$0xFFFFFF40] =	vst v19;
	v19 =	vmul.f32 $1.131370830e+01, v25  }
0x4b1: {  	v21 =	vld [tilespmem:s2+$0xFFFFFFB0];
	[tilespmem:s2+$0xFFFFFF30] =	vst v18;
	v18 =	vmul.f32 $1.131370830e+01, v22  }
0x4b2: {  	v22 =	vld [tilespmem:s2+$0xFFFFFFC0];
	[tilespmem:s2+$0xFFFFFF80] =	vst v19;
	v19 =	vmul.f32 $1.131370830e+01, v24  }
0x4b3: {  	v60 =	vld [tilespmem:s2+$0xFFFFFFD0];
	[tilespmem:s2+$0xFFFFFF50] =	vst v18;
	v17 =	vmul.f32 $1.131370830e+01, v17  }
0x4b4: {  	v18 =	vld [tilespmem:s2+$0xFFFFFFE0];
	v23 =	vmul.f32 $1.131370830e+01, v23;
	[tilespmem:s2+$0xFFFFFF70] =	vst v19  }
0x4b5: {  	v19 =	vmul.f32 $1.131370830e+01, v20;
	v20 =	vld [tilespmem:s2+$0x0];
	[tilespmem:s2+$0xFFFFFF90] =	vst v17  }
0x4b6: {  	v17 =	vmul.f32 $1.131370830e+01, v21;
	v21 =	vld [tilespmem:s2+$0x10];
	[tilespmem:s2+$0xFFFFFFF0] =	vst v23  }
0x4b7: {  	[tilespmem:s2+$0xFFFFFFA0] =	vst v19;
	v19 =	vmul.f32 $1.131370830e+01, v22;
	v22 =	vld [tilespmem:s2+$0x20]  }
0x4b8: {  	v23 =	vld [tilespmem:s2+$0x80];
	[tilespmem:s2+$0xFFFFFFB0] =	vst v17;
	v17 =	vmul.f32 $1.131370830e+01, v60  }
0x4b9: {  	v18 =	vmul.f32 $1.131370830e+01, v18;
	[tilespmem:s2+$0xFFFFFFC0] =	vst v19;
	v19 =	vld [tilespmem:s2+$0x40]  }
0x4ba: {  	v61 =	vld [tilespmem:s2+$0x30];
	[tilespmem:s2+$0xFFFFFFD0] =	vst v17;
	v17 =	vmul.f32 $1.131370830e+01, v20  }
0x4bb: {  	v20 =	vld [tilespmem:s2+$0x50];
	[tilespmem:s2+$0xFFFFFFE0] =	vst v18;
	v21 =	vmul.f32 $1.131370830e+01, v21  }
0x4bc: {  	v18 =	vld [tilespmem:s2+$0x60];
	[tilespmem:s2+$0x0] =	vst v17;
	v17 =	vmul.f32 $1.131370830e+01, v22  }
0x4bd: {  	v23 =	vmul.f32 $1.131370830e+01, v23;
	v22 =	vld [tilespmem:s2+$0x70];
	[tilespmem:s2+$0x10] =	vst v21  }
0x4be: {  	v62 =	vld [tilespmem:s2+$0x90];
	[tilespmem:s2+$0x20] =	vst v17;
	v17 =	vmul.f32 $1.131370830e+01, v19  }
0x4bf: {  	v63 =	vld [tilespmem:s2+$0xA0];
	v21 =	vmul.f32 $1.131370830e+01, v61;
	[tilespmem:s2+$0x80] =	vst v23  }
0x4c0: {  	v19 =	vmul.f32 $1.131370830e+01, v20;
	[tilespmem:s2+$0x40] =	vst v17;
	v17 =	vld [tilespmem:s2+$0xB0]  }
0x4c1: {  	[tilespmem:s2+$0x30] =	vst v21;
	v20 =	vmul.f32 $1.131370830e+01, v18;
	v18 =	vld [tilespmem:s2+$0xC0]  }
0x4c2: {  	[tilespmem:s2+$0x50] =	vst v19;
	v21 =	vmul.f32 $1.131370830e+01, v22;
	v19 =	vld [tilespmem:s2+$0xD0]  }
0x4c3: {  	[tilespmem:s2+$0x60] =	vst v20;
	v20 =	vld [tilespmem:s2+$0xE0];
	v22 =	vmul.f32 $1.131370830e+01, v62  }
0x4c4: {  	s6 =	simm.s32 $0x0;
	s7 =	simm.s32 $0x1F00;
	v23 =	vmul.f32 $1.131370830e+01, v63;
	[tilespmem:s2+$0x70] =	vst v21;
	v21 =	vld [tilespmem:s2+$0xFFFFFF00]  }
.LBB2_40:
0x4c5: {  	v24 =	vld [tilespmem:s7+$0xF0];
	s6 =	sadd.s32 $0x4, s6;
	[tilespmem:s2+$0x90] =	vst v22;
	v17 =	vmul.f32 $1.131370830e+01, v17  }
0x4c6: {  	v22 =	vld [tilespmem:s7+$0xFFFFFF10];
	p0 =	slt.u32 s6, $0xFC;
	[tilespmem:s2+$0xA0] =	vst v23;
	v18 =	vmul.f32 $1.131370830e+01, v18  }
0x4c7: {  	v23 =	vld [tilespmem:s7+$0xFFFFFF20];
	[tilespmem:s2+$0xB0] =	vst v17;
	v17 =	vmul.f32 $1.131370830e+01, v19  }
0x4c8: {  	v19 =	vld [tilespmem:s7+$0xFFFFFF30];
	[tilespmem:s2+$0xC0] =	vst v18;
	v18 =	vmul.f32 $1.131370830e+01, v20  }
0x4c9: {  	v20 =	vld [tilespmem:s7+$0xFFFFFF40];
	v21 =	vmul.f32 $1.131370830e+01, v21;
	[tilespmem:s2+$0xD0] =	vst v17  }
0x4ca: {  	v17 =	vld [tilespmem:s7+$0xFFFFFF50];
	v24 =	vmul.f32 $1.131370830e+01, v24;
	[tilespmem:s2+$0xE0] =	vst v18  }
0x4cb: {  	v18 =	vmul.f32 $1.131370830e+01, v22;
	v22 =	vld [tilespmem:s7+$0xFFFFFF60];
	[tilespmem:s2+$0xFFFFFF00] =	vst v21;
	s2 =	smov.u32 s7  }
0x4cc: {  	v21 =	vmul.f32 $1.131370830e+01, v23;
	v23 =	vld [tilespmem:s7+$0xFFFFFF70];
	[tilespmem:s7+$0xF0] =	vst v24  }
0x4cd: {  	[tilespmem:s7+$0xFFFFFF10] =	vst v18;
	v18 =	vmul.f32 $1.131370830e+01, v19;
	v19 =	vld [tilespmem:s7+$0xFFFFFF80]  }
0x4ce: {  	[tilespmem:s7+$0xFFFFFF20] =	vst v21;
	v20 =	vmul.f32 $1.131370830e+01, v20;
	v21 =	vld [tilespmem:s7+$0xFFFFFF90]  }
0x4cf: {  	[tilespmem:s7+$0xFFFFFF30] =	vst v18;
	v17 =	vmul.f32 $1.131370830e+01, v17;
	v18 =	vld [tilespmem:s7+$0xFFFFFFA0]  }
0x4d0: {  	[tilespmem:s7+$0xFFFFFF40] =	vst v20;
	v20 =	vmul.f32 $1.131370830e+01, v22;
	v22 =	vld [tilespmem:s7+$0xFFFFFFB0]  }
0x4d1: {  	[tilespmem:s7+$0xFFFFFF50] =	vst v17;
	v17 =	vmul.f32 $1.131370830e+01, v23;
	v23 =	vld [tilespmem:s7+$0xFFFFFFC0]  }
0x4d2: {  	[tilespmem:s7+$0xFFFFFF60] =	vst v20;
	v19 =	vmul.f32 $1.131370830e+01, v19;
	v20 =	vld [tilespmem:s7+$0xFFFFFFD0]  }
0x4d3: {  	[tilespmem:s7+$0xFFFFFF70] =	vst v17;
	v17 =	vmul.f32 $1.131370830e+01, v21;
	v21 =	vld [tilespmem:s7+$0xFFFFFFE0]  }
0x4d4: {  	[tilespmem:s7+$0xFFFFFF80] =	vst v19;
	v18 =	vmul.f32 $1.131370830e+01, v18;
	v19 =	vld [tilespmem:s7+$0xFFFFFFF0]  }
0x4d5: {  	[tilespmem:s7+$0xFFFFFF90] =	vst v17;
	v17 =	vmul.f32 $1.131370830e+01, v22;
	v22 =	vld [tilespmem:s7+$0x0]  }
0x4d6: {  	[tilespmem:s7+$0xFFFFFFA0] =	vst v18;
	v18 =	vmul.f32 $1.131370830e+01, v23;
	v23 =	vld [tilespmem:s7+$0x10]  }
0x4d7: {  	[tilespmem:s7+$0xFFFFFFB0] =	vst v17;
	v17 =	vmul.f32 $1.131370830e+01, v20;
	v20 =	vld [tilespmem:s7+$0x20]  }
0x4d8: {  	[tilespmem:s7+$0xFFFFFFC0] =	vst v18;
	v18 =	vmul.f32 $1.131370830e+01, v21;
	v21 =	vld [tilespmem:s7+$0x30]  }
0x4d9: {  	[tilespmem:s7+$0xFFFFFFD0] =	vst v17;
	v17 =	vmul.f32 $1.131370830e+01, v19;
	v19 =	vld [tilespmem:s7+$0x40]  }
0x4da: {  	[tilespmem:s7+$0xFFFFFFE0] =	vst v18;
	v18 =	vmul.f32 $1.131370830e+01, v22;
	v22 =	vld [tilespmem:s7+$0x50]  }
0x4db: {  	[tilespmem:s7+$0xFFFFFFF0] =	vst v17;
	v17 =	vmul.f32 $1.131370830e+01, v23;
	v23 =	vld [tilespmem:s7+$0x60]  }
0x4dc: {  	[tilespmem:s7+$0x0] =	vst v18;
	v18 =	vmul.f32 $1.131370830e+01, v20;
	v20 =	vld [tilespmem:s7+$0x70]  }
0x4dd: {  	[tilespmem:s7+$0x10] =	vst v17;
	v17 =	vmul.f32 $1.131370830e+01, v21;
	v21 =	vld [tilespmem:s7+$0x80]  }
0x4de: {  	[tilespmem:s7+$0x20] =	vst v18;
	v18 =	vmul.f32 $1.131370830e+01, v19;
	v24 =	vld [tilespmem:s7+$0x90]  }
0x4df: {  	[tilespmem:s7+$0x30] =	vst v17;
	v19 =	vmul.f32 $1.131370830e+01, v22;
	v25 =	vld [tilespmem:s7+$0xA0]  }
.Ltmp23:
0x4e0: {  	[tilespmem:s7+$0x40] =	vst v18;
	v22 =	vmul.f32 $1.131370830e+01, v23;
	v17 =	vld [tilespmem:s7+$0xB0];
	(pc) =	sbr.rel @p0 .LBB2_40-.Ltmp23, $4  }
0x4e1: {  	[tilespmem:s7+$0x50] =	vst v19;
	v20 =	vmul.f32 $1.131370830e+01, v20;
	v18 =	vld [tilespmem:s7+$0xC0]  }
0x4e2: {  	[tilespmem:s7+$0x60] =	vst v22;
	v23 =	vmul.f32 $1.131370830e+01, v21;
	v19 =	vld [tilespmem:s7+$0xD0]  }
0x4e3: {  	[tilespmem:s7+$0x70] =	vst v20;
	v22 =	vmul.f32 $1.131370830e+01, v24;
	v20 =	vld [tilespmem:s7+$0xE0]  }
0x4e4: {  	s7 =	sadd.s32 $0x200, s7;
	v21 =	vld [tilespmem:s2+$0xFFFFFF00];
	[tilespmem:s2+$0x80] =	vst v23;
	v23 =	vmul.f32 $1.131370830e+01, v25  }
0x4e5: {  	vm0 =	vlt.s32 v14, v16  }
0x4e6: {  	v14 =	vsel vm0, v14, v16  }
0x4e7: {  	vm0 =	vlt.s32 v14, v15  }
0x4e8: {  	v14 =	vsel vm0, v14, v15  }
0x4e9: {  	vm0 =	vlt.s32 v14, v13  }
0x4ea: {  	v13 =	vsel vm0, v14, v13  }
0x4eb: {  	vm0 =	vlt.s32 v13, v12  }
0x4ec: {  	v12 =	vsel vm0, v13, v12  }
0x4ed: {  	vm0 =	vlt.s32 v12, v11  }
0x4ee: {  	v11 =	vsel vm0, v12, v11  }
0x4ef: {  	vm0 =	vlt.s32 v11, v10  }
0x4f0: {  	v10 =	vsel vm0, v11, v10  }
0x4f1: {  	vm0 =	vlt.s32 v10, v9  }
0x4f2: {  	v9 =	vsel vm0, v10, v9  }
0x4f3: {  	vm0 =	vlt.s32 v9, v8  }
0x4f4: {  	v8 =	vsel vm0, v9, v8  }
0x4f5: {  	vm0 =	vlt.s32 v8, v7  }
0x4f6: {  	v7 =	vsel vm0, v8, v7  }
0x4f7: {  	vm0 =	vlt.s32 v7, v6  }
0x4f8: {  	v6 =	vsel vm0, v7, v6  }
0x4f9: {  	vm0 =	vlt.s32 v6, v5  }
0x4fa: {  	v5 =	vsel vm0, v6, v5  }
0x4fb: {  	vm0 =	vlt.s32 v5, v4  }
0x4fc: {  	v4 =	vsel vm0, v5, v4  }
0x4fd: {  	vm0 =	vlt.s32 v4, v3  }
0x4fe: {  	v3 =	vsel vm0, v4, v3  }
0x4ff: {  	vm0 =	vlt.s32 v3, v1  }
0x500: {  	v1 =	vsel vm0, v3, v1  }
0x501: {  	vm0 =	vlt.s32 v1, v2  }
0x502: {  	v1 =	vsel vm0, v1, v2  }
0x503: {  	v1 =	vxor.u32 $0x80000000, v1  }
0x504: {  	(xrf0) =	vmin.scan.msk.u32 $0xffff, v1;
	_ =	sdelay $0x5  }
0x505: {  	v1, _, _ =	vpop (xrf0)  }
0x506: {  	(v2sf) =	vpush v1, $0xF;
	_ =	sdelay $0xd  }
0x507: {  	[tilespmem:s2+$0x90] =	vst v22;
	v3 =	vmul.f32 $1.131370830e+01, v21  }
0x508: {  	[tilespmem:s2+$0xA0] =	vst v23;
	v2 =	vmul.f32 $1.131370830e+01, v18;
	s0 =	spop (v2sf)  }
0x509: {  	[tilespmem:s2+$0xFFFFFF00] =	vst v3;
	v1 =	vmul.f32 $1.131370830e+01, v17;
	p0 =	sne.s32 s0, $0x80000000  }
.Ltmp24:
0x50a: {  	[tilespmem:s2+$0xC0] =	vst v2;
	v2 =	vmul.f32 $1.131370830e+01, v20;
	(pc) =	sbr.rel @p0 .LBB2_45-.Ltmp24, $4  }
0x50b: {  	[tilespmem:s2+$0xB0] =	vst v1;
	v1 =	vmul.f32 $1.131370830e+01, v19  }
0x50c: {  	[tilespmem:s2+$0xE0] =	vst v2  }
0x50d: {  	[tilespmem:s2+$0xD0] =	vst v1  }
0x50e: {  	s2 =	rddreg [dreg:$0xa]  }
0x50f: {  	s0 =	simm.s32 $0x0  }
0x510: {  	s0 =	sor.u32 $0x1800, s0  }
0x511: {  	v1 =	vmov s0;
	_ =	sdelay $0x2  }
0x512: {  	s2 =	simm.s32 $0x1C40  }
0x513: {  	v5 =	vld [tilespmem:s2+$0x30]  }
0x514: {  	v2 =	vld.idx.msk [tilespmem:v1+s4+$0x0], $0xffff  }
0x515: {  	v8 =	vld [tilespmem:s2+$0x10]  }
0x516: {  	v6 =	vld [tilespmem:s2+$0xFFFFFFC0]  }
0x517: {  	v10 =	vld [tilespmem:s2+$0xFFFFFFE0]  }
0x518: {  	v3 =	vld [tilespmem:s2+$0x20]  }
0x519: {  	v4 =	vld [tilespmem:s2+$0xFFFFFFD0];
	vm0 =	veq.s32 v2, $0x0  }
0x51a: {  	v1 =	vld [tilespmem:s2+$0xFFFFFFF0];
	v2 =	vsel vm0, $0x0, v0  }
0x51b: {  	v9 =	vmul.f32 v5, v2;
	v5 =	vld [tilespmem:s2+$0x0]  }
0x51c: {  	v7 =	vmul.f32 v2, v6  }
0x51d: {  	s6 =	simm.s32 $0x1;
	s7 =	simm.s32 $0x1C40;
	v6 =	vmul.f32 v10, v2;
	v8 =	vmul.f32 v8, v2  }
.LBB2_43:
0x51e: {  	p0 =	sne.s32 s6, $0xFF  }
0x51f: {  	v4 =	vmul.f32 v4, v2;
	v3 =	vmul.f32 v3, v2;
	[tilespmem:s2+$0x30] =	vst v9;
	s7 =	sadd.s32 $0x80, s7;
	s0 =	smov.u32 s6;
	s6 =	sadd.s32 $0x1, s6  }
0x520: {  	v1 =	vmul.f32 v1, v2;
	[tilespmem:s2+$0xFFFFFFC0] =	vst v7;
	v2 =	vmul.f32 v5, v2  }
0x521: {  	s0 =	sor.u32 $0x1800, s0;
	[tilespmem:s2+$0x10] =	vst v8  }
0x522: {  	v5 =	vmov s0;
	[tilespmem:s2+$0xFFFFFFE0] =	vst v6  }
0x523: {  	[tilespmem:s2+$0xFFFFFFF0] =	vst v1  }
0x524: {  	[tilespmem:s2+$0x0] =	vst v2  }
0x525: {  	v1 =	vld [tilespmem:s7+$0xFFFFFFF0];
	[tilespmem:s2+$0x20] =	vst v3  }
0x526: {  	v6 =	vld [tilespmem:s7+$0x30];
	[tilespmem:s2+$0xFFFFFFD0] =	vst v4;
	s2 =	smov.u32 s7  }
0x527: {  	v2 =	vld.idx.msk [tilespmem:v5+s4+$0x0], $0xffff  }
0x528: {  	v8 =	vld [tilespmem:s7+$0x10]  }
0x529: {  	v7 =	vld [tilespmem:s7+$0xFFFFFFC0]  }
0x52a: {  	v10 =	vld [tilespmem:s7+$0xFFFFFFE0]  }
0x52b: {  	v3 =	vld [tilespmem:s7+$0x20]  }
.Ltmp25:
0x52c: {  	v4 =	vld [tilespmem:s7+$0xFFFFFFD0];
	(pc) =	sbr.rel @p0 .LBB2_43-.Ltmp25, $4  }
0x52d: {  	vm0 =	veq.s32 v2, $0x0;
	v5 =	vld [tilespmem:s7+$0x0]  }
0x52e: {  	v2 =	vsel vm0, $0x0, v0  }
0x52f: {  	v7 =	vmul.f32 v2, v7;
	v9 =	vmul.f32 v6, v2  }
0x530: {  	v8 =	vmul.f32 v8, v2;
	v6 =	vmul.f32 v10, v2  }
0x531: {  	[tilespmem:s2+$0x30] =	vst v9  }
0x532: {  	[tilespmem:s2+$0xFFFFFFC0] =	vst v7  }
0x533: {  	v1 =	vmul.f32 v1, v2;
	[tilespmem:s2+$0x10] =	vst v8  }
.Ltmp26:
0x534: {  	v3 =	vmul.f32 v3, v2;
	[tilespmem:s2+$0xFFFFFFE0] =	vst v6;
	(pc) =	sbr.rel .LBB2_45-.Ltmp26, $4  }
0x535: {  	v5 =	vmul.f32 v5, v2;
	[tilespmem:s2+$0xFFFFFFF0] =	vst v1  }
0x536: {  	v1 =	vmul.f32 v4, v2;
	[tilespmem:s2+$0x20] =	vst v3  }
0x537: {  	[tilespmem:s2+$0x0] =	vst v5  }
0x538: {  	[tilespmem:s2+$0xFFFFFFD0] =	vst v1;
	s2 =	rddreg [dreg:$0xa]  }
.LBB2_46:
0x539: {  	_ =	sfence.sel $0x180000  }
0x53a: {  	[bflag:$0x0] =	sbarrier.arrive $0xFFFF  }
0x53b: {  	_ =	strace $0x90000047  }
0x53c: {  	s0 =	stileid.u32;
	[bflag:$0x2] =	sbarrier.arrive $0xFFFF  }
0x53d: {  	p0 =	sne.s32 s0, $0x0;
	s0 =	rddreg [dreg:$0x3]  }
0x53e: {  	s0 =	sadd.s32 @!p0 $0x100000, s0  }
0x53f: {  	[sflag:s0] =	ssyncadd.tile.s32 @!p0 $0x1;
	_ =	shalt  }
.Lfunc_end2:
_tile_overlayer_lowered:
.L_overlay_start_2:
0x540: {  	(tag) =	ssettag $0x2  }
0x541: {  	s0 =	rddreg [dreg:$0x0];
	s2 =	stileid.u32  }
0x542: {  	s1 =	rddreg [dreg:$0x1];
	p0 =	sne.s32 s2, $0x0  }
0x543: {  	s3 =	rddreg [dreg:$0x2];
	[bflag:$0x3] =	sbarrier.arrive $0xFFFF;
	s2 =	simm.s32 @!p0 $0x1C07  }
0x544: {  	[timem:s3], [sflag:s2] =	dma.local @!p0 [hbm:s0], s1  }
0x545: {  	s0 =	simm.s32 @!p0 $0x7  }
0x546: {  	_ =	swait.ge @!p0 [sflag:s0], s1  }
0x547: {  	s1 =	ssub.s32 @!p0 $0x0, s1;
	[sflag:s0] =	ssyncset.done @!p0 $0x0  }
0x548: {  	[sflag:s0] =	ssyncadd.s32 @!p0 s1  }
0x549: {  	[bflag:$0x3] =	sbarrier.arrive $0xFFFF  }
0x54a: {  	_ =	shalt  }

</sc_bundles>
